<compile_context>
chip_gen: v7x
topology: tpu7x:2x2x1
jax: 0.10.2.dev20260603
libtpu: 0.0.44.dev20260713+nightly
codegen_flags: <defaults>
</compile_context>

<pallas_src>
import functools

import jax
import jax.numpy as jnp
from jax import lax
from jax.experimental import pallas as pl
from jax.experimental.pallas import tpu as pltpu
from jax.experimental.pallas import tpu_sc as plsc

N = 10000
T = 12
H = 128
OUT = 32
E = 320000

NC = 2
NS = 16
NW = NC * NS
CH = 128
NCHUNK = 79
EPAD = NW * NCHUNK * CH
NPAD = 10240
ROWS_PER_TILE_Z = NPAD // NS

BN_GRU = 400
BN_D = 1000



def _gru_body(x_ref, wrz0, wni0, wnh0, brz0, bni0, bnh0,
              wrz1, wni1, wnh1, brz1, bni1, bnh1, wg0,
              h_ref, m_ref):
    def step(xin, h, wrz, wni, wnh, brz, bni, bnh):
        cat = jnp.concatenate([xin, h], axis=1)
        rz = jax.nn.sigmoid(
            jnp.dot(cat, wrz[...], preferred_element_type=jnp.float32)
            + brz[...])
        r = rz[:, :H]
        z = rz[:, H:]
        i_n = jnp.dot(xin, wni[...], preferred_element_type=jnp.float32) + bni[...]
        h_n = jnp.dot(h, wnh[...], preferred_element_type=jnp.float32) + bnh[...]
        n = jnp.tanh(i_n + r * h_n)
        return (1.0 - z) * n + z * h

    h1 = jnp.zeros((x_ref.shape[0], H), jnp.float32)
    h2 = jnp.zeros((x_ref.shape[0], H), jnp.float32)
    for t in range(T):
        xt = x_ref[:, t * H:(t + 1) * H]
        h1 = step(xt, h1, wrz0, wni0, wnh0, brz0, bni0, bnh0)
        h2 = step(h1, h2, wrz1, wni1, wnh1, brz1, bni1, bnh1)
    h_ref[...] = h2
    m_ref[...] = jnp.dot(h2, wg0[...], preferred_element_type=jnp.float32)


def _run_gru_tc(x2, Wih0T, Whh0T, bih0, bhh0, Wih1T, Whh1T, bih1, bhh1, Wg0T):
    nb = N // BN_GRU
    full = lambda i: (0, 0)

    def prep(wihT, whhT, bih, bhh):
        wrz = jnp.concatenate([wihT[:, :2 * H], whhT[:, :2 * H]], axis=0)
        return (wrz, wihT[:, 2 * H:], whhT[:, 2 * H:],
                (bih[:, :2 * H] + bhh[:, :2 * H]), bih[:, 2 * H:],
                bhh[:, 2 * H:])
    wrz0, wni0, wnh0, brz0, bni0, bnh0 = prep(Wih0T, Whh0T, bih0, bhh0)
    wrz1, wni1, wnh1, brz1, bni1, bnh1 = prep(Wih1T, Whh1T, bih1, bhh1)

    wspec = [
        pl.BlockSpec((2 * H, 2 * H), full),
        pl.BlockSpec((H, H), full),
        pl.BlockSpec((H, H), full),
        pl.BlockSpec((1, 2 * H), full),
        pl.BlockSpec((1, H), full),
        pl.BlockSpec((1, H), full),
    ]
    return pl.pallas_call(
        _gru_body,
        grid=(nb,),
        in_specs=[pl.BlockSpec((BN_GRU, T * H), lambda i: (i, 0))]
        + wspec + wspec + [pl.BlockSpec((H, H), full)],
        out_specs=[
            pl.BlockSpec((BN_GRU, H), lambda i: (i, 0)),
            pl.BlockSpec((BN_GRU, H), lambda i: (i, 0)),
        ],
        out_shape=[
            jax.ShapeDtypeStruct((N, H), jnp.float32),
            jax.ShapeDtypeStruct((N, H), jnp.float32),
        ],
        compiler_params=pltpu.CompilerParams(
            dimension_semantics=("parallel",)),
    )(x2, wrz0, wni0, wnh0, brz0, bni0, bnh0,
      wrz1, wni1, wnh1, brz1, bni1, bnh1, Wg0T)



def _sc_conv_body(compute_deg, m_hbm, src_hbm, dst_hbm, *rest):
    if compute_deg:
        (p_hbm, deg_hbm, src_v, dst_v, rows_v, zb, ones_v, zline, acc, dacc,
         sem) = rest
    else:
        (p_hbm, src_v, dst_v, rows_v, zb, ones_v, zline, acc, dacc,
         sem) = rest
    c = lax.axis_index("c")
    s = lax.axis_index("s")
    w = c * NS + s

    zeros16 = jnp.zeros((16,), jnp.float32)
    ones16 = jnp.ones((16,), jnp.float32)
    for r in range(16):
        for cc in range(H // 16):
            zb[r, pl.ds(cc * 16, 16)] = zeros16
    for cc in range(CH // 16):
        ones_v[pl.ds(cc * 16, 16)] = ones16
        zline[pl.ds(cc * 16, 16)] = zeros16

    def zero_acc(i, carry):
        pltpu.sync_copy(zb, acc.at[pl.ds(s * ROWS_PER_TILE_Z + i * 16, 16)])
        return carry
    lax.fori_loop(0, ROWS_PER_TILE_Z // 16, zero_acc, 0)
    if compute_deg:
        def zero_deg(i, carry):
            pltpu.sync_copy(zline,
                            dacc.at[pl.ds(s * ROWS_PER_TILE_Z + i * CH, CH)])
            return carry
        lax.fori_loop(0, ROWS_PER_TILE_Z // CH, zero_deg, 0)
    plsc.subcore_barrier()

    pltpu.sync_copy(src_hbm.at[w], src_v)
    pltpu.sync_copy(dst_hbm.at[w], dst_v)

    def chunk(j, carry):
        idx_d = dst_v.at[j]
        pltpu.async_copy(m_hbm.at[src_v.at[j]], rows_v, sem).wait()
        pltpu.sync_copy(rows_v, acc.at[idx_d], add=True)
        if compute_deg:
            pltpu.sync_copy(ones_v, dacc.at[idx_d], add=True)
        return carry
    lax.fori_loop(0, NCHUNK, chunk, 0)
    plsc.subcore_barrier()

    base = s * ROWS_PER_TILE_Z
    pltpu.sync_copy(acc.at[pl.ds(base, ROWS_PER_TILE_Z)],
                    p_hbm.at[c, pl.ds(base, ROWS_PER_TILE_Z)])
    if compute_deg:
        @pl.when(s == 0)
        def _():
            pltpu.sync_copy(dacc, deg_hbm.at[pl.ds(c * NPAD, NPAD)])


def _sc_mesh(num_cores):
    return plsc.VectorSubcoreMesh(core_axis_name="c", subcore_axis_name="s",
                                  num_cores=num_cores, num_subcores=NS)


@functools.lru_cache(maxsize=None)
def _make_sc_conv(compute_deg):
    if compute_deg:
        out_type = (jax.ShapeDtypeStruct((NC, NPAD, H), jnp.float32),
                    jax.ShapeDtypeStruct((NC * NPAD,), jnp.float32))
    else:
        out_type = jax.ShapeDtypeStruct((NC, NPAD, H), jnp.float32)
    return pl.kernel(
        functools.partial(_sc_conv_body, compute_deg),
        name=f"sc_conv_{int(compute_deg)}",
        out_type=out_type,
        mesh=_sc_mesh(NC),
        scratch_types=[
            pltpu.VMEM((NCHUNK, CH), jnp.int32),
            pltpu.VMEM((NCHUNK, CH), jnp.int32),
            pltpu.VMEM((CH, H), jnp.float32),
            pltpu.VMEM((16, H), jnp.float32),
            pltpu.VMEM((CH,), jnp.float32),
            pltpu.VMEM((CH,), jnp.float32),
            pltpu.VMEM_SHARED((NPAD, H), jnp.float32),
            pltpu.VMEM_SHARED((NPAD,), jnp.float32),
            pltpu.SemaphoreType.DMA,
        ],
    )



def _mid_body(p_ref, degt_ref, bg_ref, wg_ref, m_ref):
    dsum = degt_ref[...]
    inv = jnp.where(dsum > 0.0, 1.0 / jnp.where(dsum > 0.0, dsum, 1.0), 0.0)
    out = jax.nn.relu((p_ref[0] + p_ref[1]) * inv + bg_ref[...])
    m_ref[...] = jnp.dot(out, wg_ref[...], preferred_element_type=jnp.float32)


def _run_mid_tc(p, degt, bg0, Wg1T):
    nb = N // BN_D
    full = lambda i: (0, 0)
    return pl.pallas_call(
        _mid_body,
        grid=(nb,),
        in_specs=[
            pl.BlockSpec((NC, BN_D, H), lambda i: (0, i, 0)),
            pl.BlockSpec((BN_D, 1), lambda i: (i, 0)),
            pl.BlockSpec((1, H), full),
            pl.BlockSpec((H, H), full),
        ],
        out_specs=pl.BlockSpec((BN_D, H), lambda i: (i, 0)),
        out_shape=jax.ShapeDtypeStruct((N, H), jnp.float32),
        compiler_params=pltpu.CompilerParams(
            dimension_semantics=("parallel",)),
    )(p, degt, bg0, Wg1T)



def _final_body(q_ref, degt_ref, h_ref, bg_ref, wskip_ref, bskip_ref,
                gamma_ref, beta_ref, wout_ref, bout_ref, y_ref):
    dsum = degt_ref[...]
    inv = jnp.where(dsum > 0.0, 1.0 / jnp.where(dsum > 0.0, dsum, 1.0), 0.0)
    out = jax.nn.relu((q_ref[0] + q_ref[1]) * inv + bg_ref[...])
    res = out + jnp.dot(h_ref[...], wskip_ref[...],
                        preferred_element_type=jnp.float32) + bskip_ref[...]
    mu = jnp.mean(res, axis=-1, keepdims=True)
    var = jnp.mean((res - mu) * (res - mu), axis=-1, keepdims=True)
    ln = gamma_ref[...] * (res - mu) / jnp.sqrt(var + 1e-5) + beta_ref[...]
    y_ref[...] = jnp.dot(ln, wout_ref[...],
                         preferred_element_type=jnp.float32) + bout_ref[...]


def _run_final_tc(q, degt, h, bg1, WskipT, bskip, gamma, beta, WoutT, bout):
    nb = N // BN_D
    full = lambda i: (0, 0)
    return pl.pallas_call(
        _final_body,
        grid=(nb,),
        in_specs=[
            pl.BlockSpec((NC, BN_D, H), lambda i: (0, i, 0)),
            pl.BlockSpec((BN_D, 1), lambda i: (i, 0)),
            pl.BlockSpec((BN_D, H), lambda i: (i, 0)),
            pl.BlockSpec((1, H), full),
            pl.BlockSpec((H, H), full),
            pl.BlockSpec((1, H), full),
            pl.BlockSpec((1, H), full),
            pl.BlockSpec((1, H), full),
            pl.BlockSpec((H, OUT), full),
            pl.BlockSpec((1, OUT), full),
        ],
        out_specs=pl.BlockSpec((BN_D, OUT), lambda i: (i, 0)),
        out_shape=jax.ShapeDtypeStruct((N, OUT), jnp.float32),
        compiler_params=pltpu.CompilerParams(
            dimension_semantics=("parallel",)),
    )(q, degt, h, bg1, WskipT, bskip, gamma, beta, WoutT, bout)



def kernel(x, edge_index, Wih0, Whh0, bih0, bhh0, Wih1, Whh1, bih1, bhh1,
           Wg0, bg0, Wg1, bg1, Wskip, bskip, gamma, beta, Wout, bout):
    src = edge_index[0]
    dst = edge_index[1]
    pad = EPAD - E

    srcp = jnp.concatenate([src, jnp.zeros((pad,), jnp.int32)]
                           ).reshape(NW, NCHUNK, CH)
    dstp = jnp.concatenate([dst, jnp.full((pad,), N, jnp.int32)]
                           ).reshape(NW, NCHUNK, CH)

    x2 = x.reshape(N, T * H)

    row = lambda v: v.reshape(1, -1)
    h, m0 = _run_gru_tc(x2, Wih0.T, Whh0.T, row(bih0), row(bhh0),
                        Wih1.T, Whh1.T, row(bih1), row(bhh1), Wg0.T)

    p, deg_flat = _make_sc_conv(True)(m0, srcp, dstp)
    degt = (deg_flat[:N] + deg_flat[NPAD:NPAD + N]).reshape(N, 1)

    m1 = _run_mid_tc(p, degt, row(bg0), Wg1.T)
    q = _make_sc_conv(False)(m1, srcp, dstp)

    y = _run_final_tc(q, degt, h, row(bg1), Wskip.T, row(bskip),
                      row(gamma), row(beta), Wout.T, row(bout))
    return y

# --- scband reference (transcript-rebuilt; emitter-appended) ---
"""Pipeline reference for scband-grugcnadapter-28295244546288 (READ-ONLY COPY).

The authoritative reference and input builder live on the scoring server;
editing this copy changes nothing except your own understanding.
"""

import jax, jax.numpy as jnp
import numpy as np

N = 10000
T = 12
H = 128
OUT = 32
E = 320000


def _run_gru(x_seq, Wih, Whh, bih, bhh):
    # x_seq: [T, N, H]; PyTorch GRU equations, h0 = zeros
    def step(h, xt):
        gi = xt @ Wih.T + bih
        gh = h @ Whh.T + bhh
        i_r, i_z, i_n = jnp.split(gi, 3, axis=-1)
        h_r, h_z, h_n = jnp.split(gh, 3, axis=-1)
        r = jax.nn.sigmoid(i_r + h_r)
        z = jax.nn.sigmoid(i_z + h_z)
        n = jnp.tanh(i_n + r * h_n)
        h_new = ((1.0 - z) * n + z * h).astype(h.dtype)
        return h_new, h_new
    h0 = jnp.zeros((x_seq.shape[1], Whh.shape[1]), x_seq.dtype)
    _, outs = jax.lax.scan(step, h0, x_seq)
    return outs


def _graph_conv(h, edge_index, W, b):
    # tsl GraphConv: root_weight=False, norm='mean' (1/in-degree of dst), activation=relu
    m = h @ W.T
    src = edge_index[0]
    dst = edge_index[1]
    deg = jax.ops.segment_sum(jnp.ones(dst.shape, h.dtype), dst, num_segments=h.shape[0])
    inv_deg = jnp.where(deg > 0, 1.0 / jnp.where(deg > 0, deg, 1.0), 0.0)
    msgs = m[src] * inv_deg[dst][:, None]
    out = jax.ops.segment_sum(msgs, dst, num_segments=h.shape[0])
    return jax.nn.relu(out + b)


def _layer_norm(x, gamma, beta):
    mu = x.mean(-1, keepdims=True)
    var = x.var(-1, keepdims=True)
    return gamma * (x - mu) / jnp.sqrt(var + 1e-5) + beta


def setup_inputs(seed: int = 0):
    key = jax.random.key(seed)
    ks = jax.random.split(key, 24)
    s = 1.0 / np.sqrt(H)
    inp = {}
    inp["x"] = jax.random.normal(ks[0], (N, T, H), dtype=jnp.float32)
    inp["edge_index"] = jax.random.randint(ks[1], (2, E), 0, N, dtype=jnp.int32)
    # GRU encoder params (2 layers, input_size == hidden_size == H)
    inp["Wih0"] = jax.random.normal(ks[2], (3 * H, H), dtype=jnp.float32) * s
    inp["Whh0"] = jax.random.normal(ks[3], (3 * H, H), dtype=jnp.float32) * s
    inp["bih0"] = jax.random.normal(ks[4], (3 * H,), dtype=jnp.float32) * s
    inp["bhh0"] = jax.random.normal(ks[5], (3 * H,), dtype=jnp.float32) * s
    inp["Wih1"] = jax.random.normal(ks[6], (3 * H, H), dtype=jnp.float32) * s
    inp["Whh1"] = jax.random.normal(ks[7], (3 * H, H), dtype=jnp.float32) * s
    inp["bih1"] = jax.random.normal(ks[8], (3 * H,), dtype=jnp.float32) * s
    inp["bhh1"] = jax.random.normal(ks[9], (3 * H,), dtype=jnp.float32) * s
    # spatial GraphConv params (2 blocks)
    inp["Wg0"] = jax.random.normal(ks[10], (H, H), dtype=jnp.float32) * s
    inp["bg0"] = jax.random.normal(ks[11], (H,), dtype=jnp.float32) * s
    inp["Wg1"] = jax.random.normal(ks[12], (H, H), dtype=jnp.float32) * s
    inp["bg1"] = jax.random.normal(ks[13], (H,), dtype=jnp.float32) * s
    # skip connection
    inp["Wskip"] = jax.random.normal(ks[14], (H, H), dtype=jnp.float32) * s
    inp["bskip"] = jax.random.normal(ks[15], (H,), dtype=jnp.float32) * s
    # LayerNorm
    inp["gamma"] = jnp.ones((H,), dtype=jnp.float32)
    inp["beta"] = jnp.zeros((H,), dtype=jnp.float32)
    # output linear
    inp["Wout"] = jax.random.normal(ks[16], (OUT, H), dtype=jnp.float32) * s
    inp["bout"] = jax.random.normal(ks[17], (OUT,), dtype=jnp.float32) * s
    return inp


def reference(x, edge_index, Wih0, Whh0, bih0, bhh0, Wih1, Whh1, bih1, bhh1,
              Wg0, bg0, Wg1, bg1, Wskip, bskip, gamma, beta, Wout, bout):
    # x: [nodes, steps, H] -> permute -> [steps, nodes, H] (batch=1 handled implicitly)
    seq = jnp.transpose(x, (1, 0, 2))
    seq = _run_gru(seq, Wih0, Whh0, bih0, bhh0)
    seq = _run_gru(seq, Wih1, Whh1, bih1, bhh1)
    h = seq[-1]  # last state: [N, H]
    out = _graph_conv(h, edge_index, Wg0, bg0)
    out = _graph_conv(out, edge_index, Wg1, bg1)
    res = out + (h @ Wskip.T + bskip)
    res = _layer_norm(res, gamma, beta)
    y = res @ Wout.T + bout  # [N, OUT]
    return y

if __name__ == "__main__":
    import jax
    _d = setup_inputs()
    print(jax.jit(kernel)(*tuple(_d.values())))

</pallas_src>

<mosaic_0001>
#map = affine_map<(d0, d1) -> (0, 0)>
#map1 = affine_map<(d0, d1) -> (0, 0, 0)>
module attributes {stable_mosaic.version = 14 : i64} {
  func.func @sc_conv_0(%arg0: i32, %arg1: i32, %arg2: memref<10000x128xf32, #tpu.memory_space<hbm>>, %arg3: memref<32x79x128xi32, #tpu.memory_space<hbm>>, %arg4: memref<32x79x128xi32, #tpu.memory_space<hbm>>, %arg5: memref<2x10240x128xf32, #tpu.memory_space<hbm>>, %arg6: memref<79x128xi32, #tpu.memory_space<vmem>>, %arg7: memref<79x128xi32, #tpu.memory_space<vmem>>, %arg8: memref<128x128xf32, #tpu.memory_space<vmem>>, %arg9: memref<16x128xf32, #tpu.memory_space<vmem>>, %arg10: memref<128xf32, #tpu.memory_space<vmem>>, %arg11: memref<128xf32, #tpu.memory_space<vmem>>, %arg12: memref<10240x128xf32, #tpu.memory_space<vmem_shared>>, %arg13: memref<10240xf32, #tpu.memory_space<vmem_shared>>, %arg14: memref<!tpu.dma_semaphore, #tpu.memory_space<semaphore_mem>>) attributes {dimension_semantics = [#tpu.dimension_semantics<core_parallel>, #tpu.dimension_semantics<subcore_parallel>], iteration_bounds = array<i64: 2, 16>, scalar_prefetch = 0 : i64, scratch_operands = 9 : i64, tpu.core_type = #tpu.core_type<sc_vector_subcore>, window_params = [{transform_indices = #map}, {transform_indices = #map1}, {transform_indices = #map1}, {transform_indices = #map1}]} {
    %mul3A = arith.constant 16 : i32
    %mul3A_0 = arith.muli %arg0, %mul3A : i32
    %add3A = arith.addi %mul3A_0, %arg1 : i32
    %broadcast_in_dim3A = arith.constant 0.000000e+00 : f32
    %broadcast_in_dim3A_1 = vector.broadcast %broadcast_in_dim3A : f32 to vector<16xf32>
    %broadcast_in_dim3A_2 = arith.constant 1.000000e+00 : f32
    %broadcast_in_dim3A_3 = vector.broadcast %broadcast_in_dim3A_2 : f32 to vector<16xf32>
    %swap3A = arith.constant 0 : i32
    %swap3A_4 = arith.index_cast %swap3A : i32 to index
    %swap3A_5 = arith.constant 0 : index
    %swap3A_6 = tpu.vector_load %arg9[%swap3A_4, %swap3A_5] {strides = array<i32>} : memref<16x128xf32, #tpu.memory_space<vmem>>, vector<1x16xf32>,
    %swap3A_7 = vector.shape_cast %swap3A_6 : vector<1x16xf32> to vector<16xf32>
    %swap3A_8 = vector.shape_cast %broadcast_in_dim3A_1 : vector<16xf32> to vector<1x16xf32>
    tpu.vector_store %arg9[%swap3A_4, %swap3A_5], %swap3A_8 {strides = array<i32>} : memref<16x128xf32, #tpu.memory_space<vmem>>, vector<1x16xf32>,
    %swap3A_9 = arith.constant 0 : i32
    %swap3A_10 = arith.index_cast %swap3A_9 : i32 to index
    %swap3A_11 = arith.constant 16 : index
    %swap3A_12 = tpu.vector_load %arg9[%swap3A_10, %swap3A_11] {strides = array<i32>} : memref<16x128xf32, #tpu.memory_space<vmem>>, vector<1x16xf32>,
    %swap3A_13 = vector.shape_cast %swap3A_12 : vector<1x16xf32> to vector<16xf32>
    %swap3A_14 = vector.shape_cast %broadcast_in_dim3A_1 : vector<16xf32> to vector<1x16xf32>
    tpu.vector_store %arg9[%swap3A_10, %swap3A_11], %swap3A_14 {strides = array<i32>} : memref<16x128xf32, #tpu.memory_space<vmem>>, vector<1x16xf32>,
    %swap3A_15 = arith.constant 0 : i32
    %swap3A_16 = arith.index_cast %swap3A_15 : i32 to index
    %swap3A_17 = arith.constant 32 : index
    %swap3A_18 = tpu.vector_load %arg9[%swap3A_16, %swap3A_17] {strides = array<i32>} : memref<16x128xf32, #tpu.memory_space<vmem>>, vector<1x16xf32>,
    %swap3A_19 = vector.shape_cast %swap3A_18 : vector<1x16xf32> to vector<16xf32>
    %swap3A_20 = vector.shape_cast %broadcast_in_dim3A_1 : vector<16xf32> to vector<1x16xf32>
    tpu.vector_store %arg9[%swap3A_16, %swap3A_17], %swap3A_20 {strides = array<i32>} : memref<16x128xf32, #tpu.memory_space<vmem>>, vector<1x16xf32>,
    %swap3A_21 = arith.constant 0 : i32
    %swap3A_22 = arith.index_cast %swap3A_21 : i32 to index
    %swap3A_23 = arith.constant 48 : index
    %swap3A_24 = tpu.vector_load %arg9[%swap3A_22, %swap3A_23] {strides = array<i32>} : memref<16x128xf32, #tpu.memory_space<vmem>>, vector<1x16xf32>,
    %swap3A_25 = vector.shape_cast %swap3A_24 : vector<1x16xf32> to vector<16xf32>
    %swap3A_26 = vector.shape_cast %broadcast_in_dim3A_1 : vector<16xf32> to vector<1x16xf32>
    tpu.vector_store %arg9[%swap3A_22, %swap3A_23], %swap3A_26 {strides = array<i32>} : memref<16x128xf32, #tpu.memory_space<vmem>>, vector<1x16xf32>,
    %swap3A_27 = arith.constant 0 : i32
    %swap3A_28 = arith.index_cast %swap3A_27 : i32 to index
    %swap3A_29 = arith.constant 64 : index
    %swap3A_30 = tpu.vector_load %arg9[%swap3A_28, %swap3A_29] {strides = array<i32>} : memref<16x128xf32, #tpu.memory_space<vmem>>, vector<1x16xf32>,
    %swap3A_31 = vector.shape_cast %swap3A_30 : vector<1x16xf32> to vector<16xf32>
    %swap3A_32 = vector.shape_cast %broadcast_in_dim3A_1 : vector<16xf32> to vector<1x16xf32>
    tpu.vector_store %arg9[%swap3A_28, %swap3A_29], %swap3A_32 {strides = array<i32>} : memref<16x128xf32, #tpu.memory_space<vmem>>, vector<1x16xf32>,
    %swap3A_33 = arith.constant 0 : i32
    %swap3A_34 = arith.index_cast %swap3A_33 : i32 to index
    %swap3A_35 = arith.constant 80 : index
    %swap3A_36 = tpu.vector_load %arg9[%swap3A_34, %swap3A_35] {strides = array<i32>} : memref<16x128xf32, #tpu.memory_space<vmem>>, vector<1x16xf32>,
    %swap3A_37 = vector.shape_cast %swap3A_36 : vector<1x16xf32> to vector<16xf32>
    %swap3A_38 = vector.shape_cast %broadcast_in_dim3A_1 : vector<16xf32> to vector<1x16xf32>
    tpu.vector_store %arg9[%swap3A_34, %swap3A_35], %swap3A_38 {strides = array<i32>} : memref<16x128xf32, #tpu.memory_space<vmem>>, vector<1x16xf32>,
    %swap3A_39 = arith.constant 0 : i32
    %swap3A_40 = arith.index_cast %swap3A_39 : i32 to index
    %swap3A_41 = arith.constant 96 : index
    %swap3A_42 = tpu.vector_load %arg9[%swap3A_40, %swap3A_41] {strides = array<i32>} : memref<16x128xf32, #tpu.memory_space<vmem>>, vector<1x16xf32>,
    %swap3A_43 = vector.shape_cast %swap3A_42 : vector<1x16xf32> to vector<16xf32>
    %swap3A_44 = vector.shape_cast %broadcast_in_dim3A_1 : vector<16xf32> to vector<1x16xf32>
    tpu.vector_store %arg9[%swap3A_40, %swap3A_41], %swap3A_44 {strides = array<i32>} : memref<16x128xf32, #tpu.memory_space<vmem>>, vector<1x16xf32>,
    %swap3A_45 = arith.constant 0 : i32
    %swap3A_46 = arith.index_cast %swap3A_45 : i32 to index
    %swap3A_47 = arith.constant 112 : index
    %swap3A_48 = tpu.vector_load %arg9[%swap3A_46, %swap3A_47] {strides = array<i32>} : memref<16x128xf32, #tpu.memory_space<vmem>>, vector<1x16xf32>,
    %swap3A_49 = vector.shape_cast %swap3A_48 : vector<1x16xf32> to vector<16xf32>
    %swap3A_50 = vector.shape_cast %broadcast_in_dim3A_1 : vector<16xf32> to vector<1x16xf32>
    tpu.vector_store %arg9[%swap3A_46, %swap3A_47], %swap3A_50 {strides = array<i32>} : memref<16x128xf32, #tpu.memory_space<vmem>>, vector<1x16xf32>,
    %swap3A_51 = arith.constant 1 : i32
    %swap3A_52 = arith.index_cast %swap3A_51 : i32 to index
    %swap3A_53 = arith.constant 0 : index
    %swap3A_54 = tpu.vector_load %arg9[%swap3A_52, %swap3A_53] {strides = array<i32>} : memref<16x128xf32, #tpu.memory_space<vmem>>, vector<1x16xf32>,
    %swap3A_55 = vector.shape_cast %swap3A_54 : vector<1x16xf32> to vector<16xf32>
    %swap3A_56 = vector.shape_cast %broadcast_in_dim3A_1 : vector<16xf32> to vector<1x16xf32>
    tpu.vector_store %arg9[%swap3A_52, %swap3A_53], %swap3A_56 {strides = array<i32>} : memref<16x128xf32, #tpu.memory_space<vmem>>, vector<1x16xf32>,
    %swap3A_57 = arith.constant 1 : i32
    %swap3A_58 = arith.index_cast %swap3A_57 : i32 to index
    %swap3A_59 = arith.constant 16 : index
    %swap3A_60 = tpu.vector_load %arg9[%swap3A_58, %swap3A_59] {strides = array<i32>} : memref<16x128xf32, #tpu.memory_space<vmem>>, vector<1x16xf32>,
    %swap3A_61 = vector.shape_cast %swap3A_60 : vector<1x16xf32> to vector<16xf32>
    %swap3A_62 = vector.shape_cast %broadcast_in_dim3A_1 : vector<16xf32> to vector<1x16xf32>
    tpu.vector_store %arg9[%swap3A_58, %swap3A_59], %swap3A_62 {strides = array<i32>} : memref<16x128xf32, #tpu.memory_space<vmem>>, vector<1x16xf32>,
    %swap3A_63 = arith.constant 1 : i32
    %swap3A_64 = arith.index_cast %swap3A_63 : i32 to index
    %swap3A_65 = arith.constant 32 : index
    %swap3A_66 = tpu.vector_load %arg9[%swap3A_64, %swap3A_65] {strides = array<i32>} : memref<16x128xf32, #tpu.memory_space<vmem>>, vector<1x16xf32>,
    %swap3A_67 = vector.shape_cast %swap3A_66 : vector<1x16xf32> to vector<16xf32>
    %swap3A_68 = vector.shape_cast %broadcast_in_dim3A_1 : vector<16xf32> to vector<1x16xf32>
    tpu.vector_store %arg9[%swap3A_64, %swap3A_65], %swap3A_68 {strides = array<i32>} : memref<16x128xf32, #tpu.memory_space<vmem>>, vector<1x16xf32>,
    %swap3A_69 = arith.constant 1 : i32
    %swap3A_70 = arith.index_cast %swap3A_69 : i32 to index
    %swap3A_71 = arith.constant 48 : index
    %swap3A_72 = tpu.vector_load %arg9[%swap3A_70, %swap3A_71] {strides = array<i32>} : memref<16x128xf32, #tpu.memory_space<vmem>>, vector<1x16xf32>,
    %swap3A_73 = vector.shape_cast %swap3A_72 : vector<1x16xf32> to vector<16xf32>
    %swap3A_74 = vector.shape_cast %broadcast_in_dim3A_1 : vector<16xf32> to vector<1x16xf32>
    tpu.vector_store %arg9[%swap3A_70, %swap3A_71], %swap3A_74 {strides = array<i32>} : memref<16x128xf32, #tpu.memory_space<vmem>>, vector<1x16xf32>,
    %swap3A_75 = arith.constant 1 : i32
    %swap3A_76 = arith.index_cast %swap3A_75 : i32 to index
    %swap3A_77 = arith.constant 64 : index
    %swap3A_78 = tpu.vector_load %arg9[%swap3A_76, %swap3A_77] {strides = array<i32>} : memref<16x128xf32, #tpu.memory_space<vmem>>, vector<1x16xf32>,
    %swap3A_79 = vector.shape_cast %swap3A_78 : vector<1x16xf32> to vector<16xf32>
    %swap3A_80 = vector.shape_cast %broadcast_in_dim3A_1 : vector<16xf32> to vector<1x16xf32>
    tpu.vector_store %arg9[%swap3A_76, %swap3A_77], %swap3A_80 {strides = array<i32>} : memref<16x128xf32, #tpu.memory_space<vmem>>, vector<1x16xf32>,
    %swap3A_81 = arith.constant 1 : i32
    %swap3A_82 = arith.index_cast %swap3A_81 : i32 to index
    %swap3A_83 = arith.constant 80 : index
    %swap3A_84 = tpu.vector_load %arg9[%swap3A_82, %swap3A_83] {strides = array<i32>} : memref<16x128xf32, #tpu.memory_space<vmem>>, vector<1x16xf32>,
    %swap3A_85 = vector.shape_cast %swap3A_84 : vector<1x16xf32> to vector<16xf32>
    %swap3A_86 = vector.shape_cast %broadcast_in_dim3A_1 : vector<16xf32> to vector<1x16xf32>
    tpu.vector_store %arg9[%swap3A_82, %swap3A_83], %swap3A_86 {strides = array<i32>} : memref<16x128xf32, #tpu.memory_space<vmem>>, vector<1x16xf32>,
    %swap3A_87 = arith.constant 1 : i32
    %swap3A_88 = arith.index_cast %swap3A_87 : i32 to index
    %swap3A_89 = arith.constant 96 : index
    %swap3A_90 = tpu.vector_load %arg9[%swap3A_88, %swap3A_89] {strides = array<i32>} : memref<16x128xf32, #tpu.memory_space<vmem>>, vector<1x16xf32>,
    %swap3A_91 = vector.shape_cast %swap3A_90 : vector<1x16xf32> to vector<16xf32>
    %swap3A_92 = vector.shape_cast %broadcast_in_dim3A_1 : vector<16xf32> to vector<1x16xf32>
    tpu.vector_store %arg9[%swap3A_88, %swap3A_89], %swap3A_92 {strides = array<i32>} : memref<16x128xf32, #tpu.memory_space<vmem>>, vector<1x16xf32>,
    %swap3A_93 = arith.constant 1 : i32
    %swap3A_94 = arith.index_cast %swap3A_93 : i32 to index
    %swap3A_95 = arith.constant 112 : index
    %swap3A_96 = tpu.vector_load %arg9[%swap3A_94, %swap3A_95] {strides = array<i32>} : memref<16x128xf32, #tpu.memory_space<vmem>>, vector<1x16xf32>,
    %swap3A_97 = vector.shape_cast %swap3A_96 : vector<1x16xf32> to vector<16xf32>
    %swap3A_98 = vector.shape_cast %broadcast_in_dim3A_1 : vector<16xf32> to vector<1x16xf32>
    tpu.vector_store %arg9[%swap3A_94, %swap3A_95], %swap3A_98 {strides = array<i32>} : memref<16x128xf32, #tpu.memory_space<vmem>>, vector<1x16xf32>,
    %swap3A_99 = arith.constant 2 : i32
    %swap3A_100 = arith.index_cast %swap3A_99 : i32 to index
    %swap3A_101 = arith.constant 0 : index
    %swap3A_102 = tpu.vector_load %arg9[%swap3A_100, %swap3A_101] {strides = array<i32>} : memref<16x128xf32, #tpu.memory_space<vmem>>, vector<1x16xf32>,
    %swap3A_103 = vector.shape_cast %swap3A_102 : vector<1x16xf32> to vector<16xf32>
    %swap3A_104 = vector.shape_cast %broadcast_in_dim3A_1 : vector<16xf32> to vector<1x16xf32>
    tpu.vector_store %arg9[%swap3A_100, %swap3A_101], %swap3A_104 {strides = array<i32>} : memref<16x128xf32, #tpu.memory_space<vmem>>, vector<1x16xf32>,
    %swap3A_105 = arith.constant 2 : i32
    %swap3A_106 = arith.index_cast %swap3A_105 : i32 to index
    %swap3A_107 = arith.constant 16 : index
    %swap3A_108 = tpu.vector_load %arg9[%swap3A_106, %swap3A_107] {strides = array<i32>} : memref<16x128xf32, #tpu.memory_space<vmem>>, vector<1x16xf32>,
    %swap3A_109 = vector.shape_cast %swap3A_108 : vector<1x16xf32> to vector<16xf32>
    %swap3A_110 = vector.shape_cast %broadcast_in_dim3A_1 : vector<16xf32> to vector<1x16xf32>
    tpu.vector_store %arg9[%swap3A_106, %swap3A_107], %swap3A_110 {strides = array<i32>} : memref<16x128xf32, #tpu.memory_space<vmem>>, vector<1x16xf32>,
    %swap3A_111 = arith.constant 2 : i32
    %swap3A_112 = arith.index_cast %swap3A_111 : i32 to index
    %swap3A_113 = arith.constant 32 : index
    %swap3A_114 = tpu.vector_load %arg9[%swap3A_112, %swap3A_113] {strides = array<i32>} : memref<16x128xf32, #tpu.memory_space<vmem>>, vector<1x16xf32>,
    %swap3A_115 = vector.shape_cast %swap3A_114 : vector<1x16xf32> to vector<16xf32>
    %swap3A_116 = vector.shape_cast %broadcast_in_dim3A_1 : vector<16xf32> to vector<1x16xf32>
    tpu.vector_store %arg9[%swap3A_112, %swap3A_113], %swap3A_116 {strides = array<i32>} : memref<16x128xf32, #tpu.memory_space<vmem>>, vector<1x16xf32>,
    %swap3A_117 = arith.constant 2 : i32
    %swap3A_118 = arith.index_cast %swap3A_117 : i32 to index
    %swap3A_119 = arith.constant 48 : index
    %swap3A_120 = tpu.vector_load %arg9[%swap3A_118, %swap3A_119] {strides = array<i32>} : memref<16x128xf32, #tpu.memory_space<vmem>>, vector<1x16xf32>,
    %swap3A_121 = vector.shape_cast %swap3A_120 : vector<1x16xf32> to vector<16xf32>
    %swap3A_122 = vector.shape_cast %broadcast_in_dim3A_1 : vector<16xf32> to vector<1x16xf32>
    tpu.vector_store %arg9[%swap3A_118, %swap3A_119], %swap3A_122 {strides = array<i32>} : memref<16x128xf32, #tpu.memory_space<vmem>>, vector<1x16xf32>,
    %swap3A_123 = arith.constant 2 : i32
    %swap3A_124 = arith.index_cast %swap3A_123 : i32 to index
    %swap3A_125 = arith.constant 64 : index
    %swap3A_126 = tpu.vector_load %arg9[%swap3A_124, %swap3A_125] {strides = array<i32>} : memref<16x128xf32, #tpu.memory_space<vmem>>, vector<1x16xf32>,
    %swap3A_127 = vector.shape_cast %swap3A_126 : vector<1x16xf32> to vector<16xf32>
    %swap3A_128 = vector.shape_cast %broadcast_in_dim3A_1 : vector<16xf32> to vector<1x16xf32>
    tpu.vector_store %arg9[%swap3A_124, %swap3A_125], %swap3A_128 {strides = array<i32>} : memref<16x128xf32, #tpu.memory_space<vmem>>, vector<1x16xf32>,
    %swap3A_129 = arith.constant 2 : i32
    %swap3A_130 = arith.index_cast %swap3A_129 : i32 to index
    %swap3A_131 = arith.constant 80 : index
    %swap3A_132 = tpu.vector_load %arg9[%swap3A_130, %swap3A_131] {strides = array<i32>} : memref<16x128xf32, #tpu.memory_space<vmem>>, vector<1x16xf32>,
    %swap3A_133 = vector.shape_cast %swap3A_132 : vector<1x16xf32> to vector<16xf32>
    %swap3A_134 = vector.shape_cast %broadcast_in_dim3A_1 : vector<16xf32> to vector<1x16xf32>
    tpu.vector_store %arg9[%swap3A_130, %swap3A_131], %swap3A_134 {strides = array<i32>} : memref<16x128xf32, #tpu.memory_space<vmem>>, vector<1x16xf32>,
    %swap3A_135 = arith.constant 2 : i32
    %swap3A_136 = arith.index_cast %swap3A_135 : i32 to index
    %swap3A_137 = arith.constant 96 : index
    %swap3A_138 = tpu.vector_load %arg9[%swap3A_136, %swap3A_137] {strides = array<i32>} : memref<16x128xf32, #tpu.memory_space<vmem>>, vector<1x16xf32>,
    %swap3A_139 = vector.shape_cast %swap3A_138 : vector<1x16xf32> to vector<16xf32>
    %swap3A_140 = vector.shape_cast %broadcast_in_dim3A_1 : vector<16xf32> to vector<1x16xf32>
    tpu.vector_store %arg9[%swap3A_136, %swap3A_137], %swap3A_140 {strides = array<i32>} : memref<16x128xf32, #tpu.memory_space<vmem>>, vector<1x16xf32>,
    %swap3A_141 = arith.constant 2 : i32
    %swap3A_142 = arith.index_cast %swap3A_141 : i32 to index
    %swap3A_143 = arith.constant 112 : index
    %swap3A_144 = tpu.vector_load %arg9[%swap3A_142, %swap3A_143] {strides = array<i32>} : memref<16x128xf32, #tpu.memory_space<vmem>>, vector<1x16xf32>,
    %swap3A_145 = vector.shape_cast %swap3A_144 : vector<1x16xf32> to vector<16xf32>
    %swap3A_146 = vector.shape_cast %broadcast_in_dim3A_1 : vector<16xf32> to vector<1x16xf32>
    tpu.vector_store %arg9[%swap3A_142, %swap3A_143], %swap3A_146 {strides = array<i32>} : memref<16x128xf32, #tpu.memory_space<vmem>>, vector<1x16xf32>,
    %swap3A_147 = arith.constant 3 : i32
    %swap3A_148 = arith.index_cast %swap3A_147 : i32 to index
    %swap3A_149 = arith.constant 0 : index
    %swap3A_150 = tpu.vector_load %arg9[%swap3A_148, %swap3A_149] {strides = array<i32>} : memref<16x128xf32, #tpu.memory_space<vmem>>, vector<1x16xf32>,
    %swap3A_151 = vector.shape_cast %swap3A_150 : vector<1x16xf32> to vector<16xf32>
    %swap3A_152 = vector.shape_cast %broadcast_in_dim3A_1 : vector<16xf32> to vector<1x16xf32>
    tpu.vector_store %arg9[%swap3A_148, %swap3A_149], %swap3A_152 {strides = array<i32>} : memref<16x128xf32, #tpu.memory_space<vmem>>, vector<1x16xf32>,
    %swap3A_153 = arith.constant 3 : i32
    %swap3A_154 = arith.index_cast %swap3A_153 : i32 to index
    %swap3A_155 = arith.constant 16 : index
    %swap3A_156 = tpu.vector_load %arg9[%swap3A_154, %swap3A_155] {strides = array<i32>} : memref<16x128xf32, #tpu.memory_space<vmem>>, vector<1x16xf32>,
    %swap3A_157 = vector.shape_cast %swap3A_156 : vector<1x16xf32> to vector<16xf32>
    %swap3A_158 = vector.shape_cast %broadcast_in_dim3A_1 : vector<16xf32> to vector<1x16xf32>
    tpu.vector_store %arg9[%swap3A_154, %swap3A_155], %swap3A_158 {strides = array<i32>} : memref<16x128xf32, #tpu.memory_space<vmem>>, vector<1x16xf32>,
    %swap3A_159 = arith.constant 3 : i32
    %swap3A_160 = arith.index_cast %swap3A_159 : i32 to index
    %swap3A_161 = arith.constant 32 : index
    %swap3A_162 = tpu.vector_load %arg9[%swap3A_160, %swap3A_161] {strides = array<i32>} : memref<16x128xf32, #tpu.memory_space<vmem>>, vector<1x16xf32>,
    %swap3A_163 = vector.shape_cast %swap3A_162 : vector<1x16xf32> to vector<16xf32>
    %swap3A_164 = vector.shape_cast %broadcast_in_dim3A_1 : vector<16xf32> to vector<1x16xf32>
    tpu.vector_store %arg9[%swap3A_160, %swap3A_161], %swap3A_164 {strides = array<i32>} : memref<16x128xf32, #tpu.memory_space<vmem>>, vector<1x16xf32>,
    %swap3A_165 = arith.constant 3 : i32
    %swap3A_166 = arith.index_cast %swap3A_165 : i32 to index
    %swap3A_167 = arith.constant 48 : index
    %swap3A_168 = tpu.vector_load %arg9[%swap3A_166, %swap3A_167] {strides = array<i32>} : memref<16x128xf32, #tpu.memory_space<vmem>>, vector<1x16xf32>,
    %swap3A_169 = vector.shape_cast %swap3A_168 : vector<1x16xf32> to vector<16xf32>
    %swap3A_170 = vector.shape_cast %broadcast_in_dim3A_1 : vector<16xf32> to vector<1x16xf32>
    tpu.vector_store %arg9[%swap3A_166, %swap3A_167], %swap3A_170 {strides = array<i32>} : memref<16x128xf32, #tpu.memory_space<vmem>>, vector<1x16xf32>,
    %swap3A_171 = arith.constant 3 : i32
    %swap3A_172 = arith.index_cast %swap3A_171 : i32 to index
    %swap3A_173 = arith.constant 64 : index
    %swap3A_174 = tpu.vector_load %arg9[%swap3A_172, %swap3A_173] {strides = array<i32>} : memref<16x128xf32, #tpu.memory_space<vmem>>, vector<1x16xf32>,
    %swap3A_175 = vector.shape_cast %swap3A_174 : vector<1x16xf32> to vector<16xf32>
    %swap3A_176 = vector.shape_cast %broadcast_in_dim3A_1 : vector<16xf32> to vector<1x16xf32>
    tpu.vector_store %arg9[%swap3A_172, %swap3A_173], %swap3A_176 {strides = array<i32>} : memref<16x128xf32, #tpu.memory_space<vmem>>, vector<1x16xf32>,
    %swap3A_177 = arith.constant 3 : i32
    %swap3A_178 = arith.index_cast %swap3A_177 : i32 to index
    %swap3A_179 = arith.constant 80 : index
    %swap3A_180 = tpu.vector_load %arg9[%swap3A_178, %swap3A_179] {strides = array<i32>} : memref<16x128xf32, #tpu.memory_space<vmem>>, vector<1x16xf32>,
    %swap3A_181 = vector.shape_cast %swap3A_180 : vector<1x16xf32> to vector<16xf32>
    %swap3A_182 = vector.shape_cast %broadcast_in_dim3A_1 : vector<16xf32> to vector<1x16xf32>
    tpu.vector_store %arg9[%swap3A_178, %swap3A_179], %swap3A_182 {strides = array<i32>} : memref<16x128xf32, #tpu.memory_space<vmem>>, vector<1x16xf32>,
    %swap3A_183 = arith.constant 3 : i32
    %swap3A_184 = arith.index_cast %swap3A_183 : i32 to index
    %swap3A_185 = arith.constant 96 : index
    %swap3A_186 = tpu.vector_load %arg9[%swap3A_184, %swap3A_185] {strides = array<i32>} : memref<16x128xf32, #tpu.memory_space<vmem>>, vector<1x16xf32>,
    %swap3A_187 = vector.shape_cast %swap3A_186 : vector<1x16xf32> to vector<16xf32>
    %swap3A_188 = vector.shape_cast %broadcast_in_dim3A_1 : vector<16xf32> to vector<1x16xf32>
    tpu.vector_store %arg9[%swap3A_184, %swap3A_185], %swap3A_188 {strides = array<i32>} : memref<16x128xf32, #tpu.memory_space<vmem>>, vector<1x16xf32>,
    %swap3A_189 = arith.constant 3 : i32
    %swap3A_190 = arith.index_cast %swap3A_189 : i32 to index
    %swap3A_191 = arith.constant 112 : index
    %swap3A_192 = tpu.vector_load %arg9[%swap3A_190, %swap3A_191] {strides = array<i32>} : memref<16x128xf32, #tpu.memory_space<vmem>>, vector<1x16xf32>,
    %swap3A_193 = vector.shape_cast %swap3A_192 : vector<1x16xf32> to vector<16xf32>
    %swap3A_194 = vector.shape_cast %broadcast_in_dim3A_1 : vector<16xf32> to vector<1x16xf32>
    tpu.vector_store %arg9[%swap3A_190, %swap3A_191], %swap3A_194 {strides = array<i32>} : memref<16x128xf32, #tpu.memory_space<vmem>>, vector<1x16xf32>,
    %swap3A_195 = arith.constant 4 : i32
    %swap3A_196 = arith.index_cast %swap3A_195 : i32 to index
    %swap3A_197 = arith.constant 0 : index
    %swap3A_198 = tpu.vector_load %arg9[%swap3A_196, %swap3A_197] {strides = array<i32>} : memref<16x128xf32, #tpu.memory_space<vmem>>, vector<1x16xf32>,
    %swap3A_199 = vector.shape_cast %swap3A_198 : vector<1x16xf32> to vector<16xf32>
    %swap3A_200 = vector.shape_cast %broadcast_in_dim3A_1 : vector<16xf32> to vector<1x16xf32>
    tpu.vector_store %arg9[%swap3A_196, %swap3A_197], %swap3A_200 {strides = array<i32>} : memref<16x128xf32, #tpu.memory_space<vmem>>, vector<1x16xf32>,
    %swap3A_201 = arith.constant 4 : i32
    %swap3A_202 = arith.index_cast %swap3A_201 : i32 to index
    %swap3A_203 = arith.constant 16 : index
    %swap3A_204 = tpu.vector_load %arg9[%swap3A_202, %swap3A_203] {strides = array<i32>} : memref<16x128xf32, #tpu.memory_space<vmem>>, vector<1x16xf32>,
    %swap3A_205 = vector.shape_cast %swap3A_204 : vector<1x16xf32> to vector<16xf32>
    %swap3A_206 = vector.shape_cast %broadcast_in_dim3A_1 : vector<16xf32> to vector<1x16xf32>
    tpu.vector_store %arg9[%swap3A_202, %swap3A_203], %swap3A_206 {strides = array<i32>} : memref<16x128xf32, #tpu.memory_space<vmem>>, vector<1x16xf32>,
    %swap3A_207 = arith.constant 4 : i32
    %swap3A_208 = arith.index_cast %swap3A_207 : i32 to index
    %swap3A_209 = arith.constant 32 : index
    %swap3A_210 = tpu.vector_load %arg9[%swap3A_208, %swap3A_209] {strides = array<i32>} : memref<16x128xf32, #tpu.memory_space<vmem>>, vector<1x16xf32>,
    %swap3A_211 = vector.shape_cast %swap3A_210 : vector<1x16xf32> to vector<16xf32>
    %swap3A_212 = vector.shape_cast %broadcast_in_dim3A_1 : vector<16xf32> to vector<1x16xf32>
    tpu.vector_store %arg9[%swap3A_208, %swap3A_209], %swap3A_212 {strides = array<i32>} : memref<16x128xf32, #tpu.memory_space<vmem>>, vector<1x16xf32>,
    %swap3A_213 = arith.constant 4 : i32
    %swap3A_214 = arith.index_cast %swap3A_213 : i32 to index
    %swap3A_215 = arith.constant 48 : index
    %swap3A_216 = tpu.vector_load %arg9[%swap3A_214, %swap3A_215] {strides = array<i32>} : memref<16x128xf32, #tpu.memory_space<vmem>>, vector<1x16xf32>,
    %swap3A_217 = vector.shape_cast %swap3A_216 : vector<1x16xf32> to vector<16xf32>
    %swap3A_218 = vector.shape_cast %broadcast_in_dim3A_1 : vector<16xf32> to vector<1x16xf32>
    tpu.vector_store %arg9[%swap3A_214, %swap3A_215], %swap3A_218 {strides = array<i32>} : memref<16x128xf32, #tpu.memory_space<vmem>>, vector<1x16xf32>,
    %swap3A_219 = arith.constant 4 : i32
    %swap3A_220 = arith.index_cast %swap3A_219 : i32 to index
    %swap3A_221 = arith.constant 64 : index
    %swap3A_222 = tpu.vector_load %arg9[%swap3A_220, %swap3A_221] {strides = array<i32>} : memref<16x128xf32, #tpu.memory_space<vmem>>, vector<1x16xf32>,
    %swap3A_223 = vector.shape_cast %swap3A_222 : vector<1x16xf32> to vector<16xf32>
    %swap3A_224 = vector.shape_cast %broadcast_in_dim3A_1 : vector<16xf32> to vector<1x16xf32>
    tpu.vector_store %arg9[%swap3A_220, %swap3A_221], %swap3A_224 {strides = array<i32>} : memref<16x128xf32, #tpu.memory_space<vmem>>, vector<1x16xf32>,
    %swap3A_225 = arith.constant 4 : i32
    %swap3A_226 = arith.index_cast %swap3A_225 : i32 to index
    %swap3A_227 = arith.constant 80 : index
    %swap3A_228 = tpu.vector_load %arg9[%swap3A_226, %swap3A_227] {strides = array<i32>} : memref<16x128xf32, #tpu.memory_space<vmem>>, vector<1x16xf32>,
    %swap3A_229 = vector.shape_cast %swap3A_228 : vector<1x16xf32> to vector<16xf32>
    %swap3A_230 = vector.shape_cast %broadcast_in_dim3A_1 : vector<16xf32> to vector<1x16xf32>
    tpu.vector_store %arg9[%swap3A_226, %swap3A_227], %swap3A_230 {strides = array<i32>} : memref<16x128xf32, #tpu.memory_space<vmem>>, vector<1x16xf32>,
    %swap3A_231 = arith.constant 4 : i32
    %swap3A_232 = arith.index_cast %swap3A_231 : i32 to index
    %swap3A_233 = arith.constant 96 : index
    %swap3A_234 = tpu.vector_load %arg9[%swap3A_232, %swap3A_233] {strides = array<i32>} : memref<16x128xf32, #tpu.memory_space<vmem>>, vector<1x16xf32>,
    %swap3A_235 = vector.shape_cast %swap3A_234 : vector<1x16xf32> to vector<16xf32>
    %swap3A_236 = vector.shape_cast %broadcast_in_dim3A_1 : vector<16xf32> to vector<1x16xf32>
    tpu.vector_store %arg9[%swap3A_232, %swap3A_233], %swap3A_236 {strides = array<i32>} : memref<16x128xf32, #tpu.memory_space<vmem>>, vector<1x16xf32>,
    %swap3A_237 = arith.constant 4 : i32
    %swap3A_238 = arith.index_cast %swap3A_237 : i32 to index
    %swap3A_239 = arith.constant 112 : index
    %swap3A_240 = tpu.vector_load %arg9[%swap3A_238, %swap3A_239] {strides = array<i32>} : memref<16x128xf32, #tpu.memory_space<vmem>>, vector<1x16xf32>,
    %swap3A_241 = vector.shape_cast %swap3A_240 : vector<1x16xf32> to vector<16xf32>
    %swap3A_242 = vector.shape_cast %broadcast_in_dim3A_1 : vector<16xf32> to vector<1x16xf32>
    tpu.vector_store %arg9[%swap3A_238, %swap3A_239], %swap3A_242 {strides = array<i32>} : memref<16x128xf32, #tpu.memory_space<vmem>>, vector<1x16xf32>,
    %swap3A_243 = arith.constant 5 : i32
    %swap3A_244 = arith.index_cast %swap3A_243 : i32 to index
    %swap3A_245 = arith.constant 0 : index
    %swap3A_246 = tpu.vector_load %arg9[%swap3A_244, %swap3A_245] {strides = array<i32>} : memref<16x128xf32, #tpu.memory_space<vmem>>, vector<1x16xf32>,
    %swap3A_247 = vector.shape_cast %swap3A_246 : vector<1x16xf32> to vector<16xf32>
    %swap3A_248 = vector.shape_cast %broadcast_in_dim3A_1 : vector<16xf32> to vector<1x16xf32>
    tpu.vector_store %arg9[%swap3A_244, %swap3A_245], %swap3A_248 {strides = array<i32>} : memref<16x128xf32, #tpu.memory_space<vmem>>, vector<1x16xf32>,
    %swap3A_249 = arith.constant 5 : i32
    %swap3A_250 = arith.index_cast %swap3A_249 : i32 to index
    %swap3A_251 = arith.constant 16 : index
    %swap3A_252 = tpu.vector_load %arg9[%swap3A_250, %swap3A_251] {strides = array<i32>} : memref<16x128xf32, #tpu.memory_space<vmem>>, vector<1x16xf32>,
    %swap3A_253 = vector.shape_cast %swap3A_252 : vector<1x16xf32> to vector<16xf32>
    %swap3A_254 = vector.shape_cast %broadcast_in_dim3A_1 : vector<16xf32> to vector<1x16xf32>
    tpu.vector_store %arg9[%swap3A_250, %swap3A_251], %swap3A_254 {strides = array<i32>} : memref<16x128xf32, #tpu.memory_space<vmem>>, vector<1x16xf32>,
    %swap3A_255 = arith.constant 5 : i32
    %swap3A_256 = arith.index_cast %swap3A_255 : i32 to index
    %swap3A_257 = arith.constant 32 : index
    %swap3A_258 = tpu.vector_load %arg9[%swap3A_256, %swap3A_257] {strides = array<i32>} : memref<16x128xf32, #tpu.memory_space<vmem>>, vector<1x16xf32>,
    %swap3A_259 = vector.shape_cast %swap3A_258 : vector<1x16xf32> to vector<16xf32>
    %swap3A_260 = vector.shape_cast %broadcast_in_dim3A_1 : vector<16xf32> to vector<1x16xf32>
    tpu.vector_store %arg9[%swap3A_256, %swap3A_257], %swap3A_260 {strides = array<i32>} : memref<16x128xf32, #tpu.memory_space<vmem>>, vector<1x16xf32>,
    %swap3A_261 = arith.constant 5 : i32
    %swap3A_262 = arith.index_cast %swap3A_261 : i32 to index
    %swap3A_263 = arith.constant 48 : index
    %swap3A_264 = tpu.vector_load %arg9[%swap3A_262, %swap3A_263] {strides = array<i32>} : memref<16x128xf32, #tpu.memory_space<vmem>>, vector<1x16xf32>,
    %swap3A_265 = vector.shape_cast %swap3A_264 : vector<1x16xf32> to vector<16xf32>
    %swap3A_266 = vector.shape_cast %broadcast_in_dim3A_1 : vector<16xf32> to vector<1x16xf32>
    tpu.vector_store %arg9[%swap3A_262, %swap3A_263], %swap3A_266 {strides = array<i32>} : memref<16x128xf32, #tpu.memory_space<vmem>>, vector<1x16xf32>,
    %swap3A_267 = arith.constant 5 : i32
    %swap3A_268 = arith.index_cast %swap3A_267 : i32 to index
    %swap3A_269 = arith.constant 64 : index
    %swap3A_270 = tpu.vector_load %arg9[%swap3A_268, %swap3A_269] {strides = array<i32>} : memref<16x128xf32, #tpu.memory_space<vmem>>, vector<1x16xf32>,
    %swap3A_271 = vector.shape_cast %swap3A_270 : vector<1x16xf32> to vector<16xf32>
    %swap3A_272 = vector.shape_cast %broadcast_in_dim3A_1 : vector<16xf32> to vector<1x16xf32>
    tpu.vector_store %arg9[%swap3A_268, %swap3A_269], %swap3A_272 {strides = array<i32>} : memref<16x128xf32, #tpu.memory_space<vmem>>, vector<1x16xf32>,
    %swap3A_273 = arith.constant 5 : i32
    %swap3A_274 = arith.index_cast %swap3A_273 : i32 to index
    %swap3A_275 = arith.constant 80 : index
    %swap3A_276 = tpu.vector_load %arg9[%swap3A_274, %swap3A_275] {strides = array<i32>} : memref<16x128xf32, #tpu.memory_space<vmem>>, vector<1x16xf32>,
    %swap3A_277 = vector.shape_cast %swap3A_276 : vector<1x16xf32> to vector<16xf32>
    %swap3A_278 = vector.shape_cast %broadcast_in_dim3A_1 : vector<16xf32> to vector<1x16xf32>
    tpu.vector_store %arg9[%swap3A_274, %swap3A_275], %swap3A_278 {strides = array<i32>} : memref<16x128xf32, #tpu.memory_space<vmem>>, vector<1x16xf32>,
    %swap3A_279 = arith.constant 5 : i32
    %swap3A_280 = arith.index_cast %swap3A_279 : i32 to index
    %swap3A_281 = arith.constant 96 : index
    %swap3A_282 = tpu.vector_load %arg9[%swap3A_280, %swap3A_281] {strides = array<i32>} : memref<16x128xf32, #tpu.memory_space<vmem>>, vector<1x16xf32>,
    %swap3A_283 = vector.shape_cast %swap3A_282 : vector<1x16xf32> to vector<16xf32>
    %swap3A_284 = vector.shape_cast %broadcast_in_dim3A_1 : vector<16xf32> to vector<1x16xf32>
    tpu.vector_store %arg9[%swap3A_280, %swap3A_281], %swap3A_284 {strides = array<i32>} : memref<16x128xf32, #tpu.memory_space<vmem>>, vector<1x16xf32>,
    %swap3A_285 = arith.constant 5 : i32
    %swap3A_286 = arith.index_cast %swap3A_285 : i32 to index
    %swap3A_287 = arith.constant 112 : index
    %swap3A_288 = tpu.vector_load %arg9[%swap3A_286, %swap3A_287] {strides = array<i32>} : memref<16x128xf32, #tpu.memory_space<vmem>>, vector<1x16xf32>,
    %swap3A_289 = vector.shape_cast %swap3A_288 : vector<1x16xf32> to vector<16xf32>
    %swap3A_290 = vector.shape_cast %broadcast_in_dim3A_1 : vector<16xf32> to vector<1x16xf32>
    tpu.vector_store %arg9[%swap3A_286, %swap3A_287], %swap3A_290 {strides = array<i32>} : memref<16x128xf32, #tpu.memory_space<vmem>>, vector<1x16xf32>,
    %swap3A_291 = arith.constant 6 : i32
    %swap3A_292 = arith.index_cast %swap3A_291 : i32 to index
    %swap3A_293 = arith.constant 0 : index
    %swap3A_294 = tpu.vector_load %arg9[%swap3A_292, %swap3A_293] {strides = array<i32>} : memref<16x128xf32, #tpu.memory_space<vmem>>, vector<1x16xf32>,
    %swap3A_295 = vector.shape_cast %swap3A_294 : vector<1x16xf32> to vector<16xf32>
    %swap3A_296 = vector.shape_cast %broadcast_in_dim3A_1 : vector<16xf32> to vector<1x16xf32>
    tpu.vector_store %arg9[%swap3A_292, %swap3A_293], %swap3A_296 {strides = array<i32>} : memref<16x128xf32, #tpu.memory_space<vmem>>, vector<1x16xf32>,
    %swap3A_297 = arith.constant 6 : i32
    %swap3A_298 = arith.index_cast %swap3A_297 : i32 to index
    %swap3A_299 = arith.constant 16 : index
    %swap3A_300 = tpu.vector_load %arg9[%swap3A_298, %swap3A_299] {strides = array<i32>} : memref<16x128xf32, #tpu.memory_space<vmem>>, vector<1x16xf32>,
    %swap3A_301 = vector.shape_cast %swap3A_300 : vector<1x16xf32> to vector<16xf32>
    %swap3A_302 = vector.shape_cast %broadcast_in_dim3A_1 : vector<16xf32> to vector<1x16xf32>
    tpu.vector_store %arg9[%swap3A_298, %swap3A_299], %swap3A_302 {strides = array<i32>} : memref<16x128xf32, #tpu.memory_space<vmem>>, vector<1x16xf32>,
    %swap3A_303 = arith.constant 6 : i32
    %swap3A_304 = arith.index_cast %swap3A_303 : i32 to index
    %swap3A_305 = arith.constant 32 : index
    %swap3A_306 = tpu.vector_load %arg9[%swap3A_304, %swap3A_305] {strides = array<i32>} : memref<16x128xf32, #tpu.memory_space<vmem>>, vector<1x16xf32>,
    %swap3A_307 = vector.shape_cast %swap3A_306 : vector<1x16xf32> to vector<16xf32>
    %swap3A_308 = vector.shape_cast %broadcast_in_dim3A_1 : vector<16xf32> to vector<1x16xf32>
    tpu.vector_store %arg9[%swap3A_304, %swap3A_305], %swap3A_308 {strides = array<i32>} : memref<16x128xf32, #tpu.memory_space<vmem>>, vector<1x16xf32>,
    %swap3A_309 = arith.constant 6 : i32
    %swap3A_310 = arith.index_cast %swap3A_309 : i32 to index
    %swap3A_311 = arith.constant 48 : index
    %swap3A_312 = tpu.vector_load %arg9[%swap3A_310, %swap3A_311] {strides = array<i32>} : memref<16x128xf32, #tpu.memory_space<vmem>>, vector<1x16xf32>,
    %swap3A_313 = vector.shape_cast %swap3A_312 : vector<1x16xf32> to vector<16xf32>
    %swap3A_314 = vector.shape_cast %broadcast_in_dim3A_1 : vector<16xf32> to vector<1x16xf32>
    tpu.vector_store %arg9[%swap3A_310, %swap3A_311], %swap3A_314 {strides = array<i32>} : memref<16x128xf32, #tpu.memory_space<vmem>>, vector<1x16xf32>,
    %swap3A_315 = arith.constant 6 : i32
    %swap3A_316 = arith.index_cast %swap3A_315 : i32 to index
    %swap3A_317 = arith.constant 64 : index
    %swap3A_318 = tpu.vector_load %arg9[%swap3A_316, %swap3A_317] {strides = array<i32>} : memref<16x128xf32, #tpu.memory_space<vmem>>, vector<1x16xf32>,
    %swap3A_319 = vector.shape_cast %swap3A_318 : vector<1x16xf32> to vector<16xf32>
    %swap3A_320 = vector.shape_cast %broadcast_in_dim3A_1 : vector<16xf32> to vector<1x16xf32>
    tpu.vector_store %arg9[%swap3A_316, %swap3A_317], %swap3A_320 {strides = array<i32>} : memref<16x128xf32, #tpu.memory_space<vmem>>, vector<1x16xf32>,
    %swap3A_321 = arith.constant 6 : i32
    %swap3A_322 = arith.index_cast %swap3A_321 : i32 to index
    %swap3A_323 = arith.constant 80 : index
    %swap3A_324 = tpu.vector_load %arg9[%swap3A_322, %swap3A_323] {strides = array<i32>} : memref<16x128xf32, #tpu.memory_space<vmem>>, vector<1x16xf32>,
    %swap3A_325 = vector.shape_cast %swap3A_324 : vector<1x16xf32> to vector<16xf32>
    %swap3A_326 = vector.shape_cast %broadcast_in_dim3A_1 : vector<16xf32> to vector<1x16xf32>
    tpu.vector_store %arg9[%swap3A_322, %swap3A_323], %swap3A_326 {strides = array<i32>} : memref<16x128xf32, #tpu.memory_space<vmem>>, vector<1x16xf32>,
    %swap3A_327 = arith.constant 6 : i32
    %swap3A_328 = arith.index_cast %swap3A_327 : i32 to index
    %swap3A_329 = arith.constant 96 : index
    %swap3A_330 = tpu.vector_load %arg9[%swap3A_328, %swap3A_329] {strides = array<i32>} : memref<16x128xf32, #tpu.memory_space<vmem>>, vector<1x16xf32>,
    %swap3A_331 = vector.shape_cast %swap3A_330 : vector<1x16xf32> to vector<16xf32>
    %swap3A_332 = vector.shape_cast %broadcast_in_dim3A_1 : vector<16xf32> to vector<1x16xf32>
    tpu.vector_store %arg9[%swap3A_328, %swap3A_329], %swap3A_332 {strides = array<i32>} : memref<16x128xf32, #tpu.memory_space<vmem>>, vector<1x16xf32>,
    %swap3A_333 = arith.constant 6 : i32
    %swap3A_334 = arith.index_cast %swap3A_333 : i32 to index
    %swap3A_335 = arith.constant 112 : index
    %swap3A_336 = tpu.vector_load %arg9[%swap3A_334, %swap3A_335] {strides = array<i32>} : memref<16x128xf32, #tpu.memory_space<vmem>>, vector<1x16xf32>,
    %swap3A_337 = vector.shape_cast %swap3A_336 : vector<1x16xf32> to vector<16xf32>
    %swap3A_338 = vector.shape_cast %broadcast_in_dim3A_1 : vector<16xf32> to vector<1x16xf32>
    tpu.vector_store %arg9[%swap3A_334, %swap3A_335], %swap3A_338 {strides = array<i32>} : memref<16x128xf32, #tpu.memory_space<vmem>>, vector<1x16xf32>,
    %swap3A_339 = arith.constant 7 : i32
    %swap3A_340 = arith.index_cast %swap3A_339 : i32 to index
    %swap3A_341 = arith.constant 0 : index
    %swap3A_342 = tpu.vector_load %arg9[%swap3A_340, %swap3A_341] {strides = array<i32>} : memref<16x128xf32, #tpu.memory_space<vmem>>, vector<1x16xf32>,
    %swap3A_343 = vector.shape_cast %swap3A_342 : vector<1x16xf32> to vector<16xf32>
    %swap3A_344 = vector.shape_cast %broadcast_in_dim3A_1 : vector<16xf32> to vector<1x16xf32>
    tpu.vector_store %arg9[%swap3A_340, %swap3A_341], %swap3A_344 {strides = array<i32>} : memref<16x128xf32, #tpu.memory_space<vmem>>, vector<1x16xf32>,
    %swap3A_345 = arith.constant 7 : i32
    %swap3A_346 = arith.index_cast %swap3A_345 : i32 to index
    %swap3A_347 = arith.constant 16 : index
    %swap3A_348 = tpu.vector_load %arg9[%swap3A_346, %swap3A_347] {strides = array<i32>} : memref<16x128xf32, #tpu.memory_space<vmem>>, vector<1x16xf32>,
    %swap3A_349 = vector.shape_cast %swap3A_348 : vector<1x16xf32> to vector<16xf32>
    %swap3A_350 = vector.shape_cast %broadcast_in_dim3A_1 : vector<16xf32> to vector<1x16xf32>
    tpu.vector_store %arg9[%swap3A_346, %swap3A_347], %swap3A_350 {strides = array<i32>} : memref<16x128xf32, #tpu.memory_space<vmem>>, vector<1x16xf32>,
    %swap3A_351 = arith.constant 7 : i32
    %swap3A_352 = arith.index_cast %swap3A_351 : i32 to index
    %swap3A_353 = arith.constant 32 : index
    %swap3A_354 = tpu.vector_load %arg9[%swap3A_352, %swap3A_353] {strides = array<i32>} : memref<16x128xf32, #tpu.memory_space<vmem>>, vector<1x16xf32>,
    %swap3A_355 = vector.shape_cast %swap3A_354 : vector<1x16xf32> to vector<16xf32>
    %swap3A_356 = vector.shape_cast %broadcast_in_dim3A_1 : vector<16xf32> to vector<1x16xf32>
    tpu.vector_store %arg9[%swap3A_352, %swap3A_353], %swap3A_356 {strides = array<i32>} : memref<16x128xf32, #tpu.memory_space<vmem>>, vector<1x16xf32>,
    %swap3A_357 = arith.constant 7 : i32
    %swap3A_358 = arith.index_cast %swap3A_357 : i32 to index
    %swap3A_359 = arith.constant 48 : index
    %swap3A_360 = tpu.vector_load %arg9[%swap3A_358, %swap3A_359] {strides = array<i32>} : memref<16x128xf32, #tpu.memory_space<vmem>>, vector<1x16xf32>,
    %swap3A_361 = vector.shape_cast %swap3A_360 : vector<1x16xf32> to vector<16xf32>
    %swap3A_362 = vector.shape_cast %broadcast_in_dim3A_1 : vector<16xf32> to vector<1x16xf32>
    tpu.vector_store %arg9[%swap3A_358, %swap3A_359], %swap3A_362 {strides = array<i32>} : memref<16x128xf32, #tpu.memory_space<vmem>>, vector<1x16xf32>,
    %swap3A_363 = arith.constant 7 : i32
    %swap3A_364 = arith.index_cast %swap3A_363 : i32 to index
    %swap3A_365 = arith.constant 64 : index
    %swap3A_366 = tpu.vector_load %arg9[%swap3A_364, %swap3A_365] {strides = array<i32>} : memref<16x128xf32, #tpu.memory_space<vmem>>, vector<1x16xf32>,
    %swap3A_367 = vector.shape_cast %swap3A_366 : vector<1x16xf32> to vector<16xf32>
    %swap3A_368 = vector.shape_cast %broadcast_in_dim3A_1 : vector<16xf32> to vector<1x16xf32>
    tpu.vector_store %arg9[%swap3A_364, %swap3A_365], %swap3A_368 {strides = array<i32>} : memref<16x128xf32, #tpu.memory_space<vmem>>, vector<1x16xf32>,
    %swap3A_369 = arith.constant 7 : i32
    %swap3A_370 = arith.index_cast %swap3A_369 : i32 to index
    %swap3A_371 = arith.constant 80 : index
    %swap3A_372 = tpu.vector_load %arg9[%swap3A_370, %swap3A_371] {strides = array<i32>} : memref<16x128xf32, #tpu.memory_space<vmem>>, vector<1x16xf32>,
    %swap3A_373 = vector.shape_cast %swap3A_372 : vector<1x16xf32> to vector<16xf32>
    %swap3A_374 = vector.shape_cast %broadcast_in_dim3A_1 : vector<16xf32> to vector<1x16xf32>
    tpu.vector_store %arg9[%swap3A_370, %swap3A_371], %swap3A_374 {strides = array<i32>} : memref<16x128xf32, #tpu.memory_space<vmem>>, vector<1x16xf32>,
    %swap3A_375 = arith.constant 7 : i32
    %swap3A_376 = arith.index_cast %swap3A_375 : i32 to index
    %swap3A_377 = arith.constant 96 : index
    %swap3A_378 = tpu.vector_load %arg9[%swap3A_376, %swap3A_377] {strides = array<i32>} : memref<16x128xf32, #tpu.memory_space<vmem>>, vector<1x16xf32>,
    %swap3A_379 = vector.shape_cast %swap3A_378 : vector<1x16xf32> to vector<16xf32>
    %swap3A_380 = vector.shape_cast %broadcast_in_dim3A_1 : vector<16xf32> to vector<1x16xf32>
    tpu.vector_store %arg9[%swap3A_376, %swap3A_377], %swap3A_380 {strides = array<i32>} : memref<16x128xf32, #tpu.memory_space<vmem>>, vector<1x16xf32>,
    %swap3A_381 = arith.constant 7 : i32
    %swap3A_382 = arith.index_cast %swap3A_381 : i32 to index
    %swap3A_383 = arith.constant 112 : index
    %swap3A_384 = tpu.vector_load %arg9[%swap3A_382, %swap3A_383] {strides = array<i32>} : memref<16x128xf32, #tpu.memory_space<vmem>>, vector<1x16xf32>,
    %swap3A_385 = vector.shape_cast %swap3A_384 : vector<1x16xf32> to vector<16xf32>
    %swap3A_386 = vector.shape_cast %broadcast_in_dim3A_1 : vector<16xf32> to vector<1x16xf32>
    tpu.vector_store %arg9[%swap3A_382, %swap3A_383], %swap3A_386 {strides = array<i32>} : memref<16x128xf32, #tpu.memory_space<vmem>>, vector<1x16xf32>,
    %swap3A_387 = arith.constant 8 : i32
    %swap3A_388 = arith.index_cast %swap3A_387 : i32 to index
    %swap3A_389 = arith.constant 0 : index
    %swap3A_390 = tpu.vector_load %arg9[%swap3A_388, %swap3A_389] {strides = array<i32>} : memref<16x128xf32, #tpu.memory_space<vmem>>, vector<1x16xf32>,
    %swap3A_391 = vector.shape_cast %swap3A_390 : vector<1x16xf32> to vector<16xf32>
    %swap3A_392 = vector.shape_cast %broadcast_in_dim3A_1 : vector<16xf32> to vector<1x16xf32>
    tpu.vector_store %arg9[%swap3A_388, %swap3A_389], %swap3A_392 {strides = array<i32>} : memref<16x128xf32, #tpu.memory_space<vmem>>, vector<1x16xf32>,
    %swap3A_393 = arith.constant 8 : i32
    %swap3A_394 = arith.index_cast %swap3A_393 : i32 to index
    %swap3A_395 = arith.constant 16 : index
    %swap3A_396 = tpu.vector_load %arg9[%swap3A_394, %swap3A_395] {strides = array<i32>} : memref<16x128xf32, #tpu.memory_space<vmem>>, vector<1x16xf32>,
    %swap3A_397 = vector.shape_cast %swap3A_396 : vector<1x16xf32> to vector<16xf32>
    %swap3A_398 = vector.shape_cast %broadcast_in_dim3A_1 : vector<16xf32> to vector<1x16xf32>
    tpu.vector_store %arg9[%swap3A_394, %swap3A_395], %swap3A_398 {strides = array<i32>} : memref<16x128xf32, #tpu.memory_space<vmem>>, vector<1x16xf32>,
    %swap3A_399 = arith.constant 8 : i32
    %swap3A_400 = arith.index_cast %swap3A_399 : i32 to index
    %swap3A_401 = arith.constant 32 : index
    %swap3A_402 = tpu.vector_load %arg9[%swap3A_400, %swap3A_401] {strides = array<i32>} : memref<16x128xf32, #tpu.memory_space<vmem>>, vector<1x16xf32>,
    %swap3A_403 = vector.shape_cast %swap3A_402 : vector<1x16xf32> to vector<16xf32>
    %swap3A_404 = vector.shape_cast %broadcast_in_dim3A_1 : vector<16xf32> to vector<1x16xf32>
    tpu.vector_store %arg9[%swap3A_400, %swap3A_401], %swap3A_404 {strides = array<i32>} : memref<16x128xf32, #tpu.memory_space<vmem>>, vector<1x16xf32>,
    %swap3A_405 = arith.constant 8 : i32
    %swap3A_406 = arith.index_cast %swap3A_405 : i32 to index
    %swap3A_407 = arith.constant 48 : index
    %swap3A_408 = tpu.vector_load %arg9[%swap3A_406, %swap3A_407] {strides = array<i32>} : memref<16x128xf32, #tpu.memory_space<vmem>>, vector<1x16xf32>,
    %swap3A_409 = vector.shape_cast %swap3A_408 : vector<1x16xf32> to vector<16xf32>
    %swap3A_410 = vector.shape_cast %broadcast_in_dim3A_1 : vector<16xf32> to vector<1x16xf32>
    tpu.vector_store %arg9[%swap3A_406, %swap3A_407], %swap3A_410 {strides = array<i32>} : memref<16x128xf32, #tpu.memory_space<vmem>>, vector<1x16xf32>,
    %swap3A_411 = arith.constant 8 : i32
    %swap3A_412 = arith.index_cast %swap3A_411 : i32 to index
    %swap3A_413 = arith.constant 64 : index
    %swap3A_414 = tpu.vector_load %arg9[%swap3A_412, %swap3A_413] {strides = array<i32>} : memref<16x128xf32, #tpu.memory_space<vmem>>, vector<1x16xf32>,
    %swap3A_415 = vector.shape_cast %swap3A_414 : vector<1x16xf32> to vector<16xf32>
    %swap3A_416 = vector.shape_cast %broadcast_in_dim3A_1 : vector<16xf32> to vector<1x16xf32>
    tpu.vector_store %arg9[%swap3A_412, %swap3A_413], %swap3A_416 {strides = array<i32>} : memref<16x128xf32, #tpu.memory_space<vmem>>, vector<1x16xf32>,
    %swap3A_417 = arith.constant 8 : i32
    %swap3A_418 = arith.index_cast %swap3A_417 : i32 to index
    %swap3A_419 = arith.constant 80 : index
    %swap3A_420 = tpu.vector_load %arg9[%swap3A_418, %swap3A_419] {strides = array<i32>} : memref<16x128xf32, #tpu.memory_space<vmem>>, vector<1x16xf32>,
    %swap3A_421 = vector.shape_cast %swap3A_420 : vector<1x16xf32> to vector<16xf32>
    %swap3A_422 = vector.shape_cast %broadcast_in_dim3A_1 : vector<16xf32> to vector<1x16xf32>
    tpu.vector_store %arg9[%swap3A_418, %swap3A_419], %swap3A_422 {strides = array<i32>} : memref<16x128xf32, #tpu.memory_space<vmem>>, vector<1x16xf32>,
    %swap3A_423 = arith.constant 8 : i32
    %swap3A_424 = arith.index_cast %swap3A_423 : i32 to index
    %swap3A_425 = arith.constant 96 : index
    %swap3A_426 = tpu.vector_load %arg9[%swap3A_424, %swap3A_425] {strides = array<i32>} : memref<16x128xf32, #tpu.memory_space<vmem>>, vector<1x16xf32>,
    %swap3A_427 = vector.shape_cast %swap3A_426 : vector<1x16xf32> to vector<16xf32>
    %swap3A_428 = vector.shape_cast %broadcast_in_dim3A_1 : vector<16xf32> to vector<1x16xf32>
    tpu.vector_store %arg9[%swap3A_424, %swap3A_425], %swap3A_428 {strides = array<i32>} : memref<16x128xf32, #tpu.memory_space<vmem>>, vector<1x16xf32>,
    %swap3A_429 = arith.constant 8 : i32
    %swap3A_430 = arith.index_cast %swap3A_429 : i32 to index
    %swap3A_431 = arith.constant 112 : index
    %swap3A_432 = tpu.vector_load %arg9[%swap3A_430, %swap3A_431] {strides = array<i32>} : memref<16x128xf32, #tpu.memory_space<vmem>>, vector<1x16xf32>,
    %swap3A_433 = vector.shape_cast %swap3A_432 : vector<1x16xf32> to vector<16xf32>
    %swap3A_434 = vector.shape_cast %broadcast_in_dim3A_1 : vector<16xf32> to vector<1x16xf32>
    tpu.vector_store %arg9[%swap3A_430, %swap3A_431], %swap3A_434 {strides = array<i32>} : memref<16x128xf32, #tpu.memory_space<vmem>>, vector<1x16xf32>,
    %swap3A_435 = arith.constant 9 : i32
    %swap3A_436 = arith.index_cast %swap3A_435 : i32 to index
    %swap3A_437 = arith.constant 0 : index
    %swap3A_438 = tpu.vector_load %arg9[%swap3A_436, %swap3A_437] {strides = array<i32>} : memref<16x128xf32, #tpu.memory_space<vmem>>, vector<1x16xf32>,
    %swap3A_439 = vector.shape_cast %swap3A_438 : vector<1x16xf32> to vector<16xf32>
    %swap3A_440 = vector.shape_cast %broadcast_in_dim3A_1 : vector<16xf32> to vector<1x16xf32>
    tpu.vector_store %arg9[%swap3A_436, %swap3A_437], %swap3A_440 {strides = array<i32>} : memref<16x128xf32, #tpu.memory_space<vmem>>, vector<1x16xf32>,
    %swap3A_441 = arith.constant 9 : i32
    %swap3A_442 = arith.index_cast %swap3A_441 : i32 to index
    %swap3A_443 = arith.constant 16 : index
    %swap3A_444 = tpu.vector_load %arg9[%swap3A_442, %swap3A_443] {strides = array<i32>} : memref<16x128xf32, #tpu.memory_space<vmem>>, vector<1x16xf32>,
    %swap3A_445 = vector.shape_cast %swap3A_444 : vector<1x16xf32> to vector<16xf32>
    %swap3A_446 = vector.shape_cast %broadcast_in_dim3A_1 : vector<16xf32> to vector<1x16xf32>
    tpu.vector_store %arg9[%swap3A_442, %swap3A_443], %swap3A_446 {strides = array<i32>} : memref<16x128xf32, #tpu.memory_space<vmem>>, vector<1x16xf32>,
    %swap3A_447 = arith.constant 9 : i32
    %swap3A_448 = arith.index_cast %swap3A_447 : i32 to index
    %swap3A_449 = arith.constant 32 : index
    %swap3A_450 = tpu.vector_load %arg9[%swap3A_448, %swap3A_449] {strides = array<i32>} : memref<16x128xf32, #tpu.memory_space<vmem>>, vector<1x16xf32>,
    %swap3A_451 = vector.shape_cast %swap3A_450 : vector<1x16xf32> to vector<16xf32>
    %swap3A_452 = vector.shape_cast %broadcast_in_dim3A_1 : vector<16xf32> to vector<1x16xf32>
    tpu.vector_store %arg9[%swap3A_448, %swap3A_449], %swap3A_452 {strides = array<i32>} : memref<16x128xf32, #tpu.memory_space<vmem>>, vector<1x16xf32>,
    %swap3A_453 = arith.constant 9 : i32
    %swap3A_454 = arith.index_cast %swap3A_453 : i32 to index
    %swap3A_455 = arith.constant 48 : index
    %swap3A_456 = tpu.vector_load %arg9[%swap3A_454, %swap3A_455] {strides = array<i32>} : memref<16x128xf32, #tpu.memory_space<vmem>>, vector<1x16xf32>,
    %swap3A_457 = vector.shape_cast %swap3A_456 : vector<1x16xf32> to vector<16xf32>
    %swap3A_458 = vector.shape_cast %broadcast_in_dim3A_1 : vector<16xf32> to vector<1x16xf32>
    tpu.vector_store %arg9[%swap3A_454, %swap3A_455], %swap3A_458 {strides = array<i32>} : memref<16x128xf32, #tpu.memory_space<vmem>>, vector<1x16xf32>,
    %swap3A_459 = arith.constant 9 : i32
    %swap3A_460 = arith.index_cast %swap3A_459 : i32 to index
    %swap3A_461 = arith.constant 64 : index
    %swap3A_462 = tpu.vector_load %arg9[%swap3A_460, %swap3A_461] {strides = array<i32>} : memref<16x128xf32, #tpu.memory_space<vmem>>, vector<1x16xf32>,
    %swap3A_463 = vector.shape_cast %swap3A_462 : vector<1x16xf32> to vector<16xf32>
    %swap3A_464 = vector.shape_cast %broadcast_in_dim3A_1 : vector<16xf32> to vector<1x16xf32>
    tpu.vector_store %arg9[%swap3A_460, %swap3A_461], %swap3A_464 {strides = array<i32>} : memref<16x128xf32, #tpu.memory_space<vmem>>, vector<1x16xf32>,
    %swap3A_465 = arith.constant 9 : i32
    %swap3A_466 = arith.index_cast %swap3A_465 : i32 to index
    %swap3A_467 = arith.constant 80 : index
    %swap3A_468 = tpu.vector_load %arg9[%swap3A_466, %swap3A_467] {strides = array<i32>} : memref<16x128xf32, #tpu.memory_space<vmem>>, vector<1x16xf32>,
    %swap3A_469 = vector.shape_cast %swap3A_468 : vector<1x16xf32> to vector<16xf32>
    %swap3A_470 = vector.shape_cast %broadcast_in_dim3A_1 : vector<16xf32> to vector<1x16xf32>
    tpu.vector_store %arg9[%swap3A_466, %swap3A_467], %swap3A_470 {strides = array<i32>} : memref<16x128xf32, #tpu.memory_space<vmem>>, vector<1x16xf32>,
    %swap3A_471 = arith.constant 9 : i32
    %swap3A_472 = arith.index_cast %swap3A_471 : i32 to index
    %swap3A_473 = arith.constant 96 : index
    %swap3A_474 = tpu.vector_load %arg9[%swap3A_472, %swap3A_473] {strides = array<i32>} : memref<16x128xf32, #tpu.memory_space<vmem>>, vector<1x16xf32>,
    %swap3A_475 = vector.shape_cast %swap3A_474 : vector<1x16xf32> to vector<16xf32>
    %swap3A_476 = vector.shape_cast %broadcast_in_dim3A_1 : vector<16xf32> to vector<1x16xf32>
    tpu.vector_store %arg9[%swap3A_472, %swap3A_473], %swap3A_476 {strides = array<i32>} : memref<16x128xf32, #tpu.memory_space<vmem>>, vector<1x16xf32>,
    %swap3A_477 = arith.constant 9 : i32
    %swap3A_478 = arith.index_cast %swap3A_477 : i32 to index
    %swap3A_479 = arith.constant 112 : index
    %swap3A_480 = tpu.vector_load %arg9[%swap3A_478, %swap3A_479] {strides = array<i32>} : memref<16x128xf32, #tpu.memory_space<vmem>>, vector<1x16xf32>,
    %swap3A_481 = vector.shape_cast %swap3A_480 : vector<1x16xf32> to vector<16xf32>
    %swap3A_482 = vector.shape_cast %broadcast_in_dim3A_1 : vector<16xf32> to vector<1x16xf32>
    tpu.vector_store %arg9[%swap3A_478, %swap3A_479], %swap3A_482 {strides = array<i32>} : memref<16x128xf32, #tpu.memory_space<vmem>>, vector<1x16xf32>,
    %swap3A_483 = arith.constant 10 : i32
    %swap3A_484 = arith.index_cast %swap3A_483 : i32 to index
    %swap3A_485 = arith.constant 0 : index
    %swap3A_486 = tpu.vector_load %arg9[%swap3A_484, %swap3A_485] {strides = array<i32>} : memref<16x128xf32, #tpu.memory_space<vmem>>, vector<1x16xf32>,
    %swap3A_487 = vector.shape_cast %swap3A_486 : vector<1x16xf32> to vector<16xf32>
    %swap3A_488 = vector.shape_cast %broadcast_in_dim3A_1 : vector<16xf32> to vector<1x16xf32>
    tpu.vector_store %arg9[%swap3A_484, %swap3A_485], %swap3A_488 {strides = array<i32>} : memref<16x128xf32, #tpu.memory_space<vmem>>, vector<1x16xf32>,
    %swap3A_489 = arith.constant 10 : i32
    %swap3A_490 = arith.index_cast %swap3A_489 : i32 to index
    %swap3A_491 = arith.constant 16 : index
    %swap3A_492 = tpu.vector_load %arg9[%swap3A_490, %swap3A_491] {strides = array<i32>} : memref<16x128xf32, #tpu.memory_space<vmem>>, vector<1x16xf32>,
    %swap3A_493 = vector.shape_cast %swap3A_492 : vector<1x16xf32> to vector<16xf32>
    %swap3A_494 = vector.shape_cast %broadcast_in_dim3A_1 : vector<16xf32> to vector<1x16xf32>
    tpu.vector_store %arg9[%swap3A_490, %swap3A_491], %swap3A_494 {strides = array<i32>} : memref<16x128xf32, #tpu.memory_space<vmem>>, vector<1x16xf32>,
    %swap3A_495 = arith.constant 10 : i32
    %swap3A_496 = arith.index_cast %swap3A_495 : i32 to index
    %swap3A_497 = arith.constant 32 : index
    %swap3A_498 = tpu.vector_load %arg9[%swap3A_496, %swap3A_497] {strides = array<i32>} : memref<16x128xf32, #tpu.memory_space<vmem>>, vector<1x16xf32>,
    %swap3A_499 = vector.shape_cast %swap3A_498 : vector<1x16xf32> to vector<16xf32>
    %swap3A_500 = vector.shape_cast %broadcast_in_dim3A_1 : vector<16xf32> to vector<1x16xf32>
    tpu.vector_store %arg9[%swap3A_496, %swap3A_497], %swap3A_500 {strides = array<i32>} : memref<16x128xf32, #tpu.memory_space<vmem>>, vector<1x16xf32>,
    %swap3A_501 = arith.constant 10 : i32
    %swap3A_502 = arith.index_cast %swap3A_501 : i32 to index
    %swap3A_503 = arith.constant 48 : index
    %swap3A_504 = tpu.vector_load %arg9[%swap3A_502, %swap3A_503] {strides = array<i32>} : memref<16x128xf32, #tpu.memory_space<vmem>>, vector<1x16xf32>,
    %swap3A_505 = vector.shape_cast %swap3A_504 : vector<1x16xf32> to vector<16xf32>
    %swap3A_506 = vector.shape_cast %broadcast_in_dim3A_1 : vector<16xf32> to vector<1x16xf32>
    tpu.vector_store %arg9[%swap3A_502, %swap3A_503], %swap3A_506 {strides = array<i32>} : memref<16x128xf32, #tpu.memory_space<vmem>>, vector<1x16xf32>,
    %swap3A_507 = arith.constant 10 : i32
    %swap3A_508 = arith.index_cast %swap3A_507 : i32 to index
    %swap3A_509 = arith.constant 64 : index
    %swap3A_510 = tpu.vector_load %arg9[%swap3A_508, %swap3A_509] {strides = array<i32>} : memref<16x128xf32, #tpu.memory_space<vmem>>, vector<1x16xf32>,
    %swap3A_511 = vector.shape_cast %swap3A_510 : vector<1x16xf32> to vector<16xf32>
    %swap3A_512 = vector.shape_cast %broadcast_in_dim3A_1 : vector<16xf32> to vector<1x16xf32>
    tpu.vector_store %arg9[%swap3A_508, %swap3A_509], %swap3A_512 {strides = array<i32>} : memref<16x128xf32, #tpu.memory_space<vmem>>, vector<1x16xf32>,
    %swap3A_513 = arith.constant 10 : i32
    %swap3A_514 = arith.index_cast %swap3A_513 : i32 to index
    %swap3A_515 = arith.constant 80 : index
    %swap3A_516 = tpu.vector_load %arg9[%swap3A_514, %swap3A_515] {strides = array<i32>} : memref<16x128xf32, #tpu.memory_space<vmem>>, vector<1x16xf32>,
    %swap3A_517 = vector.shape_cast %swap3A_516 : vector<1x16xf32> to vector<16xf32>
    %swap3A_518 = vector.shape_cast %broadcast_in_dim3A_1 : vector<16xf32> to vector<1x16xf32>
    tpu.vector_store %arg9[%swap3A_514, %swap3A_515], %swap3A_518 {strides = array<i32>} : memref<16x128xf32, #tpu.memory_space<vmem>>, vector<1x16xf32>,
    %swap3A_519 = arith.constant 10 : i32
    %swap3A_520 = arith.index_cast %swap3A_519 : i32 to index
    %swap3A_521 = arith.constant 96 : index
    %swap3A_522 = tpu.vector_load %arg9[%swap3A_520, %swap3A_521] {strides = array<i32>} : memref<16x128xf32, #tpu.memory_space<vmem>>, vector<1x16xf32>,
    %swap3A_523 = vector.shape_cast %swap3A_522 : vector<1x16xf32> to vector<16xf32>
    %swap3A_524 = vector.shape_cast %broadcast_in_dim3A_1 : vector<16xf32> to vector<1x16xf32>
    tpu.vector_store %arg9[%swap3A_520, %swap3A_521], %swap3A_524 {strides = array<i32>} : memref<16x128xf32, #tpu.memory_space<vmem>>, vector<1x16xf32>,
    %swap3A_525 = arith.constant 10 : i32
    %swap3A_526 = arith.index_cast %swap3A_525 : i32 to index
    %swap3A_527 = arith.constant 112 : index
    %swap3A_528 = tpu.vector_load %arg9[%swap3A_526, %swap3A_527] {strides = array<i32>} : memref<16x128xf32, #tpu.memory_space<vmem>>, vector<1x16xf32>,
    %swap3A_529 = vector.shape_cast %swap3A_528 : vector<1x16xf32> to vector<16xf32>
    %swap3A_530 = vector.shape_cast %broadcast_in_dim3A_1 : vector<16xf32> to vector<1x16xf32>
    tpu.vector_store %arg9[%swap3A_526, %swap3A_527], %swap3A_530 {strides = array<i32>} : memref<16x128xf32, #tpu.memory_space<vmem>>, vector<1x16xf32>,
    %swap3A_531 = arith.constant 11 : i32
    %swap3A_532 = arith.index_cast %swap3A_531 : i32 to index
    %swap3A_533 = arith.constant 0 : index
    %swap3A_534 = tpu.vector_load %arg9[%swap3A_532, %swap3A_533] {strides = array<i32>} : memref<16x128xf32, #tpu.memory_space<vmem>>, vector<1x16xf32>,
    %swap3A_535 = vector.shape_cast %swap3A_534 : vector<1x16xf32> to vector<16xf32>
    %swap3A_536 = vector.shape_cast %broadcast_in_dim3A_1 : vector<16xf32> to vector<1x16xf32>
    tpu.vector_store %arg9[%swap3A_532, %swap3A_533], %swap3A_536 {strides = array<i32>} : memref<16x128xf32, #tpu.memory_space<vmem>>, vector<1x16xf32>,
    %swap3A_537 = arith.constant 11 : i32
    %swap3A_538 = arith.index_cast %swap3A_537 : i32 to index
    %swap3A_539 = arith.constant 16 : index
    %swap3A_540 = tpu.vector_load %arg9[%swap3A_538, %swap3A_539] {strides = array<i32>} : memref<16x128xf32, #tpu.memory_space<vmem>>, vector<1x16xf32>,
    %swap3A_541 = vector.shape_cast %swap3A_540 : vector<1x16xf32> to vector<16xf32>
    %swap3A_542 = vector.shape_cast %broadcast_in_dim3A_1 : vector<16xf32> to vector<1x16xf32>
    tpu.vector_store %arg9[%swap3A_538, %swap3A_539], %swap3A_542 {strides = array<i32>} : memref<16x128xf32, #tpu.memory_space<vmem>>, vector<1x16xf32>,
    %swap3A_543 = arith.constant 11 : i32
    %swap3A_544 = arith.index_cast %swap3A_543 : i32 to index
    %swap3A_545 = arith.constant 32 : index
    %swap3A_546 = tpu.vector_load %arg9[%swap3A_544, %swap3A_545] {strides = array<i32>} : memref<16x128xf32, #tpu.memory_space<vmem>>, vector<1x16xf32>,
    %swap3A_547 = vector.shape_cast %swap3A_546 : vector<1x16xf32> to vector<16xf32>
    %swap3A_548 = vector.shape_cast %broadcast_in_dim3A_1 : vector<16xf32> to vector<1x16xf32>
    tpu.vector_store %arg9[%swap3A_544, %swap3A_545], %swap3A_548 {strides = array<i32>} : memref<16x128xf32, #tpu.memory_space<vmem>>, vector<1x16xf32>,
    %swap3A_549 = arith.constant 11 : i32
    %swap3A_550 = arith.index_cast %swap3A_549 : i32 to index
    %swap3A_551 = arith.constant 48 : index
    %swap3A_552 = tpu.vector_load %arg9[%swap3A_550, %swap3A_551] {strides = array<i32>} : memref<16x128xf32, #tpu.memory_space<vmem>>, vector<1x16xf32>,
    %swap3A_553 = vector.shape_cast %swap3A_552 : vector<1x16xf32> to vector<16xf32>
    %swap3A_554 = vector.shape_cast %broadcast_in_dim3A_1 : vector<16xf32> to vector<1x16xf32>
    tpu.vector_store %arg9[%swap3A_550, %swap3A_551], %swap3A_554 {strides = array<i32>} : memref<16x128xf32, #tpu.memory_space<vmem>>, vector<1x16xf32>,
    %swap3A_555 = arith.constant 11 : i32
    %swap3A_556 = arith.index_cast %swap3A_555 : i32 to index
    %swap3A_557 = arith.constant 64 : index
    %swap3A_558 = tpu.vector_load %arg9[%swap3A_556, %swap3A_557] {strides = array<i32>} : memref<16x128xf32, #tpu.memory_space<vmem>>, vector<1x16xf32>,
    %swap3A_559 = vector.shape_cast %swap3A_558 : vector<1x16xf32> to vector<16xf32>
    %swap3A_560 = vector.shape_cast %broadcast_in_dim3A_1 : vector<16xf32> to vector<1x16xf32>
    tpu.vector_store %arg9[%swap3A_556, %swap3A_557], %swap3A_560 {strides = array<i32>} : memref<16x128xf32, #tpu.memory_space<vmem>>, vector<1x16xf32>,
    %swap3A_561 = arith.constant 11 : i32
    %swap3A_562 = arith.index_cast %swap3A_561 : i32 to index
    %swap3A_563 = arith.constant 80 : index
    %swap3A_564 = tpu.vector_load %arg9[%swap3A_562, %swap3A_563] {strides = array<i32>} : memref<16x128xf32, #tpu.memory_space<vmem>>, vector<1x16xf32>,
    %swap3A_565 = vector.shape_cast %swap3A_564 : vector<1x16xf32> to vector<16xf32>
    %swap3A_566 = vector.shape_cast %broadcast_in_dim3A_1 : vector<16xf32> to vector<1x16xf32>
    tpu.vector_store %arg9[%swap3A_562, %swap3A_563], %swap3A_566 {strides = array<i32>} : memref<16x128xf32, #tpu.memory_space<vmem>>, vector<1x16xf32>,
    %swap3A_567 = arith.constant 11 : i32
    %swap3A_568 = arith.index_cast %swap3A_567 : i32 to index
    %swap3A_569 = arith.constant 96 : index
    %swap3A_570 = tpu.vector_load %arg9[%swap3A_568, %swap3A_569] {strides = array<i32>} : memref<16x128xf32, #tpu.memory_space<vmem>>, vector<1x16xf32>,
    %swap3A_571 = vector.shape_cast %swap3A_570 : vector<1x16xf32> to vector<16xf32>
    %swap3A_572 = vector.shape_cast %broadcast_in_dim3A_1 : vector<16xf32> to vector<1x16xf32>
    tpu.vector_store %arg9[%swap3A_568, %swap3A_569], %swap3A_572 {strides = array<i32>} : memref<16x128xf32, #tpu.memory_space<vmem>>, vector<1x16xf32>,
    %swap3A_573 = arith.constant 11 : i32
    %swap3A_574 = arith.index_cast %swap3A_573 : i32 to index
    %swap3A_575 = arith.constant 112 : index
    %swap3A_576 = tpu.vector_load %arg9[%swap3A_574, %swap3A_575] {strides = array<i32>} : memref<16x128xf32, #tpu.memory_space<vmem>>, vector<1x16xf32>,
    %swap3A_577 = vector.shape_cast %swap3A_576 : vector<1x16xf32> to vector<16xf32>
    %swap3A_578 = vector.shape_cast %broadcast_in_dim3A_1 : vector<16xf32> to vector<1x16xf32>
    tpu.vector_store %arg9[%swap3A_574, %swap3A_575], %swap3A_578 {strides = array<i32>} : memref<16x128xf32, #tpu.memory_space<vmem>>, vector<1x16xf32>,
    %swap3A_579 = arith.constant 12 : i32
    %swap3A_580 = arith.index_cast %swap3A_579 : i32 to index
    %swap3A_581 = arith.constant 0 : index
    %swap3A_582 = tpu.vector_load %arg9[%swap3A_580, %swap3A_581] {strides = array<i32>} : memref<16x128xf32, #tpu.memory_space<vmem>>, vector<1x16xf32>,
    %swap3A_583 = vector.shape_cast %swap3A_582 : vector<1x16xf32> to vector<16xf32>
    %swap3A_584 = vector.shape_cast %broadcast_in_dim3A_1 : vector<16xf32> to vector<1x16xf32>
    tpu.vector_store %arg9[%swap3A_580, %swap3A_581], %swap3A_584 {strides = array<i32>} : memref<16x128xf32, #tpu.memory_space<vmem>>, vector<1x16xf32>,
    %swap3A_585 = arith.constant 12 : i32
    %swap3A_586 = arith.index_cast %swap3A_585 : i32 to index
    %swap3A_587 = arith.constant 16 : index
    %swap3A_588 = tpu.vector_load %arg9[%swap3A_586, %swap3A_587] {strides = array<i32>} : memref<16x128xf32, #tpu.memory_space<vmem>>, vector<1x16xf32>,
    %swap3A_589 = vector.shape_cast %swap3A_588 : vector<1x16xf32> to vector<16xf32>
    %swap3A_590 = vector.shape_cast %broadcast_in_dim3A_1 : vector<16xf32> to vector<1x16xf32>
    tpu.vector_store %arg9[%swap3A_586, %swap3A_587], %swap3A_590 {strides = array<i32>} : memref<16x128xf32, #tpu.memory_space<vmem>>, vector<1x16xf32>,
    %swap3A_591 = arith.constant 12 : i32
    %swap3A_592 = arith.index_cast %swap3A_591 : i32 to index
    %swap3A_593 = arith.constant 32 : index
    %swap3A_594 = tpu.vector_load %arg9[%swap3A_592, %swap3A_593] {strides = array<i32>} : memref<16x128xf32, #tpu.memory_space<vmem>>, vector<1x16xf32>,
    %swap3A_595 = vector.shape_cast %swap3A_594 : vector<1x16xf32> to vector<16xf32>
    %swap3A_596 = vector.shape_cast %broadcast_in_dim3A_1 : vector<16xf32> to vector<1x16xf32>
    tpu.vector_store %arg9[%swap3A_592, %swap3A_593], %swap3A_596 {strides = array<i32>} : memref<16x128xf32, #tpu.memory_space<vmem>>, vector<1x16xf32>,
    %swap3A_597 = arith.constant 12 : i32
    %swap3A_598 = arith.index_cast %swap3A_597 : i32 to index
    %swap3A_599 = arith.constant 48 : index
    %swap3A_600 = tpu.vector_load %arg9[%swap3A_598, %swap3A_599] {strides = array<i32>} : memref<16x128xf32, #tpu.memory_space<vmem>>, vector<1x16xf32>,
    %swap3A_601 = vector.shape_cast %swap3A_600 : vector<1x16xf32> to vector<16xf32>
    %swap3A_602 = vector.shape_cast %broadcast_in_dim3A_1 : vector<16xf32> to vector<1x16xf32>
    tpu.vector_store %arg9[%swap3A_598, %swap3A_599], %swap3A_602 {strides = array<i32>} : memref<16x128xf32, #tpu.memory_space<vmem>>, vector<1x16xf32>,
    %swap3A_603 = arith.constant 12 : i32
    %swap3A_604 = arith.index_cast %swap3A_603 : i32 to index
    %swap3A_605 = arith.constant 64 : index
    %swap3A_606 = tpu.vector_load %arg9[%swap3A_604, %swap3A_605] {strides = array<i32>} : memref<16x128xf32, #tpu.memory_space<vmem>>, vector<1x16xf32>,
    %swap3A_607 = vector.shape_cast %swap3A_606 : vector<1x16xf32> to vector<16xf32>
    %swap3A_608 = vector.shape_cast %broadcast_in_dim3A_1 : vector<16xf32> to vector<1x16xf32>
    tpu.vector_store %arg9[%swap3A_604, %swap3A_605], %swap3A_608 {strides = array<i32>} : memref<16x128xf32, #tpu.memory_space<vmem>>, vector<1x16xf32>,
    %swap3A_609 = arith.constant 12 : i32
    %swap3A_610 = arith.index_cast %swap3A_609 : i32 to index
    %swap3A_611 = arith.constant 80 : index
    %swap3A_612 = tpu.vector_load %arg9[%swap3A_610, %swap3A_611] {strides = array<i32>} : memref<16x128xf32, #tpu.memory_space<vmem>>, vector<1x16xf32>,
    %swap3A_613 = vector.shape_cast %swap3A_612 : vector<1x16xf32> to vector<16xf32>
    %swap3A_614 = vector.shape_cast %broadcast_in_dim3A_1 : vector<16xf32> to vector<1x16xf32>
    tpu.vector_store %arg9[%swap3A_610, %swap3A_611], %swap3A_614 {strides = array<i32>} : memref<16x128xf32, #tpu.memory_space<vmem>>, vector<1x16xf32>,
    %swap3A_615 = arith.constant 12 : i32
    %swap3A_616 = arith.index_cast %swap3A_615 : i32 to index
    %swap3A_617 = arith.constant 96 : index
    %swap3A_618 = tpu.vector_load %arg9[%swap3A_616, %swap3A_617] {strides = array<i32>} : memref<16x128xf32, #tpu.memory_space<vmem>>, vector<1x16xf32>,
    %swap3A_619 = vector.shape_cast %swap3A_618 : vector<1x16xf32> to vector<16xf32>
    %swap3A_620 = vector.shape_cast %broadcast_in_dim3A_1 : vector<16xf32> to vector<1x16xf32>
    tpu.vector_store %arg9[%swap3A_616, %swap3A_617], %swap3A_620 {strides = array<i32>} : memref<16x128xf32, #tpu.memory_space<vmem>>, vector<1x16xf32>,
    %swap3A_621 = arith.constant 12 : i32
    %swap3A_622 = arith.index_cast %swap3A_621 : i32 to index
    %swap3A_623 = arith.constant 112 : index
    %swap3A_624 = tpu.vector_load %arg9[%swap3A_622, %swap3A_623] {strides = array<i32>} : memref<16x128xf32, #tpu.memory_space<vmem>>, vector<1x16xf32>,
    %swap3A_625 = vector.shape_cast %swap3A_624 : vector<1x16xf32> to vector<16xf32>
    %swap3A_626 = vector.shape_cast %broadcast_in_dim3A_1 : vector<16xf32> to vector<1x16xf32>
    tpu.vector_store %arg9[%swap3A_622, %swap3A_623], %swap3A_626 {strides = array<i32>} : memref<16x128xf32, #tpu.memory_space<vmem>>, vector<1x16xf32>,
    %swap3A_627 = arith.constant 13 : i32
    %swap3A_628 = arith.index_cast %swap3A_627 : i32 to index
    %swap3A_629 = arith.constant 0 : index
    %swap3A_630 = tpu.vector_load %arg9[%swap3A_628, %swap3A_629] {strides = array<i32>} : memref<16x128xf32, #tpu.memory_space<vmem>>, vector<1x16xf32>,
    %swap3A_631 = vector.shape_cast %swap3A_630 : vector<1x16xf32> to vector<16xf32>
    %swap3A_632 = vector.shape_cast %broadcast_in_dim3A_1 : vector<16xf32> to vector<1x16xf32>
    tpu.vector_store %arg9[%swap3A_628, %swap3A_629], %swap3A_632 {strides = array<i32>} : memref<16x128xf32, #tpu.memory_space<vmem>>, vector<1x16xf32>,
    %swap3A_633 = arith.constant 13 : i32
    %swap3A_634 = arith.index_cast %swap3A_633 : i32 to index
    %swap3A_635 = arith.constant 16 : index
    %swap3A_636 = tpu.vector_load %arg9[%swap3A_634, %swap3A_635] {strides = array<i32>} : memref<16x128xf32, #tpu.memory_space<vmem>>, vector<1x16xf32>,
    %swap3A_637 = vector.shape_cast %swap3A_636 : vector<1x16xf32> to vector<16xf32>
    %swap3A_638 = vector.shape_cast %broadcast_in_dim3A_1 : vector<16xf32> to vector<1x16xf32>
    tpu.vector_store %arg9[%swap3A_634, %swap3A_635], %swap3A_638 {strides = array<i32>} : memref<16x128xf32, #tpu.memory_space<vmem>>, vector<1x16xf32>,
    %swap3A_639 = arith.constant 13 : i32
    %swap3A_640 = arith.index_cast %swap3A_639 : i32 to index
    %swap3A_641 = arith.constant 32 : index
    %swap3A_642 = tpu.vector_load %arg9[%swap3A_640, %swap3A_641] {strides = array<i32>} : memref<16x128xf32, #tpu.memory_space<vmem>>, vector<1x16xf32>,
    %swap3A_643 = vector.shape_cast %swap3A_642 : vector<1x16xf32> to vector<16xf32>
    %swap3A_644 = vector.shape_cast %broadcast_in_dim3A_1 : vector<16xf32> to vector<1x16xf32>
    tpu.vector_store %arg9[%swap3A_640, %swap3A_641], %swap3A_644 {strides = array<i32>} : memref<16x128xf32, #tpu.memory_space<vmem>>, vector<1x16xf32>,
    %swap3A_645 = arith.constant 13 : i32
    %swap3A_646 = arith.index_cast %swap3A_645 : i32 to index
    %swap3A_647 = arith.constant 48 : index
    %swap3A_648 = tpu.vector_load %arg9[%swap3A_646, %swap3A_647] {strides = array<i32>} : memref<16x128xf32, #tpu.memory_space<vmem>>, vector<1x16xf32>,
    %swap3A_649 = vector.shape_cast %swap3A_648 : vector<1x16xf32> to vector<16xf32>
    %swap3A_650 = vector.shape_cast %broadcast_in_dim3A_1 : vector<16xf32> to vector<1x16xf32>
    tpu.vector_store %arg9[%swap3A_646, %swap3A_647], %swap3A_650 {strides = array<i32>} : memref<16x128xf32, #tpu.memory_space<vmem>>, vector<1x16xf32>,
    %swap3A_651 = arith.constant 13 : i32
    %swap3A_652 = arith.index_cast %swap3A_651 : i32 to index
    %swap3A_653 = arith.constant 64 : index
    %swap3A_654 = tpu.vector_load %arg9[%swap3A_652, %swap3A_653] {strides = array<i32>} : memref<16x128xf32, #tpu.memory_space<vmem>>, vector<1x16xf32>,
    %swap3A_655 = vector.shape_cast %swap3A_654 : vector<1x16xf32> to vector<16xf32>
    %swap3A_656 = vector.shape_cast %broadcast_in_dim3A_1 : vector<16xf32> to vector<1x16xf32>
    tpu.vector_store %arg9[%swap3A_652, %swap3A_653], %swap3A_656 {strides = array<i32>} : memref<16x128xf32, #tpu.memory_space<vmem>>, vector<1x16xf32>,
    %swap3A_657 = arith.constant 13 : i32
    %swap3A_658 = arith.index_cast %swap3A_657 : i32 to index
    %swap3A_659 = arith.constant 80 : index
    %swap3A_660 = tpu.vector_load %arg9[%swap3A_658, %swap3A_659] {strides = array<i32>} : memref<16x128xf32, #tpu.memory_space<vmem>>, vector<1x16xf32>,
    %swap3A_661 = vector.shape_cast %swap3A_660 : vector<1x16xf32> to vector<16xf32>
    %swap3A_662 = vector.shape_cast %broadcast_in_dim3A_1 : vector<16xf32> to vector<1x16xf32>
    tpu.vector_store %arg9[%swap3A_658, %swap3A_659], %swap3A_662 {strides = array<i32>} : memref<16x128xf32, #tpu.memory_space<vmem>>, vector<1x16xf32>,
    %swap3A_663 = arith.constant 13 : i32
    %swap3A_664 = arith.index_cast %swap3A_663 : i32 to index
    %swap3A_665 = arith.constant 96 : index
    %swap3A_666 = tpu.vector_load %arg9[%swap3A_664, %swap3A_665] {strides = array<i32>} : memref<16x128xf32, #tpu.memory_space<vmem>>, vector<1x16xf32>,
    %swap3A_667 = vector.shape_cast %swap3A_666 : vector<1x16xf32> to vector<16xf32>
    %swap3A_668 = vector.shape_cast %broadcast_in_dim3A_1 : vector<16xf32> to vector<1x16xf32>
    tpu.vector_store %arg9[%swap3A_664, %swap3A_665], %swap3A_668 {strides = array<i32>} : memref<16x128xf32, #tpu.memory_space<vmem>>, vector<1x16xf32>,
    %swap3A_669 = arith.constant 13 : i32
    %swap3A_670 = arith.index_cast %swap3A_669 : i32 to index
    %swap3A_671 = arith.constant 112 : index
    %swap3A_672 = tpu.vector_load %arg9[%swap3A_670, %swap3A_671] {strides = array<i32>} : memref<16x128xf32, #tpu.memory_space<vmem>>, vector<1x16xf32>,
    %swap3A_673 = vector.shape_cast %swap3A_672 : vector<1x16xf32> to vector<16xf32>
    %swap3A_674 = vector.shape_cast %broadcast_in_dim3A_1 : vector<16xf32> to vector<1x16xf32>
    tpu.vector_store %arg9[%swap3A_670, %swap3A_671], %swap3A_674 {strides = array<i32>} : memref<16x128xf32, #tpu.memory_space<vmem>>, vector<1x16xf32>,
    %swap3A_675 = arith.constant 14 : i32
    %swap3A_676 = arith.index_cast %swap3A_675 : i32 to index
    %swap3A_677 = arith.constant 0 : index
    %swap3A_678 = tpu.vector_load %arg9[%swap3A_676, %swap3A_677] {strides = array<i32>} : memref<16x128xf32, #tpu.memory_space<vmem>>, vector<1x16xf32>,
    %swap3A_679 = vector.shape_cast %swap3A_678 : vector<1x16xf32> to vector<16xf32>
    %swap3A_680 = vector.shape_cast %broadcast_in_dim3A_1 : vector<16xf32> to vector<1x16xf32>
    tpu.vector_store %arg9[%swap3A_676, %swap3A_677], %swap3A_680 {strides = array<i32>} : memref<16x128xf32, #tpu.memory_space<vmem>>, vector<1x16xf32>,
    %swap3A_681 = arith.constant 14 : i32
    %swap3A_682 = arith.index_cast %swap3A_681 : i32 to index
    %swap3A_683 = arith.constant 16 : index
    %swap3A_684 = tpu.vector_load %arg9[%swap3A_682, %swap3A_683] {strides = array<i32>} : memref<16x128xf32, #tpu.memory_space<vmem>>, vector<1x16xf32>,
    %swap3A_685 = vector.shape_cast %swap3A_684 : vector<1x16xf32> to vector<16xf32>
    %swap3A_686 = vector.shape_cast %broadcast_in_dim3A_1 : vector<16xf32> to vector<1x16xf32>
    tpu.vector_store %arg9[%swap3A_682, %swap3A_683], %swap3A_686 {strides = array<i32>} : memref<16x128xf32, #tpu.memory_space<vmem>>, vector<1x16xf32>,
    %swap3A_687 = arith.constant 14 : i32
    %swap3A_688 = arith.index_cast %swap3A_687 : i32 to index
    %swap3A_689 = arith.constant 32 : index
    %swap3A_690 = tpu.vector_load %arg9[%swap3A_688, %swap3A_689] {strides = array<i32>} : memref<16x128xf32, #tpu.memory_space<vmem>>, vector<1x16xf32>,
    %swap3A_691 = vector.shape_cast %swap3A_690 : vector<1x16xf32> to vector<16xf32>
    %swap3A_692 = vector.shape_cast %broadcast_in_dim3A_1 : vector<16xf32> to vector<1x16xf32>
    tpu.vector_store %arg9[%swap3A_688, %swap3A_689], %swap3A_692 {strides = array<i32>} : memref<16x128xf32, #tpu.memory_space<vmem>>, vector<1x16xf32>,
    %swap3A_693 = arith.constant 14 : i32
    %swap3A_694 = arith.index_cast %swap3A_693 : i32 to index
    %swap3A_695 = arith.constant 48 : index
    %swap3A_696 = tpu.vector_load %arg9[%swap3A_694, %swap3A_695] {strides = array<i32>} : memref<16x128xf32, #tpu.memory_space<vmem>>, vector<1x16xf32>,
    %swap3A_697 = vector.shape_cast %swap3A_696 : vector<1x16xf32> to vector<16xf32>
    %swap3A_698 = vector.shape_cast %broadcast_in_dim3A_1 : vector<16xf32> to vector<1x16xf32>
    tpu.vector_store %arg9[%swap3A_694, %swap3A_695], %swap3A_698 {strides = array<i32>} : memref<16x128xf32, #tpu.memory_space<vmem>>, vector<1x16xf32>,
    %swap3A_699 = arith.constant 14 : i32
    %swap3A_700 = arith.index_cast %swap3A_699 : i32 to index
    %swap3A_701 = arith.constant 64 : index
    %swap3A_702 = tpu.vector_load %arg9[%swap3A_700, %swap3A_701] {strides = array<i32>} : memref<16x128xf32, #tpu.memory_space<vmem>>, vector<1x16xf32>,
    %swap3A_703 = vector.shape_cast %swap3A_702 : vector<1x16xf32> to vector<16xf32>
    %swap3A_704 = vector.shape_cast %broadcast_in_dim3A_1 : vector<16xf32> to vector<1x16xf32>
    tpu.vector_store %arg9[%swap3A_700, %swap3A_701], %swap3A_704 {strides = array<i32>} : memref<16x128xf32, #tpu.memory_space<vmem>>, vector<1x16xf32>,
    %swap3A_705 = arith.constant 14 : i32
    %swap3A_706 = arith.index_cast %swap3A_705 : i32 to index
    %swap3A_707 = arith.constant 80 : index
    %swap3A_708 = tpu.vector_load %arg9[%swap3A_706, %swap3A_707] {strides = array<i32>} : memref<16x128xf32, #tpu.memory_space<vmem>>, vector<1x16xf32>,
    %swap3A_709 = vector.shape_cast %swap3A_708 : vector<1x16xf32> to vector<16xf32>
    %swap3A_710 = vector.shape_cast %broadcast_in_dim3A_1 : vector<16xf32> to vector<1x16xf32>
    tpu.vector_store %arg9[%swap3A_706, %swap3A_707], %swap3A_710 {strides = array<i32>} : memref<16x128xf32, #tpu.memory_space<vmem>>, vector<1x16xf32>,
    %swap3A_711 = arith.constant 14 : i32
    %swap3A_712 = arith.index_cast %swap3A_711 : i32 to index
    %swap3A_713 = arith.constant 96 : index
    %swap3A_714 = tpu.vector_load %arg9[%swap3A_712, %swap3A_713] {strides = array<i32>} : memref<16x128xf32, #tpu.memory_space<vmem>>, vector<1x16xf32>,
    %swap3A_715 = vector.shape_cast %swap3A_714 : vector<1x16xf32> to vector<16xf32>
    %swap3A_716 = vector.shape_cast %broadcast_in_dim3A_1 : vector<16xf32> to vector<1x16xf32>
    tpu.vector_store %arg9[%swap3A_712, %swap3A_713], %swap3A_716 {strides = array<i32>} : memref<16x128xf32, #tpu.memory_space<vmem>>, vector<1x16xf32>,
    %swap3A_717 = arith.constant 14 : i32
    %swap3A_718 = arith.index_cast %swap3A_717 : i32 to index
    %swap3A_719 = arith.constant 112 : index
    %swap3A_720 = tpu.vector_load %arg9[%swap3A_718, %swap3A_719] {strides = array<i32>} : memref<16x128xf32, #tpu.memory_space<vmem>>, vector<1x16xf32>,
    %swap3A_721 = vector.shape_cast %swap3A_720 : vector<1x16xf32> to vector<16xf32>
    %swap3A_722 = vector.shape_cast %broadcast_in_dim3A_1 : vector<16xf32> to vector<1x16xf32>
    tpu.vector_store %arg9[%swap3A_718, %swap3A_719], %swap3A_722 {strides = array<i32>} : memref<16x128xf32, #tpu.memory_space<vmem>>, vector<1x16xf32>,
    %swap3A_723 = arith.constant 15 : i32
    %swap3A_724 = arith.index_cast %swap3A_723 : i32 to index
    %swap3A_725 = arith.constant 0 : index
    %swap3A_726 = tpu.vector_load %arg9[%swap3A_724, %swap3A_725] {strides = array<i32>} : memref<16x128xf32, #tpu.memory_space<vmem>>, vector<1x16xf32>,
    %swap3A_727 = vector.shape_cast %swap3A_726 : vector<1x16xf32> to vector<16xf32>
    %swap3A_728 = vector.shape_cast %broadcast_in_dim3A_1 : vector<16xf32> to vector<1x16xf32>
    tpu.vector_store %arg9[%swap3A_724, %swap3A_725], %swap3A_728 {strides = array<i32>} : memref<16x128xf32, #tpu.memory_space<vmem>>, vector<1x16xf32>,
    %swap3A_729 = arith.constant 15 : i32
    %swap3A_730 = arith.index_cast %swap3A_729 : i32 to index
    %swap3A_731 = arith.constant 16 : index
    %swap3A_732 = tpu.vector_load %arg9[%swap3A_730, %swap3A_731] {strides = array<i32>} : memref<16x128xf32, #tpu.memory_space<vmem>>, vector<1x16xf32>,
    %swap3A_733 = vector.shape_cast %swap3A_732 : vector<1x16xf32> to vector<16xf32>
    %swap3A_734 = vector.shape_cast %broadcast_in_dim3A_1 : vector<16xf32> to vector<1x16xf32>
    tpu.vector_store %arg9[%swap3A_730, %swap3A_731], %swap3A_734 {strides = array<i32>} : memref<16x128xf32, #tpu.memory_space<vmem>>, vector<1x16xf32>,
    %swap3A_735 = arith.constant 15 : i32
    %swap3A_736 = arith.index_cast %swap3A_735 : i32 to index
    %swap3A_737 = arith.constant 32 : index
    %swap3A_738 = tpu.vector_load %arg9[%swap3A_736, %swap3A_737] {strides = array<i32>} : memref<16x128xf32, #tpu.memory_space<vmem>>, vector<1x16xf32>,
    %swap3A_739 = vector.shape_cast %swap3A_738 : vector<1x16xf32> to vector<16xf32>
    %swap3A_740 = vector.shape_cast %broadcast_in_dim3A_1 : vector<16xf32> to vector<1x16xf32>
    tpu.vector_store %arg9[%swap3A_736, %swap3A_737], %swap3A_740 {strides = array<i32>} : memref<16x128xf32, #tpu.memory_space<vmem>>, vector<1x16xf32>,
    %swap3A_741 = arith.constant 15 : i32
    %swap3A_742 = arith.index_cast %swap3A_741 : i32 to index
    %swap3A_743 = arith.constant 48 : index
    %swap3A_744 = tpu.vector_load %arg9[%swap3A_742, %swap3A_743] {strides = array<i32>} : memref<16x128xf32, #tpu.memory_space<vmem>>, vector<1x16xf32>,
    %swap3A_745 = vector.shape_cast %swap3A_744 : vector<1x16xf32> to vector<16xf32>
    %swap3A_746 = vector.shape_cast %broadcast_in_dim3A_1 : vector<16xf32> to vector<1x16xf32>
    tpu.vector_store %arg9[%swap3A_742, %swap3A_743], %swap3A_746 {strides = array<i32>} : memref<16x128xf32, #tpu.memory_space<vmem>>, vector<1x16xf32>,
    %swap3A_747 = arith.constant 15 : i32
    %swap3A_748 = arith.index_cast %swap3A_747 : i32 to index
    %swap3A_749 = arith.constant 64 : index
    %swap3A_750 = tpu.vector_load %arg9[%swap3A_748, %swap3A_749] {strides = array<i32>} : memref<16x128xf32, #tpu.memory_space<vmem>>, vector<1x16xf32>,
    %swap3A_751 = vector.shape_cast %swap3A_750 : vector<1x16xf32> to vector<16xf32>
    %swap3A_752 = vector.shape_cast %broadcast_in_dim3A_1 : vector<16xf32> to vector<1x16xf32>
    tpu.vector_store %arg9[%swap3A_748, %swap3A_749], %swap3A_752 {strides = array<i32>} : memref<16x128xf32, #tpu.memory_space<vmem>>, vector<1x16xf32>,
    %swap3A_753 = arith.constant 15 : i32
    %swap3A_754 = arith.index_cast %swap3A_753 : i32 to index
    %swap3A_755 = arith.constant 80 : index
    %swap3A_756 = tpu.vector_load %arg9[%swap3A_754, %swap3A_755] {strides = array<i32>} : memref<16x128xf32, #tpu.memory_space<vmem>>, vector<1x16xf32>,
    %swap3A_757 = vector.shape_cast %swap3A_756 : vector<1x16xf32> to vector<16xf32>
    %swap3A_758 = vector.shape_cast %broadcast_in_dim3A_1 : vector<16xf32> to vector<1x16xf32>
    tpu.vector_store %arg9[%swap3A_754, %swap3A_755], %swap3A_758 {strides = array<i32>} : memref<16x128xf32, #tpu.memory_space<vmem>>, vector<1x16xf32>,
    %swap3A_759 = arith.constant 15 : i32
    %swap3A_760 = arith.index_cast %swap3A_759 : i32 to index
    %swap3A_761 = arith.constant 96 : index
    %swap3A_762 = tpu.vector_load %arg9[%swap3A_760, %swap3A_761] {strides = array<i32>} : memref<16x128xf32, #tpu.memory_space<vmem>>, vector<1x16xf32>,
    %swap3A_763 = vector.shape_cast %swap3A_762 : vector<1x16xf32> to vector<16xf32>
    %swap3A_764 = vector.shape_cast %broadcast_in_dim3A_1 : vector<16xf32> to vector<1x16xf32>
    tpu.vector_store %arg9[%swap3A_760, %swap3A_761], %swap3A_764 {strides = array<i32>} : memref<16x128xf32, #tpu.memory_space<vmem>>, vector<1x16xf32>,
    %swap3A_765 = arith.constant 15 : i32
    %swap3A_766 = arith.index_cast %swap3A_765 : i32 to index
    %swap3A_767 = arith.constant 112 : index
    %swap3A_768 = tpu.vector_load %arg9[%swap3A_766, %swap3A_767] {strides = array<i32>} : memref<16x128xf32, #tpu.memory_space<vmem>>, vector<1x16xf32>,
    %swap3A_769 = vector.shape_cast %swap3A_768 : vector<1x16xf32> to vector<16xf32>
    %swap3A_770 = vector.shape_cast %broadcast_in_dim3A_1 : vector<16xf32> to vector<1x16xf32>
    tpu.vector_store %arg9[%swap3A_766, %swap3A_767], %swap3A_770 {strides = array<i32>} : memref<16x128xf32, #tpu.memory_space<vmem>>, vector<1x16xf32>,
    %swap3A_771 = arith.constant 0 : index
    %swap3A_772 = tpu.vector_load %arg10[%swap3A_771] {strides = array<i32>} : memref<128xf32, #tpu.memory_space<vmem>>, vector<16xf32>,
    %swap3A_773 = vector.shape_cast %swap3A_772 : vector<16xf32> to vector<16xf32>
    %swap3A_774 = vector.shape_cast %broadcast_in_dim3A_3 : vector<16xf32> to vector<16xf32>
    tpu.vector_store %arg10[%swap3A_771], %swap3A_774 {strides = array<i32>} : memref<128xf32, #tpu.memory_space<vmem>>, vector<16xf32>,
    %swap3A_775 = arith.constant 0 : index
    %swap3A_776 = tpu.vector_load %arg11[%swap3A_775] {strides = array<i32>} : memref<128xf32, #tpu.memory_space<vmem>>, vector<16xf32>,
    %swap3A_777 = vector.shape_cast %swap3A_776 : vector<16xf32> to vector<16xf32>
    %swap3A_778 = vector.shape_cast %broadcast_in_dim3A_1 : vector<16xf32> to vector<16xf32>
    tpu.vector_store %arg11[%swap3A_775], %swap3A_778 {strides = array<i32>} : memref<128xf32, #tpu.memory_space<vmem>>, vector<16xf32>,
    %swap3A_779 = arith.constant 16 : index
    %swap3A_780 = tpu.vector_load %arg10[%swap3A_779] {strides = array<i32>} : memref<128xf32, #tpu.memory_space<vmem>>, vector<16xf32>,
    %swap3A_781 = vector.shape_cast %swap3A_780 : vector<16xf32> to vector<16xf32>
    %swap3A_782 = vector.shape_cast %broadcast_in_dim3A_3 : vector<16xf32> to vector<16xf32>
    tpu.vector_store %arg10[%swap3A_779], %swap3A_782 {strides = array<i32>} : memref<128xf32, #tpu.memory_space<vmem>>, vector<16xf32>,
    %swap3A_783 = arith.constant 16 : index
    %swap3A_784 = tpu.vector_load %arg11[%swap3A_783] {strides = array<i32>} : memref<128xf32, #tpu.memory_space<vmem>>, vector<16xf32>,
    %swap3A_785 = vector.shape_cast %swap3A_784 : vector<16xf32> to vector<16xf32>
    %swap3A_786 = vector.shape_cast %broadcast_in_dim3A_1 : vector<16xf32> to vector<16xf32>
    tpu.vector_store %arg11[%swap3A_783], %swap3A_786 {strides = array<i32>} : memref<128xf32, #tpu.memory_space<vmem>>, vector<16xf32>,
    %swap3A_787 = arith.constant 32 : index
    %swap3A_788 = tpu.vector_load %arg10[%swap3A_787] {strides = array<i32>} : memref<128xf32, #tpu.memory_space<vmem>>, vector<16xf32>,
    %swap3A_789 = vector.shape_cast %swap3A_788 : vector<16xf32> to vector<16xf32>
    %swap3A_790 = vector.shape_cast %broadcast_in_dim3A_3 : vector<16xf32> to vector<16xf32>
    tpu.vector_store %arg10[%swap3A_787], %swap3A_790 {strides = array<i32>} : memref<128xf32, #tpu.memory_space<vmem>>, vector<16xf32>,
    %swap3A_791 = arith.constant 32 : index
    %swap3A_792 = tpu.vector_load %arg11[%swap3A_791] {strides = array<i32>} : memref<128xf32, #tpu.memory_space<vmem>>, vector<16xf32>,
    %swap3A_793 = vector.shape_cast %swap3A_792 : vector<16xf32> to vector<16xf32>
    %swap3A_794 = vector.shape_cast %broadcast_in_dim3A_1 : vector<16xf32> to vector<16xf32>
    tpu.vector_store %arg11[%swap3A_791], %swap3A_794 {strides = array<i32>} : memref<128xf32, #tpu.memory_space<vmem>>, vector<16xf32>,
    %swap3A_795 = arith.constant 48 : index
    %swap3A_796 = tpu.vector_load %arg10[%swap3A_795] {strides = array<i32>} : memref<128xf32, #tpu.memory_space<vmem>>, vector<16xf32>,
    %swap3A_797 = vector.shape_cast %swap3A_796 : vector<16xf32> to vector<16xf32>
    %swap3A_798 = vector.shape_cast %broadcast_in_dim3A_3 : vector<16xf32> to vector<16xf32>
    tpu.vector_store %arg10[%swap3A_795], %swap3A_798 {strides = array<i32>} : memref<128xf32, #tpu.memory_space<vmem>>, vector<16xf32>,
    %swap3A_799 = arith.constant 48 : index
    %swap3A_800 = tpu.vector_load %arg11[%swap3A_799] {strides = array<i32>} : memref<128xf32, #tpu.memory_space<vmem>>, vector<16xf32>,
    %swap3A_801 = vector.shape_cast %swap3A_800 : vector<16xf32> to vector<16xf32>
    %swap3A_802 = vector.shape_cast %broadcast_in_dim3A_1 : vector<16xf32> to vector<16xf32>
    tpu.vector_store %arg11[%swap3A_799], %swap3A_802 {strides = array<i32>} : memref<128xf32, #tpu.memory_space<vmem>>, vector<16xf32>,
    %swap3A_803 = arith.constant 64 : index
    %swap3A_804 = tpu.vector_load %arg10[%swap3A_803] {strides = array<i32>} : memref<128xf32, #tpu.memory_space<vmem>>, vector<16xf32>,
    %swap3A_805 = vector.shape_cast %swap3A_804 : vector<16xf32> to vector<16xf32>
    %swap3A_806 = vector.shape_cast %broadcast_in_dim3A_3 : vector<16xf32> to vector<16xf32>
    tpu.vector_store %arg10[%swap3A_803], %swap3A_806 {strides = array<i32>} : memref<128xf32, #tpu.memory_space<vmem>>, vector<16xf32>,
    %swap3A_807 = arith.constant 64 : index
    %swap3A_808 = tpu.vector_load %arg11[%swap3A_807] {strides = array<i32>} : memref<128xf32, #tpu.memory_space<vmem>>, vector<16xf32>,
    %swap3A_809 = vector.shape_cast %swap3A_808 : vector<16xf32> to vector<16xf32>
    %swap3A_810 = vector.shape_cast %broadcast_in_dim3A_1 : vector<16xf32> to vector<16xf32>
    tpu.vector_store %arg11[%swap3A_807], %swap3A_810 {strides = array<i32>} : memref<128xf32, #tpu.memory_space<vmem>>, vector<16xf32>,
    %swap3A_811 = arith.constant 80 : index
    %swap3A_812 = tpu.vector_load %arg10[%swap3A_811] {strides = array<i32>} : memref<128xf32, #tpu.memory_space<vmem>>, vector<16xf32>,
    %swap3A_813 = vector.shape_cast %swap3A_812 : vector<16xf32> to vector<16xf32>
    %swap3A_814 = vector.shape_cast %broadcast_in_dim3A_3 : vector<16xf32> to vector<16xf32>
    tpu.vector_store %arg10[%swap3A_811], %swap3A_814 {strides = array<i32>} : memref<128xf32, #tpu.memory_space<vmem>>, vector<16xf32>,
    %swap3A_815 = arith.constant 80 : index
    %swap3A_816 = tpu.vector_load %arg11[%swap3A_815] {strides = array<i32>} : memref<128xf32, #tpu.memory_space<vmem>>, vector<16xf32>,
    %swap3A_817 = vector.shape_cast %swap3A_816 : vector<16xf32> to vector<16xf32>
    %swap3A_818 = vector.shape_cast %broadcast_in_dim3A_1 : vector<16xf32> to vector<16xf32>
    tpu.vector_store %arg11[%swap3A_815], %swap3A_818 {strides = array<i32>} : memref<128xf32, #tpu.memory_space<vmem>>, vector<16xf32>,
    %swap3A_819 = arith.constant 96 : index
    %swap3A_820 = tpu.vector_load %arg10[%swap3A_819] {strides = array<i32>} : memref<128xf32, #tpu.memory_space<vmem>>, vector<16xf32>,
    %swap3A_821 = vector.shape_cast %swap3A_820 : vector<16xf32> to vector<16xf32>
    %swap3A_822 = vector.shape_cast %broadcast_in_dim3A_3 : vector<16xf32> to vector<16xf32>
    tpu.vector_store %arg10[%swap3A_819], %swap3A_822 {strides = array<i32>} : memref<128xf32, #tpu.memory_space<vmem>>, vector<16xf32>,
    %swap3A_823 = arith.constant 96 : index
    %swap3A_824 = tpu.vector_load %arg11[%swap3A_823] {strides = array<i32>} : memref<128xf32, #tpu.memory_space<vmem>>, vector<16xf32>,
    %swap3A_825 = vector.shape_cast %swap3A_824 : vector<16xf32> to vector<16xf32>
    %swap3A_826 = vector.shape_cast %broadcast_in_dim3A_1 : vector<16xf32> to vector<16xf32>
    tpu.vector_store %arg11[%swap3A_823], %swap3A_826 {strides = array<i32>} : memref<128xf32, #tpu.memory_space<vmem>>, vector<16xf32>,
    %swap3A_827 = arith.constant 112 : index
    %swap3A_828 = tpu.vector_load %arg10[%swap3A_827] {strides = array<i32>} : memref<128xf32, #tpu.memory_space<vmem>>, vector<16xf32>,
    %swap3A_829 = vector.shape_cast %swap3A_828 : vector<16xf32> to vector<16xf32>
    %swap3A_830 = vector.shape_cast %broadcast_in_dim3A_3 : vector<16xf32> to vector<16xf32>
    tpu.vector_store %arg10[%swap3A_827], %swap3A_830 {strides = array<i32>} : memref<128xf32, #tpu.memory_space<vmem>>, vector<16xf32>,
    %swap3A_831 = arith.constant 112 : index
    %swap3A_832 = tpu.vector_load %arg11[%swap3A_831] {strides = array<i32>} : memref<128xf32, #tpu.memory_space<vmem>>, vector<16xf32>,
    %swap3A_833 = vector.shape_cast %swap3A_832 : vector<16xf32> to vector<16xf32>
    %swap3A_834 = vector.shape_cast %broadcast_in_dim3A_1 : vector<16xf32> to vector<16xf32>
    tpu.vector_store %arg11[%swap3A_831], %swap3A_834 {strides = array<i32>} : memref<128xf32, #tpu.memory_space<vmem>>, vector<16xf32>,
    %scan3A = arith.constant 0 : i32
    %scan3A_835 = arith.constant 0 : i32
    %scan3A_836 = arith.constant 40 : i32
    %scan3A_837 = arith.addi %scan3A_835, %scan3A_836 : i32
    %scan3A_838 = arith.constant 1 : i32
    scf.for %scan3A_849 = %scan3A_835 to %scan3A_837 step %scan3A_838  : i32 {
      %mul3A_850 = arith.constant 640 : i32
      %mul3A_851 = arith.muli %arg1, %mul3A_850 : i32
      %mul3A_852 = arith.constant 16 : i32
      %mul3A_853 = arith.muli %scan3A_849, %mul3A_852 : i32
      %add3A_854 = arith.addi %mul3A_851, %mul3A_853 : i32
      "tpu.region"() ({
        %run_scoped3A = tpu.sem_alloc : memref<!tpu.dma_semaphore, #tpu.memory_space<semaphore_mem>>
        %dma_start3A = arith.constant 0 : i32
        %dma_start3A_855 = tpu.memref_slice %arg12[%add3A_854, %dma_start3A] : memref<10240x128xf32, #tpu.memory_space<vmem_shared>> -> memref<16x128xf32, #tpu.memory_space<vmem_shared>>
        %dma_start3A_856 = arith.constant 0 : i32
        %dma_start3A_857 = tpu.memref_slice %arg12[%add3A_854, %dma_start3A_856] : memref<10240x128xf32, #tpu.memory_space<vmem_shared>> -> memref<16x128xf32, #tpu.memory_space<vmem_shared>>
        tpu.enqueue_dma source(%arg9 : memref<16x128xf32, #tpu.memory_space<vmem>>) target(%dma_start3A_857 : memref<16x128xf32, #tpu.memory_space<vmem_shared>>) target_semaphore(%run_scoped3A : memref<!tpu.dma_semaphore, #tpu.memory_space<semaphore_mem>>)
        %dma_wait3A = arith.constant 0 : i32
        %dma_wait3A_858 = tpu.memref_slice %arg12[%add3A_854, %dma_wait3A] : memref<10240x128xf32, #tpu.memory_space<vmem_shared>> -> memref<16x128xf32, #tpu.memory_space<vmem_shared>>
        %dma_wait3A_859 = arith.constant 0 : i32
        %dma_wait3A_860 = tpu.memref_slice %arg12[%add3A_854, %dma_wait3A_859] : memref<10240x128xf32, #tpu.memory_space<vmem_shared>> -> memref<16x128xf32, #tpu.memory_space<vmem_shared>>
        tpu.wait_dma2 semaphore(%run_scoped3A : memref<!tpu.dma_semaphore, #tpu.memory_space<semaphore_mem>>) src(%arg9 : memref<16x128xf32, #tpu.memory_space<vmem>>) dst(%dma_wait3A_860 : memref<16x128xf32, #tpu.memory_space<vmem_shared>>)
        tpu.yield
      }) : () -> ()
    }
    %scan3A_839 = arith.constant 40 : i32
    %barrier3A = arith.constant 0 : index
    tpu.barrier barrier_id(%barrier3A)
    "tpu.region"() ({
      %run_scoped3A = tpu.sem_alloc : memref<!tpu.dma_semaphore, #tpu.memory_space<semaphore_mem>>
      %dma_start3A = arith.constant 0 : i32
      %dma_start3A_849 = arith.constant 0 : i32
      %dma_start3A_850 = tpu.memref_slice %arg3[%add3A, %dma_start3A, %dma_start3A_849] : memref<32x79x128xi32, #tpu.memory_space<hbm>> -> memref<1x79x128xi32, #tpu.memory_space<hbm>>
      %dma_start3A_851 = tpu.memref_squeeze %dma_start3A_850 : memref<1x79x128xi32, #tpu.memory_space<hbm>> -> memref<79x128xi32, #tpu.memory_space<hbm>>
      %dma_start3A_852 = arith.constant 0 : i32
      %dma_start3A_853 = arith.constant 0 : i32
      %dma_start3A_854 = tpu.memref_slice %arg3[%add3A, %dma_start3A_852, %dma_start3A_853] : memref<32x79x128xi32, #tpu.memory_space<hbm>> -> memref<1x79x128xi32, #tpu.memory_space<hbm>>
      %dma_start3A_855 = tpu.memref_squeeze %dma_start3A_854 : memref<1x79x128xi32, #tpu.memory_space<hbm>> -> memref<79x128xi32, #tpu.memory_space<hbm>>
      tpu.enqueue_dma source(%dma_start3A_855 : memref<79x128xi32, #tpu.memory_space<hbm>>) target(%arg6 : memref<79x128xi32, #tpu.memory_space<vmem>>) target_semaphore(%run_scoped3A : memref<!tpu.dma_semaphore, #tpu.memory_space<semaphore_mem>>)
      %dma_wait3A = arith.constant 0 : i32
      %dma_wait3A_856 = arith.constant 0 : i32
      %dma_wait3A_857 = tpu.memref_slice %arg3[%add3A, %dma_wait3A, %dma_wait3A_856] : memref<32x79x128xi32, #tpu.memory_space<hbm>> -> memref<1x79x128xi32, #tpu.memory_space<hbm>>
      %dma_wait3A_858 = tpu.memref_squeeze %dma_wait3A_857 : memref<1x79x128xi32, #tpu.memory_space<hbm>> -> memref<79x128xi32, #tpu.memory_space<hbm>>
      %dma_wait3A_859 = arith.constant 0 : i32
      %dma_wait3A_860 = arith.constant 0 : i32
      %dma_wait3A_861 = tpu.memref_slice %arg3[%add3A, %dma_wait3A_859, %dma_wait3A_860] : memref<32x79x128xi32, #tpu.memory_space<hbm>> -> memref<1x79x128xi32, #tpu.memory_space<hbm>>
      %dma_wait3A_862 = tpu.memref_squeeze %dma_wait3A_861 : memref<1x79x128xi32, #tpu.memory_space<hbm>> -> memref<79x128xi32, #tpu.memory_space<hbm>>
      tpu.wait_dma2 semaphore(%run_scoped3A : memref<!tpu.dma_semaphore, #tpu.memory_space<semaphore_mem>>) src(%dma_wait3A_862 : memref<79x128xi32, #tpu.memory_space<hbm>>) dst(%arg6 : memref<79x128xi32, #tpu.memory_space<vmem>>)
      tpu.yield
    }) : () -> ()
    "tpu.region"() ({
      %run_scoped3A = tpu.sem_alloc : memref<!tpu.dma_semaphore, #tpu.memory_space<semaphore_mem>>
      %dma_start3A = arith.constant 0 : i32
      %dma_start3A_849 = arith.constant 0 : i32
      %dma_start3A_850 = tpu.memref_slice %arg4[%add3A, %dma_start3A, %dma_start3A_849] : memref<32x79x128xi32, #tpu.memory_space<hbm>> -> memref<1x79x128xi32, #tpu.memory_space<hbm>>
      %dma_start3A_851 = tpu.memref_squeeze %dma_start3A_850 : memref<1x79x128xi32, #tpu.memory_space<hbm>> -> memref<79x128xi32, #tpu.memory_space<hbm>>
      %dma_start3A_852 = arith.constant 0 : i32
      %dma_start3A_853 = arith.constant 0 : i32
      %dma_start3A_854 = tpu.memref_slice %arg4[%add3A, %dma_start3A_852, %dma_start3A_853] : memref<32x79x128xi32, #tpu.memory_space<hbm>> -> memref<1x79x128xi32, #tpu.memory_space<hbm>>
      %dma_start3A_855 = tpu.memref_squeeze %dma_start3A_854 : memref<1x79x128xi32, #tpu.memory_space<hbm>> -> memref<79x128xi32, #tpu.memory_space<hbm>>
      tpu.enqueue_dma source(%dma_start3A_855 : memref<79x128xi32, #tpu.memory_space<hbm>>) target(%arg7 : memref<79x128xi32, #tpu.memory_space<vmem>>) target_semaphore(%run_scoped3A : memref<!tpu.dma_semaphore, #tpu.memory_space<semaphore_mem>>)
      %dma_wait3A = arith.constant 0 : i32
      %dma_wait3A_856 = arith.constant 0 : i32
      %dma_wait3A_857 = tpu.memref_slice %arg4[%add3A, %dma_wait3A, %dma_wait3A_856] : memref<32x79x128xi32, #tpu.memory_space<hbm>> -> memref<1x79x128xi32, #tpu.memory_space<hbm>>
      %dma_wait3A_858 = tpu.memref_squeeze %dma_wait3A_857 : memref<1x79x128xi32, #tpu.memory_space<hbm>> -> memref<79x128xi32, #tpu.memory_space<hbm>>
      %dma_wait3A_859 = arith.constant 0 : i32
      %dma_wait3A_860 = arith.constant 0 : i32
      %dma_wait3A_861 = tpu.memref_slice %arg4[%add3A, %dma_wait3A_859, %dma_wait3A_860] : memref<32x79x128xi32, #tpu.memory_space<hbm>> -> memref<1x79x128xi32, #tpu.memory_space<hbm>>
      %dma_wait3A_862 = tpu.memref_squeeze %dma_wait3A_861 : memref<1x79x128xi32, #tpu.memory_space<hbm>> -> memref<79x128xi32, #tpu.memory_space<hbm>>
      tpu.wait_dma2 semaphore(%run_scoped3A : memref<!tpu.dma_semaphore, #tpu.memory_space<semaphore_mem>>) src(%dma_wait3A_862 : memref<79x128xi32, #tpu.memory_space<hbm>>) dst(%arg7 : memref<79x128xi32, #tpu.memory_space<vmem>>)
      tpu.yield
    }) : () -> ()
    %scan3A_840 = arith.constant 0 : i32
    %scan3A_841 = arith.constant 0 : i32
    %scan3A_842 = arith.constant 79 : i32
    %scan3A_843 = arith.addi %scan3A_841, %scan3A_842 : i32
    %scan3A_844 = arith.constant 1 : i32
    scf.for %scan3A_849 = %scan3A_841 to %scan3A_843 step %scan3A_844  : i32 {
      %dma_start3A = arith.constant 0 : i32
      %dma_start3A_850 = tpu.memref_slice %arg6[%scan3A_849, %dma_start3A] : memref<79x128xi32, #tpu.memory_space<vmem>> -> memref<1x128xi32, #tpu.memory_space<vmem>>
      %dma_start3A_851 = tpu.memref_squeeze %dma_start3A_850 : memref<1x128xi32, #tpu.memory_space<vmem>> -> memref<128xi32, #tpu.memory_space<vmem>>
      %dma_start3A_852 = arith.constant 0 : i32
      %dma_start3A_853 = arith.constant 0 : i32
      %dma_start3A_854 = tpu.memref_slice %arg2[%dma_start3A_852, %dma_start3A_853] : memref<10000x128xf32, #tpu.memory_space<hbm>> -> memref<10000x128xf32, #tpu.memory_space<hbm>>
      tpu.enqueue_indirect_dma source(%dma_start3A_854 : memref<10000x128xf32, #tpu.memory_space<hbm>>) target(%arg8 : memref<128x128xf32, #tpu.memory_space<vmem>>) offsets(%dma_start3A_851 : memref<128xi32, #tpu.memory_space<vmem>>) semaphore(%arg14 : memref<!tpu.dma_semaphore, #tpu.memory_space<semaphore_mem>>)
      %dma_wait3A = arith.constant 0 : i32
      %dma_wait3A_855 = tpu.memref_slice %arg6[%scan3A_849, %dma_wait3A] : memref<79x128xi32, #tpu.memory_space<vmem>> -> memref<1x128xi32, #tpu.memory_space<vmem>>
      %dma_wait3A_856 = tpu.memref_squeeze %dma_wait3A_855 : memref<1x128xi32, #tpu.memory_space<vmem>> -> memref<128xi32, #tpu.memory_space<vmem>>
      %dma_wait3A_857 = arith.constant 0 : i32
      %dma_wait3A_858 = arith.constant 0 : i32
      %dma_wait3A_859 = tpu.memref_slice %arg2[%dma_wait3A_857, %dma_wait3A_858] : memref<10000x128xf32, #tpu.memory_space<hbm>> -> memref<10000x128xf32, #tpu.memory_space<hbm>>
      tpu.wait_indirect_dma semaphore(%arg14 : memref<!tpu.dma_semaphore, #tpu.memory_space<semaphore_mem>>) src(%dma_wait3A_859 : memref<10000x128xf32, #tpu.memory_space<hbm>>) dst(%arg8 : memref<128x128xf32, #tpu.memory_space<vmem>>)
      "tpu.region"() ({
        %run_scoped3A = tpu.sem_alloc : memref<!tpu.dma_semaphore, #tpu.memory_space<semaphore_mem>>
        %dma_start3A_860 = arith.constant 0 : i32
        %dma_start3A_861 = tpu.memref_slice %arg7[%scan3A_849, %dma_start3A_860] : memref<79x128xi32, #tpu.memory_space<vmem>> -> memref<1x128xi32, #tpu.memory_space<vmem>>
        %dma_start3A_862 = tpu.memref_squeeze %dma_start3A_861 : memref<1x128xi32, #tpu.memory_space<vmem>> -> memref<128xi32, #tpu.memory_space<vmem>>
        %dma_start3A_863 = arith.constant 0 : i32
        %dma_start3A_864 = arith.constant 0 : i32
        %dma_start3A_865 = tpu.memref_slice %arg12[%dma_start3A_863, %dma_start3A_864] : memref<10240x128xf32, #tpu.memory_space<vmem_shared>> -> memref<10240x128xf32, #tpu.memory_space<vmem_shared>>
        tpu.enqueue_indirect_dma source(%arg8 : memref<128x128xf32, #tpu.memory_space<vmem>>) target(%dma_start3A_865 : memref<10240x128xf32, #tpu.memory_space<vmem_shared>>) offsets(%dma_start3A_862 : memref<128xi32, #tpu.memory_space<vmem>>) semaphore(%run_scoped3A : memref<!tpu.dma_semaphore, #tpu.memory_space<semaphore_mem>>) {add = true}
        %dma_wait3A_866 = arith.constant 0 : i32
        %dma_wait3A_867 = tpu.memref_slice %arg7[%scan3A_849, %dma_wait3A_866] : memref<79x128xi32, #tpu.memory_space<vmem>> -> memref<1x128xi32, #tpu.memory_space<vmem>>
        %dma_wait3A_868 = tpu.memref_squeeze %dma_wait3A_867 : memref<1x128xi32, #tpu.memory_space<vmem>> -> memref<128xi32, #tpu.memory_space<vmem>>
        %dma_wait3A_869 = arith.constant 0 : i32
        %dma_wait3A_870 = arith.constant 0 : i32
        %dma_wait3A_871 = tpu.memref_slice %arg12[%dma_wait3A_869, %dma_wait3A_870] : memref<10240x128xf32, #tpu.memory_space<vmem_shared>> -> memref<10240x128xf32, #tpu.memory_space<vmem_shared>>
        tpu.wait_indirect_dma semaphore(%run_scoped3A : memref<!tpu.dma_semaphore, #tpu.memory_space<semaphore_mem>>) src(%arg8 : memref<128x128xf32, #tpu.memory_space<vmem>>) dst(%dma_wait3A_871 : memref<10240x128xf32, #tpu.memory_space<vmem_shared>>)
        tpu.yield
      }) : () -> ()
    }
    %scan3A_845 = arith.constant 79 : i32
    %barrier3A_846 = arith.constant 0 : index
    tpu.barrier barrier_id(%barrier3A_846)
    %mul3A_847 = arith.constant 640 : i32
    %mul3A_848 = arith.muli %arg1, %mul3A_847 : i32
    "tpu.region"() ({
      %run_scoped3A = tpu.sem_alloc : memref<!tpu.dma_semaphore, #tpu.memory_space<semaphore_mem>>
      %dma_start3A = arith.constant 0 : i32
      %dma_start3A_849 = tpu.memref_slice %arg5[%arg0, %mul3A_848, %dma_start3A] : memref<2x10240x128xf32, #tpu.memory_space<hbm>> -> memref<1x640x128xf32, #tpu.memory_space<hbm>>
      %dma_start3A_850 = tpu.memref_squeeze %dma_start3A_849 : memref<1x640x128xf32, #tpu.memory_space<hbm>> -> memref<640x128xf32, #tpu.memory_space<hbm>>
      %dma_start3A_851 = arith.constant 0 : i32
      %dma_start3A_852 = tpu.memref_slice %arg12[%mul3A_848, %dma_start3A_851] : memref<10240x128xf32, #tpu.memory_space<vmem_shared>> -> memref<640x128xf32, #tpu.memory_space<vmem_shared>>
      tpu.enqueue_dma source(%dma_start3A_852 : memref<640x128xf32, #tpu.memory_space<vmem_shared>>) target(%dma_start3A_850 : memref<640x128xf32, #tpu.memory_space<hbm>>) target_semaphore(%run_scoped3A : memref<!tpu.dma_semaphore, #tpu.memory_space<semaphore_mem>>)
      %dma_wait3A = arith.constant 0 : i32
      %dma_wait3A_853 = tpu.memref_slice %arg5[%arg0, %mul3A_848, %dma_wait3A] : memref<2x10240x128xf32, #tpu.memory_space<hbm>> -> memref<1x640x128xf32, #tpu.memory_space<hbm>>
      %dma_wait3A_854 = tpu.memref_squeeze %dma_wait3A_853 : memref<1x640x128xf32, #tpu.memory_space<hbm>> -> memref<640x128xf32, #tpu.memory_space<hbm>>
      %dma_wait3A_855 = arith.constant 0 : i32
      %dma_wait3A_856 = tpu.memref_slice %arg12[%mul3A_848, %dma_wait3A_855] : memref<10240x128xf32, #tpu.memory_space<vmem_shared>> -> memref<640x128xf32, #tpu.memory_space<vmem_shared>>
      tpu.wait_dma2 semaphore(%run_scoped3A : memref<!tpu.dma_semaphore, #tpu.memory_space<semaphore_mem>>) src(%dma_wait3A_856 : memref<640x128xf32, #tpu.memory_space<vmem_shared>>) dst(%dma_wait3A_854 : memref<640x128xf32, #tpu.memory_space<hbm>>)
      tpu.yield
    }) : () -> ()
    return
  }
}

#map = affine_map<(d0, d1) -> (0, 0)>
#map1 = affine_map<(d0, d1) -> (0, 0, 0)>
#map2 = affine_map<(d0, d1) -> (0)>
module attributes {stable_mosaic.version = 14 : i64} {
  func.func @sc_conv_1(%arg0: i32, %arg1: i32, %arg2: memref<10000x128xf32, #tpu.memory_space<hbm>>, %arg3: memref<32x79x128xi32, #tpu.memory_space<hbm>>, %arg4: memref<32x79x128xi32, #tpu.memory_space<hbm>>, %arg5: memref<2x10240x128xf32, #tpu.memory_space<hbm>>, %arg6: memref<20480xf32, #tpu.memory_space<hbm>>, %arg7: memref<79x128xi32, #tpu.memory_space<vmem>>, %arg8: memref<79x128xi32, #tpu.memory_space<vmem>>, %arg9: memref<128x128xf32, #tpu.memory_space<vmem>>, %arg10: memref<16x128xf32, #tpu.memory_space<vmem>>, %arg11: memref<128xf32, #tpu.memory_space<vmem>>, %arg12: memref<128xf32, #tpu.memory_space<vmem>>, %arg13: memref<10240x128xf32, #tpu.memory_space<vmem_shared>>, %arg14: memref<10240xf32, #tpu.memory_space<vmem_shared>>, %arg15: memref<!tpu.dma_semaphore, #tpu.memory_space<semaphore_mem>>) attributes {dimension_semantics = [#tpu.dimension_semantics<core_parallel>, #tpu.dimension_semantics<subcore_parallel>], iteration_bounds = array<i64: 2, 16>, scalar_prefetch = 0 : i64, scratch_operands = 9 : i64, tpu.core_type = #tpu.core_type<sc_vector_subcore>, window_params = [{transform_indices = #map}, {transform_indices = #map1}, {transform_indices = #map1}, {transform_indices = #map1}, {transform_indices = #map2}]} {
    %mul3A = arith.constant 16 : i32
    %mul3A_0 = arith.muli %arg0, %mul3A : i32
    %add3A = arith.addi %mul3A_0, %arg1 : i32
    %broadcast_in_dim3A = arith.constant 0.000000e+00 : f32
    %broadcast_in_dim3A_1 = vector.broadcast %broadcast_in_dim3A : f32 to vector<16xf32>
    %broadcast_in_dim3A_2 = arith.constant 1.000000e+00 : f32
    %broadcast_in_dim3A_3 = vector.broadcast %broadcast_in_dim3A_2 : f32 to vector<16xf32>
    %swap3A = arith.constant 0 : i32
    %swap3A_4 = arith.index_cast %swap3A : i32 to index
    %swap3A_5 = arith.constant 0 : index
    %swap3A_6 = tpu.vector_load %arg10[%swap3A_4, %swap3A_5] {strides = array<i32>} : memref<16x128xf32, #tpu.memory_space<vmem>>, vector<1x16xf32>,
    %swap3A_7 = vector.shape_cast %swap3A_6 : vector<1x16xf32> to vector<16xf32>
    %swap3A_8 = vector.shape_cast %broadcast_in_dim3A_1 : vector<16xf32> to vector<1x16xf32>
    tpu.vector_store %arg10[%swap3A_4, %swap3A_5], %swap3A_8 {strides = array<i32>} : memref<16x128xf32, #tpu.memory_space<vmem>>, vector<1x16xf32>,
    %swap3A_9 = arith.constant 0 : i32
    %swap3A_10 = arith.index_cast %swap3A_9 : i32 to index
    %swap3A_11 = arith.constant 16 : index
    %swap3A_12 = tpu.vector_load %arg10[%swap3A_10, %swap3A_11] {strides = array<i32>} : memref<16x128xf32, #tpu.memory_space<vmem>>, vector<1x16xf32>,
    %swap3A_13 = vector.shape_cast %swap3A_12 : vector<1x16xf32> to vector<16xf32>
    %swap3A_14 = vector.shape_cast %broadcast_in_dim3A_1 : vector<16xf32> to vector<1x16xf32>
    tpu.vector_store %arg10[%swap3A_10, %swap3A_11], %swap3A_14 {strides = array<i32>} : memref<16x128xf32, #tpu.memory_space<vmem>>, vector<1x16xf32>,
    %swap3A_15 = arith.constant 0 : i32
    %swap3A_16 = arith.index_cast %swap3A_15 : i32 to index
    %swap3A_17 = arith.constant 32 : index
    %swap3A_18 = tpu.vector_load %arg10[%swap3A_16, %swap3A_17] {strides = array<i32>} : memref<16x128xf32, #tpu.memory_space<vmem>>, vector<1x16xf32>,
    %swap3A_19 = vector.shape_cast %swap3A_18 : vector<1x16xf32> to vector<16xf32>
    %swap3A_20 = vector.shape_cast %broadcast_in_dim3A_1 : vector<16xf32> to vector<1x16xf32>
    tpu.vector_store %arg10[%swap3A_16, %swap3A_17], %swap3A_20 {strides = array<i32>} : memref<16x128xf32, #tpu.memory_space<vmem>>, vector<1x16xf32>,
    %swap3A_21 = arith.constant 0 : i32
    %swap3A_22 = arith.index_cast %swap3A_21 : i32 to index
    %swap3A_23 = arith.constant 48 : index
    %swap3A_24 = tpu.vector_load %arg10[%swap3A_22, %swap3A_23] {strides = array<i32>} : memref<16x128xf32, #tpu.memory_space<vmem>>, vector<1x16xf32>,
    %swap3A_25 = vector.shape_cast %swap3A_24 : vector<1x16xf32> to vector<16xf32>
    %swap3A_26 = vector.shape_cast %broadcast_in_dim3A_1 : vector<16xf32> to vector<1x16xf32>
    tpu.vector_store %arg10[%swap3A_22, %swap3A_23], %swap3A_26 {strides = array<i32>} : memref<16x128xf32, #tpu.memory_space<vmem>>, vector<1x16xf32>,
    %swap3A_27 = arith.constant 0 : i32
    %swap3A_28 = arith.index_cast %swap3A_27 : i32 to index
    %swap3A_29 = arith.constant 64 : index
    %swap3A_30 = tpu.vector_load %arg10[%swap3A_28, %swap3A_29] {strides = array<i32>} : memref<16x128xf32, #tpu.memory_space<vmem>>, vector<1x16xf32>,
    %swap3A_31 = vector.shape_cast %swap3A_30 : vector<1x16xf32> to vector<16xf32>
    %swap3A_32 = vector.shape_cast %broadcast_in_dim3A_1 : vector<16xf32> to vector<1x16xf32>
    tpu.vector_store %arg10[%swap3A_28, %swap3A_29], %swap3A_32 {strides = array<i32>} : memref<16x128xf32, #tpu.memory_space<vmem>>, vector<1x16xf32>,
    %swap3A_33 = arith.constant 0 : i32
    %swap3A_34 = arith.index_cast %swap3A_33 : i32 to index
    %swap3A_35 = arith.constant 80 : index
    %swap3A_36 = tpu.vector_load %arg10[%swap3A_34, %swap3A_35] {strides = array<i32>} : memref<16x128xf32, #tpu.memory_space<vmem>>, vector<1x16xf32>,
    %swap3A_37 = vector.shape_cast %swap3A_36 : vector<1x16xf32> to vector<16xf32>
    %swap3A_38 = vector.shape_cast %broadcast_in_dim3A_1 : vector<16xf32> to vector<1x16xf32>
    tpu.vector_store %arg10[%swap3A_34, %swap3A_35], %swap3A_38 {strides = array<i32>} : memref<16x128xf32, #tpu.memory_space<vmem>>, vector<1x16xf32>,
    %swap3A_39 = arith.constant 0 : i32
    %swap3A_40 = arith.index_cast %swap3A_39 : i32 to index
    %swap3A_41 = arith.constant 96 : index
    %swap3A_42 = tpu.vector_load %arg10[%swap3A_40, %swap3A_41] {strides = array<i32>} : memref<16x128xf32, #tpu.memory_space<vmem>>, vector<1x16xf32>,
    %swap3A_43 = vector.shape_cast %swap3A_42 : vector<1x16xf32> to vector<16xf32>
    %swap3A_44 = vector.shape_cast %broadcast_in_dim3A_1 : vector<16xf32> to vector<1x16xf32>
    tpu.vector_store %arg10[%swap3A_40, %swap3A_41], %swap3A_44 {strides = array<i32>} : memref<16x128xf32, #tpu.memory_space<vmem>>, vector<1x16xf32>,
    %swap3A_45 = arith.constant 0 : i32
    %swap3A_46 = arith.index_cast %swap3A_45 : i32 to index
    %swap3A_47 = arith.constant 112 : index
    %swap3A_48 = tpu.vector_load %arg10[%swap3A_46, %swap3A_47] {strides = array<i32>} : memref<16x128xf32, #tpu.memory_space<vmem>>, vector<1x16xf32>,
    %swap3A_49 = vector.shape_cast %swap3A_48 : vector<1x16xf32> to vector<16xf32>
    %swap3A_50 = vector.shape_cast %broadcast_in_dim3A_1 : vector<16xf32> to vector<1x16xf32>
    tpu.vector_store %arg10[%swap3A_46, %swap3A_47], %swap3A_50 {strides = array<i32>} : memref<16x128xf32, #tpu.memory_space<vmem>>, vector<1x16xf32>,
    %swap3A_51 = arith.constant 1 : i32
    %swap3A_52 = arith.index_cast %swap3A_51 : i32 to index
    %swap3A_53 = arith.constant 0 : index
    %swap3A_54 = tpu.vector_load %arg10[%swap3A_52, %swap3A_53] {strides = array<i32>} : memref<16x128xf32, #tpu.memory_space<vmem>>, vector<1x16xf32>,
    %swap3A_55 = vector.shape_cast %swap3A_54 : vector<1x16xf32> to vector<16xf32>
    %swap3A_56 = vector.shape_cast %broadcast_in_dim3A_1 : vector<16xf32> to vector<1x16xf32>
    tpu.vector_store %arg10[%swap3A_52, %swap3A_53], %swap3A_56 {strides = array<i32>} : memref<16x128xf32, #tpu.memory_space<vmem>>, vector<1x16xf32>,
    %swap3A_57 = arith.constant 1 : i32
    %swap3A_58 = arith.index_cast %swap3A_57 : i32 to index
    %swap3A_59 = arith.constant 16 : index
    %swap3A_60 = tpu.vector_load %arg10[%swap3A_58, %swap3A_59] {strides = array<i32>} : memref<16x128xf32, #tpu.memory_space<vmem>>, vector<1x16xf32>,
    %swap3A_61 = vector.shape_cast %swap3A_60 : vector<1x16xf32> to vector<16xf32>
    %swap3A_62 = vector.shape_cast %broadcast_in_dim3A_1 : vector<16xf32> to vector<1x16xf32>
    tpu.vector_store %arg10[%swap3A_58, %swap3A_59], %swap3A_62 {strides = array<i32>} : memref<16x128xf32, #tpu.memory_space<vmem>>, vector<1x16xf32>,
    %swap3A_63 = arith.constant 1 : i32
    %swap3A_64 = arith.index_cast %swap3A_63 : i32 to index
    %swap3A_65 = arith.constant 32 : index
    %swap3A_66 = tpu.vector_load %arg10[%swap3A_64, %swap3A_65] {strides = array<i32>} : memref<16x128xf32, #tpu.memory_space<vmem>>, vector<1x16xf32>,
    %swap3A_67 = vector.shape_cast %swap3A_66 : vector<1x16xf32> to vector<16xf32>
    %swap3A_68 = vector.shape_cast %broadcast_in_dim3A_1 : vector<16xf32> to vector<1x16xf32>
    tpu.vector_store %arg10[%swap3A_64, %swap3A_65], %swap3A_68 {strides = array<i32>} : memref<16x128xf32, #tpu.memory_space<vmem>>, vector<1x16xf32>,
    %swap3A_69 = arith.constant 1 : i32
    %swap3A_70 = arith.index_cast %swap3A_69 : i32 to index
    %swap3A_71 = arith.constant 48 : index
    %swap3A_72 = tpu.vector_load %arg10[%swap3A_70, %swap3A_71] {strides = array<i32>} : memref<16x128xf32, #tpu.memory_space<vmem>>, vector<1x16xf32>,
    %swap3A_73 = vector.shape_cast %swap3A_72 : vector<1x16xf32> to vector<16xf32>
    %swap3A_74 = vector.shape_cast %broadcast_in_dim3A_1 : vector<16xf32> to vector<1x16xf32>
    tpu.vector_store %arg10[%swap3A_70, %swap3A_71], %swap3A_74 {strides = array<i32>} : memref<16x128xf32, #tpu.memory_space<vmem>>, vector<1x16xf32>,
    %swap3A_75 = arith.constant 1 : i32
    %swap3A_76 = arith.index_cast %swap3A_75 : i32 to index
    %swap3A_77 = arith.constant 64 : index
    %swap3A_78 = tpu.vector_load %arg10[%swap3A_76, %swap3A_77] {strides = array<i32>} : memref<16x128xf32, #tpu.memory_space<vmem>>, vector<1x16xf32>,
    %swap3A_79 = vector.shape_cast %swap3A_78 : vector<1x16xf32> to vector<16xf32>
    %swap3A_80 = vector.shape_cast %broadcast_in_dim3A_1 : vector<16xf32> to vector<1x16xf32>
    tpu.vector_store %arg10[%swap3A_76, %swap3A_77], %swap3A_80 {strides = array<i32>} : memref<16x128xf32, #tpu.memory_space<vmem>>, vector<1x16xf32>,
    %swap3A_81 = arith.constant 1 : i32
    %swap3A_82 = arith.index_cast %swap3A_81 : i32 to index
    %swap3A_83 = arith.constant 80 : index
    %swap3A_84 = tpu.vector_load %arg10[%swap3A_82, %swap3A_83] {strides = array<i32>} : memref<16x128xf32, #tpu.memory_space<vmem>>, vector<1x16xf32>,
    %swap3A_85 = vector.shape_cast %swap3A_84 : vector<1x16xf32> to vector<16xf32>
    %swap3A_86 = vector.shape_cast %broadcast_in_dim3A_1 : vector<16xf32> to vector<1x16xf32>
    tpu.vector_store %arg10[%swap3A_82, %swap3A_83], %swap3A_86 {strides = array<i32>} : memref<16x128xf32, #tpu.memory_space<vmem>>, vector<1x16xf32>,
    %swap3A_87 = arith.constant 1 : i32
    %swap3A_88 = arith.index_cast %swap3A_87 : i32 to index
    %swap3A_89 = arith.constant 96 : index
    %swap3A_90 = tpu.vector_load %arg10[%swap3A_88, %swap3A_89] {strides = array<i32>} : memref<16x128xf32, #tpu.memory_space<vmem>>, vector<1x16xf32>,
    %swap3A_91 = vector.shape_cast %swap3A_90 : vector<1x16xf32> to vector<16xf32>
    %swap3A_92 = vector.shape_cast %broadcast_in_dim3A_1 : vector<16xf32> to vector<1x16xf32>
    tpu.vector_store %arg10[%swap3A_88, %swap3A_89], %swap3A_92 {strides = array<i32>} : memref<16x128xf32, #tpu.memory_space<vmem>>, vector<1x16xf32>,
    %swap3A_93 = arith.constant 1 : i32
    %swap3A_94 = arith.index_cast %swap3A_93 : i32 to index
    %swap3A_95 = arith.constant 112 : index
    %swap3A_96 = tpu.vector_load %arg10[%swap3A_94, %swap3A_95] {strides = array<i32>} : memref<16x128xf32, #tpu.memory_space<vmem>>, vector<1x16xf32>,
    %swap3A_97 = vector.shape_cast %swap3A_96 : vector<1x16xf32> to vector<16xf32>
    %swap3A_98 = vector.shape_cast %broadcast_in_dim3A_1 : vector<16xf32> to vector<1x16xf32>
    tpu.vector_store %arg10[%swap3A_94, %swap3A_95], %swap3A_98 {strides = array<i32>} : memref<16x128xf32, #tpu.memory_space<vmem>>, vector<1x16xf32>,
    %swap3A_99 = arith.constant 2 : i32
    %swap3A_100 = arith.index_cast %swap3A_99 : i32 to index
    %swap3A_101 = arith.constant 0 : index
    %swap3A_102 = tpu.vector_load %arg10[%swap3A_100, %swap3A_101] {strides = array<i32>} : memref<16x128xf32, #tpu.memory_space<vmem>>, vector<1x16xf32>,
    %swap3A_103 = vector.shape_cast %swap3A_102 : vector<1x16xf32> to vector<16xf32>
    %swap3A_104 = vector.shape_cast %broadcast_in_dim3A_1 : vector<16xf32> to vector<1x16xf32>
    tpu.vector_store %arg10[%swap3A_100, %swap3A_101], %swap3A_104 {strides = array<i32>} : memref<16x128xf32, #tpu.memory_space<vmem>>, vector<1x16xf32>,
    %swap3A_105 = arith.constant 2 : i32
    %swap3A_106 = arith.index_cast %swap3A_105 : i32 to index
    %swap3A_107 = arith.constant 16 : index
    %swap3A_108 = tpu.vector_load %arg10[%swap3A_106, %swap3A_107] {strides = array<i32>} : memref<16x128xf32, #tpu.memory_space<vmem>>, vector<1x16xf32>,
    %swap3A_109 = vector.shape_cast %swap3A_108 : vector<1x16xf32> to vector<16xf32>
    %swap3A_110 = vector.shape_cast %broadcast_in_dim3A_1 : vector<16xf32> to vector<1x16xf32>
    tpu.vector_store %arg10[%swap3A_106, %swap3A_107], %swap3A_110 {strides = array<i32>} : memref<16x128xf32, #tpu.memory_space<vmem>>, vector<1x16xf32>,
    %swap3A_111 = arith.constant 2 : i32
    %swap3A_112 = arith.index_cast %swap3A_111 : i32 to index
    %swap3A_113 = arith.constant 32 : index
    %swap3A_114 = tpu.vector_load %arg10[%swap3A_112, %swap3A_113] {strides = array<i32>} : memref<16x128xf32, #tpu.memory_space<vmem>>, vector<1x16xf32>,
    %swap3A_115 = vector.shape_cast %swap3A_114 : vector<1x16xf32> to vector<16xf32>
    %swap3A_116 = vector.shape_cast %broadcast_in_dim3A_1 : vector<16xf32> to vector<1x16xf32>
    tpu.vector_store %arg10[%swap3A_112, %swap3A_113], %swap3A_116 {strides = array<i32>} : memref<16x128xf32, #tpu.memory_space<vmem>>, vector<1x16xf32>,
    %swap3A_117 = arith.constant 2 : i32
    %swap3A_118 = arith.index_cast %swap3A_117 : i32 to index
    %swap3A_119 = arith.constant 48 : index
    %swap3A_120 = tpu.vector_load %arg10[%swap3A_118, %swap3A_119] {strides = array<i32>} : memref<16x128xf32, #tpu.memory_space<vmem>>, vector<1x16xf32>,
    %swap3A_121 = vector.shape_cast %swap3A_120 : vector<1x16xf32> to vector<16xf32>
    %swap3A_122 = vector.shape_cast %broadcast_in_dim3A_1 : vector<16xf32> to vector<1x16xf32>
    tpu.vector_store %arg10[%swap3A_118, %swap3A_119], %swap3A_122 {strides = array<i32>} : memref<16x128xf32, #tpu.memory_space<vmem>>, vector<1x16xf32>,
    %swap3A_123 = arith.constant 2 : i32
    %swap3A_124 = arith.index_cast %swap3A_123 : i32 to index
    %swap3A_125 = arith.constant 64 : index
    %swap3A_126 = tpu.vector_load %arg10[%swap3A_124, %swap3A_125] {strides = array<i32>} : memref<16x128xf32, #tpu.memory_space<vmem>>, vector<1x16xf32>,
    %swap3A_127 = vector.shape_cast %swap3A_126 : vector<1x16xf32> to vector<16xf32>
    %swap3A_128 = vector.shape_cast %broadcast_in_dim3A_1 : vector<16xf32> to vector<1x16xf32>
    tpu.vector_store %arg10[%swap3A_124, %swap3A_125], %swap3A_128 {strides = array<i32>} : memref<16x128xf32, #tpu.memory_space<vmem>>, vector<1x16xf32>,
    %swap3A_129 = arith.constant 2 : i32
    %swap3A_130 = arith.index_cast %swap3A_129 : i32 to index
    %swap3A_131 = arith.constant 80 : index
    %swap3A_132 = tpu.vector_load %arg10[%swap3A_130, %swap3A_131] {strides = array<i32>} : memref<16x128xf32, #tpu.memory_space<vmem>>, vector<1x16xf32>,
    %swap3A_133 = vector.shape_cast %swap3A_132 : vector<1x16xf32> to vector<16xf32>
    %swap3A_134 = vector.shape_cast %broadcast_in_dim3A_1 : vector<16xf32> to vector<1x16xf32>
    tpu.vector_store %arg10[%swap3A_130, %swap3A_131], %swap3A_134 {strides = array<i32>} : memref<16x128xf32, #tpu.memory_space<vmem>>, vector<1x16xf32>,
    %swap3A_135 = arith.constant 2 : i32
    %swap3A_136 = arith.index_cast %swap3A_135 : i32 to index
    %swap3A_137 = arith.constant 96 : index
    %swap3A_138 = tpu.vector_load %arg10[%swap3A_136, %swap3A_137] {strides = array<i32>} : memref<16x128xf32, #tpu.memory_space<vmem>>, vector<1x16xf32>,
    %swap3A_139 = vector.shape_cast %swap3A_138 : vector<1x16xf32> to vector<16xf32>
    %swap3A_140 = vector.shape_cast %broadcast_in_dim3A_1 : vector<16xf32> to vector<1x16xf32>
    tpu.vector_store %arg10[%swap3A_136, %swap3A_137], %swap3A_140 {strides = array<i32>} : memref<16x128xf32, #tpu.memory_space<vmem>>, vector<1x16xf32>,
    %swap3A_141 = arith.constant 2 : i32
    %swap3A_142 = arith.index_cast %swap3A_141 : i32 to index
    %swap3A_143 = arith.constant 112 : index
    %swap3A_144 = tpu.vector_load %arg10[%swap3A_142, %swap3A_143] {strides = array<i32>} : memref<16x128xf32, #tpu.memory_space<vmem>>, vector<1x16xf32>,
    %swap3A_145 = vector.shape_cast %swap3A_144 : vector<1x16xf32> to vector<16xf32>
    %swap3A_146 = vector.shape_cast %broadcast_in_dim3A_1 : vector<16xf32> to vector<1x16xf32>
    tpu.vector_store %arg10[%swap3A_142, %swap3A_143], %swap3A_146 {strides = array<i32>} : memref<16x128xf32, #tpu.memory_space<vmem>>, vector<1x16xf32>,
    %swap3A_147 = arith.constant 3 : i32
    %swap3A_148 = arith.index_cast %swap3A_147 : i32 to index
    %swap3A_149 = arith.constant 0 : index
    %swap3A_150 = tpu.vector_load %arg10[%swap3A_148, %swap3A_149] {strides = array<i32>} : memref<16x128xf32, #tpu.memory_space<vmem>>, vector<1x16xf32>,
    %swap3A_151 = vector.shape_cast %swap3A_150 : vector<1x16xf32> to vector<16xf32>
    %swap3A_152 = vector.shape_cast %broadcast_in_dim3A_1 : vector<16xf32> to vector<1x16xf32>
    tpu.vector_store %arg10[%swap3A_148, %swap3A_149], %swap3A_152 {strides = array<i32>} : memref<16x128xf32, #tpu.memory_space<vmem>>, vector<1x16xf32>,
    %swap3A_153 = arith.constant 3 : i32
    %swap3A_154 = arith.index_cast %swap3A_153 : i32 to index
    %swap3A_155 = arith.constant 16 : index
    %swap3A_156 = tpu.vector_load %arg10[%swap3A_154, %swap3A_155] {strides = array<i32>} : memref<16x128xf32, #tpu.memory_space<vmem>>, vector<1x16xf32>,
    %swap3A_157 = vector.shape_cast %swap3A_156 : vector<1x16xf32> to vector<16xf32>
    %swap3A_158 = vector.shape_cast %broadcast_in_dim3A_1 : vector<16xf32> to vector<1x16xf32>
    tpu.vector_store %arg10[%swap3A_154, %swap3A_155], %swap3A_158 {strides = array<i32>} : memref<16x128xf32, #tpu.memory_space<vmem>>, vector<1x16xf32>,
    %swap3A_159 = arith.constant 3 : i32
    %swap3A_160 = arith.index_cast %swap3A_159 : i32 to index
    %swap3A_161 = arith.constant 32 : index
    %swap3A_162 = tpu.vector_load %arg10[%swap3A_160, %swap3A_161] {strides = array<i32>} : memref<16x128xf32, #tpu.memory_space<vmem>>, vector<1x16xf32>,
    %swap3A_163 = vector.shape_cast %swap3A_162 : vector<1x16xf32> to vector<16xf32>
    %swap3A_164 = vector.shape_cast %broadcast_in_dim3A_1 : vector<16xf32> to vector<1x16xf32>
    tpu.vector_store %arg10[%swap3A_160, %swap3A_161], %swap3A_164 {strides = array<i32>} : memref<16x128xf32, #tpu.memory_space<vmem>>, vector<1x16xf32>,
    %swap3A_165 = arith.constant 3 : i32
    %swap3A_166 = arith.index_cast %swap3A_165 : i32 to index
    %swap3A_167 = arith.constant 48 : index
    %swap3A_168 = tpu.vector_load %arg10[%swap3A_166, %swap3A_167] {strides = array<i32>} : memref<16x128xf32, #tpu.memory_space<vmem>>, vector<1x16xf32>,
    %swap3A_169 = vector.shape_cast %swap3A_168 : vector<1x16xf32> to vector<16xf32>
    %swap3A_170 = vector.shape_cast %broadcast_in_dim3A_1 : vector<16xf32> to vector<1x16xf32>
    tpu.vector_store %arg10[%swap3A_166, %swap3A_167], %swap3A_170 {strides = array<i32>} : memref<16x128xf32, #tpu.memory_space<vmem>>, vector<1x16xf32>,
    %swap3A_171 = arith.constant 3 : i32
    %swap3A_172 = arith.index_cast %swap3A_171 : i32 to index
    %swap3A_173 = arith.constant 64 : index
    %swap3A_174 = tpu.vector_load %arg10[%swap3A_172, %swap3A_173] {strides = array<i32>} : memref<16x128xf32, #tpu.memory_space<vmem>>, vector<1x16xf32>,
    %swap3A_175 = vector.shape_cast %swap3A_174 : vector<1x16xf32> to vector<16xf32>
    %swap3A_176 = vector.shape_cast %broadcast_in_dim3A_1 : vector<16xf32> to vector<1x16xf32>
    tpu.vector_store %arg10[%swap3A_172, %swap3A_173], %swap3A_176 {strides = array<i32>} : memref<16x128xf32, #tpu.memory_space<vmem>>, vector<1x16xf32>,
    %swap3A_177 = arith.constant 3 : i32
    %swap3A_178 = arith.index_cast %swap3A_177 : i32 to index
    %swap3A_179 = arith.constant 80 : index
    %swap3A_180 = tpu.vector_load %arg10[%swap3A_178, %swap3A_179] {strides = array<i32>} : memref<16x128xf32, #tpu.memory_space<vmem>>, vector<1x16xf32>,
    %swap3A_181 = vector.shape_cast %swap3A_180 : vector<1x16xf32> to vector<16xf32>
    %swap3A_182 = vector.shape_cast %broadcast_in_dim3A_1 : vector<16xf32> to vector<1x16xf32>
    tpu.vector_store %arg10[%swap3A_178, %swap3A_179], %swap3A_182 {strides = array<i32>} : memref<16x128xf32, #tpu.memory_space<vmem>>, vector<1x16xf32>,
    %swap3A_183 = arith.constant 3 : i32
    %swap3A_184 = arith.index_cast %swap3A_183 : i32 to index
    %swap3A_185 = arith.constant 96 : index
    %swap3A_186 = tpu.vector_load %arg10[%swap3A_184, %swap3A_185] {strides = array<i32>} : memref<16x128xf32, #tpu.memory_space<vmem>>, vector<1x16xf32>,
    %swap3A_187 = vector.shape_cast %swap3A_186 : vector<1x16xf32> to vector<16xf32>
    %swap3A_188 = vector.shape_cast %broadcast_in_dim3A_1 : vector<16xf32> to vector<1x16xf32>
    tpu.vector_store %arg10[%swap3A_184, %swap3A_185], %swap3A_188 {strides = array<i32>} : memref<16x128xf32, #tpu.memory_space<vmem>>, vector<1x16xf32>,
    %swap3A_189 = arith.constant 3 : i32
    %swap3A_190 = arith.index_cast %swap3A_189 : i32 to index
    %swap3A_191 = arith.constant 112 : index
    %swap3A_192 = tpu.vector_load %arg10[%swap3A_190, %swap3A_191] {strides = array<i32>} : memref<16x128xf32, #tpu.memory_space<vmem>>, vector<1x16xf32>,
    %swap3A_193 = vector.shape_cast %swap3A_192 : vector<1x16xf32> to vector<16xf32>
    %swap3A_194 = vector.shape_cast %broadcast_in_dim3A_1 : vector<16xf32> to vector<1x16xf32>
    tpu.vector_store %arg10[%swap3A_190, %swap3A_191], %swap3A_194 {strides = array<i32>} : memref<16x128xf32, #tpu.memory_space<vmem>>, vector<1x16xf32>,
    %swap3A_195 = arith.constant 4 : i32
    %swap3A_196 = arith.index_cast %swap3A_195 : i32 to index
    %swap3A_197 = arith.constant 0 : index
    %swap3A_198 = tpu.vector_load %arg10[%swap3A_196, %swap3A_197] {strides = array<i32>} : memref<16x128xf32, #tpu.memory_space<vmem>>, vector<1x16xf32>,
    %swap3A_199 = vector.shape_cast %swap3A_198 : vector<1x16xf32> to vector<16xf32>
    %swap3A_200 = vector.shape_cast %broadcast_in_dim3A_1 : vector<16xf32> to vector<1x16xf32>
    tpu.vector_store %arg10[%swap3A_196, %swap3A_197], %swap3A_200 {strides = array<i32>} : memref<16x128xf32, #tpu.memory_space<vmem>>, vector<1x16xf32>,
    %swap3A_201 = arith.constant 4 : i32
    %swap3A_202 = arith.index_cast %swap3A_201 : i32 to index
    %swap3A_203 = arith.constant 16 : index
    %swap3A_204 = tpu.vector_load %arg10[%swap3A_202, %swap3A_203] {strides = array<i32>} : memref<16x128xf32, #tpu.memory_space<vmem>>, vector<1x16xf32>,
    %swap3A_205 = vector.shape_cast %swap3A_204 : vector<1x16xf32> to vector<16xf32>
    %swap3A_206 = vector.shape_cast %broadcast_in_dim3A_1 : vector<16xf32> to vector<1x16xf32>
    tpu.vector_store %arg10[%swap3A_202, %swap3A_203], %swap3A_206 {strides = array<i32>} : memref<16x128xf32, #tpu.memory_space<vmem>>, vector<1x16xf32>,
    %swap3A_207 = arith.constant 4 : i32
    %swap3A_208 = arith.index_cast %swap3A_207 : i32 to index
    %swap3A_209 = arith.constant 32 : index
    %swap3A_210 = tpu.vector_load %arg10[%swap3A_208, %swap3A_209] {strides = array<i32>} : memref<16x128xf32, #tpu.memory_space<vmem>>, vector<1x16xf32>,
    %swap3A_211 = vector.shape_cast %swap3A_210 : vector<1x16xf32> to vector<16xf32>
    %swap3A_212 = vector.shape_cast %broadcast_in_dim3A_1 : vector<16xf32> to vector<1x16xf32>
    tpu.vector_store %arg10[%swap3A_208, %swap3A_209], %swap3A_212 {strides = array<i32>} : memref<16x128xf32, #tpu.memory_space<vmem>>, vector<1x16xf32>,
    %swap3A_213 = arith.constant 4 : i32
    %swap3A_214 = arith.index_cast %swap3A_213 : i32 to index
    %swap3A_215 = arith.constant 48 : index
    %swap3A_216 = tpu.vector_load %arg10[%swap3A_214, %swap3A_215] {strides = array<i32>} : memref<16x128xf32, #tpu.memory_space<vmem>>, vector<1x16xf32>,
    %swap3A_217 = vector.shape_cast %swap3A_216 : vector<1x16xf32> to vector<16xf32>
    %swap3A_218 = vector.shape_cast %broadcast_in_dim3A_1 : vector<16xf32> to vector<1x16xf32>
    tpu.vector_store %arg10[%swap3A_214, %swap3A_215], %swap3A_218 {strides = array<i32>} : memref<16x128xf32, #tpu.memory_space<vmem>>, vector<1x16xf32>,
    %swap3A_219 = arith.constant 4 : i32
    %swap3A_220 = arith.index_cast %swap3A_219 : i32 to index
    %swap3A_221 = arith.constant 64 : index
    %swap3A_222 = tpu.vector_load %arg10[%swap3A_220, %swap3A_221] {strides = array<i32>} : memref<16x128xf32, #tpu.memory_space<vmem>>, vector<1x16xf32>,
    %swap3A_223 = vector.shape_cast %swap3A_222 : vector<1x16xf32> to vector<16xf32>
    %swap3A_224 = vector.shape_cast %broadcast_in_dim3A_1 : vector<16xf32> to vector<1x16xf32>
    tpu.vector_store %arg10[%swap3A_220, %swap3A_221], %swap3A_224 {strides = array<i32>} : memref<16x128xf32, #tpu.memory_space<vmem>>, vector<1x16xf32>,
    %swap3A_225 = arith.constant 4 : i32
    %swap3A_226 = arith.index_cast %swap3A_225 : i32 to index
    %swap3A_227 = arith.constant 80 : index
    %swap3A_228 = tpu.vector_load %arg10[%swap3A_226, %swap3A_227] {strides = array<i32>} : memref<16x128xf32, #tpu.memory_space<vmem>>, vector<1x16xf32>,
    %swap3A_229 = vector.shape_cast %swap3A_228 : vector<1x16xf32> to vector<16xf32>
    %swap3A_230 = vector.shape_cast %broadcast_in_dim3A_1 : vector<16xf32> to vector<1x16xf32>
    tpu.vector_store %arg10[%swap3A_226, %swap3A_227], %swap3A_230 {strides = array<i32>} : memref<16x128xf32, #tpu.memory_space<vmem>>, vector<1x16xf32>,
    %swap3A_231 = arith.constant 4 : i32
    %swap3A_232 = arith.index_cast %swap3A_231 : i32 to index
    %swap3A_233 = arith.constant 96 : index
    %swap3A_234 = tpu.vector_load %arg10[%swap3A_232, %swap3A_233] {strides = array<i32>} : memref<16x128xf32, #tpu.memory_space<vmem>>, vector<1x16xf32>,
    %swap3A_235 = vector.shape_cast %swap3A_234 : vector<1x16xf32> to vector<16xf32>
    %swap3A_236 = vector.shape_cast %broadcast_in_dim3A_1 : vector<16xf32> to vector<1x16xf32>
    tpu.vector_store %arg10[%swap3A_232, %swap3A_233], %swap3A_236 {strides = array<i32>} : memref<16x128xf32, #tpu.memory_space<vmem>>, vector<1x16xf32>,
    %swap3A_237 = arith.constant 4 : i32
    %swap3A_238 = arith.index_cast %swap3A_237 : i32 to index
    %swap3A_239 = arith.constant 112 : index
    %swap3A_240 = tpu.vector_load %arg10[%swap3A_238, %swap3A_239] {strides = array<i32>} : memref<16x128xf32, #tpu.memory_space<vmem>>, vector<1x16xf32>,
    %swap3A_241 = vector.shape_cast %swap3A_240 : vector<1x16xf32> to vector<16xf32>
    %swap3A_242 = vector.shape_cast %broadcast_in_dim3A_1 : vector<16xf32> to vector<1x16xf32>
    tpu.vector_store %arg10[%swap3A_238, %swap3A_239], %swap3A_242 {strides = array<i32>} : memref<16x128xf32, #tpu.memory_space<vmem>>, vector<1x16xf32>,
    %swap3A_243 = arith.constant 5 : i32
    %swap3A_244 = arith.index_cast %swap3A_243 : i32 to index
    %swap3A_245 = arith.constant 0 : index
    %swap3A_246 = tpu.vector_load %arg10[%swap3A_244, %swap3A_245] {strides = array<i32>} : memref<16x128xf32, #tpu.memory_space<vmem>>, vector<1x16xf32>,
    %swap3A_247 = vector.shape_cast %swap3A_246 : vector<1x16xf32> to vector<16xf32>
    %swap3A_248 = vector.shape_cast %broadcast_in_dim3A_1 : vector<16xf32> to vector<1x16xf32>
    tpu.vector_store %arg10[%swap3A_244, %swap3A_245], %swap3A_248 {strides = array<i32>} : memref<16x128xf32, #tpu.memory_space<vmem>>, vector<1x16xf32>,
    %swap3A_249 = arith.constant 5 : i32
    %swap3A_250 = arith.index_cast %swap3A_249 : i32 to index
    %swap3A_251 = arith.constant 16 : index
    %swap3A_252 = tpu.vector_load %arg10[%swap3A_250, %swap3A_251] {strides = array<i32>} : memref<16x128xf32, #tpu.memory_space<vmem>>, vector<1x16xf32>,
    %swap3A_253 = vector.shape_cast %swap3A_252 : vector<1x16xf32> to vector<16xf32>
    %swap3A_254 = vector.shape_cast %broadcast_in_dim3A_1 : vector<16xf32> to vector<1x16xf32>
    tpu.vector_store %arg10[%swap3A_250, %swap3A_251], %swap3A_254 {strides = array<i32>} : memref<16x128xf32, #tpu.memory_space<vmem>>, vector<1x16xf32>,
    %swap3A_255 = arith.constant 5 : i32
    %swap3A_256 = arith.index_cast %swap3A_255 : i32 to index
    %swap3A_257 = arith.constant 32 : index
    %swap3A_258 = tpu.vector_load %arg10[%swap3A_256, %swap3A_257] {strides = array<i32>} : memref<16x128xf32, #tpu.memory_space<vmem>>, vector<1x16xf32>,
    %swap3A_259 = vector.shape_cast %swap3A_258 : vector<1x16xf32> to vector<16xf32>
    %swap3A_260 = vector.shape_cast %broadcast_in_dim3A_1 : vector<16xf32> to vector<1x16xf32>
    tpu.vector_store %arg10[%swap3A_256, %swap3A_257], %swap3A_260 {strides = array<i32>} : memref<16x128xf32, #tpu.memory_space<vmem>>, vector<1x16xf32>,
    %swap3A_261 = arith.constant 5 : i32
    %swap3A_262 = arith.index_cast %swap3A_261 : i32 to index
    %swap3A_263 = arith.constant 48 : index
    %swap3A_264 = tpu.vector_load %arg10[%swap3A_262, %swap3A_263] {strides = array<i32>} : memref<16x128xf32, #tpu.memory_space<vmem>>, vector<1x16xf32>,
    %swap3A_265 = vector.shape_cast %swap3A_264 : vector<1x16xf32> to vector<16xf32>
    %swap3A_266 = vector.shape_cast %broadcast_in_dim3A_1 : vector<16xf32> to vector<1x16xf32>
    tpu.vector_store %arg10[%swap3A_262, %swap3A_263], %swap3A_266 {strides = array<i32>} : memref<16x128xf32, #tpu.memory_space<vmem>>, vector<1x16xf32>,
    %swap3A_267 = arith.constant 5 : i32
    %swap3A_268 = arith.index_cast %swap3A_267 : i32 to index
    %swap3A_269 = arith.constant 64 : index
    %swap3A_270 = tpu.vector_load %arg10[%swap3A_268, %swap3A_269] {strides = array<i32>} : memref<16x128xf32, #tpu.memory_space<vmem>>, vector<1x16xf32>,
    %swap3A_271 = vector.shape_cast %swap3A_270 : vector<1x16xf32> to vector<16xf32>
    %swap3A_272 = vector.shape_cast %broadcast_in_dim3A_1 : vector<16xf32> to vector<1x16xf32>
    tpu.vector_store %arg10[%swap3A_268, %swap3A_269], %swap3A_272 {strides = array<i32>} : memref<16x128xf32, #tpu.memory_space<vmem>>, vector<1x16xf32>,
    %swap3A_273 = arith.constant 5 : i32
    %swap3A_274 = arith.index_cast %swap3A_273 : i32 to index
    %swap3A_275 = arith.constant 80 : index
    %swap3A_276 = tpu.vector_load %arg10[%swap3A_274, %swap3A_275] {strides = array<i32>} : memref<16x128xf32, #tpu.memory_space<vmem>>, vector<1x16xf32>,
    %swap3A_277 = vector.shape_cast %swap3A_276 : vector<1x16xf32> to vector<16xf32>
    %swap3A_278 = vector.shape_cast %broadcast_in_dim3A_1 : vector<16xf32> to vector<1x16xf32>
    tpu.vector_store %arg10[%swap3A_274, %swap3A_275], %swap3A_278 {strides = array<i32>} : memref<16x128xf32, #tpu.memory_space<vmem>>, vector<1x16xf32>,
    %swap3A_279 = arith.constant 5 : i32
    %swap3A_280 = arith.index_cast %swap3A_279 : i32 to index
    %swap3A_281 = arith.constant 96 : index
    %swap3A_282 = tpu.vector_load %arg10[%swap3A_280, %swap3A_281] {strides = array<i32>} : memref<16x128xf32, #tpu.memory_space<vmem>>, vector<1x16xf32>,
    %swap3A_283 = vector.shape_cast %swap3A_282 : vector<1x16xf32> to vector<16xf32>
    %swap3A_284 = vector.shape_cast %broadcast_in_dim3A_1 : vector<16xf32> to vector<1x16xf32>
    tpu.vector_store %arg10[%swap3A_280, %swap3A_281], %swap3A_284 {strides = array<i32>} : memref<16x128xf32, #tpu.memory_space<vmem>>, vector<1x16xf32>,
    %swap3A_285 = arith.constant 5 : i32
    %swap3A_286 = arith.index_cast %swap3A_285 : i32 to index
    %swap3A_287 = arith.constant 112 : index
    %swap3A_288 = tpu.vector_load %arg10[%swap3A_286, %swap3A_287] {strides = array<i32>} : memref<16x128xf32, #tpu.memory_space<vmem>>, vector<1x16xf32>,
    %swap3A_289 = vector.shape_cast %swap3A_288 : vector<1x16xf32> to vector<16xf32>
    %swap3A_290 = vector.shape_cast %broadcast_in_dim3A_1 : vector<16xf32> to vector<1x16xf32>
    tpu.vector_store %arg10[%swap3A_286, %swap3A_287], %swap3A_290 {strides = array<i32>} : memref<16x128xf32, #tpu.memory_space<vmem>>, vector<1x16xf32>,
    %swap3A_291 = arith.constant 6 : i32
    %swap3A_292 = arith.index_cast %swap3A_291 : i32 to index
    %swap3A_293 = arith.constant 0 : index
    %swap3A_294 = tpu.vector_load %arg10[%swap3A_292, %swap3A_293] {strides = array<i32>} : memref<16x128xf32, #tpu.memory_space<vmem>>, vector<1x16xf32>,
    %swap3A_295 = vector.shape_cast %swap3A_294 : vector<1x16xf32> to vector<16xf32>
    %swap3A_296 = vector.shape_cast %broadcast_in_dim3A_1 : vector<16xf32> to vector<1x16xf32>
    tpu.vector_store %arg10[%swap3A_292, %swap3A_293], %swap3A_296 {strides = array<i32>} : memref<16x128xf32, #tpu.memory_space<vmem>>, vector<1x16xf32>,
    %swap3A_297 = arith.constant 6 : i32
    %swap3A_298 = arith.index_cast %swap3A_297 : i32 to index
    %swap3A_299 = arith.constant 16 : index
    %swap3A_300 = tpu.vector_load %arg10[%swap3A_298, %swap3A_299] {strides = array<i32>} : memref<16x128xf32, #tpu.memory_space<vmem>>, vector<1x16xf32>,
    %swap3A_301 = vector.shape_cast %swap3A_300 : vector<1x16xf32> to vector<16xf32>
    %swap3A_302 = vector.shape_cast %broadcast_in_dim3A_1 : vector<16xf32> to vector<1x16xf32>
    tpu.vector_store %arg10[%swap3A_298, %swap3A_299], %swap3A_302 {strides = array<i32>} : memref<16x128xf32, #tpu.memory_space<vmem>>, vector<1x16xf32>,
    %swap3A_303 = arith.constant 6 : i32
    %swap3A_304 = arith.index_cast %swap3A_303 : i32 to index
    %swap3A_305 = arith.constant 32 : index
    %swap3A_306 = tpu.vector_load %arg10[%swap3A_304, %swap3A_305] {strides = array<i32>} : memref<16x128xf32, #tpu.memory_space<vmem>>, vector<1x16xf32>,
    %swap3A_307 = vector.shape_cast %swap3A_306 : vector<1x16xf32> to vector<16xf32>
    %swap3A_308 = vector.shape_cast %broadcast_in_dim3A_1 : vector<16xf32> to vector<1x16xf32>
    tpu.vector_store %arg10[%swap3A_304, %swap3A_305], %swap3A_308 {strides = array<i32>} : memref<16x128xf32, #tpu.memory_space<vmem>>, vector<1x16xf32>,
    %swap3A_309 = arith.constant 6 : i32
    %swap3A_310 = arith.index_cast %swap3A_309 : i32 to index
    %swap3A_311 = arith.constant 48 : index
    %swap3A_312 = tpu.vector_load %arg10[%swap3A_310, %swap3A_311] {strides = array<i32>} : memref<16x128xf32, #tpu.memory_space<vmem>>, vector<1x16xf32>,
    %swap3A_313 = vector.shape_cast %swap3A_312 : vector<1x16xf32> to vector<16xf32>
    %swap3A_314 = vector.shape_cast %broadcast_in_dim3A_1 : vector<16xf32> to vector<1x16xf32>
    tpu.vector_store %arg10[%swap3A_310, %swap3A_311], %swap3A_314 {strides = array<i32>} : memref<16x128xf32, #tpu.memory_space<vmem>>, vector<1x16xf32>,
    %swap3A_315 = arith.constant 6 : i32
    %swap3A_316 = arith.index_cast %swap3A_315 : i32 to index
    %swap3A_317 = arith.constant 64 : index
    %swap3A_318 = tpu.vector_load %arg10[%swap3A_316, %swap3A_317] {strides = array<i32>} : memref<16x128xf32, #tpu.memory_space<vmem>>, vector<1x16xf32>,
    %swap3A_319 = vector.shape_cast %swap3A_318 : vector<1x16xf32> to vector<16xf32>
    %swap3A_320 = vector.shape_cast %broadcast_in_dim3A_1 : vector<16xf32> to vector<1x16xf32>
    tpu.vector_store %arg10[%swap3A_316, %swap3A_317], %swap3A_320 {strides = array<i32>} : memref<16x128xf32, #tpu.memory_space<vmem>>, vector<1x16xf32>,
    %swap3A_321 = arith.constant 6 : i32
    %swap3A_322 = arith.index_cast %swap3A_321 : i32 to index
    %swap3A_323 = arith.constant 80 : index
    %swap3A_324 = tpu.vector_load %arg10[%swap3A_322, %swap3A_323] {strides = array<i32>} : memref<16x128xf32, #tpu.memory_space<vmem>>, vector<1x16xf32>,
    %swap3A_325 = vector.shape_cast %swap3A_324 : vector<1x16xf32> to vector<16xf32>
    %swap3A_326 = vector.shape_cast %broadcast_in_dim3A_1 : vector<16xf32> to vector<1x16xf32>
    tpu.vector_store %arg10[%swap3A_322, %swap3A_323], %swap3A_326 {strides = array<i32>} : memref<16x128xf32, #tpu.memory_space<vmem>>, vector<1x16xf32>,
    %swap3A_327 = arith.constant 6 : i32
    %swap3A_328 = arith.index_cast %swap3A_327 : i32 to index
    %swap3A_329 = arith.constant 96 : index
    %swap3A_330 = tpu.vector_load %arg10[%swap3A_328, %swap3A_329] {strides = array<i32>} : memref<16x128xf32, #tpu.memory_space<vmem>>, vector<1x16xf32>,
    %swap3A_331 = vector.shape_cast %swap3A_330 : vector<1x16xf32> to vector<16xf32>
    %swap3A_332 = vector.shape_cast %broadcast_in_dim3A_1 : vector<16xf32> to vector<1x16xf32>
    tpu.vector_store %arg10[%swap3A_328, %swap3A_329], %swap3A_332 {strides = array<i32>} : memref<16x128xf32, #tpu.memory_space<vmem>>, vector<1x16xf32>,
    %swap3A_333 = arith.constant 6 : i32
    %swap3A_334 = arith.index_cast %swap3A_333 : i32 to index
    %swap3A_335 = arith.constant 112 : index
    %swap3A_336 = tpu.vector_load %arg10[%swap3A_334, %swap3A_335] {strides = array<i32>} : memref<16x128xf32, #tpu.memory_space<vmem>>, vector<1x16xf32>,
    %swap3A_337 = vector.shape_cast %swap3A_336 : vector<1x16xf32> to vector<16xf32>
    %swap3A_338 = vector.shape_cast %broadcast_in_dim3A_1 : vector<16xf32> to vector<1x16xf32>
    tpu.vector_store %arg10[%swap3A_334, %swap3A_335], %swap3A_338 {strides = array<i32>} : memref<16x128xf32, #tpu.memory_space<vmem>>, vector<1x16xf32>,
    %swap3A_339 = arith.constant 7 : i32
    %swap3A_340 = arith.index_cast %swap3A_339 : i32 to index
    %swap3A_341 = arith.constant 0 : index
    %swap3A_342 = tpu.vector_load %arg10[%swap3A_340, %swap3A_341] {strides = array<i32>} : memref<16x128xf32, #tpu.memory_space<vmem>>, vector<1x16xf32>,
    %swap3A_343 = vector.shape_cast %swap3A_342 : vector<1x16xf32> to vector<16xf32>
    %swap3A_344 = vector.shape_cast %broadcast_in_dim3A_1 : vector<16xf32> to vector<1x16xf32>
    tpu.vector_store %arg10[%swap3A_340, %swap3A_341], %swap3A_344 {strides = array<i32>} : memref<16x128xf32, #tpu.memory_space<vmem>>, vector<1x16xf32>,
    %swap3A_345 = arith.constant 7 : i32
    %swap3A_346 = arith.index_cast %swap3A_345 : i32 to index
    %swap3A_347 = arith.constant 16 : index
    %swap3A_348 = tpu.vector_load %arg10[%swap3A_346, %swap3A_347] {strides = array<i32>} : memref<16x128xf32, #tpu.memory_space<vmem>>, vector<1x16xf32>,
    %swap3A_349 = vector.shape_cast %swap3A_348 : vector<1x16xf32> to vector<16xf32>
    %swap3A_350 = vector.shape_cast %broadcast_in_dim3A_1 : vector<16xf32> to vector<1x16xf32>
    tpu.vector_store %arg10[%swap3A_346, %swap3A_347], %swap3A_350 {strides = array<i32>} : memref<16x128xf32, #tpu.memory_space<vmem>>, vector<1x16xf32>,
    %swap3A_351 = arith.constant 7 : i32
    %swap3A_352 = arith.index_cast %swap3A_351 : i32 to index
    %swap3A_353 = arith.constant 32 : index
    %swap3A_354 = tpu.vector_load %arg10[%swap3A_352, %swap3A_353] {strides = array<i32>} : memref<16x128xf32, #tpu.memory_space<vmem>>, vector<1x16xf32>,
    %swap3A_355 = vector.shape_cast %swap3A_354 : vector<1x16xf32> to vector<16xf32>
    %swap3A_356 = vector.shape_cast %broadcast_in_dim3A_1 : vector<16xf32> to vector<1x16xf32>
    tpu.vector_store %arg10[%swap3A_352, %swap3A_353], %swap3A_356 {strides = array<i32>} : memref<16x128xf32, #tpu.memory_space<vmem>>, vector<1x16xf32>,
    %swap3A_357 = arith.constant 7 : i32
    %swap3A_358 = arith.index_cast %swap3A_357 : i32 to index
    %swap3A_359 = arith.constant 48 : index
    %swap3A_360 = tpu.vector_load %arg10[%swap3A_358, %swap3A_359] {strides = array<i32>} : memref<16x128xf32, #tpu.memory_space<vmem>>, vector<1x16xf32>,
    %swap3A_361 = vector.shape_cast %swap3A_360 : vector<1x16xf32> to vector<16xf32>
    %swap3A_362 = vector.shape_cast %broadcast_in_dim3A_1 : vector<16xf32> to vector<1x16xf32>
    tpu.vector_store %arg10[%swap3A_358, %swap3A_359], %swap3A_362 {strides = array<i32>} : memref<16x128xf32, #tpu.memory_space<vmem>>, vector<1x16xf32>,
    %swap3A_363 = arith.constant 7 : i32
    %swap3A_364 = arith.index_cast %swap3A_363 : i32 to index
    %swap3A_365 = arith.constant 64 : index
    %swap3A_366 = tpu.vector_load %arg10[%swap3A_364, %swap3A_365] {strides = array<i32>} : memref<16x128xf32, #tpu.memory_space<vmem>>, vector<1x16xf32>,
    %swap3A_367 = vector.shape_cast %swap3A_366 : vector<1x16xf32> to vector<16xf32>
    %swap3A_368 = vector.shape_cast %broadcast_in_dim3A_1 : vector<16xf32> to vector<1x16xf32>
    tpu.vector_store %arg10[%swap3A_364, %swap3A_365], %swap3A_368 {strides = array<i32>} : memref<16x128xf32, #tpu.memory_space<vmem>>, vector<1x16xf32>,
    %swap3A_369 = arith.constant 7 : i32
    %swap3A_370 = arith.index_cast %swap3A_369 : i32 to index
    %swap3A_371 = arith.constant 80 : index
    %swap3A_372 = tpu.vector_load %arg10[%swap3A_370, %swap3A_371] {strides = array<i32>} : memref<16x128xf32, #tpu.memory_space<vmem>>, vector<1x16xf32>,
    %swap3A_373 = vector.shape_cast %swap3A_372 : vector<1x16xf32> to vector<16xf32>
    %swap3A_374 = vector.shape_cast %broadcast_in_dim3A_1 : vector<16xf32> to vector<1x16xf32>
    tpu.vector_store %arg10[%swap3A_370, %swap3A_371], %swap3A_374 {strides = array<i32>} : memref<16x128xf32, #tpu.memory_space<vmem>>, vector<1x16xf32>,
    %swap3A_375 = arith.constant 7 : i32
    %swap3A_376 = arith.index_cast %swap3A_375 : i32 to index
    %swap3A_377 = arith.constant 96 : index
    %swap3A_378 = tpu.vector_load %arg10[%swap3A_376, %swap3A_377] {strides = array<i32>} : memref<16x128xf32, #tpu.memory_space<vmem>>, vector<1x16xf32>,
    %swap3A_379 = vector.shape_cast %swap3A_378 : vector<1x16xf32> to vector<16xf32>
    %swap3A_380 = vector.shape_cast %broadcast_in_dim3A_1 : vector<16xf32> to vector<1x16xf32>
    tpu.vector_store %arg10[%swap3A_376, %swap3A_377], %swap3A_380 {strides = array<i32>} : memref<16x128xf32, #tpu.memory_space<vmem>>, vector<1x16xf32>,
    %swap3A_381 = arith.constant 7 : i32
    %swap3A_382 = arith.index_cast %swap3A_381 : i32 to index
    %swap3A_383 = arith.constant 112 : index
    %swap3A_384 = tpu.vector_load %arg10[%swap3A_382, %swap3A_383] {strides = array<i32>} : memref<16x128xf32, #tpu.memory_space<vmem>>, vector<1x16xf32>,
    %swap3A_385 = vector.shape_cast %swap3A_384 : vector<1x16xf32> to vector<16xf32>
    %swap3A_386 = vector.shape_cast %broadcast_in_dim3A_1 : vector<16xf32> to vector<1x16xf32>
    tpu.vector_store %arg10[%swap3A_382, %swap3A_383], %swap3A_386 {strides = array<i32>} : memref<16x128xf32, #tpu.memory_space<vmem>>, vector<1x16xf32>,
    %swap3A_387 = arith.constant 8 : i32
    %swap3A_388 = arith.index_cast %swap3A_387 : i32 to index
    %swap3A_389 = arith.constant 0 : index
    %swap3A_390 = tpu.vector_load %arg10[%swap3A_388, %swap3A_389] {strides = array<i32>} : memref<16x128xf32, #tpu.memory_space<vmem>>, vector<1x16xf32>,
    %swap3A_391 = vector.shape_cast %swap3A_390 : vector<1x16xf32> to vector<16xf32>
    %swap3A_392 = vector.shape_cast %broadcast_in_dim3A_1 : vector<16xf32> to vector<1x16xf32>
    tpu.vector_store %arg10[%swap3A_388, %swap3A_389], %swap3A_392 {strides = array<i32>} : memref<16x128xf32, #tpu.memory_space<vmem>>, vector<1x16xf32>,
    %swap3A_393 = arith.constant 8 : i32
    %swap3A_394 = arith.index_cast %swap3A_393 : i32 to index
    %swap3A_395 = arith.constant 16 : index
    %swap3A_396 = tpu.vector_load %arg10[%swap3A_394, %swap3A_395] {strides = array<i32>} : memref<16x128xf32, #tpu.memory_space<vmem>>, vector<1x16xf32>,
    %swap3A_397 = vector.shape_cast %swap3A_396 : vector<1x16xf32> to vector<16xf32>
    %swap3A_398 = vector.shape_cast %broadcast_in_dim3A_1 : vector<16xf32> to vector<1x16xf32>
    tpu.vector_store %arg10[%swap3A_394, %swap3A_395], %swap3A_398 {strides = array<i32>} : memref<16x128xf32, #tpu.memory_space<vmem>>, vector<1x16xf32>,
    %swap3A_399 = arith.constant 8 : i32
    %swap3A_400 = arith.index_cast %swap3A_399 : i32 to index
    %swap3A_401 = arith.constant 32 : index
    %swap3A_402 = tpu.vector_load %arg10[%swap3A_400, %swap3A_401] {strides = array<i32>} : memref<16x128xf32, #tpu.memory_space<vmem>>, vector<1x16xf32>,
    %swap3A_403 = vector.shape_cast %swap3A_402 : vector<1x16xf32> to vector<16xf32>
    %swap3A_404 = vector.shape_cast %broadcast_in_dim3A_1 : vector<16xf32> to vector<1x16xf32>
    tpu.vector_store %arg10[%swap3A_400, %swap3A_401], %swap3A_404 {strides = array<i32>} : memref<16x128xf32, #tpu.memory_space<vmem>>, vector<1x16xf32>,
    %swap3A_405 = arith.constant 8 : i32
    %swap3A_406 = arith.index_cast %swap3A_405 : i32 to index
    %swap3A_407 = arith.constant 48 : index
    %swap3A_408 = tpu.vector_load %arg10[%swap3A_406, %swap3A_407] {strides = array<i32>} : memref<16x128xf32, #tpu.memory_space<vmem>>, vector<1x16xf32>,
    %swap3A_409 = vector.shape_cast %swap3A_408 : vector<1x16xf32> to vector<16xf32>
    %swap3A_410 = vector.shape_cast %broadcast_in_dim3A_1 : vector<16xf32> to vector<1x16xf32>
    tpu.vector_store %arg10[%swap3A_406, %swap3A_407], %swap3A_410 {strides = array<i32>} : memref<16x128xf32, #tpu.memory_space<vmem>>, vector<1x16xf32>,
    %swap3A_411 = arith.constant 8 : i32
    %swap3A_412 = arith.index_cast %swap3A_411 : i32 to index
    %swap3A_413 = arith.constant 64 : index
    %swap3A_414 = tpu.vector_load %arg10[%swap3A_412, %swap3A_413] {strides = array<i32>} : memref<16x128xf32, #tpu.memory_space<vmem>>, vector<1x16xf32>,
    %swap3A_415 = vector.shape_cast %swap3A_414 : vector<1x16xf32> to vector<16xf32>
    %swap3A_416 = vector.shape_cast %broadcast_in_dim3A_1 : vector<16xf32> to vector<1x16xf32>
    tpu.vector_store %arg10[%swap3A_412, %swap3A_413], %swap3A_416 {strides = array<i32>} : memref<16x128xf32, #tpu.memory_space<vmem>>, vector<1x16xf32>,
    %swap3A_417 = arith.constant 8 : i32
    %swap3A_418 = arith.index_cast %swap3A_417 : i32 to index
    %swap3A_419 = arith.constant 80 : index
    %swap3A_420 = tpu.vector_load %arg10[%swap3A_418, %swap3A_419] {strides = array<i32>} : memref<16x128xf32, #tpu.memory_space<vmem>>, vector<1x16xf32>,
    %swap3A_421 = vector.shape_cast %swap3A_420 : vector<1x16xf32> to vector<16xf32>
    %swap3A_422 = vector.shape_cast %broadcast_in_dim3A_1 : vector<16xf32> to vector<1x16xf32>
    tpu.vector_store %arg10[%swap3A_418, %swap3A_419], %swap3A_422 {strides = array<i32>} : memref<16x128xf32, #tpu.memory_space<vmem>>, vector<1x16xf32>,
    %swap3A_423 = arith.constant 8 : i32
    %swap3A_424 = arith.index_cast %swap3A_423 : i32 to index
    %swap3A_425 = arith.constant 96 : index
    %swap3A_426 = tpu.vector_load %arg10[%swap3A_424, %swap3A_425] {strides = array<i32>} : memref<16x128xf32, #tpu.memory_space<vmem>>, vector<1x16xf32>,
    %swap3A_427 = vector.shape_cast %swap3A_426 : vector<1x16xf32> to vector<16xf32>
    %swap3A_428 = vector.shape_cast %broadcast_in_dim3A_1 : vector<16xf32> to vector<1x16xf32>
    tpu.vector_store %arg10[%swap3A_424, %swap3A_425], %swap3A_428 {strides = array<i32>} : memref<16x128xf32, #tpu.memory_space<vmem>>, vector<1x16xf32>,
    %swap3A_429 = arith.constant 8 : i32
    %swap3A_430 = arith.index_cast %swap3A_429 : i32 to index
    %swap3A_431 = arith.constant 112 : index
    %swap3A_432 = tpu.vector_load %arg10[%swap3A_430, %swap3A_431] {strides = array<i32>} : memref<16x128xf32, #tpu.memory_space<vmem>>, vector<1x16xf32>,
    %swap3A_433 = vector.shape_cast %swap3A_432 : vector<1x16xf32> to vector<16xf32>
    %swap3A_434 = vector.shape_cast %broadcast_in_dim3A_1 : vector<16xf32> to vector<1x16xf32>
    tpu.vector_store %arg10[%swap3A_430, %swap3A_431], %swap3A_434 {strides = array<i32>} : memref<16x128xf32, #tpu.memory_space<vmem>>, vector<1x16xf32>,
    %swap3A_435 = arith.constant 9 : i32
    %swap3A_436 = arith.index_cast %swap3A_435 : i32 to index
    %swap3A_437 = arith.constant 0 : index
    %swap3A_438 = tpu.vector_load %arg10[%swap3A_436, %swap3A_437] {strides = array<i32>} : memref<16x128xf32, #tpu.memory_space<vmem>>, vector<1x16xf32>,
    %swap3A_439 = vector.shape_cast %swap3A_438 : vector<1x16xf32> to vector<16xf32>
    %swap3A_440 = vector.shape_cast %broadcast_in_dim3A_1 : vector<16xf32> to vector<1x16xf32>
    tpu.vector_store %arg10[%swap3A_436, %swap3A_437], %swap3A_440 {strides = array<i32>} : memref<16x128xf32, #tpu.memory_space<vmem>>, vector<1x16xf32>,
    %swap3A_441 = arith.constant 9 : i32
    %swap3A_442 = arith.index_cast %swap3A_441 : i32 to index
    %swap3A_443 = arith.constant 16 : index
    %swap3A_444 = tpu.vector_load %arg10[%swap3A_442, %swap3A_443] {strides = array<i32>} : memref<16x128xf32, #tpu.memory_space<vmem>>, vector<1x16xf32>,
    %swap3A_445 = vector.shape_cast %swap3A_444 : vector<1x16xf32> to vector<16xf32>
    %swap3A_446 = vector.shape_cast %broadcast_in_dim3A_1 : vector<16xf32> to vector<1x16xf32>
    tpu.vector_store %arg10[%swap3A_442, %swap3A_443], %swap3A_446 {strides = array<i32>} : memref<16x128xf32, #tpu.memory_space<vmem>>, vector<1x16xf32>,
    %swap3A_447 = arith.constant 9 : i32
    %swap3A_448 = arith.index_cast %swap3A_447 : i32 to index
    %swap3A_449 = arith.constant 32 : index
    %swap3A_450 = tpu.vector_load %arg10[%swap3A_448, %swap3A_449] {strides = array<i32>} : memref<16x128xf32, #tpu.memory_space<vmem>>, vector<1x16xf32>,
    %swap3A_451 = vector.shape_cast %swap3A_450 : vector<1x16xf32> to vector<16xf32>
    %swap3A_452 = vector.shape_cast %broadcast_in_dim3A_1 : vector<16xf32> to vector<1x16xf32>
    tpu.vector_store %arg10[%swap3A_448, %swap3A_449], %swap3A_452 {strides = array<i32>} : memref<16x128xf32, #tpu.memory_space<vmem>>, vector<1x16xf32>,
    %swap3A_453 = arith.constant 9 : i32
    %swap3A_454 = arith.index_cast %swap3A_453 : i32 to index
    %swap3A_455 = arith.constant 48 : index
    %swap3A_456 = tpu.vector_load %arg10[%swap3A_454, %swap3A_455] {strides = array<i32>} : memref<16x128xf32, #tpu.memory_space<vmem>>, vector<1x16xf32>,
    %swap3A_457 = vector.shape_cast %swap3A_456 : vector<1x16xf32> to vector<16xf32>
    %swap3A_458 = vector.shape_cast %broadcast_in_dim3A_1 : vector<16xf32> to vector<1x16xf32>
    tpu.vector_store %arg10[%swap3A_454, %swap3A_455], %swap3A_458 {strides = array<i32>} : memref<16x128xf32, #tpu.memory_space<vmem>>, vector<1x16xf32>,
    %swap3A_459 = arith.constant 9 : i32
    %swap3A_460 = arith.index_cast %swap3A_459 : i32 to index
    %swap3A_461 = arith.constant 64 : index
    %swap3A_462 = tpu.vector_load %arg10[%swap3A_460, %swap3A_461] {strides = array<i32>} : memref<16x128xf32, #tpu.memory_space<vmem>>, vector<1x16xf32>,
    %swap3A_463 = vector.shape_cast %swap3A_462 : vector<1x16xf32> to vector<16xf32>
    %swap3A_464 = vector.shape_cast %broadcast_in_dim3A_1 : vector<16xf32> to vector<1x16xf32>
    tpu.vector_store %arg10[%swap3A_460, %swap3A_461], %swap3A_464 {strides = array<i32>} : memref<16x128xf32, #tpu.memory_space<vmem>>, vector<1x16xf32>,
    %swap3A_465 = arith.constant 9 : i32
    %swap3A_466 = arith.index_cast %swap3A_465 : i32 to index
    %swap3A_467 = arith.constant 80 : index
    %swap3A_468 = tpu.vector_load %arg10[%swap3A_466, %swap3A_467] {strides = array<i32>} : memref<16x128xf32, #tpu.memory_space<vmem>>, vector<1x16xf32>,
    %swap3A_469 = vector.shape_cast %swap3A_468 : vector<1x16xf32> to vector<16xf32>
    %swap3A_470 = vector.shape_cast %broadcast_in_dim3A_1 : vector<16xf32> to vector<1x16xf32>
    tpu.vector_store %arg10[%swap3A_466, %swap3A_467], %swap3A_470 {strides = array<i32>} : memref<16x128xf32, #tpu.memory_space<vmem>>, vector<1x16xf32>,
    %swap3A_471 = arith.constant 9 : i32
    %swap3A_472 = arith.index_cast %swap3A_471 : i32 to index
    %swap3A_473 = arith.constant 96 : index
    %swap3A_474 = tpu.vector_load %arg10[%swap3A_472, %swap3A_473] {strides = array<i32>} : memref<16x128xf32, #tpu.memory_space<vmem>>, vector<1x16xf32>,
    %swap3A_475 = vector.shape_cast %swap3A_474 : vector<1x16xf32> to vector<16xf32>
    %swap3A_476 = vector.shape_cast %broadcast_in_dim3A_1 : vector<16xf32> to vector<1x16xf32>
    tpu.vector_store %arg10[%swap3A_472, %swap3A_473], %swap3A_476 {strides = array<i32>} : memref<16x128xf32, #tpu.memory_space<vmem>>, vector<1x16xf32>,
    %swap3A_477 = arith.constant 9 : i32
    %swap3A_478 = arith.index_cast %swap3A_477 : i32 to index
    %swap3A_479 = arith.constant 112 : index
    %swap3A_480 = tpu.vector_load %arg10[%swap3A_478, %swap3A_479] {strides = array<i32>} : memref<16x128xf32, #tpu.memory_space<vmem>>, vector<1x16xf32>,
    %swap3A_481 = vector.shape_cast %swap3A_480 : vector<1x16xf32> to vector<16xf32>
    %swap3A_482 = vector.shape_cast %broadcast_in_dim3A_1 : vector<16xf32> to vector<1x16xf32>
    tpu.vector_store %arg10[%swap3A_478, %swap3A_479], %swap3A_482 {strides = array<i32>} : memref<16x128xf32, #tpu.memory_space<vmem>>, vector<1x16xf32>,
    %swap3A_483 = arith.constant 10 : i32
    %swap3A_484 = arith.index_cast %swap3A_483 : i32 to index
    %swap3A_485 = arith.constant 0 : index
    %swap3A_486 = tpu.vector_load %arg10[%swap3A_484, %swap3A_485] {strides = array<i32>} : memref<16x128xf32, #tpu.memory_space<vmem>>, vector<1x16xf32>,
    %swap3A_487 = vector.shape_cast %swap3A_486 : vector<1x16xf32> to vector<16xf32>
    %swap3A_488 = vector.shape_cast %broadcast_in_dim3A_1 : vector<16xf32> to vector<1x16xf32>
    tpu.vector_store %arg10[%swap3A_484, %swap3A_485], %swap3A_488 {strides = array<i32>} : memref<16x128xf32, #tpu.memory_space<vmem>>, vector<1x16xf32>,
    %swap3A_489 = arith.constant 10 : i32
    %swap3A_490 = arith.index_cast %swap3A_489 : i32 to index
    %swap3A_491 = arith.constant 16 : index
    %swap3A_492 = tpu.vector_load %arg10[%swap3A_490, %swap3A_491] {strides = array<i32>} : memref<16x128xf32, #tpu.memory_space<vmem>>, vector<1x16xf32>,
    %swap3A_493 = vector.shape_cast %swap3A_492 : vector<1x16xf32> to vector<16xf32>
    %swap3A_494 = vector.shape_cast %broadcast_in_dim3A_1 : vector<16xf32> to vector<1x16xf32>
    tpu.vector_store %arg10[%swap3A_490, %swap3A_491], %swap3A_494 {strides = array<i32>} : memref<16x128xf32, #tpu.memory_space<vmem>>, vector<1x16xf32>,
    %swap3A_495 = arith.constant 10 : i32
    %swap3A_496 = arith.index_cast %swap3A_495 : i32 to index
    %swap3A_497 = arith.constant 32 : index
    %swap3A_498 = tpu.vector_load %arg10[%swap3A_496, %swap3A_497] {strides = array<i32>} : memref<16x128xf32, #tpu.memory_space<vmem>>, vector<1x16xf32>,
    %swap3A_499 = vector.shape_cast %swap3A_498 : vector<1x16xf32> to vector<16xf32>
    %swap3A_500 = vector.shape_cast %broadcast_in_dim3A_1 : vector<16xf32> to vector<1x16xf32>
    tpu.vector_store %arg10[%swap3A_496, %swap3A_497], %swap3A_500 {strides = array<i32>} : memref<16x128xf32, #tpu.memory_space<vmem>>, vector<1x16xf32>,
    %swap3A_501 = arith.constant 10 : i32
    %swap3A_502 = arith.index_cast %swap3A_501 : i32 to index
    %swap3A_503 = arith.constant 48 : index
    %swap3A_504 = tpu.vector_load %arg10[%swap3A_502, %swap3A_503] {strides = array<i32>} : memref<16x128xf32, #tpu.memory_space<vmem>>, vector<1x16xf32>,
    %swap3A_505 = vector.shape_cast %swap3A_504 : vector<1x16xf32> to vector<16xf32>
    %swap3A_506 = vector.shape_cast %broadcast_in_dim3A_1 : vector<16xf32> to vector<1x16xf32>
    tpu.vector_store %arg10[%swap3A_502, %swap3A_503], %swap3A_506 {strides = array<i32>} : memref<16x128xf32, #tpu.memory_space<vmem>>, vector<1x16xf32>,
    %swap3A_507 = arith.constant 10 : i32
    %swap3A_508 = arith.index_cast %swap3A_507 : i32 to index
    %swap3A_509 = arith.constant 64 : index
    %swap3A_510 = tpu.vector_load %arg10[%swap3A_508, %swap3A_509] {strides = array<i32>} : memref<16x128xf32, #tpu.memory_space<vmem>>, vector<1x16xf32>,
    %swap3A_511 = vector.shape_cast %swap3A_510 : vector<1x16xf32> to vector<16xf32>
    %swap3A_512 = vector.shape_cast %broadcast_in_dim3A_1 : vector<16xf32> to vector<1x16xf32>
    tpu.vector_store %arg10[%swap3A_508, %swap3A_509], %swap3A_512 {strides = array<i32>} : memref<16x128xf32, #tpu.memory_space<vmem>>, vector<1x16xf32>,
    %swap3A_513 = arith.constant 10 : i32
    %swap3A_514 = arith.index_cast %swap3A_513 : i32 to index
    %swap3A_515 = arith.constant 80 : index
    %swap3A_516 = tpu.vector_load %arg10[%swap3A_514, %swap3A_515] {strides = array<i32>} : memref<16x128xf32, #tpu.memory_space<vmem>>, vector<1x16xf32>,
    %swap3A_517 = vector.shape_cast %swap3A_516 : vector<1x16xf32> to vector<16xf32>
    %swap3A_518 = vector.shape_cast %broadcast_in_dim3A_1 : vector<16xf32> to vector<1x16xf32>
    tpu.vector_store %arg10[%swap3A_514, %swap3A_515], %swap3A_518 {strides = array<i32>} : memref<16x128xf32, #tpu.memory_space<vmem>>, vector<1x16xf32>,
    %swap3A_519 = arith.constant 10 : i32
    %swap3A_520 = arith.index_cast %swap3A_519 : i32 to index
    %swap3A_521 = arith.constant 96 : index
    %swap3A_522 = tpu.vector_load %arg10[%swap3A_520, %swap3A_521] {strides = array<i32>} : memref<16x128xf32, #tpu.memory_space<vmem>>, vector<1x16xf32>,
    %swap3A_523 = vector.shape_cast %swap3A_522 : vector<1x16xf32> to vector<16xf32>
    %swap3A_524 = vector.shape_cast %broadcast_in_dim3A_1 : vector<16xf32> to vector<1x16xf32>
    tpu.vector_store %arg10[%swap3A_520, %swap3A_521], %swap3A_524 {strides = array<i32>} : memref<16x128xf32, #tpu.memory_space<vmem>>, vector<1x16xf32>,
    %swap3A_525 = arith.constant 10 : i32
    %swap3A_526 = arith.index_cast %swap3A_525 : i32 to index
    %swap3A_527 = arith.constant 112 : index
    %swap3A_528 = tpu.vector_load %arg10[%swap3A_526, %swap3A_527] {strides = array<i32>} : memref<16x128xf32, #tpu.memory_space<vmem>>, vector<1x16xf32>,
    %swap3A_529 = vector.shape_cast %swap3A_528 : vector<1x16xf32> to vector<16xf32>
    %swap3A_530 = vector.shape_cast %broadcast_in_dim3A_1 : vector<16xf32> to vector<1x16xf32>
    tpu.vector_store %arg10[%swap3A_526, %swap3A_527], %swap3A_530 {strides = array<i32>} : memref<16x128xf32, #tpu.memory_space<vmem>>, vector<1x16xf32>,
    %swap3A_531 = arith.constant 11 : i32
    %swap3A_532 = arith.index_cast %swap3A_531 : i32 to index
    %swap3A_533 = arith.constant 0 : index
    %swap3A_534 = tpu.vector_load %arg10[%swap3A_532, %swap3A_533] {strides = array<i32>} : memref<16x128xf32, #tpu.memory_space<vmem>>, vector<1x16xf32>,
    %swap3A_535 = vector.shape_cast %swap3A_534 : vector<1x16xf32> to vector<16xf32>
    %swap3A_536 = vector.shape_cast %broadcast_in_dim3A_1 : vector<16xf32> to vector<1x16xf32>
    tpu.vector_store %arg10[%swap3A_532, %swap3A_533], %swap3A_536 {strides = array<i32>} : memref<16x128xf32, #tpu.memory_space<vmem>>, vector<1x16xf32>,
    %swap3A_537 = arith.constant 11 : i32
    %swap3A_538 = arith.index_cast %swap3A_537 : i32 to index
    %swap3A_539 = arith.constant 16 : index
    %swap3A_540 = tpu.vector_load %arg10[%swap3A_538, %swap3A_539] {strides = array<i32>} : memref<16x128xf32, #tpu.memory_space<vmem>>, vector<1x16xf32>,
    %swap3A_541 = vector.shape_cast %swap3A_540 : vector<1x16xf32> to vector<16xf32>
    %swap3A_542 = vector.shape_cast %broadcast_in_dim3A_1 : vector<16xf32> to vector<1x16xf32>
    tpu.vector_store %arg10[%swap3A_538, %swap3A_539], %swap3A_542 {strides = array<i32>} : memref<16x128xf32, #tpu.memory_space<vmem>>, vector<1x16xf32>,
    %swap3A_543 = arith.constant 11 : i32
    %swap3A_544 = arith.index_cast %swap3A_543 : i32 to index
    %swap3A_545 = arith.constant 32 : index
    %swap3A_546 = tpu.vector_load %arg10[%swap3A_544, %swap3A_545] {strides = array<i32>} : memref<16x128xf32, #tpu.memory_space<vmem>>, vector<1x16xf32>,
    %swap3A_547 = vector.shape_cast %swap3A_546 : vector<1x16xf32> to vector<16xf32>
    %swap3A_548 = vector.shape_cast %broadcast_in_dim3A_1 : vector<16xf32> to vector<1x16xf32>
    tpu.vector_store %arg10[%swap3A_544, %swap3A_545], %swap3A_548 {strides = array<i32>} : memref<16x128xf32, #tpu.memory_space<vmem>>, vector<1x16xf32>,
    %swap3A_549 = arith.constant 11 : i32
    %swap3A_550 = arith.index_cast %swap3A_549 : i32 to index
    %swap3A_551 = arith.constant 48 : index
    %swap3A_552 = tpu.vector_load %arg10[%swap3A_550, %swap3A_551] {strides = array<i32>} : memref<16x128xf32, #tpu.memory_space<vmem>>, vector<1x16xf32>,
    %swap3A_553 = vector.shape_cast %swap3A_552 : vector<1x16xf32> to vector<16xf32>
    %swap3A_554 = vector.shape_cast %broadcast_in_dim3A_1 : vector<16xf32> to vector<1x16xf32>
    tpu.vector_store %arg10[%swap3A_550, %swap3A_551], %swap3A_554 {strides = array<i32>} : memref<16x128xf32, #tpu.memory_space<vmem>>, vector<1x16xf32>,
    %swap3A_555 = arith.constant 11 : i32
    %swap3A_556 = arith.index_cast %swap3A_555 : i32 to index
    %swap3A_557 = arith.constant 64 : index
    %swap3A_558 = tpu.vector_load %arg10[%swap3A_556, %swap3A_557] {strides = array<i32>} : memref<16x128xf32, #tpu.memory_space<vmem>>, vector<1x16xf32>,
    %swap3A_559 = vector.shape_cast %swap3A_558 : vector<1x16xf32> to vector<16xf32>
    %swap3A_560 = vector.shape_cast %broadcast_in_dim3A_1 : vector<16xf32> to vector<1x16xf32>
    tpu.vector_store %arg10[%swap3A_556, %swap3A_557], %swap3A_560 {strides = array<i32>} : memref<16x128xf32, #tpu.memory_space<vmem>>, vector<1x16xf32>,
    %swap3A_561 = arith.constant 11 : i32
    %swap3A_562 = arith.index_cast %swap3A_561 : i32 to index
    %swap3A_563 = arith.constant 80 : index
    %swap3A_564 = tpu.vector_load %arg10[%swap3A_562, %swap3A_563] {strides = array<i32>} : memref<16x128xf32, #tpu.memory_space<vmem>>, vector<1x16xf32>,
    %swap3A_565 = vector.shape_cast %swap3A_564 : vector<1x16xf32> to vector<16xf32>
    %swap3A_566 = vector.shape_cast %broadcast_in_dim3A_1 : vector<16xf32> to vector<1x16xf32>
    tpu.vector_store %arg10[%swap3A_562, %swap3A_563], %swap3A_566 {strides = array<i32>} : memref<16x128xf32, #tpu.memory_space<vmem>>, vector<1x16xf32>,
    %swap3A_567 = arith.constant 11 : i32
    %swap3A_568 = arith.index_cast %swap3A_567 : i32 to index
    %swap3A_569 = arith.constant 96 : index
    %swap3A_570 = tpu.vector_load %arg10[%swap3A_568, %swap3A_569] {strides = array<i32>} : memref<16x128xf32, #tpu.memory_space<vmem>>, vector<1x16xf32>,
    %swap3A_571 = vector.shape_cast %swap3A_570 : vector<1x16xf32> to vector<16xf32>
    %swap3A_572 = vector.shape_cast %broadcast_in_dim3A_1 : vector<16xf32> to vector<1x16xf32>
    tpu.vector_store %arg10[%swap3A_568, %swap3A_569], %swap3A_572 {strides = array<i32>} : memref<16x128xf32, #tpu.memory_space<vmem>>, vector<1x16xf32>,
    %swap3A_573 = arith.constant 11 : i32
    %swap3A_574 = arith.index_cast %swap3A_573 : i32 to index
    %swap3A_575 = arith.constant 112 : index
    %swap3A_576 = tpu.vector_load %arg10[%swap3A_574, %swap3A_575] {strides = array<i32>} : memref<16x128xf32, #tpu.memory_space<vmem>>, vector<1x16xf32>,
    %swap3A_577 = vector.shape_cast %swap3A_576 : vector<1x16xf32> to vector<16xf32>
    %swap3A_578 = vector.shape_cast %broadcast_in_dim3A_1 : vector<16xf32> to vector<1x16xf32>
    tpu.vector_store %arg10[%swap3A_574, %swap3A_575], %swap3A_578 {strides = array<i32>} : memref<16x128xf32, #tpu.memory_space<vmem>>, vector<1x16xf32>,
    %swap3A_579 = arith.constant 12 : i32
    %swap3A_580 = arith.index_cast %swap3A_579 : i32 to index
    %swap3A_581 = arith.constant 0 : index
    %swap3A_582 = tpu.vector_load %arg10[%swap3A_580, %swap3A_581] {strides = array<i32>} : memref<16x128xf32, #tpu.memory_space<vmem>>, vector<1x16xf32>,
    %swap3A_583 = vector.shape_cast %swap3A_582 : vector<1x16xf32> to vector<16xf32>
    %swap3A_584 = vector.shape_cast %broadcast_in_dim3A_1 : vector<16xf32> to vector<1x16xf32>
    tpu.vector_store %arg10[%swap3A_580, %swap3A_581], %swap3A_584 {strides = array<i32>} : memref<16x128xf32, #tpu.memory_space<vmem>>, vector<1x16xf32>,
    %swap3A_585 = arith.constant 12 : i32
    %swap3A_586 = arith.index_cast %swap3A_585 : i32 to index
    %swap3A_587 = arith.constant 16 : index
    %swap3A_588 = tpu.vector_load %arg10[%swap3A_586, %swap3A_587] {strides = array<i32>} : memref<16x128xf32, #tpu.memory_space<vmem>>, vector<1x16xf32>,
    %swap3A_589 = vector.shape_cast %swap3A_588 : vector<1x16xf32> to vector<16xf32>
    %swap3A_590 = vector.shape_cast %broadcast_in_dim3A_1 : vector<16xf32> to vector<1x16xf32>
    tpu.vector_store %arg10[%swap3A_586, %swap3A_587], %swap3A_590 {strides = array<i32>} : memref<16x128xf32, #tpu.memory_space<vmem>>, vector<1x16xf32>,
    %swap3A_591 = arith.constant 12 : i32
    %swap3A_592 = arith.index_cast %swap3A_591 : i32 to index
    %swap3A_593 = arith.constant 32 : index
    %swap3A_594 = tpu.vector_load %arg10[%swap3A_592, %swap3A_593] {strides = array<i32>} : memref<16x128xf32, #tpu.memory_space<vmem>>, vector<1x16xf32>,
    %swap3A_595 = vector.shape_cast %swap3A_594 : vector<1x16xf32> to vector<16xf32>
    %swap3A_596 = vector.shape_cast %broadcast_in_dim3A_1 : vector<16xf32> to vector<1x16xf32>
    tpu.vector_store %arg10[%swap3A_592, %swap3A_593], %swap3A_596 {strides = array<i32>} : memref<16x128xf32, #tpu.memory_space<vmem>>, vector<1x16xf32>,
    %swap3A_597 = arith.constant 12 : i32
    %swap3A_598 = arith.index_cast %swap3A_597 : i32 to index
    %swap3A_599 = arith.constant 48 : index
    %swap3A_600 = tpu.vector_load %arg10[%swap3A_598, %swap3A_599] {strides = array<i32>} : memref<16x128xf32, #tpu.memory_space<vmem>>, vector<1x16xf32>,
    %swap3A_601 = vector.shape_cast %swap3A_600 : vector<1x16xf32> to vector<16xf32>
    %swap3A_602 = vector.shape_cast %broadcast_in_dim3A_1 : vector<16xf32> to vector<1x16xf32>
    tpu.vector_store %arg10[%swap3A_598, %swap3A_599], %swap3A_602 {strides = array<i32>} : memref<16x128xf32, #tpu.memory_space<vmem>>, vector<1x16xf32>,
    %swap3A_603 = arith.constant 12 : i32
    %swap3A_604 = arith.index_cast %swap3A_603 : i32 to index
    %swap3A_605 = arith.constant 64 : index
    %swap3A_606 = tpu.vector_load %arg10[%swap3A_604, %swap3A_605] {strides = array<i32>} : memref<16x128xf32, #tpu.memory_space<vmem>>, vector<1x16xf32>,
    %swap3A_607 = vector.shape_cast %swap3A_606 : vector<1x16xf32> to vector<16xf32>
    %swap3A_608 = vector.shape_cast %broadcast_in_dim3A_1 : vector<16xf32> to vector<1x16xf32>
    tpu.vector_store %arg10[%swap3A_604, %swap3A_605], %swap3A_608 {strides = array<i32>} : memref<16x128xf32, #tpu.memory_space<vmem>>, vector<1x16xf32>,
    %swap3A_609 = arith.constant 12 : i32
    %swap3A_610 = arith.index_cast %swap3A_609 : i32 to index
    %swap3A_611 = arith.constant 80 : index
    %swap3A_612 = tpu.vector_load %arg10[%swap3A_610, %swap3A_611] {strides = array<i32>} : memref<16x128xf32, #tpu.memory_space<vmem>>, vector<1x16xf32>,
    %swap3A_613 = vector.shape_cast %swap3A_612 : vector<1x16xf32> to vector<16xf32>
    %swap3A_614 = vector.shape_cast %broadcast_in_dim3A_1 : vector<16xf32> to vector<1x16xf32>
    tpu.vector_store %arg10[%swap3A_610, %swap3A_611], %swap3A_614 {strides = array<i32>} : memref<16x128xf32, #tpu.memory_space<vmem>>, vector<1x16xf32>,
    %swap3A_615 = arith.constant 12 : i32
    %swap3A_616 = arith.index_cast %swap3A_615 : i32 to index
    %swap3A_617 = arith.constant 96 : index
    %swap3A_618 = tpu.vector_load %arg10[%swap3A_616, %swap3A_617] {strides = array<i32>} : memref<16x128xf32, #tpu.memory_space<vmem>>, vector<1x16xf32>,
    %swap3A_619 = vector.shape_cast %swap3A_618 : vector<1x16xf32> to vector<16xf32>
    %swap3A_620 = vector.shape_cast %broadcast_in_dim3A_1 : vector<16xf32> to vector<1x16xf32>
    tpu.vector_store %arg10[%swap3A_616, %swap3A_617], %swap3A_620 {strides = array<i32>} : memref<16x128xf32, #tpu.memory_space<vmem>>, vector<1x16xf32>,
    %swap3A_621 = arith.constant 12 : i32
    %swap3A_622 = arith.index_cast %swap3A_621 : i32 to index
    %swap3A_623 = arith.constant 112 : index
    %swap3A_624 = tpu.vector_load %arg10[%swap3A_622, %swap3A_623] {strides = array<i32>} : memref<16x128xf32, #tpu.memory_space<vmem>>, vector<1x16xf32>,
    %swap3A_625 = vector.shape_cast %swap3A_624 : vector<1x16xf32> to vector<16xf32>
    %swap3A_626 = vector.shape_cast %broadcast_in_dim3A_1 : vector<16xf32> to vector<1x16xf32>
    tpu.vector_store %arg10[%swap3A_622, %swap3A_623], %swap3A_626 {strides = array<i32>} : memref<16x128xf32, #tpu.memory_space<vmem>>, vector<1x16xf32>,
    %swap3A_627 = arith.constant 13 : i32
    %swap3A_628 = arith.index_cast %swap3A_627 : i32 to index
    %swap3A_629 = arith.constant 0 : index
    %swap3A_630 = tpu.vector_load %arg10[%swap3A_628, %swap3A_629] {strides = array<i32>} : memref<16x128xf32, #tpu.memory_space<vmem>>, vector<1x16xf32>,
    %swap3A_631 = vector.shape_cast %swap3A_630 : vector<1x16xf32> to vector<16xf32>
    %swap3A_632 = vector.shape_cast %broadcast_in_dim3A_1 : vector<16xf32> to vector<1x16xf32>
    tpu.vector_store %arg10[%swap3A_628, %swap3A_629], %swap3A_632 {strides = array<i32>} : memref<16x128xf32, #tpu.memory_space<vmem>>, vector<1x16xf32>,
    %swap3A_633 = arith.constant 13 : i32
    %swap3A_634 = arith.index_cast %swap3A_633 : i32 to index
    %swap3A_635 = arith.constant 16 : index
    %swap3A_636 = tpu.vector_load %arg10[%swap3A_634, %swap3A_635] {strides = array<i32>} : memref<16x128xf32, #tpu.memory_space<vmem>>, vector<1x16xf32>,
    %swap3A_637 = vector.shape_cast %swap3A_636 : vector<1x16xf32> to vector<16xf32>
    %swap3A_638 = vector.shape_cast %broadcast_in_dim3A_1 : vector<16xf32> to vector<1x16xf32>
    tpu.vector_store %arg10[%swap3A_634, %swap3A_635], %swap3A_638 {strides = array<i32>} : memref<16x128xf32, #tpu.memory_space<vmem>>, vector<1x16xf32>,
    %swap3A_639 = arith.constant 13 : i32
    %swap3A_640 = arith.index_cast %swap3A_639 : i32 to index
    %swap3A_641 = arith.constant 32 : index
    %swap3A_642 = tpu.vector_load %arg10[%swap3A_640, %swap3A_641] {strides = array<i32>} : memref<16x128xf32, #tpu.memory_space<vmem>>, vector<1x16xf32>,
    %swap3A_643 = vector.shape_cast %swap3A_642 : vector<1x16xf32> to vector<16xf32>
    %swap3A_644 = vector.shape_cast %broadcast_in_dim3A_1 : vector<16xf32> to vector<1x16xf32>
    tpu.vector_store %arg10[%swap3A_640, %swap3A_641], %swap3A_644 {strides = array<i32>} : memref<16x128xf32, #tpu.memory_space<vmem>>, vector<1x16xf32>,
    %swap3A_645 = arith.constant 13 : i32
    %swap3A_646 = arith.index_cast %swap3A_645 : i32 to index
    %swap3A_647 = arith.constant 48 : index
    %swap3A_648 = tpu.vector_load %arg10[%swap3A_646, %swap3A_647] {strides = array<i32>} : memref<16x128xf32, #tpu.memory_space<vmem>>, vector<1x16xf32>,
    %swap3A_649 = vector.shape_cast %swap3A_648 : vector<1x16xf32> to vector<16xf32>
    %swap3A_650 = vector.shape_cast %broadcast_in_dim3A_1 : vector<16xf32> to vector<1x16xf32>
    tpu.vector_store %arg10[%swap3A_646, %swap3A_647], %swap3A_650 {strides = array<i32>} : memref<16x128xf32, #tpu.memory_space<vmem>>, vector<1x16xf32>,
    %swap3A_651 = arith.constant 13 : i32
    %swap3A_652 = arith.index_cast %swap3A_651 : i32 to index
    %swap3A_653 = arith.constant 64 : index
    %swap3A_654 = tpu.vector_load %arg10[%swap3A_652, %swap3A_653] {strides = array<i32>} : memref<16x128xf32, #tpu.memory_space<vmem>>, vector<1x16xf32>,
    %swap3A_655 = vector.shape_cast %swap3A_654 : vector<1x16xf32> to vector<16xf32>
    %swap3A_656 = vector.shape_cast %broadcast_in_dim3A_1 : vector<16xf32> to vector<1x16xf32>
    tpu.vector_store %arg10[%swap3A_652, %swap3A_653], %swap3A_656 {strides = array<i32>} : memref<16x128xf32, #tpu.memory_space<vmem>>, vector<1x16xf32>,
    %swap3A_657 = arith.constant 13 : i32
    %swap3A_658 = arith.index_cast %swap3A_657 : i32 to index
    %swap3A_659 = arith.constant 80 : index
    %swap3A_660 = tpu.vector_load %arg10[%swap3A_658, %swap3A_659] {strides = array<i32>} : memref<16x128xf32, #tpu.memory_space<vmem>>, vector<1x16xf32>,
    %swap3A_661 = vector.shape_cast %swap3A_660 : vector<1x16xf32> to vector<16xf32>
    %swap3A_662 = vector.shape_cast %broadcast_in_dim3A_1 : vector<16xf32> to vector<1x16xf32>
    tpu.vector_store %arg10[%swap3A_658, %swap3A_659], %swap3A_662 {strides = array<i32>} : memref<16x128xf32, #tpu.memory_space<vmem>>, vector<1x16xf32>,
    %swap3A_663 = arith.constant 13 : i32
    %swap3A_664 = arith.index_cast %swap3A_663 : i32 to index
    %swap3A_665 = arith.constant 96 : index
    %swap3A_666 = tpu.vector_load %arg10[%swap3A_664, %swap3A_665] {strides = array<i32>} : memref<16x128xf32, #tpu.memory_space<vmem>>, vector<1x16xf32>,
    %swap3A_667 = vector.shape_cast %swap3A_666 : vector<1x16xf32> to vector<16xf32>
    %swap3A_668 = vector.shape_cast %broadcast_in_dim3A_1 : vector<16xf32> to vector<1x16xf32>
    tpu.vector_store %arg10[%swap3A_664, %swap3A_665], %swap3A_668 {strides = array<i32>} : memref<16x128xf32, #tpu.memory_space<vmem>>, vector<1x16xf32>,
    %swap3A_669 = arith.constant 13 : i32
    %swap3A_670 = arith.index_cast %swap3A_669 : i32 to index
    %swap3A_671 = arith.constant 112 : index
    %swap3A_672 = tpu.vector_load %arg10[%swap3A_670, %swap3A_671] {strides = array<i32>} : memref<16x128xf32, #tpu.memory_space<vmem>>, vector<1x16xf32>,
    %swap3A_673 = vector.shape_cast %swap3A_672 : vector<1x16xf32> to vector<16xf32>
    %swap3A_674 = vector.shape_cast %broadcast_in_dim3A_1 : vector<16xf32> to vector<1x16xf32>
    tpu.vector_store %arg10[%swap3A_670, %swap3A_671], %swap3A_674 {strides = array<i32>} : memref<16x128xf32, #tpu.memory_space<vmem>>, vector<1x16xf32>,
    %swap3A_675 = arith.constant 14 : i32
    %swap3A_676 = arith.index_cast %swap3A_675 : i32 to index
    %swap3A_677 = arith.constant 0 : index
    %swap3A_678 = tpu.vector_load %arg10[%swap3A_676, %swap3A_677] {strides = array<i32>} : memref<16x128xf32, #tpu.memory_space<vmem>>, vector<1x16xf32>,
    %swap3A_679 = vector.shape_cast %swap3A_678 : vector<1x16xf32> to vector<16xf32>
    %swap3A_680 = vector.shape_cast %broadcast_in_dim3A_1 : vector<16xf32> to vector<1x16xf32>
    tpu.vector_store %arg10[%swap3A_676, %swap3A_677], %swap3A_680 {strides = array<i32>} : memref<16x128xf32, #tpu.memory_space<vmem>>, vector<1x16xf32>,
    %swap3A_681 = arith.constant 14 : i32
    %swap3A_682 = arith.index_cast %swap3A_681 : i32 to index
    %swap3A_683 = arith.constant 16 : index
    %swap3A_684 = tpu.vector_load %arg10[%swap3A_682, %swap3A_683] {strides = array<i32>} : memref<16x128xf32, #tpu.memory_space<vmem>>, vector<1x16xf32>,
    %swap3A_685 = vector.shape_cast %swap3A_684 : vector<1x16xf32> to vector<16xf32>
    %swap3A_686 = vector.shape_cast %broadcast_in_dim3A_1 : vector<16xf32> to vector<1x16xf32>
    tpu.vector_store %arg10[%swap3A_682, %swap3A_683], %swap3A_686 {strides = array<i32>} : memref<16x128xf32, #tpu.memory_space<vmem>>, vector<1x16xf32>,
    %swap3A_687 = arith.constant 14 : i32
    %swap3A_688 = arith.index_cast %swap3A_687 : i32 to index
    %swap3A_689 = arith.constant 32 : index
    %swap3A_690 = tpu.vector_load %arg10[%swap3A_688, %swap3A_689] {strides = array<i32>} : memref<16x128xf32, #tpu.memory_space<vmem>>, vector<1x16xf32>,
    %swap3A_691 = vector.shape_cast %swap3A_690 : vector<1x16xf32> to vector<16xf32>
    %swap3A_692 = vector.shape_cast %broadcast_in_dim3A_1 : vector<16xf32> to vector<1x16xf32>
    tpu.vector_store %arg10[%swap3A_688, %swap3A_689], %swap3A_692 {strides = array<i32>} : memref<16x128xf32, #tpu.memory_space<vmem>>, vector<1x16xf32>,
    %swap3A_693 = arith.constant 14 : i32
    %swap3A_694 = arith.index_cast %swap3A_693 : i32 to index
    %swap3A_695 = arith.constant 48 : index
    %swap3A_696 = tpu.vector_load %arg10[%swap3A_694, %swap3A_695] {strides = array<i32>} : memref<16x128xf32, #tpu.memory_space<vmem>>, vector<1x16xf32>,
    %swap3A_697 = vector.shape_cast %swap3A_696 : vector<1x16xf32> to vector<16xf32>
    %swap3A_698 = vector.shape_cast %broadcast_in_dim3A_1 : vector<16xf32> to vector<1x16xf32>
    tpu.vector_store %arg10[%swap3A_694, %swap3A_695], %swap3A_698 {strides = array<i32>} : memref<16x128xf32, #tpu.memory_space<vmem>>, vector<1x16xf32>,
    %swap3A_699 = arith.constant 14 : i32
    %swap3A_700 = arith.index_cast %swap3A_699 : i32 to index
    %swap3A_701 = arith.constant 64 : index
    %swap3A_702 = tpu.vector_load %arg10[%swap3A_700, %swap3A_701] {strides = array<i32>} : memref<16x128xf32, #tpu.memory_space<vmem>>, vector<1x16xf32>,
    %swap3A_703 = vector.shape_cast %swap3A_702 : vector<1x16xf32> to vector<16xf32>
    %swap3A_704 = vector.shape_cast %broadcast_in_dim3A_1 : vector<16xf32> to vector<1x16xf32>
    tpu.vector_store %arg10[%swap3A_700, %swap3A_701], %swap3A_704 {strides = array<i32>} : memref<16x128xf32, #tpu.memory_space<vmem>>, vector<1x16xf32>,
    %swap3A_705 = arith.constant 14 : i32
    %swap3A_706 = arith.index_cast %swap3A_705 : i32 to index
    %swap3A_707 = arith.constant 80 : index
    %swap3A_708 = tpu.vector_load %arg10[%swap3A_706, %swap3A_707] {strides = array<i32>} : memref<16x128xf32, #tpu.memory_space<vmem>>, vector<1x16xf32>,
    %swap3A_709 = vector.shape_cast %swap3A_708 : vector<1x16xf32> to vector<16xf32>
    %swap3A_710 = vector.shape_cast %broadcast_in_dim3A_1 : vector<16xf32> to vector<1x16xf32>
    tpu.vector_store %arg10[%swap3A_706, %swap3A_707], %swap3A_710 {strides = array<i32>} : memref<16x128xf32, #tpu.memory_space<vmem>>, vector<1x16xf32>,
    %swap3A_711 = arith.constant 14 : i32
    %swap3A_712 = arith.index_cast %swap3A_711 : i32 to index
    %swap3A_713 = arith.constant 96 : index
    %swap3A_714 = tpu.vector_load %arg10[%swap3A_712, %swap3A_713] {strides = array<i32>} : memref<16x128xf32, #tpu.memory_space<vmem>>, vector<1x16xf32>,
    %swap3A_715 = vector.shape_cast %swap3A_714 : vector<1x16xf32> to vector<16xf32>
    %swap3A_716 = vector.shape_cast %broadcast_in_dim3A_1 : vector<16xf32> to vector<1x16xf32>
    tpu.vector_store %arg10[%swap3A_712, %swap3A_713], %swap3A_716 {strides = array<i32>} : memref<16x128xf32, #tpu.memory_space<vmem>>, vector<1x16xf32>,
    %swap3A_717 = arith.constant 14 : i32
    %swap3A_718 = arith.index_cast %swap3A_717 : i32 to index
    %swap3A_719 = arith.constant 112 : index
    %swap3A_720 = tpu.vector_load %arg10[%swap3A_718, %swap3A_719] {strides = array<i32>} : memref<16x128xf32, #tpu.memory_space<vmem>>, vector<1x16xf32>,
    %swap3A_721 = vector.shape_cast %swap3A_720 : vector<1x16xf32> to vector<16xf32>
    %swap3A_722 = vector.shape_cast %broadcast_in_dim3A_1 : vector<16xf32> to vector<1x16xf32>
    tpu.vector_store %arg10[%swap3A_718, %swap3A_719], %swap3A_722 {strides = array<i32>} : memref<16x128xf32, #tpu.memory_space<vmem>>, vector<1x16xf32>,
    %swap3A_723 = arith.constant 15 : i32
    %swap3A_724 = arith.index_cast %swap3A_723 : i32 to index
    %swap3A_725 = arith.constant 0 : index
    %swap3A_726 = tpu.vector_load %arg10[%swap3A_724, %swap3A_725] {strides = array<i32>} : memref<16x128xf32, #tpu.memory_space<vmem>>, vector<1x16xf32>,
    %swap3A_727 = vector.shape_cast %swap3A_726 : vector<1x16xf32> to vector<16xf32>
    %swap3A_728 = vector.shape_cast %broadcast_in_dim3A_1 : vector<16xf32> to vector<1x16xf32>
    tpu.vector_store %arg10[%swap3A_724, %swap3A_725], %swap3A_728 {strides = array<i32>} : memref<16x128xf32, #tpu.memory_space<vmem>>, vector<1x16xf32>,
    %swap3A_729 = arith.constant 15 : i32
    %swap3A_730 = arith.index_cast %swap3A_729 : i32 to index
    %swap3A_731 = arith.constant 16 : index
    %swap3A_732 = tpu.vector_load %arg10[%swap3A_730, %swap3A_731] {strides = array<i32>} : memref<16x128xf32, #tpu.memory_space<vmem>>, vector<1x16xf32>,
    %swap3A_733 = vector.shape_cast %swap3A_732 : vector<1x16xf32> to vector<16xf32>
    %swap3A_734 = vector.shape_cast %broadcast_in_dim3A_1 : vector<16xf32> to vector<1x16xf32>
    tpu.vector_store %arg10[%swap3A_730, %swap3A_731], %swap3A_734 {strides = array<i32>} : memref<16x128xf32, #tpu.memory_space<vmem>>, vector<1x16xf32>,
    %swap3A_735 = arith.constant 15 : i32
    %swap3A_736 = arith.index_cast %swap3A_735 : i32 to index
    %swap3A_737 = arith.constant 32 : index
    %swap3A_738 = tpu.vector_load %arg10[%swap3A_736, %swap3A_737] {strides = array<i32>} : memref<16x128xf32, #tpu.memory_space<vmem>>, vector<1x16xf32>,
    %swap3A_739 = vector.shape_cast %swap3A_738 : vector<1x16xf32> to vector<16xf32>
    %swap3A_740 = vector.shape_cast %broadcast_in_dim3A_1 : vector<16xf32> to vector<1x16xf32>
    tpu.vector_store %arg10[%swap3A_736, %swap3A_737], %swap3A_740 {strides = array<i32>} : memref<16x128xf32, #tpu.memory_space<vmem>>, vector<1x16xf32>,
    %swap3A_741 = arith.constant 15 : i32
    %swap3A_742 = arith.index_cast %swap3A_741 : i32 to index
    %swap3A_743 = arith.constant 48 : index
    %swap3A_744 = tpu.vector_load %arg10[%swap3A_742, %swap3A_743] {strides = array<i32>} : memref<16x128xf32, #tpu.memory_space<vmem>>, vector<1x16xf32>,
    %swap3A_745 = vector.shape_cast %swap3A_744 : vector<1x16xf32> to vector<16xf32>
    %swap3A_746 = vector.shape_cast %broadcast_in_dim3A_1 : vector<16xf32> to vector<1x16xf32>
    tpu.vector_store %arg10[%swap3A_742, %swap3A_743], %swap3A_746 {strides = array<i32>} : memref<16x128xf32, #tpu.memory_space<vmem>>, vector<1x16xf32>,
    %swap3A_747 = arith.constant 15 : i32
    %swap3A_748 = arith.index_cast %swap3A_747 : i32 to index
    %swap3A_749 = arith.constant 64 : index
    %swap3A_750 = tpu.vector_load %arg10[%swap3A_748, %swap3A_749] {strides = array<i32>} : memref<16x128xf32, #tpu.memory_space<vmem>>, vector<1x16xf32>,
    %swap3A_751 = vector.shape_cast %swap3A_750 : vector<1x16xf32> to vector<16xf32>
    %swap3A_752 = vector.shape_cast %broadcast_in_dim3A_1 : vector<16xf32> to vector<1x16xf32>
    tpu.vector_store %arg10[%swap3A_748, %swap3A_749], %swap3A_752 {strides = array<i32>} : memref<16x128xf32, #tpu.memory_space<vmem>>, vector<1x16xf32>,
    %swap3A_753 = arith.constant 15 : i32
    %swap3A_754 = arith.index_cast %swap3A_753 : i32 to index
    %swap3A_755 = arith.constant 80 : index
    %swap3A_756 = tpu.vector_load %arg10[%swap3A_754, %swap3A_755] {strides = array<i32>} : memref<16x128xf32, #tpu.memory_space<vmem>>, vector<1x16xf32>,
    %swap3A_757 = vector.shape_cast %swap3A_756 : vector<1x16xf32> to vector<16xf32>
    %swap3A_758 = vector.shape_cast %broadcast_in_dim3A_1 : vector<16xf32> to vector<1x16xf32>
    tpu.vector_store %arg10[%swap3A_754, %swap3A_755], %swap3A_758 {strides = array<i32>} : memref<16x128xf32, #tpu.memory_space<vmem>>, vector<1x16xf32>,
    %swap3A_759 = arith.constant 15 : i32
    %swap3A_760 = arith.index_cast %swap3A_759 : i32 to index
    %swap3A_761 = arith.constant 96 : index
    %swap3A_762 = tpu.vector_load %arg10[%swap3A_760, %swap3A_761] {strides = array<i32>} : memref<16x128xf32, #tpu.memory_space<vmem>>, vector<1x16xf32>,
    %swap3A_763 = vector.shape_cast %swap3A_762 : vector<1x16xf32> to vector<16xf32>
    %swap3A_764 = vector.shape_cast %broadcast_in_dim3A_1 : vector<16xf32> to vector<1x16xf32>
    tpu.vector_store %arg10[%swap3A_760, %swap3A_761], %swap3A_764 {strides = array<i32>} : memref<16x128xf32, #tpu.memory_space<vmem>>, vector<1x16xf32>,
    %swap3A_765 = arith.constant 15 : i32
    %swap3A_766 = arith.index_cast %swap3A_765 : i32 to index
    %swap3A_767 = arith.constant 112 : index
    %swap3A_768 = tpu.vector_load %arg10[%swap3A_766, %swap3A_767] {strides = array<i32>} : memref<16x128xf32, #tpu.memory_space<vmem>>, vector<1x16xf32>,
    %swap3A_769 = vector.shape_cast %swap3A_768 : vector<1x16xf32> to vector<16xf32>
    %swap3A_770 = vector.shape_cast %broadcast_in_dim3A_1 : vector<16xf32> to vector<1x16xf32>
    tpu.vector_store %arg10[%swap3A_766, %swap3A_767], %swap3A_770 {strides = array<i32>} : memref<16x128xf32, #tpu.memory_space<vmem>>, vector<1x16xf32>,
    %swap3A_771 = arith.constant 0 : index
    %swap3A_772 = tpu.vector_load %arg11[%swap3A_771] {strides = array<i32>} : memref<128xf32, #tpu.memory_space<vmem>>, vector<16xf32>,
    %swap3A_773 = vector.shape_cast %swap3A_772 : vector<16xf32> to vector<16xf32>
    %swap3A_774 = vector.shape_cast %broadcast_in_dim3A_3 : vector<16xf32> to vector<16xf32>
    tpu.vector_store %arg11[%swap3A_771], %swap3A_774 {strides = array<i32>} : memref<128xf32, #tpu.memory_space<vmem>>, vector<16xf32>,
    %swap3A_775 = arith.constant 0 : index
    %swap3A_776 = tpu.vector_load %arg12[%swap3A_775] {strides = array<i32>} : memref<128xf32, #tpu.memory_space<vmem>>, vector<16xf32>,
    %swap3A_777 = vector.shape_cast %swap3A_776 : vector<16xf32> to vector<16xf32>
    %swap3A_778 = vector.shape_cast %broadcast_in_dim3A_1 : vector<16xf32> to vector<16xf32>
    tpu.vector_store %arg12[%swap3A_775], %swap3A_778 {strides = array<i32>} : memref<128xf32, #tpu.memory_space<vmem>>, vector<16xf32>,
    %swap3A_779 = arith.constant 16 : index
    %swap3A_780 = tpu.vector_load %arg11[%swap3A_779] {strides = array<i32>} : memref<128xf32, #tpu.memory_space<vmem>>, vector<16xf32>,
    %swap3A_781 = vector.shape_cast %swap3A_780 : vector<16xf32> to vector<16xf32>
    %swap3A_782 = vector.shape_cast %broadcast_in_dim3A_3 : vector<16xf32> to vector<16xf32>
    tpu.vector_store %arg11[%swap3A_779], %swap3A_782 {strides = array<i32>} : memref<128xf32, #tpu.memory_space<vmem>>, vector<16xf32>,
    %swap3A_783 = arith.constant 16 : index
    %swap3A_784 = tpu.vector_load %arg12[%swap3A_783] {strides = array<i32>} : memref<128xf32, #tpu.memory_space<vmem>>, vector<16xf32>,
    %swap3A_785 = vector.shape_cast %swap3A_784 : vector<16xf32> to vector<16xf32>
    %swap3A_786 = vector.shape_cast %broadcast_in_dim3A_1 : vector<16xf32> to vector<16xf32>
    tpu.vector_store %arg12[%swap3A_783], %swap3A_786 {strides = array<i32>} : memref<128xf32, #tpu.memory_space<vmem>>, vector<16xf32>,
    %swap3A_787 = arith.constant 32 : index
    %swap3A_788 = tpu.vector_load %arg11[%swap3A_787] {strides = array<i32>} : memref<128xf32, #tpu.memory_space<vmem>>, vector<16xf32>,
    %swap3A_789 = vector.shape_cast %swap3A_788 : vector<16xf32> to vector<16xf32>
    %swap3A_790 = vector.shape_cast %broadcast_in_dim3A_3 : vector<16xf32> to vector<16xf32>
    tpu.vector_store %arg11[%swap3A_787], %swap3A_790 {strides = array<i32>} : memref<128xf32, #tpu.memory_space<vmem>>, vector<16xf32>,
    %swap3A_791 = arith.constant 32 : index
    %swap3A_792 = tpu.vector_load %arg12[%swap3A_791] {strides = array<i32>} : memref<128xf32, #tpu.memory_space<vmem>>, vector<16xf32>,
    %swap3A_793 = vector.shape_cast %swap3A_792 : vector<16xf32> to vector<16xf32>
    %swap3A_794 = vector.shape_cast %broadcast_in_dim3A_1 : vector<16xf32> to vector<16xf32>
    tpu.vector_store %arg12[%swap3A_791], %swap3A_794 {strides = array<i32>} : memref<128xf32, #tpu.memory_space<vmem>>, vector<16xf32>,
    %swap3A_795 = arith.constant 48 : index
    %swap3A_796 = tpu.vector_load %arg11[%swap3A_795] {strides = array<i32>} : memref<128xf32, #tpu.memory_space<vmem>>, vector<16xf32>,
    %swap3A_797 = vector.shape_cast %swap3A_796 : vector<16xf32> to vector<16xf32>
    %swap3A_798 = vector.shape_cast %broadcast_in_dim3A_3 : vector<16xf32> to vector<16xf32>
    tpu.vector_store %arg11[%swap3A_795], %swap3A_798 {strides = array<i32>} : memref<128xf32, #tpu.memory_space<vmem>>, vector<16xf32>,
    %swap3A_799 = arith.constant 48 : index
    %swap3A_800 = tpu.vector_load %arg12[%swap3A_799] {strides = array<i32>} : memref<128xf32, #tpu.memory_space<vmem>>, vector<16xf32>,
    %swap3A_801 = vector.shape_cast %swap3A_800 : vector<16xf32> to vector<16xf32>
    %swap3A_802 = vector.shape_cast %broadcast_in_dim3A_1 : vector<16xf32> to vector<16xf32>
    tpu.vector_store %arg12[%swap3A_799], %swap3A_802 {strides = array<i32>} : memref<128xf32, #tpu.memory_space<vmem>>, vector<16xf32>,
    %swap3A_803 = arith.constant 64 : index
    %swap3A_804 = tpu.vector_load %arg11[%swap3A_803] {strides = array<i32>} : memref<128xf32, #tpu.memory_space<vmem>>, vector<16xf32>,
    %swap3A_805 = vector.shape_cast %swap3A_804 : vector<16xf32> to vector<16xf32>
    %swap3A_806 = vector.shape_cast %broadcast_in_dim3A_3 : vector<16xf32> to vector<16xf32>
    tpu.vector_store %arg11[%swap3A_803], %swap3A_806 {strides = array<i32>} : memref<128xf32, #tpu.memory_space<vmem>>, vector<16xf32>,
    %swap3A_807 = arith.constant 64 : index
    %swap3A_808 = tpu.vector_load %arg12[%swap3A_807] {strides = array<i32>} : memref<128xf32, #tpu.memory_space<vmem>>, vector<16xf32>,
    %swap3A_809 = vector.shape_cast %swap3A_808 : vector<16xf32> to vector<16xf32>
    %swap3A_810 = vector.shape_cast %broadcast_in_dim3A_1 : vector<16xf32> to vector<16xf32>
    tpu.vector_store %arg12[%swap3A_807], %swap3A_810 {strides = array<i32>} : memref<128xf32, #tpu.memory_space<vmem>>, vector<16xf32>,
    %swap3A_811 = arith.constant 80 : index
    %swap3A_812 = tpu.vector_load %arg11[%swap3A_811] {strides = array<i32>} : memref<128xf32, #tpu.memory_space<vmem>>, vector<16xf32>,
    %swap3A_813 = vector.shape_cast %swap3A_812 : vector<16xf32> to vector<16xf32>
    %swap3A_814 = vector.shape_cast %broadcast_in_dim3A_3 : vector<16xf32> to vector<16xf32>
    tpu.vector_store %arg11[%swap3A_811], %swap3A_814 {strides = array<i32>} : memref<128xf32, #tpu.memory_space<vmem>>, vector<16xf32>,
    %swap3A_815 = arith.constant 80 : index
    %swap3A_816 = tpu.vector_load %arg12[%swap3A_815] {strides = array<i32>} : memref<128xf32, #tpu.memory_space<vmem>>, vector<16xf32>,
    %swap3A_817 = vector.shape_cast %swap3A_816 : vector<16xf32> to vector<16xf32>
    %swap3A_818 = vector.shape_cast %broadcast_in_dim3A_1 : vector<16xf32> to vector<16xf32>
    tpu.vector_store %arg12[%swap3A_815], %swap3A_818 {strides = array<i32>} : memref<128xf32, #tpu.memory_space<vmem>>, vector<16xf32>,
    %swap3A_819 = arith.constant 96 : index
    %swap3A_820 = tpu.vector_load %arg11[%swap3A_819] {strides = array<i32>} : memref<128xf32, #tpu.memory_space<vmem>>, vector<16xf32>,
    %swap3A_821 = vector.shape_cast %swap3A_820 : vector<16xf32> to vector<16xf32>
    %swap3A_822 = vector.shape_cast %broadcast_in_dim3A_3 : vector<16xf32> to vector<16xf32>
    tpu.vector_store %arg11[%swap3A_819], %swap3A_822 {strides = array<i32>} : memref<128xf32, #tpu.memory_space<vmem>>, vector<16xf32>,
    %swap3A_823 = arith.constant 96 : index
    %swap3A_824 = tpu.vector_load %arg12[%swap3A_823] {strides = array<i32>} : memref<128xf32, #tpu.memory_space<vmem>>, vector<16xf32>,
    %swap3A_825 = vector.shape_cast %swap3A_824 : vector<16xf32> to vector<16xf32>
    %swap3A_826 = vector.shape_cast %broadcast_in_dim3A_1 : vector<16xf32> to vector<16xf32>
    tpu.vector_store %arg12[%swap3A_823], %swap3A_826 {strides = array<i32>} : memref<128xf32, #tpu.memory_space<vmem>>, vector<16xf32>,
    %swap3A_827 = arith.constant 112 : index
    %swap3A_828 = tpu.vector_load %arg11[%swap3A_827] {strides = array<i32>} : memref<128xf32, #tpu.memory_space<vmem>>, vector<16xf32>,
    %swap3A_829 = vector.shape_cast %swap3A_828 : vector<16xf32> to vector<16xf32>
    %swap3A_830 = vector.shape_cast %broadcast_in_dim3A_3 : vector<16xf32> to vector<16xf32>
    tpu.vector_store %arg11[%swap3A_827], %swap3A_830 {strides = array<i32>} : memref<128xf32, #tpu.memory_space<vmem>>, vector<16xf32>,
    %swap3A_831 = arith.constant 112 : index
    %swap3A_832 = tpu.vector_load %arg12[%swap3A_831] {strides = array<i32>} : memref<128xf32, #tpu.memory_space<vmem>>, vector<16xf32>,
    %swap3A_833 = vector.shape_cast %swap3A_832 : vector<16xf32> to vector<16xf32>
    %swap3A_834 = vector.shape_cast %broadcast_in_dim3A_1 : vector<16xf32> to vector<16xf32>
    tpu.vector_store %arg12[%swap3A_831], %swap3A_834 {strides = array<i32>} : memref<128xf32, #tpu.memory_space<vmem>>, vector<16xf32>,
    %scan3A = arith.constant 0 : i32
    %scan3A_835 = arith.constant 0 : i32
    %scan3A_836 = arith.constant 40 : i32
    %scan3A_837 = arith.addi %scan3A_835, %scan3A_836 : i32
    %scan3A_838 = arith.constant 1 : i32
    scf.for %scan3A_857 = %scan3A_835 to %scan3A_837 step %scan3A_838  : i32 {
      %mul3A_858 = arith.constant 640 : i32
      %mul3A_859 = arith.muli %arg1, %mul3A_858 : i32
      %mul3A_860 = arith.constant 16 : i32
      %mul3A_861 = arith.muli %scan3A_857, %mul3A_860 : i32
      %add3A_862 = arith.addi %mul3A_859, %mul3A_861 : i32
      "tpu.region"() ({
        %run_scoped3A = tpu.sem_alloc : memref<!tpu.dma_semaphore, #tpu.memory_space<semaphore_mem>>
        %dma_start3A = arith.constant 0 : i32
        %dma_start3A_863 = tpu.memref_slice %arg13[%add3A_862, %dma_start3A] : memref<10240x128xf32, #tpu.memory_space<vmem_shared>> -> memref<16x128xf32, #tpu.memory_space<vmem_shared>>
        %dma_start3A_864 = arith.constant 0 : i32
        %dma_start3A_865 = tpu.memref_slice %arg13[%add3A_862, %dma_start3A_864] : memref<10240x128xf32, #tpu.memory_space<vmem_shared>> -> memref<16x128xf32, #tpu.memory_space<vmem_shared>>
        tpu.enqueue_dma source(%arg10 : memref<16x128xf32, #tpu.memory_space<vmem>>) target(%dma_start3A_865 : memref<16x128xf32, #tpu.memory_space<vmem_shared>>) target_semaphore(%run_scoped3A : memref<!tpu.dma_semaphore, #tpu.memory_space<semaphore_mem>>)
        %dma_wait3A = arith.constant 0 : i32
        %dma_wait3A_866 = tpu.memref_slice %arg13[%add3A_862, %dma_wait3A] : memref<10240x128xf32, #tpu.memory_space<vmem_shared>> -> memref<16x128xf32, #tpu.memory_space<vmem_shared>>
        %dma_wait3A_867 = arith.constant 0 : i32
        %dma_wait3A_868 = tpu.memref_slice %arg13[%add3A_862, %dma_wait3A_867] : memref<10240x128xf32, #tpu.memory_space<vmem_shared>> -> memref<16x128xf32, #tpu.memory_space<vmem_shared>>
        tpu.wait_dma2 semaphore(%run_scoped3A : memref<!tpu.dma_semaphore, #tpu.memory_space<semaphore_mem>>) src(%arg10 : memref<16x128xf32, #tpu.memory_space<vmem>>) dst(%dma_wait3A_868 : memref<16x128xf32, #tpu.memory_space<vmem_shared>>)
        tpu.yield
      }) : () -> ()
    }
    %scan3A_839 = arith.constant 40 : i32
    %scan3A_840 = arith.constant 0 : i32
    %scan3A_841 = arith.constant 0 : i32
    %scan3A_842 = arith.constant 5 : i32
    %scan3A_843 = arith.addi %scan3A_841, %scan3A_842 : i32
    %scan3A_844 = arith.constant 1 : i32
    scf.for %scan3A_857 = %scan3A_841 to %scan3A_843 step %scan3A_844  : i32 {
      %mul3A_858 = arith.constant 640 : i32
      %mul3A_859 = arith.muli %arg1, %mul3A_858 : i32
      %mul3A_860 = arith.constant 128 : i32
      %mul3A_861 = arith.muli %scan3A_857, %mul3A_860 : i32
      %add3A_862 = arith.addi %mul3A_859, %mul3A_861 : i32
      "tpu.region"() ({
        %run_scoped3A = tpu.sem_alloc : memref<!tpu.dma_semaphore, #tpu.memory_space<semaphore_mem>>
        %dma_start3A = tpu.memref_slice %arg14[%add3A_862] : memref<10240xf32, #tpu.memory_space<vmem_shared>> -> memref<128xf32, #tpu.memory_space<vmem_shared>>
        %dma_start3A_863 = tpu.memref_slice %arg14[%add3A_862] : memref<10240xf32, #tpu.memory_space<vmem_shared>> -> memref<128xf32, #tpu.memory_space<vmem_shared>>
        tpu.enqueue_dma source(%arg12 : memref<128xf32, #tpu.memory_space<vmem>>) target(%dma_start3A_863 : memref<128xf32, #tpu.memory_space<vmem_shared>>) target_semaphore(%run_scoped3A : memref<!tpu.dma_semaphore, #tpu.memory_space<semaphore_mem>>)
        %dma_wait3A = tpu.memref_slice %arg14[%add3A_862] : memref<10240xf32, #tpu.memory_space<vmem_shared>> -> memref<128xf32, #tpu.memory_space<vmem_shared>>
        %dma_wait3A_864 = tpu.memref_slice %arg14[%add3A_862] : memref<10240xf32, #tpu.memory_space<vmem_shared>> -> memref<128xf32, #tpu.memory_space<vmem_shared>>
        tpu.wait_dma2 semaphore(%run_scoped3A : memref<!tpu.dma_semaphore, #tpu.memory_space<semaphore_mem>>) src(%arg12 : memref<128xf32, #tpu.memory_space<vmem>>) dst(%dma_wait3A_864 : memref<128xf32, #tpu.memory_space<vmem_shared>>)
        tpu.yield
      }) : () -> ()
    }
    %scan3A_845 = arith.constant 5 : i32
    %barrier3A = arith.constant 0 : index
    tpu.barrier barrier_id(%barrier3A)
    "tpu.region"() ({
      %run_scoped3A = tpu.sem_alloc : memref<!tpu.dma_semaphore, #tpu.memory_space<semaphore_mem>>
      %dma_start3A = arith.constant 0 : i32
      %dma_start3A_857 = arith.constant 0 : i32
      %dma_start3A_858 = tpu.memref_slice %arg3[%add3A, %dma_start3A, %dma_start3A_857] : memref<32x79x128xi32, #tpu.memory_space<hbm>> -> memref<1x79x128xi32, #tpu.memory_space<hbm>>
      %dma_start3A_859 = tpu.memref_squeeze %dma_start3A_858 : memref<1x79x128xi32, #tpu.memory_space<hbm>> -> memref<79x128xi32, #tpu.memory_space<hbm>>
      %dma_start3A_860 = arith.constant 0 : i32
      %dma_start3A_861 = arith.constant 0 : i32
      %dma_start3A_862 = tpu.memref_slice %arg3[%add3A, %dma_start3A_860, %dma_start3A_861] : memref<32x79x128xi32, #tpu.memory_space<hbm>> -> memref<1x79x128xi32, #tpu.memory_space<hbm>>
      %dma_start3A_863 = tpu.memref_squeeze %dma_start3A_862 : memref<1x79x128xi32, #tpu.memory_space<hbm>> -> memref<79x128xi32, #tpu.memory_space<hbm>>
      tpu.enqueue_dma source(%dma_start3A_863 : memref<79x128xi32, #tpu.memory_space<hbm>>) target(%arg7 : memref<79x128xi32, #tpu.memory_space<vmem>>) target_semaphore(%run_scoped3A : memref<!tpu.dma_semaphore, #tpu.memory_space<semaphore_mem>>)
      %dma_wait3A = arith.constant 0 : i32
      %dma_wait3A_864 = arith.constant 0 : i32
      %dma_wait3A_865 = tpu.memref_slice %arg3[%add3A, %dma_wait3A, %dma_wait3A_864] : memref<32x79x128xi32, #tpu.memory_space<hbm>> -> memref<1x79x128xi32, #tpu.memory_space<hbm>>
      %dma_wait3A_866 = tpu.memref_squeeze %dma_wait3A_865 : memref<1x79x128xi32, #tpu.memory_space<hbm>> -> memref<79x128xi32, #tpu.memory_space<hbm>>
      %dma_wait3A_867 = arith.constant 0 : i32
      %dma_wait3A_868 = arith.constant 0 : i32
      %dma_wait3A_869 = tpu.memref_slice %arg3[%add3A, %dma_wait3A_867, %dma_wait3A_868] : memref<32x79x128xi32, #tpu.memory_space<hbm>> -> memref<1x79x128xi32, #tpu.memory_space<hbm>>
      %dma_wait3A_870 = tpu.memref_squeeze %dma_wait3A_869 : memref<1x79x128xi32, #tpu.memory_space<hbm>> -> memref<79x128xi32, #tpu.memory_space<hbm>>
      tpu.wait_dma2 semaphore(%run_scoped3A : memref<!tpu.dma_semaphore, #tpu.memory_space<semaphore_mem>>) src(%dma_wait3A_870 : memref<79x128xi32, #tpu.memory_space<hbm>>) dst(%arg7 : memref<79x128xi32, #tpu.memory_space<vmem>>)
      tpu.yield
    }) : () -> ()
    "tpu.region"() ({
      %run_scoped3A = tpu.sem_alloc : memref<!tpu.dma_semaphore, #tpu.memory_space<semaphore_mem>>
      %dma_start3A = arith.constant 0 : i32
      %dma_start3A_857 = arith.constant 0 : i32
      %dma_start3A_858 = tpu.memref_slice %arg4[%add3A, %dma_start3A, %dma_start3A_857] : memref<32x79x128xi32, #tpu.memory_space<hbm>> -> memref<1x79x128xi32, #tpu.memory_space<hbm>>
      %dma_start3A_859 = tpu.memref_squeeze %dma_start3A_858 : memref<1x79x128xi32, #tpu.memory_space<hbm>> -> memref<79x128xi32, #tpu.memory_space<hbm>>
      %dma_start3A_860 = arith.constant 0 : i32
      %dma_start3A_861 = arith.constant 0 : i32
      %dma_start3A_862 = tpu.memref_slice %arg4[%add3A, %dma_start3A_860, %dma_start3A_861] : memref<32x79x128xi32, #tpu.memory_space<hbm>> -> memref<1x79x128xi32, #tpu.memory_space<hbm>>
      %dma_start3A_863 = tpu.memref_squeeze %dma_start3A_862 : memref<1x79x128xi32, #tpu.memory_space<hbm>> -> memref<79x128xi32, #tpu.memory_space<hbm>>
      tpu.enqueue_dma source(%dma_start3A_863 : memref<79x128xi32, #tpu.memory_space<hbm>>) target(%arg8 : memref<79x128xi32, #tpu.memory_space<vmem>>) target_semaphore(%run_scoped3A : memref<!tpu.dma_semaphore, #tpu.memory_space<semaphore_mem>>)
      %dma_wait3A = arith.constant 0 : i32
      %dma_wait3A_864 = arith.constant 0 : i32
      %dma_wait3A_865 = tpu.memref_slice %arg4[%add3A, %dma_wait3A, %dma_wait3A_864] : memref<32x79x128xi32, #tpu.memory_space<hbm>> -> memref<1x79x128xi32, #tpu.memory_space<hbm>>
      %dma_wait3A_866 = tpu.memref_squeeze %dma_wait3A_865 : memref<1x79x128xi32, #tpu.memory_space<hbm>> -> memref<79x128xi32, #tpu.memory_space<hbm>>
      %dma_wait3A_867 = arith.constant 0 : i32
      %dma_wait3A_868 = arith.constant 0 : i32
      %dma_wait3A_869 = tpu.memref_slice %arg4[%add3A, %dma_wait3A_867, %dma_wait3A_868] : memref<32x79x128xi32, #tpu.memory_space<hbm>> -> memref<1x79x128xi32, #tpu.memory_space<hbm>>
      %dma_wait3A_870 = tpu.memref_squeeze %dma_wait3A_869 : memref<1x79x128xi32, #tpu.memory_space<hbm>> -> memref<79x128xi32, #tpu.memory_space<hbm>>
      tpu.wait_dma2 semaphore(%run_scoped3A : memref<!tpu.dma_semaphore, #tpu.memory_space<semaphore_mem>>) src(%dma_wait3A_870 : memref<79x128xi32, #tpu.memory_space<hbm>>) dst(%arg8 : memref<79x128xi32, #tpu.memory_space<vmem>>)
      tpu.yield
    }) : () -> ()
    %scan3A_846 = arith.constant 0 : i32
    %scan3A_847 = arith.constant 0 : i32
    %scan3A_848 = arith.constant 79 : i32
    %scan3A_849 = arith.addi %scan3A_847, %scan3A_848 : i32
    %scan3A_850 = arith.constant 1 : i32
    scf.for %scan3A_857 = %scan3A_847 to %scan3A_849 step %scan3A_850  : i32 {
      %dma_start3A = arith.constant 0 : i32
      %dma_start3A_858 = tpu.memref_slice %arg7[%scan3A_857, %dma_start3A] : memref<79x128xi32, #tpu.memory_space<vmem>> -> memref<1x128xi32, #tpu.memory_space<vmem>>
      %dma_start3A_859 = tpu.memref_squeeze %dma_start3A_858 : memref<1x128xi32, #tpu.memory_space<vmem>> -> memref<128xi32, #tpu.memory_space<vmem>>
      %dma_start3A_860 = arith.constant 0 : i32
      %dma_start3A_861 = arith.constant 0 : i32
      %dma_start3A_862 = tpu.memref_slice %arg2[%dma_start3A_860, %dma_start3A_861] : memref<10000x128xf32, #tpu.memory_space<hbm>> -> memref<10000x128xf32, #tpu.memory_space<hbm>>
      tpu.enqueue_indirect_dma source(%dma_start3A_862 : memref<10000x128xf32, #tpu.memory_space<hbm>>) target(%arg9 : memref<128x128xf32, #tpu.memory_space<vmem>>) offsets(%dma_start3A_859 : memref<128xi32, #tpu.memory_space<vmem>>) semaphore(%arg15 : memref<!tpu.dma_semaphore, #tpu.memory_space<semaphore_mem>>)
      %dma_wait3A = arith.constant 0 : i32
      %dma_wait3A_863 = tpu.memref_slice %arg7[%scan3A_857, %dma_wait3A] : memref<79x128xi32, #tpu.memory_space<vmem>> -> memref<1x128xi32, #tpu.memory_space<vmem>>
      %dma_wait3A_864 = tpu.memref_squeeze %dma_wait3A_863 : memref<1x128xi32, #tpu.memory_space<vmem>> -> memref<128xi32, #tpu.memory_space<vmem>>
      %dma_wait3A_865 = arith.constant 0 : i32
      %dma_wait3A_866 = arith.constant 0 : i32
      %dma_wait3A_867 = tpu.memref_slice %arg2[%dma_wait3A_865, %dma_wait3A_866] : memref<10000x128xf32, #tpu.memory_space<hbm>> -> memref<10000x128xf32, #tpu.memory_space<hbm>>
      tpu.wait_indirect_dma semaphore(%arg15 : memref<!tpu.dma_semaphore, #tpu.memory_space<semaphore_mem>>) src(%dma_wait3A_867 : memref<10000x128xf32, #tpu.memory_space<hbm>>) dst(%arg9 : memref<128x128xf32, #tpu.memory_space<vmem>>)
      "tpu.region"() ({
        %run_scoped3A = tpu.sem_alloc : memref<!tpu.dma_semaphore, #tpu.memory_space<semaphore_mem>>
        %dma_start3A_868 = arith.constant 0 : i32
        %dma_start3A_869 = tpu.memref_slice %arg8[%scan3A_857, %dma_start3A_868] : memref<79x128xi32, #tpu.memory_space<vmem>> -> memref<1x128xi32, #tpu.memory_space<vmem>>
        %dma_start3A_870 = tpu.memref_squeeze %dma_start3A_869 : memref<1x128xi32, #tpu.memory_space<vmem>> -> memref<128xi32, #tpu.memory_space<vmem>>
        %dma_start3A_871 = arith.constant 0 : i32
        %dma_start3A_872 = arith.constant 0 : i32
        %dma_start3A_873 = tpu.memref_slice %arg13[%dma_start3A_871, %dma_start3A_872] : memref<10240x128xf32, #tpu.memory_space<vmem_shared>> -> memref<10240x128xf32, #tpu.memory_space<vmem_shared>>
        tpu.enqueue_indirect_dma source(%arg9 : memref<128x128xf32, #tpu.memory_space<vmem>>) target(%dma_start3A_873 : memref<10240x128xf32, #tpu.memory_space<vmem_shared>>) offsets(%dma_start3A_870 : memref<128xi32, #tpu.memory_space<vmem>>) semaphore(%run_scoped3A : memref<!tpu.dma_semaphore, #tpu.memory_space<semaphore_mem>>) {add = true}
        %dma_wait3A_874 = arith.constant 0 : i32
        %dma_wait3A_875 = tpu.memref_slice %arg8[%scan3A_857, %dma_wait3A_874] : memref<79x128xi32, #tpu.memory_space<vmem>> -> memref<1x128xi32, #tpu.memory_space<vmem>>
        %dma_wait3A_876 = tpu.memref_squeeze %dma_wait3A_875 : memref<1x128xi32, #tpu.memory_space<vmem>> -> memref<128xi32, #tpu.memory_space<vmem>>
        %dma_wait3A_877 = arith.constant 0 : i32
        %dma_wait3A_878 = arith.constant 0 : i32
        %dma_wait3A_879 = tpu.memref_slice %arg13[%dma_wait3A_877, %dma_wait3A_878] : memref<10240x128xf32, #tpu.memory_space<vmem_shared>> -> memref<10240x128xf32, #tpu.memory_space<vmem_shared>>
        tpu.wait_indirect_dma semaphore(%run_scoped3A : memref<!tpu.dma_semaphore, #tpu.memory_space<semaphore_mem>>) src(%arg9 : memref<128x128xf32, #tpu.memory_space<vmem>>) dst(%dma_wait3A_879 : memref<10240x128xf32, #tpu.memory_space<vmem_shared>>)
        tpu.yield
      }) : () -> ()
      "tpu.region"() ({
        %run_scoped3A = tpu.sem_alloc : memref<!tpu.dma_semaphore, #tpu.memory_space<semaphore_mem>>
        %dma_start3A_868 = arith.constant 0 : i32
        %dma_start3A_869 = tpu.memref_slice %arg8[%scan3A_857, %dma_start3A_868] : memref<79x128xi32, #tpu.memory_space<vmem>> -> memref<1x128xi32, #tpu.memory_space<vmem>>
        %dma_start3A_870 = tpu.memref_squeeze %dma_start3A_869 : memref<1x128xi32, #tpu.memory_space<vmem>> -> memref<128xi32, #tpu.memory_space<vmem>>
        %dma_start3A_871 = arith.constant 0 : i32
        %dma_start3A_872 = tpu.memref_slice %arg14[%dma_start3A_871] : memref<10240xf32, #tpu.memory_space<vmem_shared>> -> memref<10240xf32, #tpu.memory_space<vmem_shared>>
        tpu.enqueue_indirect_dma source(%arg11 : memref<128xf32, #tpu.memory_space<vmem>>) target(%dma_start3A_872 : memref<10240xf32, #tpu.memory_space<vmem_shared>>) offsets(%dma_start3A_870 : memref<128xi32, #tpu.memory_space<vmem>>) semaphore(%run_scoped3A : memref<!tpu.dma_semaphore, #tpu.memory_space<semaphore_mem>>) {add = true}
        %dma_wait3A_873 = arith.constant 0 : i32
        %dma_wait3A_874 = tpu.memref_slice %arg8[%scan3A_857, %dma_wait3A_873] : memref<79x128xi32, #tpu.memory_space<vmem>> -> memref<1x128xi32, #tpu.memory_space<vmem>>
        %dma_wait3A_875 = tpu.memref_squeeze %dma_wait3A_874 : memref<1x128xi32, #tpu.memory_space<vmem>> -> memref<128xi32, #tpu.memory_space<vmem>>
        %dma_wait3A_876 = arith.constant 0 : i32
        %dma_wait3A_877 = tpu.memref_slice %arg14[%dma_wait3A_876] : memref<10240xf32, #tpu.memory_space<vmem_shared>> -> memref<10240xf32, #tpu.memory_space<vmem_shared>>
        tpu.wait_indirect_dma semaphore(%run_scoped3A : memref<!tpu.dma_semaphore, #tpu.memory_space<semaphore_mem>>) src(%arg11 : memref<128xf32, #tpu.memory_space<vmem>>) dst(%dma_wait3A_877 : memref<10240xf32, #tpu.memory_space<vmem_shared>>)
        tpu.yield
      }) : () -> ()
    }
    %scan3A_851 = arith.constant 79 : i32
    %barrier3A_852 = arith.constant 0 : index
    tpu.barrier barrier_id(%barrier3A_852)
    %mul3A_853 = arith.constant 640 : i32
    %mul3A_854 = arith.muli %arg1, %mul3A_853 : i32
    "tpu.region"() ({
      %run_scoped3A = tpu.sem_alloc : memref<!tpu.dma_semaphore, #tpu.memory_space<semaphore_mem>>
      %dma_start3A = arith.constant 0 : i32
      %dma_start3A_857 = tpu.memref_slice %arg5[%arg0, %mul3A_854, %dma_start3A] : memref<2x10240x128xf32, #tpu.memory_space<hbm>> -> memref<1x640x128xf32, #tpu.memory_space<hbm>>
      %dma_start3A_858 = tpu.memref_squeeze %dma_start3A_857 : memref<1x640x128xf32, #tpu.memory_space<hbm>> -> memref<640x128xf32, #tpu.memory_space<hbm>>
      %dma_start3A_859 = arith.constant 0 : i32
      %dma_start3A_860 = tpu.memref_slice %arg13[%mul3A_854, %dma_start3A_859] : memref<10240x128xf32, #tpu.memory_space<vmem_shared>> -> memref<640x128xf32, #tpu.memory_space<vmem_shared>>
      tpu.enqueue_dma source(%dma_start3A_860 : memref<640x128xf32, #tpu.memory_space<vmem_shared>>) target(%dma_start3A_858 : memref<640x128xf32, #tpu.memory_space<hbm>>) target_semaphore(%run_scoped3A : memref<!tpu.dma_semaphore, #tpu.memory_space<semaphore_mem>>)
      %dma_wait3A = arith.constant 0 : i32
      %dma_wait3A_861 = tpu.memref_slice %arg5[%arg0, %mul3A_854, %dma_wait3A] : memref<2x10240x128xf32, #tpu.memory_space<hbm>> -> memref<1x640x128xf32, #tpu.memory_space<hbm>>
      %dma_wait3A_862 = tpu.memref_squeeze %dma_wait3A_861 : memref<1x640x128xf32, #tpu.memory_space<hbm>> -> memref<640x128xf32, #tpu.memory_space<hbm>>
      %dma_wait3A_863 = arith.constant 0 : i32
      %dma_wait3A_864 = tpu.memref_slice %arg13[%mul3A_854, %dma_wait3A_863] : memref<10240x128xf32, #tpu.memory_space<vmem_shared>> -> memref<640x128xf32, #tpu.memory_space<vmem_shared>>
      tpu.wait_dma2 semaphore(%run_scoped3A : memref<!tpu.dma_semaphore, #tpu.memory_space<semaphore_mem>>) src(%dma_wait3A_864 : memref<640x128xf32, #tpu.memory_space<vmem_shared>>) dst(%dma_wait3A_862 : memref<640x128xf32, #tpu.memory_space<hbm>>)
      tpu.yield
    }) : () -> ()
    %eq3A = arith.constant 0 : i32
    %eq3A_855 = arith.cmpi eq, %arg1, %eq3A : i32
    %convert_element_type3A = arith.extui %eq3A_855 : i1 to i32
    %cond3A = arith.constant 0 : i32
    %cond3A_856 = arith.cmpi ne, %convert_element_type3A, %cond3A : i32
    scf.if %cond3A_856 {
      %mul3A_857 = arith.constant 10240 : i32
      %mul3A_858 = arith.muli %arg0, %mul3A_857 : i32
      "tpu.region"() ({
        %run_scoped3A = tpu.sem_alloc : memref<!tpu.dma_semaphore, #tpu.memory_space<semaphore_mem>>
        %dma_start3A = tpu.memref_slice %arg6[%mul3A_858] : memref<20480xf32, #tpu.memory_space<hbm>> -> memref<10240xf32, #tpu.memory_space<hbm>>
        tpu.enqueue_dma source(%arg14 : memref<10240xf32, #tpu.memory_space<vmem_shared>>) target(%dma_start3A : memref<10240xf32, #tpu.memory_space<hbm>>) target_semaphore(%run_scoped3A : memref<!tpu.dma_semaphore, #tpu.memory_space<semaphore_mem>>)
        %dma_wait3A = tpu.memref_slice %arg6[%mul3A_858] : memref<20480xf32, #tpu.memory_space<hbm>> -> memref<10240xf32, #tpu.memory_space<hbm>>
        tpu.wait_dma2 semaphore(%run_scoped3A : memref<!tpu.dma_semaphore, #tpu.memory_space<semaphore_mem>>) src(%arg14 : memref<10240xf32, #tpu.memory_space<vmem_shared>>) dst(%dma_wait3A : memref<10240xf32, #tpu.memory_space<hbm>>)
        tpu.yield
      }) : () -> ()
    } else {
    }
    return
  }
}

module attributes {stable_mosaic.version = 14 : i64} {
  func.func @_gru_body(%arg0: i32, %arg1: memref<400x1536xf32, #tpu.memory_space<vmem>>, %arg2: memref<256x256xf32, #tpu.memory_space<vmem>>, %arg3: memref<128x128xf32, #tpu.memory_space<vmem>>, %arg4: memref<128x128xf32, #tpu.memory_space<vmem>>, %arg5: memref<1x256xf32, #tpu.memory_space<vmem>>, %arg6: memref<1x128xf32, #tpu.memory_space<vmem>>, %arg7: memref<1x128xf32, #tpu.memory_space<vmem>>, %arg8: memref<256x256xf32, #tpu.memory_space<vmem>>, %arg9: memref<128x128xf32, #tpu.memory_space<vmem>>, %arg10: memref<128x128xf32, #tpu.memory_space<vmem>>, %arg11: memref<1x256xf32, #tpu.memory_space<vmem>>, %arg12: memref<1x128xf32, #tpu.memory_space<vmem>>, %arg13: memref<1x128xf32, #tpu.memory_space<vmem>>, %arg14: memref<128x128xf32, #tpu.memory_space<vmem>>, %arg15: memref<400x128xf32, #tpu.memory_space<vmem>>, %arg16: memref<400x128xf32, #tpu.memory_space<vmem>>) attributes {dimension_semantics = [#tpu.dimension_semantics<parallel>], iteration_bounds = array<i64: 25>, scalar_prefetch = 0 : i64, scratch_operands = 0 : i64, tpu.core_type = #tpu.core_type<tc>, window_params = [{transform_indices = @transform_0, window_bounds = array<i64: 400, 1536>}, {pipeline_mode = #tpu.pipeline_mode<synchronous>, transform_indices = @transform_1, window_bounds = array<i64: 256, 256>}, {pipeline_mode = #tpu.pipeline_mode<synchronous>, transform_indices = @transform_2, window_bounds = array<i64: 128, 128>}, {pipeline_mode = #tpu.pipeline_mode<synchronous>, transform_indices = @transform_3, window_bounds = array<i64: 128, 128>}, {pipeline_mode = #tpu.pipeline_mode<synchronous>, transform_indices = @transform_4, window_bounds = array<i64: 1, 256>}, {pipeline_mode = #tpu.pipeline_mode<synchronous>, transform_indices = @transform_5, window_bounds = array<i64: 1, 128>}, {pipeline_mode = #tpu.pipeline_mode<synchronous>, transform_indices = @transform_6, window_bounds = array<i64: 1, 128>}, {pipeline_mode = #tpu.pipeline_mode<synchronous>, transform_indices = @transform_7, window_bounds = array<i64: 256, 256>}, {pipeline_mode = #tpu.pipeline_mode<synchronous>, transform_indices = @transform_8, window_bounds = array<i64: 128, 128>}, {pipeline_mode = #tpu.pipeline_mode<synchronous>, transform_indices = @transform_9, window_bounds = array<i64: 128, 128>}, {pipeline_mode = #tpu.pipeline_mode<synchronous>, transform_indices = @transform_10, window_bounds = array<i64: 1, 256>}, {pipeline_mode = #tpu.pipeline_mode<synchronous>, transform_indices = @transform_11, window_bounds = array<i64: 1, 128>}, {pipeline_mode = #tpu.pipeline_mode<synchronous>, transform_indices = @transform_12, window_bounds = array<i64: 1, 128>}, {pipeline_mode = #tpu.pipeline_mode<synchronous>, transform_indices = @transform_13, window_bounds = array<i64: 128, 128>}, {transform_indices = @transform_14, window_bounds = array<i64: 400, 128>}, {transform_indices = @transform_15, window_bounds = array<i64: 400, 128>}]} {
    %broadcast_in_dim3A = arith.constant 0.000000e+00 : f32
    %broadcast_in_dim3A_0 = vector.broadcast %broadcast_in_dim3A : f32 to vector<400x128xf32>
    %broadcast_in_dim3A_1 = arith.constant 0.000000e+00 : f32
    %broadcast_in_dim3A_2 = vector.broadcast %broadcast_in_dim3A_1 : f32 to vector<400x128xf32>
    %get3A = arith.constant 0 : index
    %get3A_3 = arith.constant 0 : index
    %get3A_4 = vector.load %arg1[%get3A, %get3A_3] : memref<400x1536xf32, #tpu.memory_space<vmem>>, vector<400x128xf32>
    %concatenate3A = tpu.concatenate %get3A_4, %broadcast_in_dim3A_0 in 1 : vector<400x128xf32>, vector<400x128xf32> -> vector<400x256xf32>
    %get3A_5 = arith.constant 0 : index
    %get3A_6 = arith.constant 0 : index
    %get3A_7 = vector.load %arg2[%get3A_5, %get3A_6] : memref<256x256xf32, #tpu.memory_space<vmem>>, vector<256x256xf32>
    %dot_general3A = arith.constant dense<0.000000e+00> : vector<400x256xf32>
    %dot_general3A_8 = tpu.matmul %concatenate3A, %get3A_7, %dot_general3A {dimension_numbers = #tpu.dot_dimension_numbers<[1], [0], [0], [1], [0, 0, 1, 1], [], []>, transpose_lhs_hint = false} : vector<400x256xf32>, vector<256x256xf32>, vector<400x256xf32> -> vector<400x256xf32>
    %get3A_9 = arith.constant 0 : index
    %get3A_10 = arith.constant 0 : index
    %get3A_11 = vector.load %arg5[%get3A_9, %get3A_10] : memref<1x256xf32, #tpu.memory_space<vmem>>, vector<1x256xf32>
    %add3A = vector.broadcast %get3A_11 : vector<1x256xf32> to vector<400x256xf32>
    %add3A_12 = arith.addf %dot_general3A_8, %add3A : vector<400x256xf32>
    %logistic3A = arith.negf %add3A_12 : vector<400x256xf32>
    %logistic3A_13 = math.exp %logistic3A : vector<400x256xf32>
    %logistic3A_14 = arith.constant 1.000000e+00 : f32
    %logistic3A_15 = vector.broadcast %logistic3A_14 : f32 to vector<400x256xf32>
    %logistic3A_16 = arith.addf %logistic3A_15, %logistic3A_13 : vector<400x256xf32>
    %logistic3A_17 = arith.divf %logistic3A_15, %logistic3A_16 : vector<400x256xf32>
    %slice3A = vector.extract_strided_slice %logistic3A_17 {offsets = [0, 0], sizes = [400, 128], strides = [1, 1]} : vector<400x256xf32> to vector<400x128xf32>
    %slice3A_18 = vector.extract_strided_slice %logistic3A_17 {offsets = [0, 128], sizes = [400, 128], strides = [1, 1]} : vector<400x256xf32> to vector<400x128xf32>
    %get3A_19 = arith.constant 0 : index
    %get3A_20 = arith.constant 0 : index
    %get3A_21 = vector.load %arg3[%get3A_19, %get3A_20] : memref<128x128xf32, #tpu.memory_space<vmem>>, vector<128x128xf32>
    %dot_general3A_22 = arith.constant dense<0.000000e+00> : vector<400x128xf32>
    %dot_general3A_23 = tpu.matmul %get3A_4, %get3A_21, %dot_general3A_22 {dimension_numbers = #tpu.dot_dimension_numbers<[1], [0], [0], [1], [0, 0, 1, 1], [], []>, transpose_lhs_hint = false} : vector<400x128xf32>, vector<128x128xf32>, vector<400x128xf32> -> vector<400x128xf32>
    %get3A_24 = arith.constant 0 : index
    %get3A_25 = arith.constant 0 : index
    %get3A_26 = vector.load %arg6[%get3A_24, %get3A_25] : memref<1x128xf32, #tpu.memory_space<vmem>>, vector<1x128xf32>
    %add3A_27 = vector.broadcast %get3A_26 : vector<1x128xf32> to vector<400x128xf32>
    %add3A_28 = arith.addf %dot_general3A_23, %add3A_27 : vector<400x128xf32>
    %get3A_29 = arith.constant 0 : index
    %get3A_30 = arith.constant 0 : index
    %get3A_31 = vector.load %arg4[%get3A_29, %get3A_30] : memref<128x128xf32, #tpu.memory_space<vmem>>, vector<128x128xf32>
    %dot_general3A_32 = arith.constant dense<0.000000e+00> : vector<400x128xf32>
    %dot_general3A_33 = tpu.matmul %broadcast_in_dim3A_0, %get3A_31, %dot_general3A_32 {dimension_numbers = #tpu.dot_dimension_numbers<[1], [0], [0], [1], [0, 0, 1, 1], [], []>, transpose_lhs_hint = false} : vector<400x128xf32>, vector<128x128xf32>, vector<400x128xf32> -> vector<400x128xf32>
    %get3A_34 = arith.constant 0 : index
    %get3A_35 = arith.constant 0 : index
    %get3A_36 = vector.load %arg7[%get3A_34, %get3A_35] : memref<1x128xf32, #tpu.memory_space<vmem>>, vector<1x128xf32>
    %add3A_37 = vector.broadcast %get3A_36 : vector<1x128xf32> to vector<400x128xf32>
    %add3A_38 = arith.addf %dot_general3A_33, %add3A_37 : vector<400x128xf32>
    %mul3A = arith.mulf %slice3A, %add3A_38 : vector<400x128xf32>
    %add3A_39 = arith.addf %add3A_28, %mul3A : vector<400x128xf32>
    %tanh3A = math.tanh %add3A_39 : vector<400x128xf32>
    %sub3A = arith.constant 1.000000e+00 : f32
    %sub3A_40 = vector.broadcast %sub3A : f32 to vector<400x128xf32>
    %sub3A_41 = arith.subf %sub3A_40, %slice3A_18 : vector<400x128xf32>
    %mul3A_42 = arith.mulf %sub3A_41, %tanh3A : vector<400x128xf32>
    %mul3A_43 = arith.mulf %slice3A_18, %broadcast_in_dim3A_0 : vector<400x128xf32>
    %add3A_44 = arith.addf %mul3A_42, %mul3A_43 : vector<400x128xf32>
    %concatenate3A_45 = tpu.concatenate %add3A_44, %broadcast_in_dim3A_2 in 1 : vector<400x128xf32>, vector<400x128xf32> -> vector<400x256xf32>
    %get3A_46 = arith.constant 0 : index
    %get3A_47 = arith.constant 0 : index
    %get3A_48 = vector.load %arg8[%get3A_46, %get3A_47] : memref<256x256xf32, #tpu.memory_space<vmem>>, vector<256x256xf32>
    %dot_general3A_49 = arith.constant dense<0.000000e+00> : vector<400x256xf32>
    %dot_general3A_50 = tpu.matmul %concatenate3A_45, %get3A_48, %dot_general3A_49 {dimension_numbers = #tpu.dot_dimension_numbers<[1], [0], [0], [1], [0, 0, 1, 1], [], []>, transpose_lhs_hint = false} : vector<400x256xf32>, vector<256x256xf32>, vector<400x256xf32> -> vector<400x256xf32>
    %get3A_51 = arith.constant 0 : index
    %get3A_52 = arith.constant 0 : index
    %get3A_53 = vector.load %arg11[%get3A_51, %get3A_52] : memref<1x256xf32, #tpu.memory_space<vmem>>, vector<1x256xf32>
    %add3A_54 = vector.broadcast %get3A_53 : vector<1x256xf32> to vector<400x256xf32>
    %add3A_55 = arith.addf %dot_general3A_50, %add3A_54 : vector<400x256xf32>
    %logistic3A_56 = arith.negf %add3A_55 : vector<400x256xf32>
    %logistic3A_57 = math.exp %logistic3A_56 : vector<400x256xf32>
    %logistic3A_58 = arith.constant 1.000000e+00 : f32
    %logistic3A_59 = vector.broadcast %logistic3A_58 : f32 to vector<400x256xf32>
    %logistic3A_60 = arith.addf %logistic3A_59, %logistic3A_57 : vector<400x256xf32>
    %logistic3A_61 = arith.divf %logistic3A_59, %logistic3A_60 : vector<400x256xf32>
    %slice3A_62 = vector.extract_strided_slice %logistic3A_61 {offsets = [0, 0], sizes = [400, 128], strides = [1, 1]} : vector<400x256xf32> to vector<400x128xf32>
    %slice3A_63 = vector.extract_strided_slice %logistic3A_61 {offsets = [0, 128], sizes = [400, 128], strides = [1, 1]} : vector<400x256xf32> to vector<400x128xf32>
    %get3A_64 = arith.constant 0 : index
    %get3A_65 = arith.constant 0 : index
    %get3A_66 = vector.load %arg9[%get3A_64, %get3A_65] : memref<128x128xf32, #tpu.memory_space<vmem>>, vector<128x128xf32>
    %dot_general3A_67 = arith.constant dense<0.000000e+00> : vector<400x128xf32>
    %dot_general3A_68 = tpu.matmul %add3A_44, %get3A_66, %dot_general3A_67 {dimension_numbers = #tpu.dot_dimension_numbers<[1], [0], [0], [1], [0, 0, 1, 1], [], []>, transpose_lhs_hint = false} : vector<400x128xf32>, vector<128x128xf32>, vector<400x128xf32> -> vector<400x128xf32>
    %get3A_69 = arith.constant 0 : index
    %get3A_70 = arith.constant 0 : index
    %get3A_71 = vector.load %arg12[%get3A_69, %get3A_70] : memref<1x128xf32, #tpu.memory_space<vmem>>, vector<1x128xf32>
    %add3A_72 = vector.broadcast %get3A_71 : vector<1x128xf32> to vector<400x128xf32>
    %add3A_73 = arith.addf %dot_general3A_68, %add3A_72 : vector<400x128xf32>
    %get3A_74 = arith.constant 0 : index
    %get3A_75 = arith.constant 0 : index
    %get3A_76 = vector.load %arg10[%get3A_74, %get3A_75] : memref<128x128xf32, #tpu.memory_space<vmem>>, vector<128x128xf32>
    %dot_general3A_77 = arith.constant dense<0.000000e+00> : vector<400x128xf32>
    %dot_general3A_78 = tpu.matmul %broadcast_in_dim3A_2, %get3A_76, %dot_general3A_77 {dimension_numbers = #tpu.dot_dimension_numbers<[1], [0], [0], [1], [0, 0, 1, 1], [], []>, transpose_lhs_hint = false} : vector<400x128xf32>, vector<128x128xf32>, vector<400x128xf32> -> vector<400x128xf32>
    %get3A_79 = arith.constant 0 : index
    %get3A_80 = arith.constant 0 : index
    %get3A_81 = vector.load %arg13[%get3A_79, %get3A_80] : memref<1x128xf32, #tpu.memory_space<vmem>>, vector<1x128xf32>
    %add3A_82 = vector.broadcast %get3A_81 : vector<1x128xf32> to vector<400x128xf32>
    %add3A_83 = arith.addf %dot_general3A_78, %add3A_82 : vector<400x128xf32>
    %mul3A_84 = arith.mulf %slice3A_62, %add3A_83 : vector<400x128xf32>
    %add3A_85 = arith.addf %add3A_73, %mul3A_84 : vector<400x128xf32>
    %tanh3A_86 = math.tanh %add3A_85 : vector<400x128xf32>
    %sub3A_87 = arith.constant 1.000000e+00 : f32
    %sub3A_88 = vector.broadcast %sub3A_87 : f32 to vector<400x128xf32>
    %sub3A_89 = arith.subf %sub3A_88, %slice3A_63 : vector<400x128xf32>
    %mul3A_90 = arith.mulf %sub3A_89, %tanh3A_86 : vector<400x128xf32>
    %mul3A_91 = arith.mulf %slice3A_63, %broadcast_in_dim3A_2 : vector<400x128xf32>
    %add3A_92 = arith.addf %mul3A_90, %mul3A_91 : vector<400x128xf32>
    %get3A_93 = arith.constant 0 : index
    %get3A_94 = arith.constant 128 : index
    %get3A_95 = vector.load %arg1[%get3A_93, %get3A_94] : memref<400x1536xf32, #tpu.memory_space<vmem>>, vector<400x128xf32>
    %concatenate3A_96 = tpu.concatenate %get3A_95, %add3A_44 in 1 : vector<400x128xf32>, vector<400x128xf32> -> vector<400x256xf32>
    %get3A_97 = arith.constant 0 : index
    %get3A_98 = arith.constant 0 : index
    %get3A_99 = vector.load %arg2[%get3A_97, %get3A_98] : memref<256x256xf32, #tpu.memory_space<vmem>>, vector<256x256xf32>
    %dot_general3A_100 = arith.constant dense<0.000000e+00> : vector<400x256xf32>
    %dot_general3A_101 = tpu.matmul %concatenate3A_96, %get3A_99, %dot_general3A_100 {dimension_numbers = #tpu.dot_dimension_numbers<[1], [0], [0], [1], [0, 0, 1, 1], [], []>, transpose_lhs_hint = false} : vector<400x256xf32>, vector<256x256xf32>, vector<400x256xf32> -> vector<400x256xf32>
    %get3A_102 = arith.constant 0 : index
    %get3A_103 = arith.constant 0 : index
    %get3A_104 = vector.load %arg5[%get3A_102, %get3A_103] : memref<1x256xf32, #tpu.memory_space<vmem>>, vector<1x256xf32>
    %add3A_105 = vector.broadcast %get3A_104 : vector<1x256xf32> to vector<400x256xf32>
    %add3A_106 = arith.addf %dot_general3A_101, %add3A_105 : vector<400x256xf32>
    %logistic3A_107 = arith.negf %add3A_106 : vector<400x256xf32>
    %logistic3A_108 = math.exp %logistic3A_107 : vector<400x256xf32>
    %logistic3A_109 = arith.constant 1.000000e+00 : f32
    %logistic3A_110 = vector.broadcast %logistic3A_109 : f32 to vector<400x256xf32>
    %logistic3A_111 = arith.addf %logistic3A_110, %logistic3A_108 : vector<400x256xf32>
    %logistic3A_112 = arith.divf %logistic3A_110, %logistic3A_111 : vector<400x256xf32>
    %slice3A_113 = vector.extract_strided_slice %logistic3A_112 {offsets = [0, 0], sizes = [400, 128], strides = [1, 1]} : vector<400x256xf32> to vector<400x128xf32>
    %slice3A_114 = vector.extract_strided_slice %logistic3A_112 {offsets = [0, 128], sizes = [400, 128], strides = [1, 1]} : vector<400x256xf32> to vector<400x128xf32>
    %get3A_115 = arith.constant 0 : index
    %get3A_116 = arith.constant 0 : index
    %get3A_117 = vector.load %arg3[%get3A_115, %get3A_116] : memref<128x128xf32, #tpu.memory_space<vmem>>, vector<128x128xf32>
    %dot_general3A_118 = arith.constant dense<0.000000e+00> : vector<400x128xf32>
    %dot_general3A_119 = tpu.matmul %get3A_95, %get3A_117, %dot_general3A_118 {dimension_numbers = #tpu.dot_dimension_numbers<[1], [0], [0], [1], [0, 0, 1, 1], [], []>, transpose_lhs_hint = false} : vector<400x128xf32>, vector<128x128xf32>, vector<400x128xf32> -> vector<400x128xf32>
    %get3A_120 = arith.constant 0 : index
    %get3A_121 = arith.constant 0 : index
    %get3A_122 = vector.load %arg6[%get3A_120, %get3A_121] : memref<1x128xf32, #tpu.memory_space<vmem>>, vector<1x128xf32>
    %add3A_123 = vector.broadcast %get3A_122 : vector<1x128xf32> to vector<400x128xf32>
    %add3A_124 = arith.addf %dot_general3A_119, %add3A_123 : vector<400x128xf32>
    %get3A_125 = arith.constant 0 : index
    %get3A_126 = arith.constant 0 : index
    %get3A_127 = vector.load %arg4[%get3A_125, %get3A_126] : memref<128x128xf32, #tpu.memory_space<vmem>>, vector<128x128xf32>
    %dot_general3A_128 = arith.constant dense<0.000000e+00> : vector<400x128xf32>
    %dot_general3A_129 = tpu.matmul %add3A_44, %get3A_127, %dot_general3A_128 {dimension_numbers = #tpu.dot_dimension_numbers<[1], [0], [0], [1], [0, 0, 1, 1], [], []>, transpose_lhs_hint = false} : vector<400x128xf32>, vector<128x128xf32>, vector<400x128xf32> -> vector<400x128xf32>
    %get3A_130 = arith.constant 0 : index
    %get3A_131 = arith.constant 0 : index
    %get3A_132 = vector.load %arg7[%get3A_130, %get3A_131] : memref<1x128xf32, #tpu.memory_space<vmem>>, vector<1x128xf32>
    %add3A_133 = vector.broadcast %get3A_132 : vector<1x128xf32> to vector<400x128xf32>
    %add3A_134 = arith.addf %dot_general3A_129, %add3A_133 : vector<400x128xf32>
    %mul3A_135 = arith.mulf %slice3A_113, %add3A_134 : vector<400x128xf32>
    %add3A_136 = arith.addf %add3A_124, %mul3A_135 : vector<400x128xf32>
    %tanh3A_137 = math.tanh %add3A_136 : vector<400x128xf32>
    %sub3A_138 = arith.constant 1.000000e+00 : f32
    %sub3A_139 = vector.broadcast %sub3A_138 : f32 to vector<400x128xf32>
    %sub3A_140 = arith.subf %sub3A_139, %slice3A_114 : vector<400x128xf32>
    %mul3A_141 = arith.mulf %sub3A_140, %tanh3A_137 : vector<400x128xf32>
    %mul3A_142 = arith.mulf %slice3A_114, %add3A_44 : vector<400x128xf32>
    %add3A_143 = arith.addf %mul3A_141, %mul3A_142 : vector<400x128xf32>
    %concatenate3A_144 = tpu.concatenate %add3A_143, %add3A_92 in 1 : vector<400x128xf32>, vector<400x128xf32> -> vector<400x256xf32>
    %get3A_145 = arith.constant 0 : index
    %get3A_146 = arith.constant 0 : index
    %get3A_147 = vector.load %arg8[%get3A_145, %get3A_146] : memref<256x256xf32, #tpu.memory_space<vmem>>, vector<256x256xf32>
    %dot_general3A_148 = arith.constant dense<0.000000e+00> : vector<400x256xf32>
    %dot_general3A_149 = tpu.matmul %concatenate3A_144, %get3A_147, %dot_general3A_148 {dimension_numbers = #tpu.dot_dimension_numbers<[1], [0], [0], [1], [0, 0, 1, 1], [], []>, transpose_lhs_hint = false} : vector<400x256xf32>, vector<256x256xf32>, vector<400x256xf32> -> vector<400x256xf32>
    %get3A_150 = arith.constant 0 : index
    %get3A_151 = arith.constant 0 : index
    %get3A_152 = vector.load %arg11[%get3A_150, %get3A_151] : memref<1x256xf32, #tpu.memory_space<vmem>>, vector<1x256xf32>
    %add3A_153 = vector.broadcast %get3A_152 : vector<1x256xf32> to vector<400x256xf32>
    %add3A_154 = arith.addf %dot_general3A_149, %add3A_153 : vector<400x256xf32>
    %logistic3A_155 = arith.negf %add3A_154 : vector<400x256xf32>
    %logistic3A_156 = math.exp %logistic3A_155 : vector<400x256xf32>
    %logistic3A_157 = arith.constant 1.000000e+00 : f32
    %logistic3A_158 = vector.broadcast %logistic3A_157 : f32 to vector<400x256xf32>
    %logistic3A_159 = arith.addf %logistic3A_158, %logistic3A_156 : vector<400x256xf32>
    %logistic3A_160 = arith.divf %logistic3A_158, %logistic3A_159 : vector<400x256xf32>
    %slice3A_161 = vector.extract_strided_slice %logistic3A_160 {offsets = [0, 0], sizes = [400, 128], strides = [1, 1]} : vector<400x256xf32> to vector<400x128xf32>
    %slice3A_162 = vector.extract_strided_slice %logistic3A_160 {offsets = [0, 128], sizes = [400, 128], strides = [1, 1]} : vector<400x256xf32> to vector<400x128xf32>
    %get3A_163 = arith.constant 0 : index
    %get3A_164 = arith.constant 0 : index
    %get3A_165 = vector.load %arg9[%get3A_163, %get3A_164] : memref<128x128xf32, #tpu.memory_space<vmem>>, vector<128x128xf32>
    %dot_general3A_166 = arith.constant dense<0.000000e+00> : vector<400x128xf32>
    %dot_general3A_167 = tpu.matmul %add3A_143, %get3A_165, %dot_general3A_166 {dimension_numbers = #tpu.dot_dimension_numbers<[1], [0], [0], [1], [0, 0, 1, 1], [], []>, transpose_lhs_hint = false} : vector<400x128xf32>, vector<128x128xf32>, vector<400x128xf32> -> vector<400x128xf32>
    %get3A_168 = arith.constant 0 : index
    %get3A_169 = arith.constant 0 : index
    %get3A_170 = vector.load %arg12[%get3A_168, %get3A_169] : memref<1x128xf32, #tpu.memory_space<vmem>>, vector<1x128xf32>
    %add3A_171 = vector.broadcast %get3A_170 : vector<1x128xf32> to vector<400x128xf32>
    %add3A_172 = arith.addf %dot_general3A_167, %add3A_171 : vector<400x128xf32>
    %get3A_173 = arith.constant 0 : index
    %get3A_174 = arith.constant 0 : index
    %get3A_175 = vector.load %arg10[%get3A_173, %get3A_174] : memref<128x128xf32, #tpu.memory_space<vmem>>, vector<128x128xf32>
    %dot_general3A_176 = arith.constant dense<0.000000e+00> : vector<400x128xf32>
    %dot_general3A_177 = tpu.matmul %add3A_92, %get3A_175, %dot_general3A_176 {dimension_numbers = #tpu.dot_dimension_numbers<[1], [0], [0], [1], [0, 0, 1, 1], [], []>, transpose_lhs_hint = false} : vector<400x128xf32>, vector<128x128xf32>, vector<400x128xf32> -> vector<400x128xf32>
    %get3A_178 = arith.constant 0 : index
    %get3A_179 = arith.constant 0 : index
    %get3A_180 = vector.load %arg13[%get3A_178, %get3A_179] : memref<1x128xf32, #tpu.memory_space<vmem>>, vector<1x128xf32>
    %add3A_181 = vector.broadcast %get3A_180 : vector<1x128xf32> to vector<400x128xf32>
    %add3A_182 = arith.addf %dot_general3A_177, %add3A_181 : vector<400x128xf32>
    %mul3A_183 = arith.mulf %slice3A_161, %add3A_182 : vector<400x128xf32>
    %add3A_184 = arith.addf %add3A_172, %mul3A_183 : vector<400x128xf32>
    %tanh3A_185 = math.tanh %add3A_184 : vector<400x128xf32>
    %sub3A_186 = arith.constant 1.000000e+00 : f32
    %sub3A_187 = vector.broadcast %sub3A_186 : f32 to vector<400x128xf32>
    %sub3A_188 = arith.subf %sub3A_187, %slice3A_162 : vector<400x128xf32>
    %mul3A_189 = arith.mulf %sub3A_188, %tanh3A_185 : vector<400x128xf32>
    %mul3A_190 = arith.mulf %slice3A_162, %add3A_92 : vector<400x128xf32>
    %add3A_191 = arith.addf %mul3A_189, %mul3A_190 : vector<400x128xf32>
    %get3A_192 = arith.constant 0 : index
    %get3A_193 = arith.constant 256 : index
    %get3A_194 = vector.load %arg1[%get3A_192, %get3A_193] : memref<400x1536xf32, #tpu.memory_space<vmem>>, vector<400x128xf32>
    %concatenate3A_195 = tpu.concatenate %get3A_194, %add3A_143 in 1 : vector<400x128xf32>, vector<400x128xf32> -> vector<400x256xf32>
    %get3A_196 = arith.constant 0 : index
    %get3A_197 = arith.constant 0 : index
    %get3A_198 = vector.load %arg2[%get3A_196, %get3A_197] : memref<256x256xf32, #tpu.memory_space<vmem>>, vector<256x256xf32>
    %dot_general3A_199 = arith.constant dense<0.000000e+00> : vector<400x256xf32>
    %dot_general3A_200 = tpu.matmul %concatenate3A_195, %get3A_198, %dot_general3A_199 {dimension_numbers = #tpu.dot_dimension_numbers<[1], [0], [0], [1], [0, 0, 1, 1], [], []>, transpose_lhs_hint = false} : vector<400x256xf32>, vector<256x256xf32>, vector<400x256xf32> -> vector<400x256xf32>
    %get3A_201 = arith.constant 0 : index
    %get3A_202 = arith.constant 0 : index
    %get3A_203 = vector.load %arg5[%get3A_201, %get3A_202] : memref<1x256xf32, #tpu.memory_space<vmem>>, vector<1x256xf32>
    %add3A_204 = vector.broadcast %get3A_203 : vector<1x256xf32> to vector<400x256xf32>
    %add3A_205 = arith.addf %dot_general3A_200, %add3A_204 : vector<400x256xf32>
    %logistic3A_206 = arith.negf %add3A_205 : vector<400x256xf32>
    %logistic3A_207 = math.exp %logistic3A_206 : vector<400x256xf32>
    %logistic3A_208 = arith.constant 1.000000e+00 : f32
    %logistic3A_209 = vector.broadcast %logistic3A_208 : f32 to vector<400x256xf32>
    %logistic3A_210 = arith.addf %logistic3A_209, %logistic3A_207 : vector<400x256xf32>
    %logistic3A_211 = arith.divf %logistic3A_209, %logistic3A_210 : vector<400x256xf32>
    %slice3A_212 = vector.extract_strided_slice %logistic3A_211 {offsets = [0, 0], sizes = [400, 128], strides = [1, 1]} : vector<400x256xf32> to vector<400x128xf32>
    %slice3A_213 = vector.extract_strided_slice %logistic3A_211 {offsets = [0, 128], sizes = [400, 128], strides = [1, 1]} : vector<400x256xf32> to vector<400x128xf32>
    %get3A_214 = arith.constant 0 : index
    %get3A_215 = arith.constant 0 : index
    %get3A_216 = vector.load %arg3[%get3A_214, %get3A_215] : memref<128x128xf32, #tpu.memory_space<vmem>>, vector<128x128xf32>
    %dot_general3A_217 = arith.constant dense<0.000000e+00> : vector<400x128xf32>
    %dot_general3A_218 = tpu.matmul %get3A_194, %get3A_216, %dot_general3A_217 {dimension_numbers = #tpu.dot_dimension_numbers<[1], [0], [0], [1], [0, 0, 1, 1], [], []>, transpose_lhs_hint = false} : vector<400x128xf32>, vector<128x128xf32>, vector<400x128xf32> -> vector<400x128xf32>
    %get3A_219 = arith.constant 0 : index
    %get3A_220 = arith.constant 0 : index
    %get3A_221 = vector.load %arg6[%get3A_219, %get3A_220] : memref<1x128xf32, #tpu.memory_space<vmem>>, vector<1x128xf32>
    %add3A_222 = vector.broadcast %get3A_221 : vector<1x128xf32> to vector<400x128xf32>
    %add3A_223 = arith.addf %dot_general3A_218, %add3A_222 : vector<400x128xf32>
    %get3A_224 = arith.constant 0 : index
    %get3A_225 = arith.constant 0 : index
    %get3A_226 = vector.load %arg4[%get3A_224, %get3A_225] : memref<128x128xf32, #tpu.memory_space<vmem>>, vector<128x128xf32>
    %dot_general3A_227 = arith.constant dense<0.000000e+00> : vector<400x128xf32>
    %dot_general3A_228 = tpu.matmul %add3A_143, %get3A_226, %dot_general3A_227 {dimension_numbers = #tpu.dot_dimension_numbers<[1], [0], [0], [1], [0, 0, 1, 1], [], []>, transpose_lhs_hint = false} : vector<400x128xf32>, vector<128x128xf32>, vector<400x128xf32> -> vector<400x128xf32>
    %get3A_229 = arith.constant 0 : index
    %get3A_230 = arith.constant 0 : index
    %get3A_231 = vector.load %arg7[%get3A_229, %get3A_230] : memref<1x128xf32, #tpu.memory_space<vmem>>, vector<1x128xf32>
    %add3A_232 = vector.broadcast %get3A_231 : vector<1x128xf32> to vector<400x128xf32>
    %add3A_233 = arith.addf %dot_general3A_228, %add3A_232 : vector<400x128xf32>
    %mul3A_234 = arith.mulf %slice3A_212, %add3A_233 : vector<400x128xf32>
    %add3A_235 = arith.addf %add3A_223, %mul3A_234 : vector<400x128xf32>
    %tanh3A_236 = math.tanh %add3A_235 : vector<400x128xf32>
    %sub3A_237 = arith.constant 1.000000e+00 : f32
    %sub3A_238 = vector.broadcast %sub3A_237 : f32 to vector<400x128xf32>
    %sub3A_239 = arith.subf %sub3A_238, %slice3A_213 : vector<400x128xf32>
    %mul3A_240 = arith.mulf %sub3A_239, %tanh3A_236 : vector<400x128xf32>
    %mul3A_241 = arith.mulf %slice3A_213, %add3A_143 : vector<400x128xf32>
    %add3A_242 = arith.addf %mul3A_240, %mul3A_241 : vector<400x128xf32>
    %concatenate3A_243 = tpu.concatenate %add3A_242, %add3A_191 in 1 : vector<400x128xf32>, vector<400x128xf32> -> vector<400x256xf32>
    %get3A_244 = arith.constant 0 : index
    %get3A_245 = arith.constant 0 : index
    %get3A_246 = vector.load %arg8[%get3A_244, %get3A_245] : memref<256x256xf32, #tpu.memory_space<vmem>>, vector<256x256xf32>
    %dot_general3A_247 = arith.constant dense<0.000000e+00> : vector<400x256xf32>
    %dot_general3A_248 = tpu.matmul %concatenate3A_243, %get3A_246, %dot_general3A_247 {dimension_numbers = #tpu.dot_dimension_numbers<[1], [0], [0], [1], [0, 0, 1, 1], [], []>, transpose_lhs_hint = false} : vector<400x256xf32>, vector<256x256xf32>, vector<400x256xf32> -> vector<400x256xf32>
    %get3A_249 = arith.constant 0 : index
    %get3A_250 = arith.constant 0 : index
    %get3A_251 = vector.load %arg11[%get3A_249, %get3A_250] : memref<1x256xf32, #tpu.memory_space<vmem>>, vector<1x256xf32>
    %add3A_252 = vector.broadcast %get3A_251 : vector<1x256xf32> to vector<400x256xf32>
    %add3A_253 = arith.addf %dot_general3A_248, %add3A_252 : vector<400x256xf32>
    %logistic3A_254 = arith.negf %add3A_253 : vector<400x256xf32>
    %logistic3A_255 = math.exp %logistic3A_254 : vector<400x256xf32>
    %logistic3A_256 = arith.constant 1.000000e+00 : f32
    %logistic3A_257 = vector.broadcast %logistic3A_256 : f32 to vector<400x256xf32>
    %logistic3A_258 = arith.addf %logistic3A_257, %logistic3A_255 : vector<400x256xf32>
    %logistic3A_259 = arith.divf %logistic3A_257, %logistic3A_258 : vector<400x256xf32>
    %slice3A_260 = vector.extract_strided_slice %logistic3A_259 {offsets = [0, 0], sizes = [400, 128], strides = [1, 1]} : vector<400x256xf32> to vector<400x128xf32>
    %slice3A_261 = vector.extract_strided_slice %logistic3A_259 {offsets = [0, 128], sizes = [400, 128], strides = [1, 1]} : vector<400x256xf32> to vector<400x128xf32>
    %get3A_262 = arith.constant 0 : index
    %get3A_263 = arith.constant 0 : index
    %get3A_264 = vector.load %arg9[%get3A_262, %get3A_263] : memref<128x128xf32, #tpu.memory_space<vmem>>, vector<128x128xf32>
    %dot_general3A_265 = arith.constant dense<0.000000e+00> : vector<400x128xf32>
    %dot_general3A_266 = tpu.matmul %add3A_242, %get3A_264, %dot_general3A_265 {dimension_numbers = #tpu.dot_dimension_numbers<[1], [0], [0], [1], [0, 0, 1, 1], [], []>, transpose_lhs_hint = false} : vector<400x128xf32>, vector<128x128xf32>, vector<400x128xf32> -> vector<400x128xf32>
    %get3A_267 = arith.constant 0 : index
    %get3A_268 = arith.constant 0 : index
    %get3A_269 = vector.load %arg12[%get3A_267, %get3A_268] : memref<1x128xf32, #tpu.memory_space<vmem>>, vector<1x128xf32>
    %add3A_270 = vector.broadcast %get3A_269 : vector<1x128xf32> to vector<400x128xf32>
    %add3A_271 = arith.addf %dot_general3A_266, %add3A_270 : vector<400x128xf32>
    %get3A_272 = arith.constant 0 : index
    %get3A_273 = arith.constant 0 : index
    %get3A_274 = vector.load %arg10[%get3A_272, %get3A_273] : memref<128x128xf32, #tpu.memory_space<vmem>>, vector<128x128xf32>
    %dot_general3A_275 = arith.constant dense<0.000000e+00> : vector<400x128xf32>
    %dot_general3A_276 = tpu.matmul %add3A_191, %get3A_274, %dot_general3A_275 {dimension_numbers = #tpu.dot_dimension_numbers<[1], [0], [0], [1], [0, 0, 1, 1], [], []>, transpose_lhs_hint = false} : vector<400x128xf32>, vector<128x128xf32>, vector<400x128xf32> -> vector<400x128xf32>
    %get3A_277 = arith.constant 0 : index
    %get3A_278 = arith.constant 0 : index
    %get3A_279 = vector.load %arg13[%get3A_277, %get3A_278] : memref<1x128xf32, #tpu.memory_space<vmem>>, vector<1x128xf32>
    %add3A_280 = vector.broadcast %get3A_279 : vector<1x128xf32> to vector<400x128xf32>
    %add3A_281 = arith.addf %dot_general3A_276, %add3A_280 : vector<400x128xf32>
    %mul3A_282 = arith.mulf %slice3A_260, %add3A_281 : vector<400x128xf32>
    %add3A_283 = arith.addf %add3A_271, %mul3A_282 : vector<400x128xf32>
    %tanh3A_284 = math.tanh %add3A_283 : vector<400x128xf32>
    %sub3A_285 = arith.constant 1.000000e+00 : f32
    %sub3A_286 = vector.broadcast %sub3A_285 : f32 to vector<400x128xf32>
    %sub3A_287 = arith.subf %sub3A_286, %slice3A_261 : vector<400x128xf32>
    %mul3A_288 = arith.mulf %sub3A_287, %tanh3A_284 : vector<400x128xf32>
    %mul3A_289 = arith.mulf %slice3A_261, %add3A_191 : vector<400x128xf32>
    %add3A_290 = arith.addf %mul3A_288, %mul3A_289 : vector<400x128xf32>
    %get3A_291 = arith.constant 0 : index
    %get3A_292 = arith.constant 384 : index
    %get3A_293 = vector.load %arg1[%get3A_291, %get3A_292] : memref<400x1536xf32, #tpu.memory_space<vmem>>, vector<400x128xf32>
    %concatenate3A_294 = tpu.concatenate %get3A_293, %add3A_242 in 1 : vector<400x128xf32>, vector<400x128xf32> -> vector<400x256xf32>
    %get3A_295 = arith.constant 0 : index
    %get3A_296 = arith.constant 0 : index
    %get3A_297 = vector.load %arg2[%get3A_295, %get3A_296] : memref<256x256xf32, #tpu.memory_space<vmem>>, vector<256x256xf32>
    %dot_general3A_298 = arith.constant dense<0.000000e+00> : vector<400x256xf32>
    %dot_general3A_299 = tpu.matmul %concatenate3A_294, %get3A_297, %dot_general3A_298 {dimension_numbers = #tpu.dot_dimension_numbers<[1], [0], [0], [1], [0, 0, 1, 1], [], []>, transpose_lhs_hint = false} : vector<400x256xf32>, vector<256x256xf32>, vector<400x256xf32> -> vector<400x256xf32>
    %get3A_300 = arith.constant 0 : index
    %get3A_301 = arith.constant 0 : index
    %get3A_302 = vector.load %arg5[%get3A_300, %get3A_301] : memref<1x256xf32, #tpu.memory_space<vmem>>, vector<1x256xf32>
    %add3A_303 = vector.broadcast %get3A_302 : vector<1x256xf32> to vector<400x256xf32>
    %add3A_304 = arith.addf %dot_general3A_299, %add3A_303 : vector<400x256xf32>
    %logistic3A_305 = arith.negf %add3A_304 : vector<400x256xf32>
    %logistic3A_306 = math.exp %logistic3A_305 : vector<400x256xf32>
    %logistic3A_307 = arith.constant 1.000000e+00 : f32
    %logistic3A_308 = vector.broadcast %logistic3A_307 : f32 to vector<400x256xf32>
    %logistic3A_309 = arith.addf %logistic3A_308, %logistic3A_306 : vector<400x256xf32>
    %logistic3A_310 = arith.divf %logistic3A_308, %logistic3A_309 : vector<400x256xf32>
    %slice3A_311 = vector.extract_strided_slice %logistic3A_310 {offsets = [0, 0], sizes = [400, 128], strides = [1, 1]} : vector<400x256xf32> to vector<400x128xf32>
    %slice3A_312 = vector.extract_strided_slice %logistic3A_310 {offsets = [0, 128], sizes = [400, 128], strides = [1, 1]} : vector<400x256xf32> to vector<400x128xf32>
    %get3A_313 = arith.constant 0 : index
    %get3A_314 = arith.constant 0 : index
    %get3A_315 = vector.load %arg3[%get3A_313, %get3A_314] : memref<128x128xf32, #tpu.memory_space<vmem>>, vector<128x128xf32>
    %dot_general3A_316 = arith.constant dense<0.000000e+00> : vector<400x128xf32>
    %dot_general3A_317 = tpu.matmul %get3A_293, %get3A_315, %dot_general3A_316 {dimension_numbers = #tpu.dot_dimension_numbers<[1], [0], [0], [1], [0, 0, 1, 1], [], []>, transpose_lhs_hint = false} : vector<400x128xf32>, vector<128x128xf32>, vector<400x128xf32> -> vector<400x128xf32>
    %get3A_318 = arith.constant 0 : index
    %get3A_319 = arith.constant 0 : index
    %get3A_320 = vector.load %arg6[%get3A_318, %get3A_319] : memref<1x128xf32, #tpu.memory_space<vmem>>, vector<1x128xf32>
    %add3A_321 = vector.broadcast %get3A_320 : vector<1x128xf32> to vector<400x128xf32>
    %add3A_322 = arith.addf %dot_general3A_317, %add3A_321 : vector<400x128xf32>
    %get3A_323 = arith.constant 0 : index
    %get3A_324 = arith.constant 0 : index
    %get3A_325 = vector.load %arg4[%get3A_323, %get3A_324] : memref<128x128xf32, #tpu.memory_space<vmem>>, vector<128x128xf32>
    %dot_general3A_326 = arith.constant dense<0.000000e+00> : vector<400x128xf32>
    %dot_general3A_327 = tpu.matmul %add3A_242, %get3A_325, %dot_general3A_326 {dimension_numbers = #tpu.dot_dimension_numbers<[1], [0], [0], [1], [0, 0, 1, 1], [], []>, transpose_lhs_hint = false} : vector<400x128xf32>, vector<128x128xf32>, vector<400x128xf32> -> vector<400x128xf32>
    %get3A_328 = arith.constant 0 : index
    %get3A_329 = arith.constant 0 : index
    %get3A_330 = vector.load %arg7[%get3A_328, %get3A_329] : memref<1x128xf32, #tpu.memory_space<vmem>>, vector<1x128xf32>
    %add3A_331 = vector.broadcast %get3A_330 : vector<1x128xf32> to vector<400x128xf32>
    %add3A_332 = arith.addf %dot_general3A_327, %add3A_331 : vector<400x128xf32>
    %mul3A_333 = arith.mulf %slice3A_311, %add3A_332 : vector<400x128xf32>
    %add3A_334 = arith.addf %add3A_322, %mul3A_333 : vector<400x128xf32>
    %tanh3A_335 = math.tanh %add3A_334 : vector<400x128xf32>
    %sub3A_336 = arith.constant 1.000000e+00 : f32
    %sub3A_337 = vector.broadcast %sub3A_336 : f32 to vector<400x128xf32>
    %sub3A_338 = arith.subf %sub3A_337, %slice3A_312 : vector<400x128xf32>
    %mul3A_339 = arith.mulf %sub3A_338, %tanh3A_335 : vector<400x128xf32>
    %mul3A_340 = arith.mulf %slice3A_312, %add3A_242 : vector<400x128xf32>
    %add3A_341 = arith.addf %mul3A_339, %mul3A_340 : vector<400x128xf32>
    %concatenate3A_342 = tpu.concatenate %add3A_341, %add3A_290 in 1 : vector<400x128xf32>, vector<400x128xf32> -> vector<400x256xf32>
    %get3A_343 = arith.constant 0 : index
    %get3A_344 = arith.constant 0 : index
    %get3A_345 = vector.load %arg8[%get3A_343, %get3A_344] : memref<256x256xf32, #tpu.memory_space<vmem>>, vector<256x256xf32>
    %dot_general3A_346 = arith.constant dense<0.000000e+00> : vector<400x256xf32>
    %dot_general3A_347 = tpu.matmul %concatenate3A_342, %get3A_345, %dot_general3A_346 {dimension_numbers = #tpu.dot_dimension_numbers<[1], [0], [0], [1], [0, 0, 1, 1], [], []>, transpose_lhs_hint = false} : vector<400x256xf32>, vector<256x256xf32>, vector<400x256xf32> -> vector<400x256xf32>
    %get3A_348 = arith.constant 0 : index
    %get3A_349 = arith.constant 0 : index
    %get3A_350 = vector.load %arg11[%get3A_348, %get3A_349] : memref<1x256xf32, #tpu.memory_space<vmem>>, vector<1x256xf32>
    %add3A_351 = vector.broadcast %get3A_350 : vector<1x256xf32> to vector<400x256xf32>
    %add3A_352 = arith.addf %dot_general3A_347, %add3A_351 : vector<400x256xf32>
    %logistic3A_353 = arith.negf %add3A_352 : vector<400x256xf32>
    %logistic3A_354 = math.exp %logistic3A_353 : vector<400x256xf32>
    %logistic3A_355 = arith.constant 1.000000e+00 : f32
    %logistic3A_356 = vector.broadcast %logistic3A_355 : f32 to vector<400x256xf32>
    %logistic3A_357 = arith.addf %logistic3A_356, %logistic3A_354 : vector<400x256xf32>
    %logistic3A_358 = arith.divf %logistic3A_356, %logistic3A_357 : vector<400x256xf32>
    %slice3A_359 = vector.extract_strided_slice %logistic3A_358 {offsets = [0, 0], sizes = [400, 128], strides = [1, 1]} : vector<400x256xf32> to vector<400x128xf32>
    %slice3A_360 = vector.extract_strided_slice %logistic3A_358 {offsets = [0, 128], sizes = [400, 128], strides = [1, 1]} : vector<400x256xf32> to vector<400x128xf32>
    %get3A_361 = arith.constant 0 : index
    %get3A_362 = arith.constant 0 : index
    %get3A_363 = vector.load %arg9[%get3A_361, %get3A_362] : memref<128x128xf32, #tpu.memory_space<vmem>>, vector<128x128xf32>
    %dot_general3A_364 = arith.constant dense<0.000000e+00> : vector<400x128xf32>
    %dot_general3A_365 = tpu.matmul %add3A_341, %get3A_363, %dot_general3A_364 {dimension_numbers = #tpu.dot_dimension_numbers<[1], [0], [0], [1], [0, 0, 1, 1], [], []>, transpose_lhs_hint = false} : vector<400x128xf32>, vector<128x128xf32>, vector<400x128xf32> -> vector<400x128xf32>
    %get3A_366 = arith.constant 0 : index
    %get3A_367 = arith.constant 0 : index
    %get3A_368 = vector.load %arg12[%get3A_366, %get3A_367] : memref<1x128xf32, #tpu.memory_space<vmem>>, vector<1x128xf32>
    %add3A_369 = vector.broadcast %get3A_368 : vector<1x128xf32> to vector<400x128xf32>
    %add3A_370 = arith.addf %dot_general3A_365, %add3A_369 : vector<400x128xf32>
    %get3A_371 = arith.constant 0 : index
    %get3A_372 = arith.constant 0 : index
    %get3A_373 = vector.load %arg10[%get3A_371, %get3A_372] : memref<128x128xf32, #tpu.memory_space<vmem>>, vector<128x128xf32>
    %dot_general3A_374 = arith.constant dense<0.000000e+00> : vector<400x128xf32>
    %dot_general3A_375 = tpu.matmul %add3A_290, %get3A_373, %dot_general3A_374 {dimension_numbers = #tpu.dot_dimension_numbers<[1], [0], [0], [1], [0, 0, 1, 1], [], []>, transpose_lhs_hint = false} : vector<400x128xf32>, vector<128x128xf32>, vector<400x128xf32> -> vector<400x128xf32>
    %get3A_376 = arith.constant 0 : index
    %get3A_377 = arith.constant 0 : index
    %get3A_378 = vector.load %arg13[%get3A_376, %get3A_377] : memref<1x128xf32, #tpu.memory_space<vmem>>, vector<1x128xf32>
    %add3A_379 = vector.broadcast %get3A_378 : vector<1x128xf32> to vector<400x128xf32>
    %add3A_380 = arith.addf %dot_general3A_375, %add3A_379 : vector<400x128xf32>
    %mul3A_381 = arith.mulf %slice3A_359, %add3A_380 : vector<400x128xf32>
    %add3A_382 = arith.addf %add3A_370, %mul3A_381 : vector<400x128xf32>
    %tanh3A_383 = math.tanh %add3A_382 : vector<400x128xf32>
    %sub3A_384 = arith.constant 1.000000e+00 : f32
    %sub3A_385 = vector.broadcast %sub3A_384 : f32 to vector<400x128xf32>
    %sub3A_386 = arith.subf %sub3A_385, %slice3A_360 : vector<400x128xf32>
    %mul3A_387 = arith.mulf %sub3A_386, %tanh3A_383 : vector<400x128xf32>
    %mul3A_388 = arith.mulf %slice3A_360, %add3A_290 : vector<400x128xf32>
    %add3A_389 = arith.addf %mul3A_387, %mul3A_388 : vector<400x128xf32>
    %get3A_390 = arith.constant 0 : index
    %get3A_391 = arith.constant 512 : index
    %get3A_392 = vector.load %arg1[%get3A_390, %get3A_391] : memref<400x1536xf32, #tpu.memory_space<vmem>>, vector<400x128xf32>
    %concatenate3A_393 = tpu.concatenate %get3A_392, %add3A_341 in 1 : vector<400x128xf32>, vector<400x128xf32> -> vector<400x256xf32>
    %get3A_394 = arith.constant 0 : index
    %get3A_395 = arith.constant 0 : index
    %get3A_396 = vector.load %arg2[%get3A_394, %get3A_395] : memref<256x256xf32, #tpu.memory_space<vmem>>, vector<256x256xf32>
    %dot_general3A_397 = arith.constant dense<0.000000e+00> : vector<400x256xf32>
    %dot_general3A_398 = tpu.matmul %concatenate3A_393, %get3A_396, %dot_general3A_397 {dimension_numbers = #tpu.dot_dimension_numbers<[1], [0], [0], [1], [0, 0, 1, 1], [], []>, transpose_lhs_hint = false} : vector<400x256xf32>, vector<256x256xf32>, vector<400x256xf32> -> vector<400x256xf32>
    %get3A_399 = arith.constant 0 : index
    %get3A_400 = arith.constant 0 : index
    %get3A_401 = vector.load %arg5[%get3A_399, %get3A_400] : memref<1x256xf32, #tpu.memory_space<vmem>>, vector<1x256xf32>
    %add3A_402 = vector.broadcast %get3A_401 : vector<1x256xf32> to vector<400x256xf32>
    %add3A_403 = arith.addf %dot_general3A_398, %add3A_402 : vector<400x256xf32>
    %logistic3A_404 = arith.negf %add3A_403 : vector<400x256xf32>
    %logistic3A_405 = math.exp %logistic3A_404 : vector<400x256xf32>
    %logistic3A_406 = arith.constant 1.000000e+00 : f32
    %logistic3A_407 = vector.broadcast %logistic3A_406 : f32 to vector<400x256xf32>
    %logistic3A_408 = arith.addf %logistic3A_407, %logistic3A_405 : vector<400x256xf32>
    %logistic3A_409 = arith.divf %logistic3A_407, %logistic3A_408 : vector<400x256xf32>
    %slice3A_410 = vector.extract_strided_slice %logistic3A_409 {offsets = [0, 0], sizes = [400, 128], strides = [1, 1]} : vector<400x256xf32> to vector<400x128xf32>
    %slice3A_411 = vector.extract_strided_slice %logistic3A_409 {offsets = [0, 128], sizes = [400, 128], strides = [1, 1]} : vector<400x256xf32> to vector<400x128xf32>
    %get3A_412 = arith.constant 0 : index
    %get3A_413 = arith.constant 0 : index
    %get3A_414 = vector.load %arg3[%get3A_412, %get3A_413] : memref<128x128xf32, #tpu.memory_space<vmem>>, vector<128x128xf32>
    %dot_general3A_415 = arith.constant dense<0.000000e+00> : vector<400x128xf32>
    %dot_general3A_416 = tpu.matmul %get3A_392, %get3A_414, %dot_general3A_415 {dimension_numbers = #tpu.dot_dimension_numbers<[1], [0], [0], [1], [0, 0, 1, 1], [], []>, transpose_lhs_hint = false} : vector<400x128xf32>, vector<128x128xf32>, vector<400x128xf32> -> vector<400x128xf32>
    %get3A_417 = arith.constant 0 : index
    %get3A_418 = arith.constant 0 : index
    %get3A_419 = vector.load %arg6[%get3A_417, %get3A_418] : memref<1x128xf32, #tpu.memory_space<vmem>>, vector<1x128xf32>
    %add3A_420 = vector.broadcast %get3A_419 : vector<1x128xf32> to vector<400x128xf32>
    %add3A_421 = arith.addf %dot_general3A_416, %add3A_420 : vector<400x128xf32>
    %get3A_422 = arith.constant 0 : index
    %get3A_423 = arith.constant 0 : index
    %get3A_424 = vector.load %arg4[%get3A_422, %get3A_423] : memref<128x128xf32, #tpu.memory_space<vmem>>, vector<128x128xf32>
    %dot_general3A_425 = arith.constant dense<0.000000e+00> : vector<400x128xf32>
    %dot_general3A_426 = tpu.matmul %add3A_341, %get3A_424, %dot_general3A_425 {dimension_numbers = #tpu.dot_dimension_numbers<[1], [0], [0], [1], [0, 0, 1, 1], [], []>, transpose_lhs_hint = false} : vector<400x128xf32>, vector<128x128xf32>, vector<400x128xf32> -> vector<400x128xf32>
    %get3A_427 = arith.constant 0 : index
    %get3A_428 = arith.constant 0 : index
    %get3A_429 = vector.load %arg7[%get3A_427, %get3A_428] : memref<1x128xf32, #tpu.memory_space<vmem>>, vector<1x128xf32>
    %add3A_430 = vector.broadcast %get3A_429 : vector<1x128xf32> to vector<400x128xf32>
    %add3A_431 = arith.addf %dot_general3A_426, %add3A_430 : vector<400x128xf32>
    %mul3A_432 = arith.mulf %slice3A_410, %add3A_431 : vector<400x128xf32>
    %add3A_433 = arith.addf %add3A_421, %mul3A_432 : vector<400x128xf32>
    %tanh3A_434 = math.tanh %add3A_433 : vector<400x128xf32>
    %sub3A_435 = arith.constant 1.000000e+00 : f32
    %sub3A_436 = vector.broadcast %sub3A_435 : f32 to vector<400x128xf32>
    %sub3A_437 = arith.subf %sub3A_436, %slice3A_411 : vector<400x128xf32>
    %mul3A_438 = arith.mulf %sub3A_437, %tanh3A_434 : vector<400x128xf32>
    %mul3A_439 = arith.mulf %slice3A_411, %add3A_341 : vector<400x128xf32>
    %add3A_440 = arith.addf %mul3A_438, %mul3A_439 : vector<400x128xf32>
    %concatenate3A_441 = tpu.concatenate %add3A_440, %add3A_389 in 1 : vector<400x128xf32>, vector<400x128xf32> -> vector<400x256xf32>
    %get3A_442 = arith.constant 0 : index
    %get3A_443 = arith.constant 0 : index
    %get3A_444 = vector.load %arg8[%get3A_442, %get3A_443] : memref<256x256xf32, #tpu.memory_space<vmem>>, vector<256x256xf32>
    %dot_general3A_445 = arith.constant dense<0.000000e+00> : vector<400x256xf32>
    %dot_general3A_446 = tpu.matmul %concatenate3A_441, %get3A_444, %dot_general3A_445 {dimension_numbers = #tpu.dot_dimension_numbers<[1], [0], [0], [1], [0, 0, 1, 1], [], []>, transpose_lhs_hint = false} : vector<400x256xf32>, vector<256x256xf32>, vector<400x256xf32> -> vector<400x256xf32>
    %get3A_447 = arith.constant 0 : index
    %get3A_448 = arith.constant 0 : index
    %get3A_449 = vector.load %arg11[%get3A_447, %get3A_448] : memref<1x256xf32, #tpu.memory_space<vmem>>, vector<1x256xf32>
    %add3A_450 = vector.broadcast %get3A_449 : vector<1x256xf32> to vector<400x256xf32>
    %add3A_451 = arith.addf %dot_general3A_446, %add3A_450 : vector<400x256xf32>
    %logistic3A_452 = arith.negf %add3A_451 : vector<400x256xf32>
    %logistic3A_453 = math.exp %logistic3A_452 : vector<400x256xf32>
    %logistic3A_454 = arith.constant 1.000000e+00 : f32
    %logistic3A_455 = vector.broadcast %logistic3A_454 : f32 to vector<400x256xf32>
    %logistic3A_456 = arith.addf %logistic3A_455, %logistic3A_453 : vector<400x256xf32>
    %logistic3A_457 = arith.divf %logistic3A_455, %logistic3A_456 : vector<400x256xf32>
    %slice3A_458 = vector.extract_strided_slice %logistic3A_457 {offsets = [0, 0], sizes = [400, 128], strides = [1, 1]} : vector<400x256xf32> to vector<400x128xf32>
    %slice3A_459 = vector.extract_strided_slice %logistic3A_457 {offsets = [0, 128], sizes = [400, 128], strides = [1, 1]} : vector<400x256xf32> to vector<400x128xf32>
    %get3A_460 = arith.constant 0 : index
    %get3A_461 = arith.constant 0 : index
    %get3A_462 = vector.load %arg9[%get3A_460, %get3A_461] : memref<128x128xf32, #tpu.memory_space<vmem>>, vector<128x128xf32>
    %dot_general3A_463 = arith.constant dense<0.000000e+00> : vector<400x128xf32>
    %dot_general3A_464 = tpu.matmul %add3A_440, %get3A_462, %dot_general3A_463 {dimension_numbers = #tpu.dot_dimension_numbers<[1], [0], [0], [1], [0, 0, 1, 1], [], []>, transpose_lhs_hint = false} : vector<400x128xf32>, vector<128x128xf32>, vector<400x128xf32> -> vector<400x128xf32>
    %get3A_465 = arith.constant 0 : index
    %get3A_466 = arith.constant 0 : index
    %get3A_467 = vector.load %arg12[%get3A_465, %get3A_466] : memref<1x128xf32, #tpu.memory_space<vmem>>, vector<1x128xf32>
    %add3A_468 = vector.broadcast %get3A_467 : vector<1x128xf32> to vector<400x128xf32>
    %add3A_469 = arith.addf %dot_general3A_464, %add3A_468 : vector<400x128xf32>
    %get3A_470 = arith.constant 0 : index
    %get3A_471 = arith.constant 0 : index
    %get3A_472 = vector.load %arg10[%get3A_470, %get3A_471] : memref<128x128xf32, #tpu.memory_space<vmem>>, vector<128x128xf32>
    %dot_general3A_473 = arith.constant dense<0.000000e+00> : vector<400x128xf32>
    %dot_general3A_474 = tpu.matmul %add3A_389, %get3A_472, %dot_general3A_473 {dimension_numbers = #tpu.dot_dimension_numbers<[1], [0], [0], [1], [0, 0, 1, 1], [], []>, transpose_lhs_hint = false} : vector<400x128xf32>, vector<128x128xf32>, vector<400x128xf32> -> vector<400x128xf32>
    %get3A_475 = arith.constant 0 : index
    %get3A_476 = arith.constant 0 : index
    %get3A_477 = vector.load %arg13[%get3A_475, %get3A_476] : memref<1x128xf32, #tpu.memory_space<vmem>>, vector<1x128xf32>
    %add3A_478 = vector.broadcast %get3A_477 : vector<1x128xf32> to vector<400x128xf32>
    %add3A_479 = arith.addf %dot_general3A_474, %add3A_478 : vector<400x128xf32>
    %mul3A_480 = arith.mulf %slice3A_458, %add3A_479 : vector<400x128xf32>
    %add3A_481 = arith.addf %add3A_469, %mul3A_480 : vector<400x128xf32>
    %tanh3A_482 = math.tanh %add3A_481 : vector<400x128xf32>
    %sub3A_483 = arith.constant 1.000000e+00 : f32
    %sub3A_484 = vector.broadcast %sub3A_483 : f32 to vector<400x128xf32>
    %sub3A_485 = arith.subf %sub3A_484, %slice3A_459 : vector<400x128xf32>
    %mul3A_486 = arith.mulf %sub3A_485, %tanh3A_482 : vector<400x128xf32>
    %mul3A_487 = arith.mulf %slice3A_459, %add3A_389 : vector<400x128xf32>
    %add3A_488 = arith.addf %mul3A_486, %mul3A_487 : vector<400x128xf32>
    %get3A_489 = arith.constant 0 : index
    %get3A_490 = arith.constant 640 : index
    %get3A_491 = vector.load %arg1[%get3A_489, %get3A_490] : memref<400x1536xf32, #tpu.memory_space<vmem>>, vector<400x128xf32>
    %concatenate3A_492 = tpu.concatenate %get3A_491, %add3A_440 in 1 : vector<400x128xf32>, vector<400x128xf32> -> vector<400x256xf32>
    %get3A_493 = arith.constant 0 : index
    %get3A_494 = arith.constant 0 : index
    %get3A_495 = vector.load %arg2[%get3A_493, %get3A_494] : memref<256x256xf32, #tpu.memory_space<vmem>>, vector<256x256xf32>
    %dot_general3A_496 = arith.constant dense<0.000000e+00> : vector<400x256xf32>
    %dot_general3A_497 = tpu.matmul %concatenate3A_492, %get3A_495, %dot_general3A_496 {dimension_numbers = #tpu.dot_dimension_numbers<[1], [0], [0], [1], [0, 0, 1, 1], [], []>, transpose_lhs_hint = false} : vector<400x256xf32>, vector<256x256xf32>, vector<400x256xf32> -> vector<400x256xf32>
    %get3A_498 = arith.constant 0 : index
    %get3A_499 = arith.constant 0 : index
    %get3A_500 = vector.load %arg5[%get3A_498, %get3A_499] : memref<1x256xf32, #tpu.memory_space<vmem>>, vector<1x256xf32>
    %add3A_501 = vector.broadcast %get3A_500 : vector<1x256xf32> to vector<400x256xf32>
    %add3A_502 = arith.addf %dot_general3A_497, %add3A_501 : vector<400x256xf32>
    %logistic3A_503 = arith.negf %add3A_502 : vector<400x256xf32>
    %logistic3A_504 = math.exp %logistic3A_503 : vector<400x256xf32>
    %logistic3A_505 = arith.constant 1.000000e+00 : f32
    %logistic3A_506 = vector.broadcast %logistic3A_505 : f32 to vector<400x256xf32>
    %logistic3A_507 = arith.addf %logistic3A_506, %logistic3A_504 : vector<400x256xf32>
    %logistic3A_508 = arith.divf %logistic3A_506, %logistic3A_507 : vector<400x256xf32>
    %slice3A_509 = vector.extract_strided_slice %logistic3A_508 {offsets = [0, 0], sizes = [400, 128], strides = [1, 1]} : vector<400x256xf32> to vector<400x128xf32>
    %slice3A_510 = vector.extract_strided_slice %logistic3A_508 {offsets = [0, 128], sizes = [400, 128], strides = [1, 1]} : vector<400x256xf32> to vector<400x128xf32>
    %get3A_511 = arith.constant 0 : index
    %get3A_512 = arith.constant 0 : index
    %get3A_513 = vector.load %arg3[%get3A_511, %get3A_512] : memref<128x128xf32, #tpu.memory_space<vmem>>, vector<128x128xf32>
    %dot_general3A_514 = arith.constant dense<0.000000e+00> : vector<400x128xf32>
    %dot_general3A_515 = tpu.matmul %get3A_491, %get3A_513, %dot_general3A_514 {dimension_numbers = #tpu.dot_dimension_numbers<[1], [0], [0], [1], [0, 0, 1, 1], [], []>, transpose_lhs_hint = false} : vector<400x128xf32>, vector<128x128xf32>, vector<400x128xf32> -> vector<400x128xf32>
    %get3A_516 = arith.constant 0 : index
    %get3A_517 = arith.constant 0 : index
    %get3A_518 = vector.load %arg6[%get3A_516, %get3A_517] : memref<1x128xf32, #tpu.memory_space<vmem>>, vector<1x128xf32>
    %add3A_519 = vector.broadcast %get3A_518 : vector<1x128xf32> to vector<400x128xf32>
    %add3A_520 = arith.addf %dot_general3A_515, %add3A_519 : vector<400x128xf32>
    %get3A_521 = arith.constant 0 : index
    %get3A_522 = arith.constant 0 : index
    %get3A_523 = vector.load %arg4[%get3A_521, %get3A_522] : memref<128x128xf32, #tpu.memory_space<vmem>>, vector<128x128xf32>
    %dot_general3A_524 = arith.constant dense<0.000000e+00> : vector<400x128xf32>
    %dot_general3A_525 = tpu.matmul %add3A_440, %get3A_523, %dot_general3A_524 {dimension_numbers = #tpu.dot_dimension_numbers<[1], [0], [0], [1], [0, 0, 1, 1], [], []>, transpose_lhs_hint = false} : vector<400x128xf32>, vector<128x128xf32>, vector<400x128xf32> -> vector<400x128xf32>
    %get3A_526 = arith.constant 0 : index
    %get3A_527 = arith.constant 0 : index
    %get3A_528 = vector.load %arg7[%get3A_526, %get3A_527] : memref<1x128xf32, #tpu.memory_space<vmem>>, vector<1x128xf32>
    %add3A_529 = vector.broadcast %get3A_528 : vector<1x128xf32> to vector<400x128xf32>
    %add3A_530 = arith.addf %dot_general3A_525, %add3A_529 : vector<400x128xf32>
    %mul3A_531 = arith.mulf %slice3A_509, %add3A_530 : vector<400x128xf32>
    %add3A_532 = arith.addf %add3A_520, %mul3A_531 : vector<400x128xf32>
    %tanh3A_533 = math.tanh %add3A_532 : vector<400x128xf32>
    %sub3A_534 = arith.constant 1.000000e+00 : f32
    %sub3A_535 = vector.broadcast %sub3A_534 : f32 to vector<400x128xf32>
    %sub3A_536 = arith.subf %sub3A_535, %slice3A_510 : vector<400x128xf32>
    %mul3A_537 = arith.mulf %sub3A_536, %tanh3A_533 : vector<400x128xf32>
    %mul3A_538 = arith.mulf %slice3A_510, %add3A_440 : vector<400x128xf32>
    %add3A_539 = arith.addf %mul3A_537, %mul3A_538 : vector<400x128xf32>
    %concatenate3A_540 = tpu.concatenate %add3A_539, %add3A_488 in 1 : vector<400x128xf32>, vector<400x128xf32> -> vector<400x256xf32>
    %get3A_541 = arith.constant 0 : index
    %get3A_542 = arith.constant 0 : index
    %get3A_543 = vector.load %arg8[%get3A_541, %get3A_542] : memref<256x256xf32, #tpu.memory_space<vmem>>, vector<256x256xf32>
    %dot_general3A_544 = arith.constant dense<0.000000e+00> : vector<400x256xf32>
    %dot_general3A_545 = tpu.matmul %concatenate3A_540, %get3A_543, %dot_general3A_544 {dimension_numbers = #tpu.dot_dimension_numbers<[1], [0], [0], [1], [0, 0, 1, 1], [], []>, transpose_lhs_hint = false} : vector<400x256xf32>, vector<256x256xf32>, vector<400x256xf32> -> vector<400x256xf32>
    %get3A_546 = arith.constant 0 : index
    %get3A_547 = arith.constant 0 : index
    %get3A_548 = vector.load %arg11[%get3A_546, %get3A_547] : memref<1x256xf32, #tpu.memory_space<vmem>>, vector<1x256xf32>
    %add3A_549 = vector.broadcast %get3A_548 : vector<1x256xf32> to vector<400x256xf32>
    %add3A_550 = arith.addf %dot_general3A_545, %add3A_549 : vector<400x256xf32>
    %logistic3A_551 = arith.negf %add3A_550 : vector<400x256xf32>
    %logistic3A_552 = math.exp %logistic3A_551 : vector<400x256xf32>
    %logistic3A_553 = arith.constant 1.000000e+00 : f32
    %logistic3A_554 = vector.broadcast %logistic3A_553 : f32 to vector<400x256xf32>
    %logistic3A_555 = arith.addf %logistic3A_554, %logistic3A_552 : vector<400x256xf32>
    %logistic3A_556 = arith.divf %logistic3A_554, %logistic3A_555 : vector<400x256xf32>
    %slice3A_557 = vector.extract_strided_slice %logistic3A_556 {offsets = [0, 0], sizes = [400, 128], strides = [1, 1]} : vector<400x256xf32> to vector<400x128xf32>
    %slice3A_558 = vector.extract_strided_slice %logistic3A_556 {offsets = [0, 128], sizes = [400, 128], strides = [1, 1]} : vector<400x256xf32> to vector<400x128xf32>
    %get3A_559 = arith.constant 0 : index
    %get3A_560 = arith.constant 0 : index
    %get3A_561 = vector.load %arg9[%get3A_559, %get3A_560] : memref<128x128xf32, #tpu.memory_space<vmem>>, vector<128x128xf32>
    %dot_general3A_562 = arith.constant dense<0.000000e+00> : vector<400x128xf32>
    %dot_general3A_563 = tpu.matmul %add3A_539, %get3A_561, %dot_general3A_562 {dimension_numbers = #tpu.dot_dimension_numbers<[1], [0], [0], [1], [0, 0, 1, 1], [], []>, transpose_lhs_hint = false} : vector<400x128xf32>, vector<128x128xf32>, vector<400x128xf32> -> vector<400x128xf32>
    %get3A_564 = arith.constant 0 : index
    %get3A_565 = arith.constant 0 : index
    %get3A_566 = vector.load %arg12[%get3A_564, %get3A_565] : memref<1x128xf32, #tpu.memory_space<vmem>>, vector<1x128xf32>
    %add3A_567 = vector.broadcast %get3A_566 : vector<1x128xf32> to vector<400x128xf32>
    %add3A_568 = arith.addf %dot_general3A_563, %add3A_567 : vector<400x128xf32>
    %get3A_569 = arith.constant 0 : index
    %get3A_570 = arith.constant 0 : index
    %get3A_571 = vector.load %arg10[%get3A_569, %get3A_570] : memref<128x128xf32, #tpu.memory_space<vmem>>, vector<128x128xf32>
    %dot_general3A_572 = arith.constant dense<0.000000e+00> : vector<400x128xf32>
    %dot_general3A_573 = tpu.matmul %add3A_488, %get3A_571, %dot_general3A_572 {dimension_numbers = #tpu.dot_dimension_numbers<[1], [0], [0], [1], [0, 0, 1, 1], [], []>, transpose_lhs_hint = false} : vector<400x128xf32>, vector<128x128xf32>, vector<400x128xf32> -> vector<400x128xf32>
    %get3A_574 = arith.constant 0 : index
    %get3A_575 = arith.constant 0 : index
    %get3A_576 = vector.load %arg13[%get3A_574, %get3A_575] : memref<1x128xf32, #tpu.memory_space<vmem>>, vector<1x128xf32>
    %add3A_577 = vector.broadcast %get3A_576 : vector<1x128xf32> to vector<400x128xf32>
    %add3A_578 = arith.addf %dot_general3A_573, %add3A_577 : vector<400x128xf32>
    %mul3A_579 = arith.mulf %slice3A_557, %add3A_578 : vector<400x128xf32>
    %add3A_580 = arith.addf %add3A_568, %mul3A_579 : vector<400x128xf32>
    %tanh3A_581 = math.tanh %add3A_580 : vector<400x128xf32>
    %sub3A_582 = arith.constant 1.000000e+00 : f32
    %sub3A_583 = vector.broadcast %sub3A_582 : f32 to vector<400x128xf32>
    %sub3A_584 = arith.subf %sub3A_583, %slice3A_558 : vector<400x128xf32>
    %mul3A_585 = arith.mulf %sub3A_584, %tanh3A_581 : vector<400x128xf32>
    %mul3A_586 = arith.mulf %slice3A_558, %add3A_488 : vector<400x128xf32>
    %add3A_587 = arith.addf %mul3A_585, %mul3A_586 : vector<400x128xf32>
    %get3A_588 = arith.constant 0 : index
    %get3A_589 = arith.constant 768 : index
    %get3A_590 = vector.load %arg1[%get3A_588, %get3A_589] : memref<400x1536xf32, #tpu.memory_space<vmem>>, vector<400x128xf32>
    %concatenate3A_591 = tpu.concatenate %get3A_590, %add3A_539 in 1 : vector<400x128xf32>, vector<400x128xf32> -> vector<400x256xf32>
    %get3A_592 = arith.constant 0 : index
    %get3A_593 = arith.constant 0 : index
    %get3A_594 = vector.load %arg2[%get3A_592, %get3A_593] : memref<256x256xf32, #tpu.memory_space<vmem>>, vector<256x256xf32>
    %dot_general3A_595 = arith.constant dense<0.000000e+00> : vector<400x256xf32>
    %dot_general3A_596 = tpu.matmul %concatenate3A_591, %get3A_594, %dot_general3A_595 {dimension_numbers = #tpu.dot_dimension_numbers<[1], [0], [0], [1], [0, 0, 1, 1], [], []>, transpose_lhs_hint = false} : vector<400x256xf32>, vector<256x256xf32>, vector<400x256xf32> -> vector<400x256xf32>
    %get3A_597 = arith.constant 0 : index
    %get3A_598 = arith.constant 0 : index
    %get3A_599 = vector.load %arg5[%get3A_597, %get3A_598] : memref<1x256xf32, #tpu.memory_space<vmem>>, vector<1x256xf32>
    %add3A_600 = vector.broadcast %get3A_599 : vector<1x256xf32> to vector<400x256xf32>
    %add3A_601 = arith.addf %dot_general3A_596, %add3A_600 : vector<400x256xf32>
    %logistic3A_602 = arith.negf %add3A_601 : vector<400x256xf32>
    %logistic3A_603 = math.exp %logistic3A_602 : vector<400x256xf32>
    %logistic3A_604 = arith.constant 1.000000e+00 : f32
    %logistic3A_605 = vector.broadcast %logistic3A_604 : f32 to vector<400x256xf32>
    %logistic3A_606 = arith.addf %logistic3A_605, %logistic3A_603 : vector<400x256xf32>
    %logistic3A_607 = arith.divf %logistic3A_605, %logistic3A_606 : vector<400x256xf32>
    %slice3A_608 = vector.extract_strided_slice %logistic3A_607 {offsets = [0, 0], sizes = [400, 128], strides = [1, 1]} : vector<400x256xf32> to vector<400x128xf32>
    %slice3A_609 = vector.extract_strided_slice %logistic3A_607 {offsets = [0, 128], sizes = [400, 128], strides = [1, 1]} : vector<400x256xf32> to vector<400x128xf32>
    %get3A_610 = arith.constant 0 : index
    %get3A_611 = arith.constant 0 : index
    %get3A_612 = vector.load %arg3[%get3A_610, %get3A_611] : memref<128x128xf32, #tpu.memory_space<vmem>>, vector<128x128xf32>
    %dot_general3A_613 = arith.constant dense<0.000000e+00> : vector<400x128xf32>
    %dot_general3A_614 = tpu.matmul %get3A_590, %get3A_612, %dot_general3A_613 {dimension_numbers = #tpu.dot_dimension_numbers<[1], [0], [0], [1], [0, 0, 1, 1], [], []>, transpose_lhs_hint = false} : vector<400x128xf32>, vector<128x128xf32>, vector<400x128xf32> -> vector<400x128xf32>
    %get3A_615 = arith.constant 0 : index
    %get3A_616 = arith.constant 0 : index
    %get3A_617 = vector.load %arg6[%get3A_615, %get3A_616] : memref<1x128xf32, #tpu.memory_space<vmem>>, vector<1x128xf32>
    %add3A_618 = vector.broadcast %get3A_617 : vector<1x128xf32> to vector<400x128xf32>
    %add3A_619 = arith.addf %dot_general3A_614, %add3A_618 : vector<400x128xf32>
    %get3A_620 = arith.constant 0 : index
    %get3A_621 = arith.constant 0 : index
    %get3A_622 = vector.load %arg4[%get3A_620, %get3A_621] : memref<128x128xf32, #tpu.memory_space<vmem>>, vector<128x128xf32>
    %dot_general3A_623 = arith.constant dense<0.000000e+00> : vector<400x128xf32>
    %dot_general3A_624 = tpu.matmul %add3A_539, %get3A_622, %dot_general3A_623 {dimension_numbers = #tpu.dot_dimension_numbers<[1], [0], [0], [1], [0, 0, 1, 1], [], []>, transpose_lhs_hint = false} : vector<400x128xf32>, vector<128x128xf32>, vector<400x128xf32> -> vector<400x128xf32>
    %get3A_625 = arith.constant 0 : index
    %get3A_626 = arith.constant 0 : index
    %get3A_627 = vector.load %arg7[%get3A_625, %get3A_626] : memref<1x128xf32, #tpu.memory_space<vmem>>, vector<1x128xf32>
    %add3A_628 = vector.broadcast %get3A_627 : vector<1x128xf32> to vector<400x128xf32>
    %add3A_629 = arith.addf %dot_general3A_624, %add3A_628 : vector<400x128xf32>
    %mul3A_630 = arith.mulf %slice3A_608, %add3A_629 : vector<400x128xf32>
    %add3A_631 = arith.addf %add3A_619, %mul3A_630 : vector<400x128xf32>
    %tanh3A_632 = math.tanh %add3A_631 : vector<400x128xf32>
    %sub3A_633 = arith.constant 1.000000e+00 : f32
    %sub3A_634 = vector.broadcast %sub3A_633 : f32 to vector<400x128xf32>
    %sub3A_635 = arith.subf %sub3A_634, %slice3A_609 : vector<400x128xf32>
    %mul3A_636 = arith.mulf %sub3A_635, %tanh3A_632 : vector<400x128xf32>
    %mul3A_637 = arith.mulf %slice3A_609, %add3A_539 : vector<400x128xf32>
    %add3A_638 = arith.addf %mul3A_636, %mul3A_637 : vector<400x128xf32>
    %concatenate3A_639 = tpu.concatenate %add3A_638, %add3A_587 in 1 : vector<400x128xf32>, vector<400x128xf32> -> vector<400x256xf32>
    %get3A_640 = arith.constant 0 : index
    %get3A_641 = arith.constant 0 : index
    %get3A_642 = vector.load %arg8[%get3A_640, %get3A_641] : memref<256x256xf32, #tpu.memory_space<vmem>>, vector<256x256xf32>
    %dot_general3A_643 = arith.constant dense<0.000000e+00> : vector<400x256xf32>
    %dot_general3A_644 = tpu.matmul %concatenate3A_639, %get3A_642, %dot_general3A_643 {dimension_numbers = #tpu.dot_dimension_numbers<[1], [0], [0], [1], [0, 0, 1, 1], [], []>, transpose_lhs_hint = false} : vector<400x256xf32>, vector<256x256xf32>, vector<400x256xf32> -> vector<400x256xf32>
    %get3A_645 = arith.constant 0 : index
    %get3A_646 = arith.constant 0 : index
    %get3A_647 = vector.load %arg11[%get3A_645, %get3A_646] : memref<1x256xf32, #tpu.memory_space<vmem>>, vector<1x256xf32>
    %add3A_648 = vector.broadcast %get3A_647 : vector<1x256xf32> to vector<400x256xf32>
    %add3A_649 = arith.addf %dot_general3A_644, %add3A_648 : vector<400x256xf32>
    %logistic3A_650 = arith.negf %add3A_649 : vector<400x256xf32>
    %logistic3A_651 = math.exp %logistic3A_650 : vector<400x256xf32>
    %logistic3A_652 = arith.constant 1.000000e+00 : f32
    %logistic3A_653 = vector.broadcast %logistic3A_652 : f32 to vector<400x256xf32>
    %logistic3A_654 = arith.addf %logistic3A_653, %logistic3A_651 : vector<400x256xf32>
    %logistic3A_655 = arith.divf %logistic3A_653, %logistic3A_654 : vector<400x256xf32>
    %slice3A_656 = vector.extract_strided_slice %logistic3A_655 {offsets = [0, 0], sizes = [400, 128], strides = [1, 1]} : vector<400x256xf32> to vector<400x128xf32>
    %slice3A_657 = vector.extract_strided_slice %logistic3A_655 {offsets = [0, 128], sizes = [400, 128], strides = [1, 1]} : vector<400x256xf32> to vector<400x128xf32>
    %get3A_658 = arith.constant 0 : index
    %get3A_659 = arith.constant 0 : index
    %get3A_660 = vector.load %arg9[%get3A_658, %get3A_659] : memref<128x128xf32, #tpu.memory_space<vmem>>, vector<128x128xf32>
    %dot_general3A_661 = arith.constant dense<0.000000e+00> : vector<400x128xf32>
    %dot_general3A_662 = tpu.matmul %add3A_638, %get3A_660, %dot_general3A_661 {dimension_numbers = #tpu.dot_dimension_numbers<[1], [0], [0], [1], [0, 0, 1, 1], [], []>, transpose_lhs_hint = false} : vector<400x128xf32>, vector<128x128xf32>, vector<400x128xf32> -> vector<400x128xf32>
    %get3A_663 = arith.constant 0 : index
    %get3A_664 = arith.constant 0 : index
    %get3A_665 = vector.load %arg12[%get3A_663, %get3A_664] : memref<1x128xf32, #tpu.memory_space<vmem>>, vector<1x128xf32>
    %add3A_666 = vector.broadcast %get3A_665 : vector<1x128xf32> to vector<400x128xf32>
    %add3A_667 = arith.addf %dot_general3A_662, %add3A_666 : vector<400x128xf32>
    %get3A_668 = arith.constant 0 : index
    %get3A_669 = arith.constant 0 : index
    %get3A_670 = vector.load %arg10[%get3A_668, %get3A_669] : memref<128x128xf32, #tpu.memory_space<vmem>>, vector<128x128xf32>
    %dot_general3A_671 = arith.constant dense<0.000000e+00> : vector<400x128xf32>
    %dot_general3A_672 = tpu.matmul %add3A_587, %get3A_670, %dot_general3A_671 {dimension_numbers = #tpu.dot_dimension_numbers<[1], [0], [0], [1], [0, 0, 1, 1], [], []>, transpose_lhs_hint = false} : vector<400x128xf32>, vector<128x128xf32>, vector<400x128xf32> -> vector<400x128xf32>
    %get3A_673 = arith.constant 0 : index
    %get3A_674 = arith.constant 0 : index
    %get3A_675 = vector.load %arg13[%get3A_673, %get3A_674] : memref<1x128xf32, #tpu.memory_space<vmem>>, vector<1x128xf32>
    %add3A_676 = vector.broadcast %get3A_675 : vector<1x128xf32> to vector<400x128xf32>
    %add3A_677 = arith.addf %dot_general3A_672, %add3A_676 : vector<400x128xf32>
    %mul3A_678 = arith.mulf %slice3A_656, %add3A_677 : vector<400x128xf32>
    %add3A_679 = arith.addf %add3A_667, %mul3A_678 : vector<400x128xf32>
    %tanh3A_680 = math.tanh %add3A_679 : vector<400x128xf32>
    %sub3A_681 = arith.constant 1.000000e+00 : f32
    %sub3A_682 = vector.broadcast %sub3A_681 : f32 to vector<400x128xf32>
    %sub3A_683 = arith.subf %sub3A_682, %slice3A_657 : vector<400x128xf32>
    %mul3A_684 = arith.mulf %sub3A_683, %tanh3A_680 : vector<400x128xf32>
    %mul3A_685 = arith.mulf %slice3A_657, %add3A_587 : vector<400x128xf32>
    %add3A_686 = arith.addf %mul3A_684, %mul3A_685 : vector<400x128xf32>
    %get3A_687 = arith.constant 0 : index
    %get3A_688 = arith.constant 896 : index
    %get3A_689 = vector.load %arg1[%get3A_687, %get3A_688] : memref<400x1536xf32, #tpu.memory_space<vmem>>, vector<400x128xf32>
    %concatenate3A_690 = tpu.concatenate %get3A_689, %add3A_638 in 1 : vector<400x128xf32>, vector<400x128xf32> -> vector<400x256xf32>
    %get3A_691 = arith.constant 0 : index
    %get3A_692 = arith.constant 0 : index
    %get3A_693 = vector.load %arg2[%get3A_691, %get3A_692] : memref<256x256xf32, #tpu.memory_space<vmem>>, vector<256x256xf32>
    %dot_general3A_694 = arith.constant dense<0.000000e+00> : vector<400x256xf32>
    %dot_general3A_695 = tpu.matmul %concatenate3A_690, %get3A_693, %dot_general3A_694 {dimension_numbers = #tpu.dot_dimension_numbers<[1], [0], [0], [1], [0, 0, 1, 1], [], []>, transpose_lhs_hint = false} : vector<400x256xf32>, vector<256x256xf32>, vector<400x256xf32> -> vector<400x256xf32>
    %get3A_696 = arith.constant 0 : index
    %get3A_697 = arith.constant 0 : index
    %get3A_698 = vector.load %arg5[%get3A_696, %get3A_697] : memref<1x256xf32, #tpu.memory_space<vmem>>, vector<1x256xf32>
    %add3A_699 = vector.broadcast %get3A_698 : vector<1x256xf32> to vector<400x256xf32>
    %add3A_700 = arith.addf %dot_general3A_695, %add3A_699 : vector<400x256xf32>
    %logistic3A_701 = arith.negf %add3A_700 : vector<400x256xf32>
    %logistic3A_702 = math.exp %logistic3A_701 : vector<400x256xf32>
    %logistic3A_703 = arith.constant 1.000000e+00 : f32
    %logistic3A_704 = vector.broadcast %logistic3A_703 : f32 to vector<400x256xf32>
    %logistic3A_705 = arith.addf %logistic3A_704, %logistic3A_702 : vector<400x256xf32>
    %logistic3A_706 = arith.divf %logistic3A_704, %logistic3A_705 : vector<400x256xf32>
    %slice3A_707 = vector.extract_strided_slice %logistic3A_706 {offsets = [0, 0], sizes = [400, 128], strides = [1, 1]} : vector<400x256xf32> to vector<400x128xf32>
    %slice3A_708 = vector.extract_strided_slice %logistic3A_706 {offsets = [0, 128], sizes = [400, 128], strides = [1, 1]} : vector<400x256xf32> to vector<400x128xf32>
    %get3A_709 = arith.constant 0 : index
    %get3A_710 = arith.constant 0 : index
    %get3A_711 = vector.load %arg3[%get3A_709, %get3A_710] : memref<128x128xf32, #tpu.memory_space<vmem>>, vector<128x128xf32>
    %dot_general3A_712 = arith.constant dense<0.000000e+00> : vector<400x128xf32>
    %dot_general3A_713 = tpu.matmul %get3A_689, %get3A_711, %dot_general3A_712 {dimension_numbers = #tpu.dot_dimension_numbers<[1], [0], [0], [1], [0, 0, 1, 1], [], []>, transpose_lhs_hint = false} : vector<400x128xf32>, vector<128x128xf32>, vector<400x128xf32> -> vector<400x128xf32>
    %get3A_714 = arith.constant 0 : index
    %get3A_715 = arith.constant 0 : index
    %get3A_716 = vector.load %arg6[%get3A_714, %get3A_715] : memref<1x128xf32, #tpu.memory_space<vmem>>, vector<1x128xf32>
    %add3A_717 = vector.broadcast %get3A_716 : vector<1x128xf32> to vector<400x128xf32>
    %add3A_718 = arith.addf %dot_general3A_713, %add3A_717 : vector<400x128xf32>
    %get3A_719 = arith.constant 0 : index
    %get3A_720 = arith.constant 0 : index
    %get3A_721 = vector.load %arg4[%get3A_719, %get3A_720] : memref<128x128xf32, #tpu.memory_space<vmem>>, vector<128x128xf32>
    %dot_general3A_722 = arith.constant dense<0.000000e+00> : vector<400x128xf32>
    %dot_general3A_723 = tpu.matmul %add3A_638, %get3A_721, %dot_general3A_722 {dimension_numbers = #tpu.dot_dimension_numbers<[1], [0], [0], [1], [0, 0, 1, 1], [], []>, transpose_lhs_hint = false} : vector<400x128xf32>, vector<128x128xf32>, vector<400x128xf32> -> vector<400x128xf32>
    %get3A_724 = arith.constant 0 : index
    %get3A_725 = arith.constant 0 : index
    %get3A_726 = vector.load %arg7[%get3A_724, %get3A_725] : memref<1x128xf32, #tpu.memory_space<vmem>>, vector<1x128xf32>
    %add3A_727 = vector.broadcast %get3A_726 : vector<1x128xf32> to vector<400x128xf32>
    %add3A_728 = arith.addf %dot_general3A_723, %add3A_727 : vector<400x128xf32>
    %mul3A_729 = arith.mulf %slice3A_707, %add3A_728 : vector<400x128xf32>
    %add3A_730 = arith.addf %add3A_718, %mul3A_729 : vector<400x128xf32>
    %tanh3A_731 = math.tanh %add3A_730 : vector<400x128xf32>
    %sub3A_732 = arith.constant 1.000000e+00 : f32
    %sub3A_733 = vector.broadcast %sub3A_732 : f32 to vector<400x128xf32>
    %sub3A_734 = arith.subf %sub3A_733, %slice3A_708 : vector<400x128xf32>
    %mul3A_735 = arith.mulf %sub3A_734, %tanh3A_731 : vector<400x128xf32>
    %mul3A_736 = arith.mulf %slice3A_708, %add3A_638 : vector<400x128xf32>
    %add3A_737 = arith.addf %mul3A_735, %mul3A_736 : vector<400x128xf32>
    %concatenate3A_738 = tpu.concatenate %add3A_737, %add3A_686 in 1 : vector<400x128xf32>, vector<400x128xf32> -> vector<400x256xf32>
    %get3A_739 = arith.constant 0 : index
    %get3A_740 = arith.constant 0 : index
    %get3A_741 = vector.load %arg8[%get3A_739, %get3A_740] : memref<256x256xf32, #tpu.memory_space<vmem>>, vector<256x256xf32>
    %dot_general3A_742 = arith.constant dense<0.000000e+00> : vector<400x256xf32>
    %dot_general3A_743 = tpu.matmul %concatenate3A_738, %get3A_741, %dot_general3A_742 {dimension_numbers = #tpu.dot_dimension_numbers<[1], [0], [0], [1], [0, 0, 1, 1], [], []>, transpose_lhs_hint = false} : vector<400x256xf32>, vector<256x256xf32>, vector<400x256xf32> -> vector<400x256xf32>
    %get3A_744 = arith.constant 0 : index
    %get3A_745 = arith.constant 0 : index
    %get3A_746 = vector.load %arg11[%get3A_744, %get3A_745] : memref<1x256xf32, #tpu.memory_space<vmem>>, vector<1x256xf32>
    %add3A_747 = vector.broadcast %get3A_746 : vector<1x256xf32> to vector<400x256xf32>
    %add3A_748 = arith.addf %dot_general3A_743, %add3A_747 : vector<400x256xf32>
    %logistic3A_749 = arith.negf %add3A_748 : vector<400x256xf32>
    %logistic3A_750 = math.exp %logistic3A_749 : vector<400x256xf32>
    %logistic3A_751 = arith.constant 1.000000e+00 : f32
    %logistic3A_752 = vector.broadcast %logistic3A_751 : f32 to vector<400x256xf32>
    %logistic3A_753 = arith.addf %logistic3A_752, %logistic3A_750 : vector<400x256xf32>
    %logistic3A_754 = arith.divf %logistic3A_752, %logistic3A_753 : vector<400x256xf32>
    %slice3A_755 = vector.extract_strided_slice %logistic3A_754 {offsets = [0, 0], sizes = [400, 128], strides = [1, 1]} : vector<400x256xf32> to vector<400x128xf32>
    %slice3A_756 = vector.extract_strided_slice %logistic3A_754 {offsets = [0, 128], sizes = [400, 128], strides = [1, 1]} : vector<400x256xf32> to vector<400x128xf32>
    %get3A_757 = arith.constant 0 : index
    %get3A_758 = arith.constant 0 : index
    %get3A_759 = vector.load %arg9[%get3A_757, %get3A_758] : memref<128x128xf32, #tpu.memory_space<vmem>>, vector<128x128xf32>
    %dot_general3A_760 = arith.constant dense<0.000000e+00> : vector<400x128xf32>
    %dot_general3A_761 = tpu.matmul %add3A_737, %get3A_759, %dot_general3A_760 {dimension_numbers = #tpu.dot_dimension_numbers<[1], [0], [0], [1], [0, 0, 1, 1], [], []>, transpose_lhs_hint = false} : vector<400x128xf32>, vector<128x128xf32>, vector<400x128xf32> -> vector<400x128xf32>
    %get3A_762 = arith.constant 0 : index
    %get3A_763 = arith.constant 0 : index
    %get3A_764 = vector.load %arg12[%get3A_762, %get3A_763] : memref<1x128xf32, #tpu.memory_space<vmem>>, vector<1x128xf32>
    %add3A_765 = vector.broadcast %get3A_764 : vector<1x128xf32> to vector<400x128xf32>
    %add3A_766 = arith.addf %dot_general3A_761, %add3A_765 : vector<400x128xf32>
    %get3A_767 = arith.constant 0 : index
    %get3A_768 = arith.constant 0 : index
    %get3A_769 = vector.load %arg10[%get3A_767, %get3A_768] : memref<128x128xf32, #tpu.memory_space<vmem>>, vector<128x128xf32>
    %dot_general3A_770 = arith.constant dense<0.000000e+00> : vector<400x128xf32>
    %dot_general3A_771 = tpu.matmul %add3A_686, %get3A_769, %dot_general3A_770 {dimension_numbers = #tpu.dot_dimension_numbers<[1], [0], [0], [1], [0, 0, 1, 1], [], []>, transpose_lhs_hint = false} : vector<400x128xf32>, vector<128x128xf32>, vector<400x128xf32> -> vector<400x128xf32>
    %get3A_772 = arith.constant 0 : index
    %get3A_773 = arith.constant 0 : index
    %get3A_774 = vector.load %arg13[%get3A_772, %get3A_773] : memref<1x128xf32, #tpu.memory_space<vmem>>, vector<1x128xf32>
    %add3A_775 = vector.broadcast %get3A_774 : vector<1x128xf32> to vector<400x128xf32>
    %add3A_776 = arith.addf %dot_general3A_771, %add3A_775 : vector<400x128xf32>
    %mul3A_777 = arith.mulf %slice3A_755, %add3A_776 : vector<400x128xf32>
    %add3A_778 = arith.addf %add3A_766, %mul3A_777 : vector<400x128xf32>
    %tanh3A_779 = math.tanh %add3A_778 : vector<400x128xf32>
    %sub3A_780 = arith.constant 1.000000e+00 : f32
    %sub3A_781 = vector.broadcast %sub3A_780 : f32 to vector<400x128xf32>
    %sub3A_782 = arith.subf %sub3A_781, %slice3A_756 : vector<400x128xf32>
    %mul3A_783 = arith.mulf %sub3A_782, %tanh3A_779 : vector<400x128xf32>
    %mul3A_784 = arith.mulf %slice3A_756, %add3A_686 : vector<400x128xf32>
    %add3A_785 = arith.addf %mul3A_783, %mul3A_784 : vector<400x128xf32>
    %get3A_786 = arith.constant 0 : index
    %get3A_787 = arith.constant 1024 : index
    %get3A_788 = vector.load %arg1[%get3A_786, %get3A_787] : memref<400x1536xf32, #tpu.memory_space<vmem>>, vector<400x128xf32>
    %concatenate3A_789 = tpu.concatenate %get3A_788, %add3A_737 in 1 : vector<400x128xf32>, vector<400x128xf32> -> vector<400x256xf32>
    %get3A_790 = arith.constant 0 : index
    %get3A_791 = arith.constant 0 : index
    %get3A_792 = vector.load %arg2[%get3A_790, %get3A_791] : memref<256x256xf32, #tpu.memory_space<vmem>>, vector<256x256xf32>
    %dot_general3A_793 = arith.constant dense<0.000000e+00> : vector<400x256xf32>
    %dot_general3A_794 = tpu.matmul %concatenate3A_789, %get3A_792, %dot_general3A_793 {dimension_numbers = #tpu.dot_dimension_numbers<[1], [0], [0], [1], [0, 0, 1, 1], [], []>, transpose_lhs_hint = false} : vector<400x256xf32>, vector<256x256xf32>, vector<400x256xf32> -> vector<400x256xf32>
    %get3A_795 = arith.constant 0 : index
    %get3A_796 = arith.constant 0 : index
    %get3A_797 = vector.load %arg5[%get3A_795, %get3A_796] : memref<1x256xf32, #tpu.memory_space<vmem>>, vector<1x256xf32>
    %add3A_798 = vector.broadcast %get3A_797 : vector<1x256xf32> to vector<400x256xf32>
    %add3A_799 = arith.addf %dot_general3A_794, %add3A_798 : vector<400x256xf32>
    %logistic3A_800 = arith.negf %add3A_799 : vector<400x256xf32>
    %logistic3A_801 = math.exp %logistic3A_800 : vector<400x256xf32>
    %logistic3A_802 = arith.constant 1.000000e+00 : f32
    %logistic3A_803 = vector.broadcast %logistic3A_802 : f32 to vector<400x256xf32>
    %logistic3A_804 = arith.addf %logistic3A_803, %logistic3A_801 : vector<400x256xf32>
    %logistic3A_805 = arith.divf %logistic3A_803, %logistic3A_804 : vector<400x256xf32>
    %slice3A_806 = vector.extract_strided_slice %logistic3A_805 {offsets = [0, 0], sizes = [400, 128], strides = [1, 1]} : vector<400x256xf32> to vector<400x128xf32>
    %slice3A_807 = vector.extract_strided_slice %logistic3A_805 {offsets = [0, 128], sizes = [400, 128], strides = [1, 1]} : vector<400x256xf32> to vector<400x128xf32>
    %get3A_808 = arith.constant 0 : index
    %get3A_809 = arith.constant 0 : index
    %get3A_810 = vector.load %arg3[%get3A_808, %get3A_809] : memref<128x128xf32, #tpu.memory_space<vmem>>, vector<128x128xf32>
    %dot_general3A_811 = arith.constant dense<0.000000e+00> : vector<400x128xf32>
    %dot_general3A_812 = tpu.matmul %get3A_788, %get3A_810, %dot_general3A_811 {dimension_numbers = #tpu.dot_dimension_numbers<[1], [0], [0], [1], [0, 0, 1, 1], [], []>, transpose_lhs_hint = false} : vector<400x128xf32>, vector<128x128xf32>, vector<400x128xf32> -> vector<400x128xf32>
    %get3A_813 = arith.constant 0 : index
    %get3A_814 = arith.constant 0 : index
    %get3A_815 = vector.load %arg6[%get3A_813, %get3A_814] : memref<1x128xf32, #tpu.memory_space<vmem>>, vector<1x128xf32>
    %add3A_816 = vector.broadcast %get3A_815 : vector<1x128xf32> to vector<400x128xf32>
    %add3A_817 = arith.addf %dot_general3A_812, %add3A_816 : vector<400x128xf32>
    %get3A_818 = arith.constant 0 : index
    %get3A_819 = arith.constant 0 : index
    %get3A_820 = vector.load %arg4[%get3A_818, %get3A_819] : memref<128x128xf32, #tpu.memory_space<vmem>>, vector<128x128xf32>
    %dot_general3A_821 = arith.constant dense<0.000000e+00> : vector<400x128xf32>
    %dot_general3A_822 = tpu.matmul %add3A_737, %get3A_820, %dot_general3A_821 {dimension_numbers = #tpu.dot_dimension_numbers<[1], [0], [0], [1], [0, 0, 1, 1], [], []>, transpose_lhs_hint = false} : vector<400x128xf32>, vector<128x128xf32>, vector<400x128xf32> -> vector<400x128xf32>
    %get3A_823 = arith.constant 0 : index
    %get3A_824 = arith.constant 0 : index
    %get3A_825 = vector.load %arg7[%get3A_823, %get3A_824] : memref<1x128xf32, #tpu.memory_space<vmem>>, vector<1x128xf32>
    %add3A_826 = vector.broadcast %get3A_825 : vector<1x128xf32> to vector<400x128xf32>
    %add3A_827 = arith.addf %dot_general3A_822, %add3A_826 : vector<400x128xf32>
    %mul3A_828 = arith.mulf %slice3A_806, %add3A_827 : vector<400x128xf32>
    %add3A_829 = arith.addf %add3A_817, %mul3A_828 : vector<400x128xf32>
    %tanh3A_830 = math.tanh %add3A_829 : vector<400x128xf32>
    %sub3A_831 = arith.constant 1.000000e+00 : f32
    %sub3A_832 = vector.broadcast %sub3A_831 : f32 to vector<400x128xf32>
    %sub3A_833 = arith.subf %sub3A_832, %slice3A_807 : vector<400x128xf32>
    %mul3A_834 = arith.mulf %sub3A_833, %tanh3A_830 : vector<400x128xf32>
    %mul3A_835 = arith.mulf %slice3A_807, %add3A_737 : vector<400x128xf32>
    %add3A_836 = arith.addf %mul3A_834, %mul3A_835 : vector<400x128xf32>
    %concatenate3A_837 = tpu.concatenate %add3A_836, %add3A_785 in 1 : vector<400x128xf32>, vector<400x128xf32> -> vector<400x256xf32>
    %get3A_838 = arith.constant 0 : index
    %get3A_839 = arith.constant 0 : index
    %get3A_840 = vector.load %arg8[%get3A_838, %get3A_839] : memref<256x256xf32, #tpu.memory_space<vmem>>, vector<256x256xf32>
    %dot_general3A_841 = arith.constant dense<0.000000e+00> : vector<400x256xf32>
    %dot_general3A_842 = tpu.matmul %concatenate3A_837, %get3A_840, %dot_general3A_841 {dimension_numbers = #tpu.dot_dimension_numbers<[1], [0], [0], [1], [0, 0, 1, 1], [], []>, transpose_lhs_hint = false} : vector<400x256xf32>, vector<256x256xf32>, vector<400x256xf32> -> vector<400x256xf32>
    %get3A_843 = arith.constant 0 : index
    %get3A_844 = arith.constant 0 : index
    %get3A_845 = vector.load %arg11[%get3A_843, %get3A_844] : memref<1x256xf32, #tpu.memory_space<vmem>>, vector<1x256xf32>
    %add3A_846 = vector.broadcast %get3A_845 : vector<1x256xf32> to vector<400x256xf32>
    %add3A_847 = arith.addf %dot_general3A_842, %add3A_846 : vector<400x256xf32>
    %logistic3A_848 = arith.negf %add3A_847 : vector<400x256xf32>
    %logistic3A_849 = math.exp %logistic3A_848 : vector<400x256xf32>
    %logistic3A_850 = arith.constant 1.000000e+00 : f32
    %logistic3A_851 = vector.broadcast %logistic3A_850 : f32 to vector<400x256xf32>
    %logistic3A_852 = arith.addf %logistic3A_851, %logistic3A_849 : vector<400x256xf32>
    %logistic3A_853 = arith.divf %logistic3A_851, %logistic3A_852 : vector<400x256xf32>
    %slice3A_854 = vector.extract_strided_slice %logistic3A_853 {offsets = [0, 0], sizes = [400, 128], strides = [1, 1]} : vector<400x256xf32> to vector<400x128xf32>
    %slice3A_855 = vector.extract_strided_slice %logistic3A_853 {offsets = [0, 128], sizes = [400, 128], strides = [1, 1]} : vector<400x256xf32> to vector<400x128xf32>
    %get3A_856 = arith.constant 0 : index
    %get3A_857 = arith.constant 0 : index
    %get3A_858 = vector.load %arg9[%get3A_856, %get3A_857] : memref<128x128xf32, #tpu.memory_space<vmem>>, vector<128x128xf32>
    %dot_general3A_859 = arith.constant dense<0.000000e+00> : vector<400x128xf32>
    %dot_general3A_860 = tpu.matmul %add3A_836, %get3A_858, %dot_general3A_859 {dimension_numbers = #tpu.dot_dimension_numbers<[1], [0], [0], [1], [0, 0, 1, 1], [], []>, transpose_lhs_hint = false} : vector<400x128xf32>, vector<128x128xf32>, vector<400x128xf32> -> vector<400x128xf32>
    %get3A_861 = arith.constant 0 : index
    %get3A_862 = arith.constant 0 : index
    %get3A_863 = vector.load %arg12[%get3A_861, %get3A_862] : memref<1x128xf32, #tpu.memory_space<vmem>>, vector<1x128xf32>
    %add3A_864 = vector.broadcast %get3A_863 : vector<1x128xf32> to vector<400x128xf32>
    %add3A_865 = arith.addf %dot_general3A_860, %add3A_864 : vector<400x128xf32>
    %get3A_866 = arith.constant 0 : index
    %get3A_867 = arith.constant 0 : index
    %get3A_868 = vector.load %arg10[%get3A_866, %get3A_867] : memref<128x128xf32, #tpu.memory_space<vmem>>, vector<128x128xf32>
    %dot_general3A_869 = arith.constant dense<0.000000e+00> : vector<400x128xf32>
    %dot_general3A_870 = tpu.matmul %add3A_785, %get3A_868, %dot_general3A_869 {dimension_numbers = #tpu.dot_dimension_numbers<[1], [0], [0], [1], [0, 0, 1, 1], [], []>, transpose_lhs_hint = false} : vector<400x128xf32>, vector<128x128xf32>, vector<400x128xf32> -> vector<400x128xf32>
    %get3A_871 = arith.constant 0 : index
    %get3A_872 = arith.constant 0 : index
    %get3A_873 = vector.load %arg13[%get3A_871, %get3A_872] : memref<1x128xf32, #tpu.memory_space<vmem>>, vector<1x128xf32>
    %add3A_874 = vector.broadcast %get3A_873 : vector<1x128xf32> to vector<400x128xf32>
    %add3A_875 = arith.addf %dot_general3A_870, %add3A_874 : vector<400x128xf32>
    %mul3A_876 = arith.mulf %slice3A_854, %add3A_875 : vector<400x128xf32>
    %add3A_877 = arith.addf %add3A_865, %mul3A_876 : vector<400x128xf32>
    %tanh3A_878 = math.tanh %add3A_877 : vector<400x128xf32>
    %sub3A_879 = arith.constant 1.000000e+00 : f32
    %sub3A_880 = vector.broadcast %sub3A_879 : f32 to vector<400x128xf32>
    %sub3A_881 = arith.subf %sub3A_880, %slice3A_855 : vector<400x128xf32>
    %mul3A_882 = arith.mulf %sub3A_881, %tanh3A_878 : vector<400x128xf32>
    %mul3A_883 = arith.mulf %slice3A_855, %add3A_785 : vector<400x128xf32>
    %add3A_884 = arith.addf %mul3A_882, %mul3A_883 : vector<400x128xf32>
    %get3A_885 = arith.constant 0 : index
    %get3A_886 = arith.constant 1152 : index
    %get3A_887 = vector.load %arg1[%get3A_885, %get3A_886] : memref<400x1536xf32, #tpu.memory_space<vmem>>, vector<400x128xf32>
    %concatenate3A_888 = tpu.concatenate %get3A_887, %add3A_836 in 1 : vector<400x128xf32>, vector<400x128xf32> -> vector<400x256xf32>
    %get3A_889 = arith.constant 0 : index
    %get3A_890 = arith.constant 0 : index
    %get3A_891 = vector.load %arg2[%get3A_889, %get3A_890] : memref<256x256xf32, #tpu.memory_space<vmem>>, vector<256x256xf32>
    %dot_general3A_892 = arith.constant dense<0.000000e+00> : vector<400x256xf32>
    %dot_general3A_893 = tpu.matmul %concatenate3A_888, %get3A_891, %dot_general3A_892 {dimension_numbers = #tpu.dot_dimension_numbers<[1], [0], [0], [1], [0, 0, 1, 1], [], []>, transpose_lhs_hint = false} : vector<400x256xf32>, vector<256x256xf32>, vector<400x256xf32> -> vector<400x256xf32>
    %get3A_894 = arith.constant 0 : index
    %get3A_895 = arith.constant 0 : index
    %get3A_896 = vector.load %arg5[%get3A_894, %get3A_895] : memref<1x256xf32, #tpu.memory_space<vmem>>, vector<1x256xf32>
    %add3A_897 = vector.broadcast %get3A_896 : vector<1x256xf32> to vector<400x256xf32>
    %add3A_898 = arith.addf %dot_general3A_893, %add3A_897 : vector<400x256xf32>
    %logistic3A_899 = arith.negf %add3A_898 : vector<400x256xf32>
    %logistic3A_900 = math.exp %logistic3A_899 : vector<400x256xf32>
    %logistic3A_901 = arith.constant 1.000000e+00 : f32
    %logistic3A_902 = vector.broadcast %logistic3A_901 : f32 to vector<400x256xf32>
    %logistic3A_903 = arith.addf %logistic3A_902, %logistic3A_900 : vector<400x256xf32>
    %logistic3A_904 = arith.divf %logistic3A_902, %logistic3A_903 : vector<400x256xf32>
    %slice3A_905 = vector.extract_strided_slice %logistic3A_904 {offsets = [0, 0], sizes = [400, 128], strides = [1, 1]} : vector<400x256xf32> to vector<400x128xf32>
    %slice3A_906 = vector.extract_strided_slice %logistic3A_904 {offsets = [0, 128], sizes = [400, 128], strides = [1, 1]} : vector<400x256xf32> to vector<400x128xf32>
    %get3A_907 = arith.constant 0 : index
    %get3A_908 = arith.constant 0 : index
    %get3A_909 = vector.load %arg3[%get3A_907, %get3A_908] : memref<128x128xf32, #tpu.memory_space<vmem>>, vector<128x128xf32>
    %dot_general3A_910 = arith.constant dense<0.000000e+00> : vector<400x128xf32>
    %dot_general3A_911 = tpu.matmul %get3A_887, %get3A_909, %dot_general3A_910 {dimension_numbers = #tpu.dot_dimension_numbers<[1], [0], [0], [1], [0, 0, 1, 1], [], []>, transpose_lhs_hint = false} : vector<400x128xf32>, vector<128x128xf32>, vector<400x128xf32> -> vector<400x128xf32>
    %get3A_912 = arith.constant 0 : index
    %get3A_913 = arith.constant 0 : index
    %get3A_914 = vector.load %arg6[%get3A_912, %get3A_913] : memref<1x128xf32, #tpu.memory_space<vmem>>, vector<1x128xf32>
    %add3A_915 = vector.broadcast %get3A_914 : vector<1x128xf32> to vector<400x128xf32>
    %add3A_916 = arith.addf %dot_general3A_911, %add3A_915 : vector<400x128xf32>
    %get3A_917 = arith.constant 0 : index
    %get3A_918 = arith.constant 0 : index
    %get3A_919 = vector.load %arg4[%get3A_917, %get3A_918] : memref<128x128xf32, #tpu.memory_space<vmem>>, vector<128x128xf32>
    %dot_general3A_920 = arith.constant dense<0.000000e+00> : vector<400x128xf32>
    %dot_general3A_921 = tpu.matmul %add3A_836, %get3A_919, %dot_general3A_920 {dimension_numbers = #tpu.dot_dimension_numbers<[1], [0], [0], [1], [0, 0, 1, 1], [], []>, transpose_lhs_hint = false} : vector<400x128xf32>, vector<128x128xf32>, vector<400x128xf32> -> vector<400x128xf32>
    %get3A_922 = arith.constant 0 : index
    %get3A_923 = arith.constant 0 : index
    %get3A_924 = vector.load %arg7[%get3A_922, %get3A_923] : memref<1x128xf32, #tpu.memory_space<vmem>>, vector<1x128xf32>
    %add3A_925 = vector.broadcast %get3A_924 : vector<1x128xf32> to vector<400x128xf32>
    %add3A_926 = arith.addf %dot_general3A_921, %add3A_925 : vector<400x128xf32>
    %mul3A_927 = arith.mulf %slice3A_905, %add3A_926 : vector<400x128xf32>
    %add3A_928 = arith.addf %add3A_916, %mul3A_927 : vector<400x128xf32>
    %tanh3A_929 = math.tanh %add3A_928 : vector<400x128xf32>
    %sub3A_930 = arith.constant 1.000000e+00 : f32
    %sub3A_931 = vector.broadcast %sub3A_930 : f32 to vector<400x128xf32>
    %sub3A_932 = arith.subf %sub3A_931, %slice3A_906 : vector<400x128xf32>
    %mul3A_933 = arith.mulf %sub3A_932, %tanh3A_929 : vector<400x128xf32>
    %mul3A_934 = arith.mulf %slice3A_906, %add3A_836 : vector<400x128xf32>
    %add3A_935 = arith.addf %mul3A_933, %mul3A_934 : vector<400x128xf32>
    %concatenate3A_936 = tpu.concatenate %add3A_935, %add3A_884 in 1 : vector<400x128xf32>, vector<400x128xf32> -> vector<400x256xf32>
    %get3A_937 = arith.constant 0 : index
    %get3A_938 = arith.constant 0 : index
    %get3A_939 = vector.load %arg8[%get3A_937, %get3A_938] : memref<256x256xf32, #tpu.memory_space<vmem>>, vector<256x256xf32>
    %dot_general3A_940 = arith.constant dense<0.000000e+00> : vector<400x256xf32>
    %dot_general3A_941 = tpu.matmul %concatenate3A_936, %get3A_939, %dot_general3A_940 {dimension_numbers = #tpu.dot_dimension_numbers<[1], [0], [0], [1], [0, 0, 1, 1], [], []>, transpose_lhs_hint = false} : vector<400x256xf32>, vector<256x256xf32>, vector<400x256xf32> -> vector<400x256xf32>
    %get3A_942 = arith.constant 0 : index
    %get3A_943 = arith.constant 0 : index
    %get3A_944 = vector.load %arg11[%get3A_942, %get3A_943] : memref<1x256xf32, #tpu.memory_space<vmem>>, vector<1x256xf32>
    %add3A_945 = vector.broadcast %get3A_944 : vector<1x256xf32> to vector<400x256xf32>
    %add3A_946 = arith.addf %dot_general3A_941, %add3A_945 : vector<400x256xf32>
    %logistic3A_947 = arith.negf %add3A_946 : vector<400x256xf32>
    %logistic3A_948 = math.exp %logistic3A_947 : vector<400x256xf32>
    %logistic3A_949 = arith.constant 1.000000e+00 : f32
    %logistic3A_950 = vector.broadcast %logistic3A_949 : f32 to vector<400x256xf32>
    %logistic3A_951 = arith.addf %logistic3A_950, %logistic3A_948 : vector<400x256xf32>
    %logistic3A_952 = arith.divf %logistic3A_950, %logistic3A_951 : vector<400x256xf32>
    %slice3A_953 = vector.extract_strided_slice %logistic3A_952 {offsets = [0, 0], sizes = [400, 128], strides = [1, 1]} : vector<400x256xf32> to vector<400x128xf32>
    %slice3A_954 = vector.extract_strided_slice %logistic3A_952 {offsets = [0, 128], sizes = [400, 128], strides = [1, 1]} : vector<400x256xf32> to vector<400x128xf32>
    %get3A_955 = arith.constant 0 : index
    %get3A_956 = arith.constant 0 : index
    %get3A_957 = vector.load %arg9[%get3A_955, %get3A_956] : memref<128x128xf32, #tpu.memory_space<vmem>>, vector<128x128xf32>
    %dot_general3A_958 = arith.constant dense<0.000000e+00> : vector<400x128xf32>
    %dot_general3A_959 = tpu.matmul %add3A_935, %get3A_957, %dot_general3A_958 {dimension_numbers = #tpu.dot_dimension_numbers<[1], [0], [0], [1], [0, 0, 1, 1], [], []>, transpose_lhs_hint = false} : vector<400x128xf32>, vector<128x128xf32>, vector<400x128xf32> -> vector<400x128xf32>
    %get3A_960 = arith.constant 0 : index
    %get3A_961 = arith.constant 0 : index
    %get3A_962 = vector.load %arg12[%get3A_960, %get3A_961] : memref<1x128xf32, #tpu.memory_space<vmem>>, vector<1x128xf32>
    %add3A_963 = vector.broadcast %get3A_962 : vector<1x128xf32> to vector<400x128xf32>
    %add3A_964 = arith.addf %dot_general3A_959, %add3A_963 : vector<400x128xf32>
    %get3A_965 = arith.constant 0 : index
    %get3A_966 = arith.constant 0 : index
    %get3A_967 = vector.load %arg10[%get3A_965, %get3A_966] : memref<128x128xf32, #tpu.memory_space<vmem>>, vector<128x128xf32>
    %dot_general3A_968 = arith.constant dense<0.000000e+00> : vector<400x128xf32>
    %dot_general3A_969 = tpu.matmul %add3A_884, %get3A_967, %dot_general3A_968 {dimension_numbers = #tpu.dot_dimension_numbers<[1], [0], [0], [1], [0, 0, 1, 1], [], []>, transpose_lhs_hint = false} : vector<400x128xf32>, vector<128x128xf32>, vector<400x128xf32> -> vector<400x128xf32>
    %get3A_970 = arith.constant 0 : index
    %get3A_971 = arith.constant 0 : index
    %get3A_972 = vector.load %arg13[%get3A_970, %get3A_971] : memref<1x128xf32, #tpu.memory_space<vmem>>, vector<1x128xf32>
    %add3A_973 = vector.broadcast %get3A_972 : vector<1x128xf32> to vector<400x128xf32>
    %add3A_974 = arith.addf %dot_general3A_969, %add3A_973 : vector<400x128xf32>
    %mul3A_975 = arith.mulf %slice3A_953, %add3A_974 : vector<400x128xf32>
    %add3A_976 = arith.addf %add3A_964, %mul3A_975 : vector<400x128xf32>
    %tanh3A_977 = math.tanh %add3A_976 : vector<400x128xf32>
    %sub3A_978 = arith.constant 1.000000e+00 : f32
    %sub3A_979 = vector.broadcast %sub3A_978 : f32 to vector<400x128xf32>
    %sub3A_980 = arith.subf %sub3A_979, %slice3A_954 : vector<400x128xf32>
    %mul3A_981 = arith.mulf %sub3A_980, %tanh3A_977 : vector<400x128xf32>
    %mul3A_982 = arith.mulf %slice3A_954, %add3A_884 : vector<400x128xf32>
    %add3A_983 = arith.addf %mul3A_981, %mul3A_982 : vector<400x128xf32>
    %get3A_984 = arith.constant 0 : index
    %get3A_985 = arith.constant 1280 : index
    %get3A_986 = vector.load %arg1[%get3A_984, %get3A_985] : memref<400x1536xf32, #tpu.memory_space<vmem>>, vector<400x128xf32>
    %concatenate3A_987 = tpu.concatenate %get3A_986, %add3A_935 in 1 : vector<400x128xf32>, vector<400x128xf32> -> vector<400x256xf32>
    %get3A_988 = arith.constant 0 : index
    %get3A_989 = arith.constant 0 : index
    %get3A_990 = vector.load %arg2[%get3A_988, %get3A_989] : memref<256x256xf32, #tpu.memory_space<vmem>>, vector<256x256xf32>
    %dot_general3A_991 = arith.constant dense<0.000000e+00> : vector<400x256xf32>
    %dot_general3A_992 = tpu.matmul %concatenate3A_987, %get3A_990, %dot_general3A_991 {dimension_numbers = #tpu.dot_dimension_numbers<[1], [0], [0], [1], [0, 0, 1, 1], [], []>, transpose_lhs_hint = false} : vector<400x256xf32>, vector<256x256xf32>, vector<400x256xf32> -> vector<400x256xf32>
    %get3A_993 = arith.constant 0 : index
    %get3A_994 = arith.constant 0 : index
    %get3A_995 = vector.load %arg5[%get3A_993, %get3A_994] : memref<1x256xf32, #tpu.memory_space<vmem>>, vector<1x256xf32>
    %add3A_996 = vector.broadcast %get3A_995 : vector<1x256xf32> to vector<400x256xf32>
    %add3A_997 = arith.addf %dot_general3A_992, %add3A_996 : vector<400x256xf32>
    %logistic3A_998 = arith.negf %add3A_997 : vector<400x256xf32>
    %logistic3A_999 = math.exp %logistic3A_998 : vector<400x256xf32>
    %logistic3A_1000 = arith.constant 1.000000e+00 : f32
    %logistic3A_1001 = vector.broadcast %logistic3A_1000 : f32 to vector<400x256xf32>
    %logistic3A_1002 = arith.addf %logistic3A_1001, %logistic3A_999 : vector<400x256xf32>
    %logistic3A_1003 = arith.divf %logistic3A_1001, %logistic3A_1002 : vector<400x256xf32>
    %slice3A_1004 = vector.extract_strided_slice %logistic3A_1003 {offsets = [0, 0], sizes = [400, 128], strides = [1, 1]} : vector<400x256xf32> to vector<400x128xf32>
    %slice3A_1005 = vector.extract_strided_slice %logistic3A_1003 {offsets = [0, 128], sizes = [400, 128], strides = [1, 1]} : vector<400x256xf32> to vector<400x128xf32>
    %get3A_1006 = arith.constant 0 : index
    %get3A_1007 = arith.constant 0 : index
    %get3A_1008 = vector.load %arg3[%get3A_1006, %get3A_1007] : memref<128x128xf32, #tpu.memory_space<vmem>>, vector<128x128xf32>
    %dot_general3A_1009 = arith.constant dense<0.000000e+00> : vector<400x128xf32>
    %dot_general3A_1010 = tpu.matmul %get3A_986, %get3A_1008, %dot_general3A_1009 {dimension_numbers = #tpu.dot_dimension_numbers<[1], [0], [0], [1], [0, 0, 1, 1], [], []>, transpose_lhs_hint = false} : vector<400x128xf32>, vector<128x128xf32>, vector<400x128xf32> -> vector<400x128xf32>
    %get3A_1011 = arith.constant 0 : index
    %get3A_1012 = arith.constant 0 : index
    %get3A_1013 = vector.load %arg6[%get3A_1011, %get3A_1012] : memref<1x128xf32, #tpu.memory_space<vmem>>, vector<1x128xf32>
    %add3A_1014 = vector.broadcast %get3A_1013 : vector<1x128xf32> to vector<400x128xf32>
    %add3A_1015 = arith.addf %dot_general3A_1010, %add3A_1014 : vector<400x128xf32>
    %get3A_1016 = arith.constant 0 : index
    %get3A_1017 = arith.constant 0 : index
    %get3A_1018 = vector.load %arg4[%get3A_1016, %get3A_1017] : memref<128x128xf32, #tpu.memory_space<vmem>>, vector<128x128xf32>
    %dot_general3A_1019 = arith.constant dense<0.000000e+00> : vector<400x128xf32>
    %dot_general3A_1020 = tpu.matmul %add3A_935, %get3A_1018, %dot_general3A_1019 {dimension_numbers = #tpu.dot_dimension_numbers<[1], [0], [0], [1], [0, 0, 1, 1], [], []>, transpose_lhs_hint = false} : vector<400x128xf32>, vector<128x128xf32>, vector<400x128xf32> -> vector<400x128xf32>
    %get3A_1021 = arith.constant 0 : index
    %get3A_1022 = arith.constant 0 : index
    %get3A_1023 = vector.load %arg7[%get3A_1021, %get3A_1022] : memref<1x128xf32, #tpu.memory_space<vmem>>, vector<1x128xf32>
    %add3A_1024 = vector.broadcast %get3A_1023 : vector<1x128xf32> to vector<400x128xf32>
    %add3A_1025 = arith.addf %dot_general3A_1020, %add3A_1024 : vector<400x128xf32>
    %mul3A_1026 = arith.mulf %slice3A_1004, %add3A_1025 : vector<400x128xf32>
    %add3A_1027 = arith.addf %add3A_1015, %mul3A_1026 : vector<400x128xf32>
    %tanh3A_1028 = math.tanh %add3A_1027 : vector<400x128xf32>
    %sub3A_1029 = arith.constant 1.000000e+00 : f32
    %sub3A_1030 = vector.broadcast %sub3A_1029 : f32 to vector<400x128xf32>
    %sub3A_1031 = arith.subf %sub3A_1030, %slice3A_1005 : vector<400x128xf32>
    %mul3A_1032 = arith.mulf %sub3A_1031, %tanh3A_1028 : vector<400x128xf32>
    %mul3A_1033 = arith.mulf %slice3A_1005, %add3A_935 : vector<400x128xf32>
    %add3A_1034 = arith.addf %mul3A_1032, %mul3A_1033 : vector<400x128xf32>
    %concatenate3A_1035 = tpu.concatenate %add3A_1034, %add3A_983 in 1 : vector<400x128xf32>, vector<400x128xf32> -> vector<400x256xf32>
    %get3A_1036 = arith.constant 0 : index
    %get3A_1037 = arith.constant 0 : index
    %get3A_1038 = vector.load %arg8[%get3A_1036, %get3A_1037] : memref<256x256xf32, #tpu.memory_space<vmem>>, vector<256x256xf32>
    %dot_general3A_1039 = arith.constant dense<0.000000e+00> : vector<400x256xf32>
    %dot_general3A_1040 = tpu.matmul %concatenate3A_1035, %get3A_1038, %dot_general3A_1039 {dimension_numbers = #tpu.dot_dimension_numbers<[1], [0], [0], [1], [0, 0, 1, 1], [], []>, transpose_lhs_hint = false} : vector<400x256xf32>, vector<256x256xf32>, vector<400x256xf32> -> vector<400x256xf32>
    %get3A_1041 = arith.constant 0 : index
    %get3A_1042 = arith.constant 0 : index
    %get3A_1043 = vector.load %arg11[%get3A_1041, %get3A_1042] : memref<1x256xf32, #tpu.memory_space<vmem>>, vector<1x256xf32>
    %add3A_1044 = vector.broadcast %get3A_1043 : vector<1x256xf32> to vector<400x256xf32>
    %add3A_1045 = arith.addf %dot_general3A_1040, %add3A_1044 : vector<400x256xf32>
    %logistic3A_1046 = arith.negf %add3A_1045 : vector<400x256xf32>
    %logistic3A_1047 = math.exp %logistic3A_1046 : vector<400x256xf32>
    %logistic3A_1048 = arith.constant 1.000000e+00 : f32
    %logistic3A_1049 = vector.broadcast %logistic3A_1048 : f32 to vector<400x256xf32>
    %logistic3A_1050 = arith.addf %logistic3A_1049, %logistic3A_1047 : vector<400x256xf32>
    %logistic3A_1051 = arith.divf %logistic3A_1049, %logistic3A_1050 : vector<400x256xf32>
    %slice3A_1052 = vector.extract_strided_slice %logistic3A_1051 {offsets = [0, 0], sizes = [400, 128], strides = [1, 1]} : vector<400x256xf32> to vector<400x128xf32>
    %slice3A_1053 = vector.extract_strided_slice %logistic3A_1051 {offsets = [0, 128], sizes = [400, 128], strides = [1, 1]} : vector<400x256xf32> to vector<400x128xf32>
    %get3A_1054 = arith.constant 0 : index
    %get3A_1055 = arith.constant 0 : index
    %get3A_1056 = vector.load %arg9[%get3A_1054, %get3A_1055] : memref<128x128xf32, #tpu.memory_space<vmem>>, vector<128x128xf32>
    %dot_general3A_1057 = arith.constant dense<0.000000e+00> : vector<400x128xf32>
    %dot_general3A_1058 = tpu.matmul %add3A_1034, %get3A_1056, %dot_general3A_1057 {dimension_numbers = #tpu.dot_dimension_numbers<[1], [0], [0], [1], [0, 0, 1, 1], [], []>, transpose_lhs_hint = false} : vector<400x128xf32>, vector<128x128xf32>, vector<400x128xf32> -> vector<400x128xf32>
    %get3A_1059 = arith.constant 0 : index
    %get3A_1060 = arith.constant 0 : index
    %get3A_1061 = vector.load %arg12[%get3A_1059, %get3A_1060] : memref<1x128xf32, #tpu.memory_space<vmem>>, vector<1x128xf32>
    %add3A_1062 = vector.broadcast %get3A_1061 : vector<1x128xf32> to vector<400x128xf32>
    %add3A_1063 = arith.addf %dot_general3A_1058, %add3A_1062 : vector<400x128xf32>
    %get3A_1064 = arith.constant 0 : index
    %get3A_1065 = arith.constant 0 : index
    %get3A_1066 = vector.load %arg10[%get3A_1064, %get3A_1065] : memref<128x128xf32, #tpu.memory_space<vmem>>, vector<128x128xf32>
    %dot_general3A_1067 = arith.constant dense<0.000000e+00> : vector<400x128xf32>
    %dot_general3A_1068 = tpu.matmul %add3A_983, %get3A_1066, %dot_general3A_1067 {dimension_numbers = #tpu.dot_dimension_numbers<[1], [0], [0], [1], [0, 0, 1, 1], [], []>, transpose_lhs_hint = false} : vector<400x128xf32>, vector<128x128xf32>, vector<400x128xf32> -> vector<400x128xf32>
    %get3A_1069 = arith.constant 0 : index
    %get3A_1070 = arith.constant 0 : index
    %get3A_1071 = vector.load %arg13[%get3A_1069, %get3A_1070] : memref<1x128xf32, #tpu.memory_space<vmem>>, vector<1x128xf32>
    %add3A_1072 = vector.broadcast %get3A_1071 : vector<1x128xf32> to vector<400x128xf32>
    %add3A_1073 = arith.addf %dot_general3A_1068, %add3A_1072 : vector<400x128xf32>
    %mul3A_1074 = arith.mulf %slice3A_1052, %add3A_1073 : vector<400x128xf32>
    %add3A_1075 = arith.addf %add3A_1063, %mul3A_1074 : vector<400x128xf32>
    %tanh3A_1076 = math.tanh %add3A_1075 : vector<400x128xf32>
    %sub3A_1077 = arith.constant 1.000000e+00 : f32
    %sub3A_1078 = vector.broadcast %sub3A_1077 : f32 to vector<400x128xf32>
    %sub3A_1079 = arith.subf %sub3A_1078, %slice3A_1053 : vector<400x128xf32>
    %mul3A_1080 = arith.mulf %sub3A_1079, %tanh3A_1076 : vector<400x128xf32>
    %mul3A_1081 = arith.mulf %slice3A_1053, %add3A_983 : vector<400x128xf32>
    %add3A_1082 = arith.addf %mul3A_1080, %mul3A_1081 : vector<400x128xf32>
    %get3A_1083 = arith.constant 0 : index
    %get3A_1084 = arith.constant 1408 : index
    %get3A_1085 = vector.load %arg1[%get3A_1083, %get3A_1084] : memref<400x1536xf32, #tpu.memory_space<vmem>>, vector<400x128xf32>
    %concatenate3A_1086 = tpu.concatenate %get3A_1085, %add3A_1034 in 1 : vector<400x128xf32>, vector<400x128xf32> -> vector<400x256xf32>
    %get3A_1087 = arith.constant 0 : index
    %get3A_1088 = arith.constant 0 : index
    %get3A_1089 = vector.load %arg2[%get3A_1087, %get3A_1088] : memref<256x256xf32, #tpu.memory_space<vmem>>, vector<256x256xf32>
    %dot_general3A_1090 = arith.constant dense<0.000000e+00> : vector<400x256xf32>
    %dot_general3A_1091 = tpu.matmul %concatenate3A_1086, %get3A_1089, %dot_general3A_1090 {dimension_numbers = #tpu.dot_dimension_numbers<[1], [0], [0], [1], [0, 0, 1, 1], [], []>, transpose_lhs_hint = false} : vector<400x256xf32>, vector<256x256xf32>, vector<400x256xf32> -> vector<400x256xf32>
    %get3A_1092 = arith.constant 0 : index
    %get3A_1093 = arith.constant 0 : index
    %get3A_1094 = vector.load %arg5[%get3A_1092, %get3A_1093] : memref<1x256xf32, #tpu.memory_space<vmem>>, vector<1x256xf32>
    %add3A_1095 = vector.broadcast %get3A_1094 : vector<1x256xf32> to vector<400x256xf32>
    %add3A_1096 = arith.addf %dot_general3A_1091, %add3A_1095 : vector<400x256xf32>
    %logistic3A_1097 = arith.negf %add3A_1096 : vector<400x256xf32>
    %logistic3A_1098 = math.exp %logistic3A_1097 : vector<400x256xf32>
    %logistic3A_1099 = arith.constant 1.000000e+00 : f32
    %logistic3A_1100 = vector.broadcast %logistic3A_1099 : f32 to vector<400x256xf32>
    %logistic3A_1101 = arith.addf %logistic3A_1100, %logistic3A_1098 : vector<400x256xf32>
    %logistic3A_1102 = arith.divf %logistic3A_1100, %logistic3A_1101 : vector<400x256xf32>
    %slice3A_1103 = vector.extract_strided_slice %logistic3A_1102 {offsets = [0, 0], sizes = [400, 128], strides = [1, 1]} : vector<400x256xf32> to vector<400x128xf32>
    %slice3A_1104 = vector.extract_strided_slice %logistic3A_1102 {offsets = [0, 128], sizes = [400, 128], strides = [1, 1]} : vector<400x256xf32> to vector<400x128xf32>
    %get3A_1105 = arith.constant 0 : index
    %get3A_1106 = arith.constant 0 : index
    %get3A_1107 = vector.load %arg3[%get3A_1105, %get3A_1106] : memref<128x128xf32, #tpu.memory_space<vmem>>, vector<128x128xf32>
    %dot_general3A_1108 = arith.constant dense<0.000000e+00> : vector<400x128xf32>
    %dot_general3A_1109 = tpu.matmul %get3A_1085, %get3A_1107, %dot_general3A_1108 {dimension_numbers = #tpu.dot_dimension_numbers<[1], [0], [0], [1], [0, 0, 1, 1], [], []>, transpose_lhs_hint = false} : vector<400x128xf32>, vector<128x128xf32>, vector<400x128xf32> -> vector<400x128xf32>
    %get3A_1110 = arith.constant 0 : index
    %get3A_1111 = arith.constant 0 : index
    %get3A_1112 = vector.load %arg6[%get3A_1110, %get3A_1111] : memref<1x128xf32, #tpu.memory_space<vmem>>, vector<1x128xf32>
    %add3A_1113 = vector.broadcast %get3A_1112 : vector<1x128xf32> to vector<400x128xf32>
    %add3A_1114 = arith.addf %dot_general3A_1109, %add3A_1113 : vector<400x128xf32>
    %get3A_1115 = arith.constant 0 : index
    %get3A_1116 = arith.constant 0 : index
    %get3A_1117 = vector.load %arg4[%get3A_1115, %get3A_1116] : memref<128x128xf32, #tpu.memory_space<vmem>>, vector<128x128xf32>
    %dot_general3A_1118 = arith.constant dense<0.000000e+00> : vector<400x128xf32>
    %dot_general3A_1119 = tpu.matmul %add3A_1034, %get3A_1117, %dot_general3A_1118 {dimension_numbers = #tpu.dot_dimension_numbers<[1], [0], [0], [1], [0, 0, 1, 1], [], []>, transpose_lhs_hint = false} : vector<400x128xf32>, vector<128x128xf32>, vector<400x128xf32> -> vector<400x128xf32>
    %get3A_1120 = arith.constant 0 : index
    %get3A_1121 = arith.constant 0 : index
    %get3A_1122 = vector.load %arg7[%get3A_1120, %get3A_1121] : memref<1x128xf32, #tpu.memory_space<vmem>>, vector<1x128xf32>
    %add3A_1123 = vector.broadcast %get3A_1122 : vector<1x128xf32> to vector<400x128xf32>
    %add3A_1124 = arith.addf %dot_general3A_1119, %add3A_1123 : vector<400x128xf32>
    %mul3A_1125 = arith.mulf %slice3A_1103, %add3A_1124 : vector<400x128xf32>
    %add3A_1126 = arith.addf %add3A_1114, %mul3A_1125 : vector<400x128xf32>
    %tanh3A_1127 = math.tanh %add3A_1126 : vector<400x128xf32>
    %sub3A_1128 = arith.constant 1.000000e+00 : f32
    %sub3A_1129 = vector.broadcast %sub3A_1128 : f32 to vector<400x128xf32>
    %sub3A_1130 = arith.subf %sub3A_1129, %slice3A_1104 : vector<400x128xf32>
    %mul3A_1131 = arith.mulf %sub3A_1130, %tanh3A_1127 : vector<400x128xf32>
    %mul3A_1132 = arith.mulf %slice3A_1104, %add3A_1034 : vector<400x128xf32>
    %add3A_1133 = arith.addf %mul3A_1131, %mul3A_1132 : vector<400x128xf32>
    %concatenate3A_1134 = tpu.concatenate %add3A_1133, %add3A_1082 in 1 : vector<400x128xf32>, vector<400x128xf32> -> vector<400x256xf32>
    %get3A_1135 = arith.constant 0 : index
    %get3A_1136 = arith.constant 0 : index
    %get3A_1137 = vector.load %arg8[%get3A_1135, %get3A_1136] : memref<256x256xf32, #tpu.memory_space<vmem>>, vector<256x256xf32>
    %dot_general3A_1138 = arith.constant dense<0.000000e+00> : vector<400x256xf32>
    %dot_general3A_1139 = tpu.matmul %concatenate3A_1134, %get3A_1137, %dot_general3A_1138 {dimension_numbers = #tpu.dot_dimension_numbers<[1], [0], [0], [1], [0, 0, 1, 1], [], []>, transpose_lhs_hint = false} : vector<400x256xf32>, vector<256x256xf32>, vector<400x256xf32> -> vector<400x256xf32>
    %get3A_1140 = arith.constant 0 : index
    %get3A_1141 = arith.constant 0 : index
    %get3A_1142 = vector.load %arg11[%get3A_1140, %get3A_1141] : memref<1x256xf32, #tpu.memory_space<vmem>>, vector<1x256xf32>
    %add3A_1143 = vector.broadcast %get3A_1142 : vector<1x256xf32> to vector<400x256xf32>
    %add3A_1144 = arith.addf %dot_general3A_1139, %add3A_1143 : vector<400x256xf32>
    %logistic3A_1145 = arith.negf %add3A_1144 : vector<400x256xf32>
    %logistic3A_1146 = math.exp %logistic3A_1145 : vector<400x256xf32>
    %logistic3A_1147 = arith.constant 1.000000e+00 : f32
    %logistic3A_1148 = vector.broadcast %logistic3A_1147 : f32 to vector<400x256xf32>
    %logistic3A_1149 = arith.addf %logistic3A_1148, %logistic3A_1146 : vector<400x256xf32>
    %logistic3A_1150 = arith.divf %logistic3A_1148, %logistic3A_1149 : vector<400x256xf32>
    %slice3A_1151 = vector.extract_strided_slice %logistic3A_1150 {offsets = [0, 0], sizes = [400, 128], strides = [1, 1]} : vector<400x256xf32> to vector<400x128xf32>
    %slice3A_1152 = vector.extract_strided_slice %logistic3A_1150 {offsets = [0, 128], sizes = [400, 128], strides = [1, 1]} : vector<400x256xf32> to vector<400x128xf32>
    %get3A_1153 = arith.constant 0 : index
    %get3A_1154 = arith.constant 0 : index
    %get3A_1155 = vector.load %arg9[%get3A_1153, %get3A_1154] : memref<128x128xf32, #tpu.memory_space<vmem>>, vector<128x128xf32>
    %dot_general3A_1156 = arith.constant dense<0.000000e+00> : vector<400x128xf32>
    %dot_general3A_1157 = tpu.matmul %add3A_1133, %get3A_1155, %dot_general3A_1156 {dimension_numbers = #tpu.dot_dimension_numbers<[1], [0], [0], [1], [0, 0, 1, 1], [], []>, transpose_lhs_hint = false} : vector<400x128xf32>, vector<128x128xf32>, vector<400x128xf32> -> vector<400x128xf32>
    %get3A_1158 = arith.constant 0 : index
    %get3A_1159 = arith.constant 0 : index
    %get3A_1160 = vector.load %arg12[%get3A_1158, %get3A_1159] : memref<1x128xf32, #tpu.memory_space<vmem>>, vector<1x128xf32>
    %add3A_1161 = vector.broadcast %get3A_1160 : vector<1x128xf32> to vector<400x128xf32>
    %add3A_1162 = arith.addf %dot_general3A_1157, %add3A_1161 : vector<400x128xf32>
    %get3A_1163 = arith.constant 0 : index
    %get3A_1164 = arith.constant 0 : index
    %get3A_1165 = vector.load %arg10[%get3A_1163, %get3A_1164] : memref<128x128xf32, #tpu.memory_space<vmem>>, vector<128x128xf32>
    %dot_general3A_1166 = arith.constant dense<0.000000e+00> : vector<400x128xf32>
    %dot_general3A_1167 = tpu.matmul %add3A_1082, %get3A_1165, %dot_general3A_1166 {dimension_numbers = #tpu.dot_dimension_numbers<[1], [0], [0], [1], [0, 0, 1, 1], [], []>, transpose_lhs_hint = false} : vector<400x128xf32>, vector<128x128xf32>, vector<400x128xf32> -> vector<400x128xf32>
    %get3A_1168 = arith.constant 0 : index
    %get3A_1169 = arith.constant 0 : index
    %get3A_1170 = vector.load %arg13[%get3A_1168, %get3A_1169] : memref<1x128xf32, #tpu.memory_space<vmem>>, vector<1x128xf32>
    %add3A_1171 = vector.broadcast %get3A_1170 : vector<1x128xf32> to vector<400x128xf32>
    %add3A_1172 = arith.addf %dot_general3A_1167, %add3A_1171 : vector<400x128xf32>
    %mul3A_1173 = arith.mulf %slice3A_1151, %add3A_1172 : vector<400x128xf32>
    %add3A_1174 = arith.addf %add3A_1162, %mul3A_1173 : vector<400x128xf32>
    %tanh3A_1175 = math.tanh %add3A_1174 : vector<400x128xf32>
    %sub3A_1176 = arith.constant 1.000000e+00 : f32
    %sub3A_1177 = vector.broadcast %sub3A_1176 : f32 to vector<400x128xf32>
    %sub3A_1178 = arith.subf %sub3A_1177, %slice3A_1152 : vector<400x128xf32>
    %mul3A_1179 = arith.mulf %sub3A_1178, %tanh3A_1175 : vector<400x128xf32>
    %mul3A_1180 = arith.mulf %slice3A_1152, %add3A_1082 : vector<400x128xf32>
    %add3A_1181 = arith.addf %mul3A_1179, %mul3A_1180 : vector<400x128xf32>
    %swap3A = arith.constant 0 : index
    %swap3A_1182 = arith.constant 0 : index
    %swap3A_1183 = vector.load %arg15[%swap3A, %swap3A_1182] : memref<400x128xf32, #tpu.memory_space<vmem>>, vector<400x128xf32>
    tpu.vector_store %arg15[%swap3A, %swap3A_1182], %add3A_1181 {strides = array<i32>} : memref<400x128xf32, #tpu.memory_space<vmem>>, vector<400x128xf32>,
    %get3A_1184 = arith.constant 0 : index
    %get3A_1185 = arith.constant 0 : index
    %get3A_1186 = vector.load %arg14[%get3A_1184, %get3A_1185] : memref<128x128xf32, #tpu.memory_space<vmem>>, vector<128x128xf32>
    %dot_general3A_1187 = arith.constant dense<0.000000e+00> : vector<400x128xf32>
    %dot_general3A_1188 = tpu.matmul %add3A_1181, %get3A_1186, %dot_general3A_1187 {dimension_numbers = #tpu.dot_dimension_numbers<[1], [0], [0], [1], [0, 0, 1, 1], [], []>, transpose_lhs_hint = false} : vector<400x128xf32>, vector<128x128xf32>, vector<400x128xf32> -> vector<400x128xf32>
    %swap3A_1189 = arith.constant 0 : index
    %swap3A_1190 = arith.constant 0 : index
    %swap3A_1191 = vector.load %arg16[%swap3A_1189, %swap3A_1190] : memref<400x128xf32, #tpu.memory_space<vmem>>, vector<400x128xf32>
    tpu.vector_store %arg16[%swap3A_1189, %swap3A_1190], %dot_general3A_1188 {strides = array<i32>} : memref<400x128xf32, #tpu.memory_space<vmem>>, vector<400x128xf32>,
    return
  }
  func.func @transform_0(%arg0: i32) -> (i32, i32) {
    %c0_i32 = arith.constant 0 : i32
    %c0_i32_0 = arith.constant 0 : i32
    return %arg0, %c0_i32 : i32, i32
  }
  func.func @transform_1(%arg0: i32) -> (i32, i32) {
    %c0_i32 = arith.constant 0 : i32
    %c0_i32_0 = arith.constant 0 : i32
    %c0_i32_1 = arith.constant 0 : i32
    return %c0_i32, %c0_i32_0 : i32, i32
  }
  func.func @transform_2(%arg0: i32) -> (i32, i32) {
    %c0_i32 = arith.constant 0 : i32
    %c0_i32_0 = arith.constant 0 : i32
    %c0_i32_1 = arith.constant 0 : i32
    return %c0_i32, %c0_i32_0 : i32, i32
  }
  func.func @transform_3(%arg0: i32) -> (i32, i32) {
    %c0_i32 = arith.constant 0 : i32
    %c0_i32_0 = arith.constant 0 : i32
    %c0_i32_1 = arith.constant 0 : i32
    return %c0_i32, %c0_i32_0 : i32, i32
  }
  func.func @transform_4(%arg0: i32) -> (i32, i32) {
    %c0_i32 = arith.constant 0 : i32
    %c0_i32_0 = arith.constant 0 : i32
    %c0_i32_1 = arith.constant 0 : i32
    return %c0_i32, %c0_i32_0 : i32, i32
  }
  func.func @transform_5(%arg0: i32) -> (i32, i32) {
    %c0_i32 = arith.constant 0 : i32
    %c0_i32_0 = arith.constant 0 : i32
    %c0_i32_1 = arith.constant 0 : i32
    return %c0_i32, %c0_i32_0 : i32, i32
  }
  func.func @transform_6(%arg0: i32) -> (i32, i32) {
    %c0_i32 = arith.constant 0 : i32
    %c0_i32_0 = arith.constant 0 : i32
    %c0_i32_1 = arith.constant 0 : i32
    return %c0_i32, %c0_i32_0 : i32, i32
  }
  func.func @transform_7(%arg0: i32) -> (i32, i32) {
    %c0_i32 = arith.constant 0 : i32
    %c0_i32_0 = arith.constant 0 : i32
    %c0_i32_1 = arith.constant 0 : i32
    return %c0_i32, %c0_i32_0 : i32, i32
  }
  func.func @transform_8(%arg0: i32) -> (i32, i32) {
    %c0_i32 = arith.constant 0 : i32
    %c0_i32_0 = arith.constant 0 : i32
    %c0_i32_1 = arith.constant 0 : i32
    return %c0_i32, %c0_i32_0 : i32, i32
  }
  func.func @transform_9(%arg0: i32) -> (i32, i32) {
    %c0_i32 = arith.constant 0 : i32
    %c0_i32_0 = arith.constant 0 : i32
    %c0_i32_1 = arith.constant 0 : i32
    return %c0_i32, %c0_i32_0 : i32, i32
  }
  func.func @transform_10(%arg0: i32) -> (i32, i32) {
    %c0_i32 = arith.constant 0 : i32
    %c0_i32_0 = arith.constant 0 : i32
    %c0_i32_1 = arith.constant 0 : i32
    return %c0_i32, %c0_i32_0 : i32, i32
  }
  func.func @transform_11(%arg0: i32) -> (i32, i32) {
    %c0_i32 = arith.constant 0 : i32
    %c0_i32_0 = arith.constant 0 : i32
    %c0_i32_1 = arith.constant 0 : i32
    return %c0_i32, %c0_i32_0 : i32, i32
  }
  func.func @transform_12(%arg0: i32) -> (i32, i32) {
    %c0_i32 = arith.constant 0 : i32
    %c0_i32_0 = arith.constant 0 : i32
    %c0_i32_1 = arith.constant 0 : i32
    return %c0_i32, %c0_i32_0 : i32, i32
  }
  func.func @transform_13(%arg0: i32) -> (i32, i32) {
    %c0_i32 = arith.constant 0 : i32
    %c0_i32_0 = arith.constant 0 : i32
    %c0_i32_1 = arith.constant 0 : i32
    return %c0_i32, %c0_i32_0 : i32, i32
  }
  func.func @transform_14(%arg0: i32) -> (i32, i32) {
    %c0_i32 = arith.constant 0 : i32
    %c0_i32_0 = arith.constant 0 : i32
    return %arg0, %c0_i32 : i32, i32
  }
  func.func @transform_15(%arg0: i32) -> (i32, i32) {
    %c0_i32 = arith.constant 0 : i32
    %c0_i32_0 = arith.constant 0 : i32
    return %arg0, %c0_i32 : i32, i32
  }
}

module attributes {stable_mosaic.version = 14 : i64} {
  func.func @_mid_body(%arg0: i32, %arg1: memref<2x1000x128xf32, #tpu.memory_space<vmem>>, %arg2: memref<1000x1xf32, #tpu.memory_space<vmem>>, %arg3: memref<1x128xf32, #tpu.memory_space<vmem>>, %arg4: memref<128x128xf32, #tpu.memory_space<vmem>>, %arg5: memref<1000x128xf32, #tpu.memory_space<vmem>>) attributes {dimension_semantics = [#tpu.dimension_semantics<parallel>], iteration_bounds = array<i64: 10>, scalar_prefetch = 0 : i64, scratch_operands = 0 : i64, tpu.core_type = #tpu.core_type<tc>, window_params = [{transform_indices = @transform_0, window_bounds = array<i64: 2, 1000, 128>}, {transform_indices = @transform_1, window_bounds = array<i64: 1000, 1>}, {pipeline_mode = #tpu.pipeline_mode<synchronous>, transform_indices = @transform_2, window_bounds = array<i64: 1, 128>}, {pipeline_mode = #tpu.pipeline_mode<synchronous>, transform_indices = @transform_3, window_bounds = array<i64: 128, 128>}, {transform_indices = @transform_4, window_bounds = array<i64: 1000, 128>}]} {
    %get3A = arith.constant 0 : index
    %get3A_0 = arith.constant 0 : index
    %get3A_1 = vector.load %arg2[%get3A, %get3A_0] : memref<1000x1xf32, #tpu.memory_space<vmem>>, vector<1000x1xf32>
    %gt3A = arith.constant 0.000000e+00 : f32
    %gt3A_2 = vector.broadcast %gt3A : f32 to vector<1000x1xf32>
    %gt3A_3 = arith.cmpf ogt, %get3A_1, %gt3A_2 : vector<1000x1xf32>
    %gt3A_4 = arith.constant 0.000000e+00 : f32
    %gt3A_5 = vector.broadcast %gt3A_4 : f32 to vector<1000x1xf32>
    %gt3A_6 = arith.cmpf ogt, %get3A_1, %gt3A_5 : vector<1000x1xf32>
    %jit3A = arith.constant 1.000000e+00 : f32
    %broadcast_in_dim3A = vector.broadcast %jit3A : f32 to vector<1000x1xf32>
    %select_n3A = arith.select %gt3A_6, %get3A_1, %broadcast_in_dim3A : vector<1000x1xi1>, vector<1000x1xf32>
    %div3A = arith.constant 1.000000e+00 : f32
    %div3A_7 = vector.broadcast %div3A : f32 to vector<1000x1xf32>
    %div3A_8 = arith.divf %div3A_7, %select_n3A : vector<1000x1xf32>
    %jit3A_9 = arith.constant 0.000000e+00 : f32
    %broadcast_in_dim3A_10 = vector.broadcast %jit3A_9 : f32 to vector<1000x1xf32>
    %select_n3A_11 = arith.select %gt3A_3, %div3A_8, %broadcast_in_dim3A_10 : vector<1000x1xi1>, vector<1000x1xf32>
    %get3A_12 = arith.constant 0 : index
    %get3A_13 = arith.constant 0 : index
    %get3A_14 = arith.constant 0 : index
    %get3A_15 = vector.load %arg1[%get3A_12, %get3A_13, %get3A_14] : memref<2x1000x128xf32, #tpu.memory_space<vmem>>, vector<1x1000x128xf32>
    %get3A_16 = vector.shape_cast %get3A_15 : vector<1x1000x128xf32> to vector<1000x128xf32>
    %get3A_17 = arith.constant 1 : index
    %get3A_18 = arith.constant 0 : index
    %get3A_19 = arith.constant 0 : index
    %get3A_20 = vector.load %arg1[%get3A_17, %get3A_18, %get3A_19] : memref<2x1000x128xf32, #tpu.memory_space<vmem>>, vector<1x1000x128xf32>
    %get3A_21 = vector.shape_cast %get3A_20 : vector<1x1000x128xf32> to vector<1000x128xf32>
    %add3A = arith.addf %get3A_16, %get3A_21 : vector<1000x128xf32>
    %mul3A = vector.broadcast %select_n3A_11 : vector<1000x1xf32> to vector<1000x128xf32>
    %mul3A_22 = arith.mulf %add3A, %mul3A : vector<1000x128xf32>
    %get3A_23 = arith.constant 0 : index
    %get3A_24 = arith.constant 0 : index
    %get3A_25 = vector.load %arg3[%get3A_23, %get3A_24] : memref<1x128xf32, #tpu.memory_space<vmem>>, vector<1x128xf32>
    %add3A_26 = vector.broadcast %get3A_25 : vector<1x128xf32> to vector<1000x128xf32>
    %add3A_27 = arith.addf %mul3A_22, %add3A_26 : vector<1000x128xf32>
    %max3A = arith.constant 0.000000e+00 : f32
    %max3A_28 = vector.broadcast %max3A : f32 to vector<1000x128xf32>
    %max3A_29 = arith.maximumf %add3A_27, %max3A_28 : vector<1000x128xf32>
    %get3A_30 = arith.constant 0 : index
    %get3A_31 = arith.constant 0 : index
    %get3A_32 = vector.load %arg4[%get3A_30, %get3A_31] : memref<128x128xf32, #tpu.memory_space<vmem>>, vector<128x128xf32>
    %dot_general3A = arith.constant dense<0.000000e+00> : vector<1000x128xf32>
    %dot_general3A_33 = tpu.matmul %max3A_29, %get3A_32, %dot_general3A {dimension_numbers = #tpu.dot_dimension_numbers<[1], [0], [0], [1], [0, 0, 1, 1], [], []>, transpose_lhs_hint = false} : vector<1000x128xf32>, vector<128x128xf32>, vector<1000x128xf32> -> vector<1000x128xf32>
    %swap3A = arith.constant 0 : index
    %swap3A_34 = arith.constant 0 : index
    %swap3A_35 = vector.load %arg5[%swap3A, %swap3A_34] : memref<1000x128xf32, #tpu.memory_space<vmem>>, vector<1000x128xf32>
    tpu.vector_store %arg5[%swap3A, %swap3A_34], %dot_general3A_33 {strides = array<i32>} : memref<1000x128xf32, #tpu.memory_space<vmem>>, vector<1000x128xf32>,
    return
  }
  func.func @transform_0(%arg0: i32) -> (i32, i32, i32) {
    %c0_i32 = arith.constant 0 : i32
    %c0_i32_0 = arith.constant 0 : i32
    %c0_i32_1 = arith.constant 0 : i32
    return %c0_i32, %arg0, %c0_i32_0 : i32, i32, i32
  }
  func.func @transform_1(%arg0: i32) -> (i32, i32) {
    %c0_i32 = arith.constant 0 : i32
    %c0_i32_0 = arith.constant 0 : i32
    return %arg0, %c0_i32 : i32, i32
  }
  func.func @transform_2(%arg0: i32) -> (i32, i32) {
    %c0_i32 = arith.constant 0 : i32
    %c0_i32_0 = arith.constant 0 : i32
    %c0_i32_1 = arith.constant 0 : i32
    return %c0_i32, %c0_i32_0 : i32, i32
  }
  func.func @transform_3(%arg0: i32) -> (i32, i32) {
    %c0_i32 = arith.constant 0 : i32
    %c0_i32_0 = arith.constant 0 : i32
    %c0_i32_1 = arith.constant 0 : i32
    return %c0_i32, %c0_i32_0 : i32, i32
  }
  func.func @transform_4(%arg0: i32) -> (i32, i32) {
    %c0_i32 = arith.constant 0 : i32
    %c0_i32_0 = arith.constant 0 : i32
    return %arg0, %c0_i32 : i32, i32
  }
}

module attributes {stable_mosaic.version = 14 : i64} {
  func.func @_final_body(%arg0: i32, %arg1: memref<2x1000x128xf32, #tpu.memory_space<vmem>>, %arg2: memref<1000x1xf32, #tpu.memory_space<vmem>>, %arg3: memref<1000x128xf32, #tpu.memory_space<vmem>>, %arg4: memref<1x128xf32, #tpu.memory_space<vmem>>, %arg5: memref<128x128xf32, #tpu.memory_space<vmem>>, %arg6: memref<1x128xf32, #tpu.memory_space<vmem>>, %arg7: memref<1x128xf32, #tpu.memory_space<vmem>>, %arg8: memref<1x128xf32, #tpu.memory_space<vmem>>, %arg9: memref<128x32xf32, #tpu.memory_space<vmem>>, %arg10: memref<1x32xf32, #tpu.memory_space<vmem>>, %arg11: memref<1000x32xf32, #tpu.memory_space<vmem>>) attributes {dimension_semantics = [#tpu.dimension_semantics<parallel>], iteration_bounds = array<i64: 10>, scalar_prefetch = 0 : i64, scratch_operands = 0 : i64, tpu.core_type = #tpu.core_type<tc>, window_params = [{transform_indices = @transform_0, window_bounds = array<i64: 2, 1000, 128>}, {transform_indices = @transform_1, window_bounds = array<i64: 1000, 1>}, {transform_indices = @transform_2, window_bounds = array<i64: 1000, 128>}, {pipeline_mode = #tpu.pipeline_mode<synchronous>, transform_indices = @transform_3, window_bounds = array<i64: 1, 128>}, {pipeline_mode = #tpu.pipeline_mode<synchronous>, transform_indices = @transform_4, window_bounds = array<i64: 128, 128>}, {pipeline_mode = #tpu.pipeline_mode<synchronous>, transform_indices = @transform_5, window_bounds = array<i64: 1, 128>}, {pipeline_mode = #tpu.pipeline_mode<synchronous>, transform_indices = @transform_6, window_bounds = array<i64: 1, 128>}, {pipeline_mode = #tpu.pipeline_mode<synchronous>, transform_indices = @transform_7, window_bounds = array<i64: 1, 128>}, {pipeline_mode = #tpu.pipeline_mode<synchronous>, transform_indices = @transform_8, window_bounds = array<i64: 128, 32>}, {pipeline_mode = #tpu.pipeline_mode<synchronous>, transform_indices = @transform_9, window_bounds = array<i64: 1, 32>}, {transform_indices = @transform_10, window_bounds = array<i64: 1000, 32>}]} {
    %get3A = arith.constant 0 : index
    %get3A_0 = arith.constant 0 : index
    %get3A_1 = vector.load %arg2[%get3A, %get3A_0] : memref<1000x1xf32, #tpu.memory_space<vmem>>, vector<1000x1xf32>
    %gt3A = arith.constant 0.000000e+00 : f32
    %gt3A_2 = vector.broadcast %gt3A : f32 to vector<1000x1xf32>
    %gt3A_3 = arith.cmpf ogt, %get3A_1, %gt3A_2 : vector<1000x1xf32>
    %gt3A_4 = arith.constant 0.000000e+00 : f32
    %gt3A_5 = vector.broadcast %gt3A_4 : f32 to vector<1000x1xf32>
    %gt3A_6 = arith.cmpf ogt, %get3A_1, %gt3A_5 : vector<1000x1xf32>
    %jit3A = arith.constant 1.000000e+00 : f32
    %broadcast_in_dim3A = vector.broadcast %jit3A : f32 to vector<1000x1xf32>
    %select_n3A = arith.select %gt3A_6, %get3A_1, %broadcast_in_dim3A : vector<1000x1xi1>, vector<1000x1xf32>
    %div3A = arith.constant 1.000000e+00 : f32
    %div3A_7 = vector.broadcast %div3A : f32 to vector<1000x1xf32>
    %div3A_8 = arith.divf %div3A_7, %select_n3A : vector<1000x1xf32>
    %jit3A_9 = arith.constant 0.000000e+00 : f32
    %broadcast_in_dim3A_10 = vector.broadcast %jit3A_9 : f32 to vector<1000x1xf32>
    %select_n3A_11 = arith.select %gt3A_3, %div3A_8, %broadcast_in_dim3A_10 : vector<1000x1xi1>, vector<1000x1xf32>
    %get3A_12 = arith.constant 0 : index
    %get3A_13 = arith.constant 0 : index
    %get3A_14 = arith.constant 0 : index
    %get3A_15 = vector.load %arg1[%get3A_12, %get3A_13, %get3A_14] : memref<2x1000x128xf32, #tpu.memory_space<vmem>>, vector<1x1000x128xf32>
    %get3A_16 = vector.shape_cast %get3A_15 : vector<1x1000x128xf32> to vector<1000x128xf32>
    %get3A_17 = arith.constant 1 : index
    %get3A_18 = arith.constant 0 : index
    %get3A_19 = arith.constant 0 : index
    %get3A_20 = vector.load %arg1[%get3A_17, %get3A_18, %get3A_19] : memref<2x1000x128xf32, #tpu.memory_space<vmem>>, vector<1x1000x128xf32>
    %get3A_21 = vector.shape_cast %get3A_20 : vector<1x1000x128xf32> to vector<1000x128xf32>
    %add3A = arith.addf %get3A_16, %get3A_21 : vector<1000x128xf32>
    %mul3A = vector.broadcast %select_n3A_11 : vector<1000x1xf32> to vector<1000x128xf32>
    %mul3A_22 = arith.mulf %add3A, %mul3A : vector<1000x128xf32>
    %get3A_23 = arith.constant 0 : index
    %get3A_24 = arith.constant 0 : index
    %get3A_25 = vector.load %arg4[%get3A_23, %get3A_24] : memref<1x128xf32, #tpu.memory_space<vmem>>, vector<1x128xf32>
    %add3A_26 = vector.broadcast %get3A_25 : vector<1x128xf32> to vector<1000x128xf32>
    %add3A_27 = arith.addf %mul3A_22, %add3A_26 : vector<1000x128xf32>
    %max3A = arith.constant 0.000000e+00 : f32
    %max3A_28 = vector.broadcast %max3A : f32 to vector<1000x128xf32>
    %max3A_29 = arith.maximumf %add3A_27, %max3A_28 : vector<1000x128xf32>
    %get3A_30 = arith.constant 0 : index
    %get3A_31 = arith.constant 0 : index
    %get3A_32 = vector.load %arg3[%get3A_30, %get3A_31] : memref<1000x128xf32, #tpu.memory_space<vmem>>, vector<1000x128xf32>
    %get3A_33 = arith.constant 0 : index
    %get3A_34 = arith.constant 0 : index
    %get3A_35 = vector.load %arg5[%get3A_33, %get3A_34] : memref<128x128xf32, #tpu.memory_space<vmem>>, vector<128x128xf32>
    %dot_general3A = arith.constant dense<0.000000e+00> : vector<1000x128xf32>
    %dot_general3A_36 = tpu.matmul %get3A_32, %get3A_35, %dot_general3A {dimension_numbers = #tpu.dot_dimension_numbers<[1], [0], [0], [1], [0, 0, 1, 1], [], []>, transpose_lhs_hint = false} : vector<1000x128xf32>, vector<128x128xf32>, vector<1000x128xf32> -> vector<1000x128xf32>
    %add3A_37 = arith.addf %max3A_29, %dot_general3A_36 : vector<1000x128xf32>
    %get3A_38 = arith.constant 0 : index
    %get3A_39 = arith.constant 0 : index
    %get3A_40 = vector.load %arg6[%get3A_38, %get3A_39] : memref<1x128xf32, #tpu.memory_space<vmem>>, vector<1x128xf32>
    %add3A_41 = vector.broadcast %get3A_40 : vector<1x128xf32> to vector<1000x128xf32>
    %add3A_42 = arith.addf %add3A_37, %add3A_41 : vector<1000x128xf32>
    %reduce_sum3A = arith.constant dense<0.000000e+00> : vector<1000xf32>
    %reduce_sum3A_43 = vector.multi_reduction <add>, %add3A_42, %reduce_sum3A [1] : vector<1000x128xf32> to vector<1000xf32>
    %broadcast_in_dim3A_44 = vector.shape_cast %reduce_sum3A_43 : vector<1000xf32> to vector<1000x1xf32>
    %div3A_45 = arith.constant 1.280000e+02 : f32
    %div3A_46 = vector.broadcast %div3A_45 : f32 to vector<1000x1xf32>
    %div3A_47 = arith.divf %broadcast_in_dim3A_44, %div3A_46 : vector<1000x1xf32>
    %sub3A = vector.broadcast %div3A_47 : vector<1000x1xf32> to vector<1000x128xf32>
    %sub3A_48 = arith.subf %add3A_42, %sub3A : vector<1000x128xf32>
    %sub3A_49 = vector.broadcast %div3A_47 : vector<1000x1xf32> to vector<1000x128xf32>
    %sub3A_50 = arith.subf %add3A_42, %sub3A_49 : vector<1000x128xf32>
    %mul3A_51 = arith.mulf %sub3A_48, %sub3A_50 : vector<1000x128xf32>
    %reduce_sum3A_52 = arith.constant dense<0.000000e+00> : vector<1000xf32>
    %reduce_sum3A_53 = vector.multi_reduction <add>, %mul3A_51, %reduce_sum3A_52 [1] : vector<1000x128xf32> to vector<1000xf32>
    %broadcast_in_dim3A_54 = vector.shape_cast %reduce_sum3A_53 : vector<1000xf32> to vector<1000x1xf32>
    %div3A_55 = arith.constant 1.280000e+02 : f32
    %div3A_56 = vector.broadcast %div3A_55 : f32 to vector<1000x1xf32>
    %div3A_57 = arith.divf %broadcast_in_dim3A_54, %div3A_56 : vector<1000x1xf32>
    %get3A_58 = arith.constant 0 : index
    %get3A_59 = arith.constant 0 : index
    %get3A_60 = vector.load %arg7[%get3A_58, %get3A_59] : memref<1x128xf32, #tpu.memory_space<vmem>>, vector<1x128xf32>
    %sub3A_61 = vector.broadcast %div3A_47 : vector<1000x1xf32> to vector<1000x128xf32>
    %sub3A_62 = arith.subf %add3A_42, %sub3A_61 : vector<1000x128xf32>
    %mul3A_63 = vector.broadcast %get3A_60 : vector<1x128xf32> to vector<1000x128xf32>
    %mul3A_64 = arith.mulf %mul3A_63, %sub3A_62 : vector<1000x128xf32>
    %add3A_65 = arith.constant 9.99999974E-6 : f32
    %add3A_66 = vector.broadcast %add3A_65 : f32 to vector<1000x1xf32>
    %add3A_67 = arith.addf %div3A_57, %add3A_66 : vector<1000x1xf32>
    %sqrt3A = math.sqrt %add3A_67 : vector<1000x1xf32>
    %div3A_68 = vector.broadcast %sqrt3A : vector<1000x1xf32> to vector<1000x128xf32>
    %div3A_69 = arith.divf %mul3A_64, %div3A_68 : vector<1000x128xf32>
    %get3A_70 = arith.constant 0 : index
    %get3A_71 = arith.constant 0 : index
    %get3A_72 = vector.load %arg8[%get3A_70, %get3A_71] : memref<1x128xf32, #tpu.memory_space<vmem>>, vector<1x128xf32>
    %add3A_73 = vector.broadcast %get3A_72 : vector<1x128xf32> to vector<1000x128xf32>
    %add3A_74 = arith.addf %div3A_69, %add3A_73 : vector<1000x128xf32>
    %get3A_75 = arith.constant 0 : index
    %get3A_76 = arith.constant 0 : index
    %get3A_77 = vector.load %arg9[%get3A_75, %get3A_76] : memref<128x32xf32, #tpu.memory_space<vmem>>, vector<128x32xf32>
    %dot_general3A_78 = arith.constant dense<0.000000e+00> : vector<1000x32xf32>
    %dot_general3A_79 = tpu.matmul %add3A_74, %get3A_77, %dot_general3A_78 {dimension_numbers = #tpu.dot_dimension_numbers<[1], [0], [0], [1], [0, 0, 1, 1], [], []>, transpose_lhs_hint = false} : vector<1000x128xf32>, vector<128x32xf32>, vector<1000x32xf32> -> vector<1000x32xf32>
    %get3A_80 = arith.constant 0 : index
    %get3A_81 = arith.constant 0 : index
    %get3A_82 = vector.load %arg10[%get3A_80, %get3A_81] : memref<1x32xf32, #tpu.memory_space<vmem>>, vector<1x32xf32>
    %add3A_83 = vector.broadcast %get3A_82 : vector<1x32xf32> to vector<1000x32xf32>
    %add3A_84 = arith.addf %dot_general3A_79, %add3A_83 : vector<1000x32xf32>
    %swap3A = arith.constant 0 : index
    %swap3A_85 = arith.constant 0 : index
    %swap3A_86 = vector.load %arg11[%swap3A, %swap3A_85] : memref<1000x32xf32, #tpu.memory_space<vmem>>, vector<1000x32xf32>
    tpu.vector_store %arg11[%swap3A, %swap3A_85], %add3A_84 {strides = array<i32>} : memref<1000x32xf32, #tpu.memory_space<vmem>>, vector<1000x32xf32>,
    return
  }
  func.func @transform_0(%arg0: i32) -> (i32, i32, i32) {
    %c0_i32 = arith.constant 0 : i32
    %c0_i32_0 = arith.constant 0 : i32
    %c0_i32_1 = arith.constant 0 : i32
    return %c0_i32, %arg0, %c0_i32_0 : i32, i32, i32
  }
  func.func @transform_1(%arg0: i32) -> (i32, i32) {
    %c0_i32 = arith.constant 0 : i32
    %c0_i32_0 = arith.constant 0 : i32
    return %arg0, %c0_i32 : i32, i32
  }
  func.func @transform_2(%arg0: i32) -> (i32, i32) {
    %c0_i32 = arith.constant 0 : i32
    %c0_i32_0 = arith.constant 0 : i32
    return %arg0, %c0_i32 : i32, i32
  }
  func.func @transform_3(%arg0: i32) -> (i32, i32) {
    %c0_i32 = arith.constant 0 : i32
    %c0_i32_0 = arith.constant 0 : i32
    %c0_i32_1 = arith.constant 0 : i32
    return %c0_i32, %c0_i32_0 : i32, i32
  }
  func.func @transform_4(%arg0: i32) -> (i32, i32) {
    %c0_i32 = arith.constant 0 : i32
    %c0_i32_0 = arith.constant 0 : i32
    %c0_i32_1 = arith.constant 0 : i32
    return %c0_i32, %c0_i32_0 : i32, i32
  }
  func.func @transform_5(%arg0: i32) -> (i32, i32) {
    %c0_i32 = arith.constant 0 : i32
    %c0_i32_0 = arith.constant 0 : i32
    %c0_i32_1 = arith.constant 0 : i32
    return %c0_i32, %c0_i32_0 : i32, i32
  }
  func.func @transform_6(%arg0: i32) -> (i32, i32) {
    %c0_i32 = arith.constant 0 : i32
    %c0_i32_0 = arith.constant 0 : i32
    %c0_i32_1 = arith.constant 0 : i32
    return %c0_i32, %c0_i32_0 : i32, i32
  }
  func.func @transform_7(%arg0: i32) -> (i32, i32) {
    %c0_i32 = arith.constant 0 : i32
    %c0_i32_0 = arith.constant 0 : i32
    %c0_i32_1 = arith.constant 0 : i32
    return %c0_i32, %c0_i32_0 : i32, i32
  }
  func.func @transform_8(%arg0: i32) -> (i32, i32) {
    %c0_i32 = arith.constant 0 : i32
    %c0_i32_0 = arith.constant 0 : i32
    %c0_i32_1 = arith.constant 0 : i32
    return %c0_i32, %c0_i32_0 : i32, i32
  }
  func.func @transform_9(%arg0: i32) -> (i32, i32) {
    %c0_i32 = arith.constant 0 : i32
    %c0_i32_0 = arith.constant 0 : i32
    %c0_i32_1 = arith.constant 0 : i32
    return %c0_i32, %c0_i32_0 : i32, i32
  }
  func.func @transform_10(%arg0: i32) -> (i32, i32) {
    %c0_i32 = arith.constant 0 : i32
    %c0_i32_0 = arith.constant 0 : i32
    return %arg0, %c0_i32 : i32, i32
  }
}

</mosaic_0001>

<sc_bundles>
// kernel: sc_conv_0.3.cloned.1.call-start
scs
__scs_entry_jumppad:
0x0: {  	(pc) =	sbr.rel $0x88, $3  }
0x1: {  	(tag) =	ssettag $0x0;
	lr =	simm.s32 $0x1  }
0x2: {  	[smem:$0x3F8D] =	sst lr;
	_ =	strace $0xD0000000  }
0x3: {  	_ = 	snop  }
0x4: {  	_ = 	snop  }
0x5: {  	_ = 	snop  }
0x6: {  	_ = 	snop  }
0x7: {  	_ = 	snop  }
__scs_overlays_trampoline_lowered:
0x8: {  	[smem:$0x3F9C] =	sst s0  }
0x9: {  	[smem:$0x3F9D] =	sst s1  }
0xa: {  	[smem:$0x3F9E] =	sst s2  }
0xb: {  	[smem:$0x3F9F] =	sst s3  }
0xc: {  	[smem:$0x3FA0] =	sst s4  }
0xd: {  	[smem:$0x3FA1] =	sst s5  }
0xe: {  	[smem:$0x3FA2] =	sst s6  }
0xf: {  	[smem:$0x3FA3] =	sst s7  }
0x10: {  	[smem:$0x3FA4] =	sst s8  }
0x11: {  	[smem:$0x3FA5] =	sst s9;
	s0 =	simm.s32 @!p0 $0x0  }
0x12: {  	s1 =	sld [smem:$0x3F8B];
	s0 =	simm.s32 @p0 $0x1  }
0x13: {  	[smem:$0x3FA6] =	sst s0;
	s0 =	simm.s32 @!p1 $0x0  }
0x14: {  	s2 =	sld [smem:$0x3F8A];
	s0 =	simm.s32 @p1 $0x1  }
0x15: {  	[smem:$0x3FA7] =	sst s0;
	s0 =	simm.s32 @!p2 $0x0  }
0x16: {  	s3 =	sld [smem:$0x3FDB];
	s0 =	simm.s32 @p2 $0x1  }
0x17: {  	s4 =	simm.s32 $0x1BF5;
	[smem:$0x3FA9] =	sst s0  }
0x18: {  	s0 =	sld [smem:$0x3F8C];
	_ =	swait.ge [sflag:s4], $0x0  }
0x19: {  	s7 =	sld [smem:$0x3F8D]  }
0x1a: {  	s8 =	sadd.s32 $0xFFFFE003, lr  }
0x1b: {  	s9 =	sadd.s32 $0xFFFFFEF7, lr;
	s5 =	simm.s32 $0xFFFFFFFF;
	p2 =	slt.u32 s8, $0xFFFFF086  }
0x1c: {  	p1 =	slt.u32 s9, $0xF7A;
	s5 =	simm.s32 @!p2 $0x0  }
0x1d: {  	s5 =	simm.s32 @p1 $0x1;
	p0 =	seq.s32 s7, s2  }
0x1e: {  	s7 =	smul.u32 @!p0 $0xF7A, s2;
	p2 =	seq.s32 @!p0 s5, $0x0  }
0x1f: {  	s9 =	smul.u32 $0xF7A, s1;
	s8 =	simm.s32 @!p0 $0x1BF5;
	p2 =	por !p2, p0  }
0x20: {  	[sflag:s8] =	ssyncset.s32 @!p0 $0xFFFFF086;
	s6 =	sadd.s32 @!p0 s3, s7;
	s7 =	simm.s32 @!p0 $0x108  }
0x21: {  	s3 =	sadd.s32 s3, s9;
	s6 =	sadd.s32 @!p0 $0x88, s6;
	s7 =	simm.s32 @p2 $0x1082  }
0x22: {  	[simem:s7], [sflag:s8] =	dma.local @!p0 [hbm:s6], $0xF7A  }
0x23: {  	s9 =	sor.u32 $0xD0000000, s2;
	s6 =	simm.s32 $0x108;
	_ =	swait.ge @!p0 [sflag:s8], $0x0  }
0x24: {  	s3 =	sadd.s32 $0x88, s3;
	s6 =	simm.s32 @!p1 $0x1082;
	[sflag:s4] =	ssyncset.s32 $0xFFFFF086  }
0x25: {  	[simem:s6], [sflag:s4] =	dma.local [hbm:s3], $0xF7A  }
0x26: {  	[smem:$0x3F8D] =	sst s1;
	(tag) =	ssettag s2;
	_ =	strace s9  }
0x27: {  	s1 =	sld [smem:$0x3F9D]  }
0x28: {  	s2 =	sld [smem:$0x3F9E]  }
0x29: {  	s4 =	sld [smem:$0x3FA0]  }
0x2a: {  	p0 =	seq.s32 s5, $0x0;
	s5 =	sld [smem:$0x3FA1]  }
0x2b: {  	s6 =	sld [smem:$0x3FA2]  }
0x2c: {  	s7 =	sld [smem:$0x3FA3]  }
0x2d: {  	s3 =	simm.s32 $0x108;
	s8 =	sld [smem:$0x3FA4]  }
0x2e: {  	s3 =	simm.s32 @!p0 $0x1082;
	s9 =	sld [smem:$0x3FA5]  }
0x2f: {  	lr =	sadd.s32 s0, s3;
	s0 =	sld [smem:$0x3F9C]  }
0x30: {  	s3 =	sld [smem:$0x3F9F]  }
0x31: {  	[smem:$0x3FA8] =	sst s10  }
0x32: {  	s10 =	sld [smem:$0x3FA6];
	_ =	sdelay $0x3  }
0x33: {  	p0 =	seq.s32 s10, $0x1;
	s10 =	sld [smem:$0x3FA8];
	_ =	sdelay $0x3  }
0x34: {  	[smem:$0x3FA8] =	sst s10  }
0x35: {  	s10 =	sld [smem:$0x3FA7];
	_ =	sdelay $0x3  }
0x36: {  	p1 =	seq.s32 s10, $0x1;
	s10 =	sld [smem:$0x3FA8];
	_ =	sdelay $0x3  }
0x37: {  	[smem:$0x3FA8] =	sst s10  }
0x38: {  	s10 =	sld [smem:$0x3FA9]  }
0x39: {  	_ = 	snop;
	(pc) =	sbr.ind lr, $3  }
0x3a: {  	_ = 	snop  }
0x3b: {  	_ = 	snop  }
0x3c: {  	p2 =	seq.s32 s10, $0x1;
	s10 =	sld [smem:$0x3FA8]  }
0x3d: {  	_ =	shalt  }
0x3e: {  	_ =	shalt  }
0x3f: {  	_ =	shalt  }
0x40: {  	_ =	shalt  }
0x41: {  	_ =	shalt  }
0x42: {  	_ =	shalt  }
0x43: {  	_ =	shalt  }
0x44: {  	_ =	shalt  }
0x45: {  	_ =	shalt  }
0x46: {  	_ =	shalt  }
0x47: {  	_ =	shalt  }
0x48: {  	_ =	shalt  }
0x49: {  	_ =	shalt  }
0x4a: {  	_ =	shalt  }
0x4b: {  	_ =	shalt  }
0x4c: {  	_ =	shalt  }
0x4d: {  	_ =	shalt  }
0x4e: {  	_ =	shalt  }
0x4f: {  	_ =	shalt  }
0x50: {  	_ =	shalt  }
0x51: {  	_ =	shalt  }
0x52: {  	_ =	shalt  }
0x53: {  	_ =	shalt  }
0x54: {  	_ =	shalt  }
0x55: {  	_ =	shalt  }
0x56: {  	_ =	shalt  }
0x57: {  	_ =	shalt  }
0x58: {  	_ =	shalt  }
0x59: {  	_ =	shalt  }
0x5a: {  	_ =	shalt  }
0x5b: {  	_ =	shalt  }
0x5c: {  	_ =	shalt  }
0x5d: {  	_ =	shalt  }
0x5e: {  	_ =	shalt  }
0x5f: {  	_ =	shalt  }
0x60: {  	_ =	shalt  }
0x61: {  	_ =	shalt  }
0x62: {  	_ =	shalt  }
0x63: {  	_ =	shalt  }
0x64: {  	_ =	shalt  }
0x65: {  	_ =	shalt  }
0x66: {  	_ =	shalt  }
0x67: {  	_ =	shalt  }
0x68: {  	_ =	shalt  }
0x69: {  	_ =	shalt  }
0x6a: {  	_ =	shalt  }
0x6b: {  	_ =	shalt  }
0x6c: {  	_ =	shalt  }
0x6d: {  	_ =	shalt  }
0x6e: {  	_ =	shalt  }
0x6f: {  	_ =	shalt  }
0x70: {  	_ =	shalt  }
0x71: {  	_ =	shalt  }
0x72: {  	_ =	shalt  }
0x73: {  	_ =	shalt  }
0x74: {  	_ =	shalt  }
0x75: {  	_ =	shalt  }
0x76: {  	_ =	shalt  }
0x77: {  	_ =	shalt  }
0x78: {  	_ =	shalt  }
0x79: {  	_ =	shalt  }
0x7a: {  	_ =	shalt  }
0x7b: {  	_ =	shalt  }
0x7c: {  	_ =	shalt  }
0x7d: {  	_ =	shalt  }
0x7e: {  	_ =	shalt  }
0x7f: {  	_ =	shalt  }
0x80: {  	_ =	shalt  }
0x81: {  	_ =	shalt  }
0x82: {  	_ =	shalt  }
0x83: {  	_ =	shalt  }
0x84: {  	_ =	shalt  }
0x85: {  	_ =	shalt  }
0x86: {  	_ =	shalt  }
0x87: {  	_ =	shalt  }
.Lfunc_end0:
.L_simem_size_0:
called_computation.1_lowered:
.L_overlay_start_0:
0x88: {  	s2 =	sld [smem:$0x3FD9]  }
0x89: {  	s3 =	sld [smem:$0x3FFE];
	_ =	sdelay $0x1  }
0x8a: {  	s1 =	srdreg.scid  }
0x8b: {  	s0 =	sand.u32 $0x1, s1  }
0x8c: {  	s16 =	sshll.u32 s0, $0xA;
	s2 =	sadd.s32 s3, s2  }
0x8d: {  	s2 =	sadd.s32 s2, s16  }
0x8e: {  	[smem:$0x3FB4] =	sst s2  }
0x8f: {  	_ = 	snop  }
0x90: {  	(tm) =	ssettm $0x1  }
0x91: {  	s17 =	sld [smem:$0x3FFB];
	_ =	sdelay $0x3  }
0x92: {  	_ =	strace s17  }
0x93: {  	s2 =	sld [smem:$0x3FFC];
	_ =	sdelay $0x3  }
0x94: {  	_ =	strace s2  }
0x95: {  	s2 =	sld [smem:$0x3FFD];
	_ =	sdelay $0x3  }
0x96: {  	_ =	strace s2  }
0x97: {  	_ =	strace $0x8FFFFFFF  }
0x98: {  	s18 =	sld [smem:$0x3FDB];
	_ =	sdelay $0x1  }
0x99: {  	s19 =	simm.s32 $_scs_section_size  }
0x9a: {  	s4 =	simm.s32 $_size__tile_overlayer_lowered;
	s5 =	simm.s32 $_tile_overlayer_lowered  }
0x9b: {  	s22 =	simm.s32 $0x1BFF;
	s21 =	sshll.u32 s5, $0x1;
	s2 =	sadd.s32 s19, s18  }
0x9c: {  	s6 =	simm.s32 $0x0;
	s20 =	sshll.u32 s4, $0x1;
	s4 =	sadd.s32 s21, s2  }
0x9d: {  	[timem:s6], [sflag:s22] =	dma.local [hbm:s4], s20  }
0x9e: {  	_ =	swait.ge [sflag:s22], s20  }
0x9f: {  	s3 =	ssub.s32 $0x0, s20;
	[sflag:s22] =	ssyncset.done $0x0  }
0xa0: {  	[sflag:s22] =	ssyncadd.s32 s3;
	_ =	sdelay $0x1  }
0xa1: {  	s23 =	simm.s32 $0x1B8B  }
0xa2: {  	_ =	swait.ge [sflag:s23], $0x1  }
0xa3: {  	[sflag:s23] =	ssyncset.done $0x0  }
0xa4: {  	s25 =	simm.s32 $0x1B8E;
	s24 =	sld [smem:$0x3FFE];
	[sflag:s23] =	ssyncadd.s32 $0xFFFFFFFF  }
0xa5: {  	s26 =	simm.s32 $execute0_lowered;
	[smem:$0x3FD2] =	sst s25  }
0xa6: {  	s4 =	sshll.u32 s26, $0x1;
	_ =	strace $0x80000049;
	[dreg:$0x1] =	wrdreg $0xFFFFFFFF  }
0xa7: {  	s28 =	simm.s32 $_size_execute0_lowered;
	s2 =	sadd.s32 s2, s4;
	[dreg:$0x0] =	wrdreg $0x0  }
0xa8: {  	s4 =	sshll.u32 s28, $0x1;
	[dreg:$0x2] =	wrdreg s2  }
0xa9: {  	[dreg:$0x3] =	wrdreg s4  }
0xaa: {  	[dreg:$0x4] =	wrdreg $0xC0  }
0xab: {  	_ =	task [dreg:s6], $0x5FFFF  }
0xac: {  	[dreg:$0x1] =	wrdreg $0xFFFFFFFF  }
0xad: {  	[dreg:$0x0] =	wrdreg $0x60  }
0xae: {  	[dreg:$0x2] =	wrdreg s24  }
0xaf: {  	[dreg:$0x3] =	wrdreg $0x99000  }
0xb0: {  	[dreg:$0x4] =	wrdreg $0x9  }
0xb1: {  	_ =	task.clear_ibuf [dreg:s6], $0x5FFFF;
	_ =	strace $0x90000049  }
0xb2: {  	s29 =	simm.s32 $0x9;
	_ =	strace $0x8000004B  }
0xb3: {  	_ =	swait.ge [sflag:s29], $0x1  }
0xb4: {  	[sflag:s29] =	ssyncadd.s32 $0xFFFFFFFF  }
0xb5: {  	_ =	strace $0x9000004B  }
0xb6: {  	_ =	sfence  }
0xb7: {  	s30 =	sld [smem:$0x0];
	_ =	sdelay $0x2  }
0xb8: {  	s31 =	sshll.u32 s1, $0xD;
	s1 =	sshrl.u32 s1, $0x2  }
0xb9: {  	s3 =	sand.u32 $0x4000, s31;
	s1 =	sadd.s32 s1, s30  }
0xba: {  	s0 =	sor.u32 s3, s0;
	s1 =	sshll.u32 s1, $0x11  }
0xbb: {  	s0 =	sor.u32 s1, s0  }
0xbc: {  	s0 =	sadd.s32 $0x8F2B, s0  }
0xbd: {  	[sflag:s0] =	ssyncadd.remote.s32 $0x1  }
0xbe: {  	_ =	sfence.sel $0xFFFF  }
0xbf: {  	[dreg:$0x0] =	wrdreg $0xFFFFFFFF;
	(pc) =	sbr.abs _section_cstart, $3  }
0xc0: {  	[dreg:$0x1] =	wrdreg $0xFFFFFFFF  }
0xc1: {  	_ =	task.clear_ibuf [dreg:s6], $0x2FFFF;
	_ =	strace $0x9FFFFFFF  }
0xc2: {  	(tm) =	ssettm $0x7FFFFFFF  }
0xc3: {  	_ =	shalt  }
tec
execute0_lowered:
.L_overlay_start_1:
0x0: {  	(tag) =	ssettag $0x1  }
0x1: {  	s5 =	rddreg [dreg:$0x0]  }
0x2: {  	s1 =	rddreg [dreg:$0x1]  }
0x3: {  	s2 =	srdreg.scid;
	s0 =	rddreg [dreg:$0x2];
	s3 =	simm.s32 $0x0  }
0x4: {  	s12 =	simm.s32 $0x2800;
	s13 =	simm.s32 $0x80;
	s6 =	sand.u32 $0x1, s2  }
0x5: {  	s14 =	simm.s32 $0x5000;
	s2 =	stileid.u32;
	s7 =	smul.u32 $0x140000, s6  }
0x6: {  	s15 =	simm.s32 $0x1;
	[smem:$0x7FF] =	sst s3;
	s8 =	smul.u32 $0x14000, s2  }
0x7: {  	s4 =	sshll.u32 s6, $0x4;
	_ =	strace $0x8000004A;
	s29 =	smul.u32 $0x50000, s2  }
0x8: {  	s6 =	ssub.s32 $0x2, s6;
	s16 =	sshll.u32 s2, $0x6;
	s4 =	sor.u32 s2, s4  }
0x9: {  	s30 =	sshrl.u32 s6, $0x1;
	s16 =	sor.u32 $0x1C02, s16;
	s9 =	smul.u32 $0x500, s4  }
0xa: {  	s4 =	sadd.s32 $0x16E00, s5;
	s7 =	sadd.s32 s8, s7;
	s31 =	sshrl.u32 s29, $0x2  }
0xb: {  	s11 =	ssub.s32 s6, s30;
	s7 =	sshrl.u32 s7, $0x3;
	s9 =	sadd.s32 s9, s5  }
0xc: {  	s10 =	sadd.s32 s7, s5;
	s5 =	sadd.s32 s31, s1;
	s6 =	sadd.s32 $0x2E00, s9  }
0xd: {  	s7 =	sadd.s32 $0xCE00, s9;
	s8 =	sadd.s32 $0x3E000, s10;
	s9 =	smax.u32 s11, $0x1  }
0xe: {  	v0 =	vimm.f32 $0.0e+00;
	v1 =	vimm.f32 $1.000000000e+00;
	s10 =	simm.s32 $0x9000;
	s11 =	simm.s32 $0x2;
	s17 =	sshrl.u32 s5, $0x3  }
.LBB2_1:
0xf: {  	[tilespmem:$0x9000] =	vst v0  }
0x10: {  	[tilespmem:$0x9010] =	vst v0  }
0x11: {  	[tilespmem:$0x9020] =	vst v0  }
0x12: {  	[tilespmem:$0x9030] =	vst v0  }
0x13: {  	[tilespmem:$0x9040] =	vst v0  }
0x14: {  	[tilespmem:$0x9050] =	vst v0  }
0x15: {  	[tilespmem:$0x9060] =	vst v0  }
0x16: {  	[tilespmem:$0x9070] =	vst v0  }
0x17: {  	[tilespmem:$0x9080] =	vst v0  }
0x18: {  	[tilespmem:$0x9090] =	vst v0  }
0x19: {  	[tilespmem:$0x90A0] =	vst v0  }
0x1a: {  	[tilespmem:$0x90B0] =	vst v0  }
0x1b: {  	[tilespmem:$0x90C0] =	vst v0  }
0x1c: {  	[tilespmem:$0x90D0] =	vst v0  }
0x1d: {  	[tilespmem:$0x90E0] =	vst v0  }
0x1e: {  	[tilespmem:$0x90F0] =	vst v0  }
0x1f: {  	[tilespmem:$0x9100] =	vst v0  }
0x20: {  	[tilespmem:$0x9110] =	vst v0  }
0x21: {  	[tilespmem:$0x9120] =	vst v0  }
0x22: {  	[tilespmem:$0x9130] =	vst v0  }
0x23: {  	[tilespmem:$0x9140] =	vst v0  }
0x24: {  	[tilespmem:$0x9150] =	vst v0  }
0x25: {  	[tilespmem:$0x9160] =	vst v0  }
0x26: {  	[tilespmem:$0x9170] =	vst v0  }
0x27: {  	[tilespmem:$0x9180] =	vst v0  }
0x28: {  	[tilespmem:$0x9190] =	vst v0  }
0x29: {  	[tilespmem:$0x91A0] =	vst v0  }
0x2a: {  	[tilespmem:$0x91B0] =	vst v0  }
0x2b: {  	[tilespmem:$0x91C0] =	vst v0  }
0x2c: {  	[tilespmem:$0x91D0] =	vst v0  }
0x2d: {  	[tilespmem:$0x91E0] =	vst v0  }
0x2e: {  	[tilespmem:$0x91F0] =	vst v0  }
0x2f: {  	[tilespmem:$0x9200] =	vst v0  }
0x30: {  	[tilespmem:$0x9210] =	vst v0  }
0x31: {  	[tilespmem:$0x9220] =	vst v0  }
0x32: {  	[tilespmem:$0x9230] =	vst v0  }
0x33: {  	[tilespmem:$0x9240] =	vst v0  }
0x34: {  	[tilespmem:$0x9250] =	vst v0  }
0x35: {  	[tilespmem:$0x9260] =	vst v0  }
0x36: {  	[tilespmem:$0x9270] =	vst v0  }
0x37: {  	[tilespmem:$0x9280] =	vst v0  }
0x38: {  	[tilespmem:$0x9290] =	vst v0  }
0x39: {  	[tilespmem:$0x92A0] =	vst v0  }
0x3a: {  	[tilespmem:$0x92B0] =	vst v0  }
0x3b: {  	[tilespmem:$0x92C0] =	vst v0  }
0x3c: {  	[tilespmem:$0x92D0] =	vst v0  }
0x3d: {  	[tilespmem:$0x92E0] =	vst v0  }
0x3e: {  	[tilespmem:$0x92F0] =	vst v0  }
0x3f: {  	[tilespmem:$0x9300] =	vst v0  }
0x40: {  	[tilespmem:$0x9310] =	vst v0  }
0x41: {  	[tilespmem:$0x9320] =	vst v0  }
0x42: {  	[tilespmem:$0x9330] =	vst v0  }
0x43: {  	[tilespmem:$0x9340] =	vst v0  }
0x44: {  	[tilespmem:$0x9350] =	vst v0  }
0x45: {  	[tilespmem:$0x9360] =	vst v0  }
0x46: {  	[tilespmem:$0x9370] =	vst v0  }
0x47: {  	[tilespmem:$0x9380] =	vst v0  }
0x48: {  	[tilespmem:$0x9390] =	vst v0  }
0x49: {  	[tilespmem:$0x93A0] =	vst v0  }
0x4a: {  	[tilespmem:$0x93B0] =	vst v0  }
0x4b: {  	[tilespmem:$0x93C0] =	vst v0  }
0x4c: {  	[tilespmem:$0x93D0] =	vst v0  }
0x4d: {  	[tilespmem:$0x93E0] =	vst v0  }
0x4e: {  	[tilespmem:$0x93F0] =	vst v0  }
0x4f: {  	[tilespmem:$0x9400] =	vst v0  }
0x50: {  	[tilespmem:$0x9410] =	vst v0  }
0x51: {  	[tilespmem:$0x9420] =	vst v0  }
0x52: {  	[tilespmem:$0x9430] =	vst v0  }
0x53: {  	[tilespmem:$0x9440] =	vst v0  }
0x54: {  	[tilespmem:$0x9450] =	vst v0  }
0x55: {  	[tilespmem:$0x9460] =	vst v0  }
0x56: {  	[tilespmem:$0x9470] =	vst v0  }
0x57: {  	[tilespmem:$0x9480] =	vst v0  }
0x58: {  	[tilespmem:$0x9490] =	vst v0  }
0x59: {  	[tilespmem:$0x94A0] =	vst v0  }
0x5a: {  	[tilespmem:$0x94B0] =	vst v0  }
0x5b: {  	[tilespmem:$0x94C0] =	vst v0  }
0x5c: {  	[tilespmem:$0x94D0] =	vst v0  }
0x5d: {  	[tilespmem:$0x94E0] =	vst v0  }
0x5e: {  	[tilespmem:$0x94F0] =	vst v0  }
0x5f: {  	[tilespmem:$0x9500] =	vst v0  }
0x60: {  	[tilespmem:$0x9510] =	vst v0  }
0x61: {  	[tilespmem:$0x9520] =	vst v0  }
0x62: {  	[tilespmem:$0x9530] =	vst v0  }
0x63: {  	[tilespmem:$0x9540] =	vst v0  }
0x64: {  	[tilespmem:$0x9550] =	vst v0  }
0x65: {  	[tilespmem:$0x9560] =	vst v0  }
0x66: {  	[tilespmem:$0x9570] =	vst v0  }
0x67: {  	[tilespmem:$0x9580] =	vst v0  }
0x68: {  	[tilespmem:$0x9590] =	vst v0  }
0x69: {  	[tilespmem:$0x95A0] =	vst v0  }
0x6a: {  	[tilespmem:$0x95B0] =	vst v0  }
0x6b: {  	[tilespmem:$0x95C0] =	vst v0  }
0x6c: {  	[tilespmem:$0x95D0] =	vst v0  }
0x6d: {  	[tilespmem:$0x95E0] =	vst v0  }
0x6e: {  	[tilespmem:$0x95F0] =	vst v0  }
0x6f: {  	[tilespmem:$0x9600] =	vst v0  }
0x70: {  	[tilespmem:$0x9610] =	vst v0  }
0x71: {  	[tilespmem:$0x9620] =	vst v0  }
0x72: {  	[tilespmem:$0x9630] =	vst v0  }
0x73: {  	[tilespmem:$0x9640] =	vst v0  }
0x74: {  	[tilespmem:$0x9650] =	vst v0  }
0x75: {  	[tilespmem:$0x9660] =	vst v0  }
0x76: {  	[tilespmem:$0x9670] =	vst v0  }
0x77: {  	[tilespmem:$0x9680] =	vst v0  }
0x78: {  	[tilespmem:$0x9690] =	vst v0  }
0x79: {  	[tilespmem:$0x96A0] =	vst v0  }
0x7a: {  	[tilespmem:$0x96B0] =	vst v0  }
0x7b: {  	[tilespmem:$0x96C0] =	vst v0  }
0x7c: {  	[tilespmem:$0x96D0] =	vst v0  }
0x7d: {  	[tilespmem:$0x96E0] =	vst v0  }
0x7e: {  	[tilespmem:$0x96F0] =	vst v0  }
0x7f: {  	[tilespmem:$0x9700] =	vst v0  }
0x80: {  	[tilespmem:$0x9710] =	vst v0  }
0x81: {  	[tilespmem:$0x9720] =	vst v0  }
0x82: {  	[tilespmem:$0x9730] =	vst v0  }
0x83: {  	[tilespmem:$0x9740] =	vst v0  }
0x84: {  	[tilespmem:$0x9750] =	vst v0  }
0x85: {  	[tilespmem:$0x9760] =	vst v0  }
0x86: {  	[tilespmem:$0x9770] =	vst v0  }
0x87: {  	[tilespmem:$0x9780] =	vst v0  }
0x88: {  	[tilespmem:$0x9790] =	vst v0  }
0x89: {  	[tilespmem:$0x97A0] =	vst v0  }
0x8a: {  	[tilespmem:$0x97B0] =	vst v0  }
0x8b: {  	[tilespmem:$0x97C0] =	vst v0  }
0x8c: {  	[tilespmem:$0x97D0] =	vst v0  }
0x8d: {  	[tilespmem:$0x97E0] =	vst v0  }
0x8e: {  	[tilespmem:$0x97F0] =	vst v0  }
0x8f: {  	[tilespmem:$0x9800] =	vst v1  }
0x90: {  	[tilespmem:$0x9880] =	vst v0  }
0x91: {  	[tilespmem:$0x9810] =	vst v1  }
0x92: {  	[tilespmem:$0x9890] =	vst v0  }
0x93: {  	[tilespmem:$0x9820] =	vst v1  }
0x94: {  	[tilespmem:$0x98A0] =	vst v0  }
0x95: {  	[tilespmem:$0x9830] =	vst v1  }
0x96: {  	[tilespmem:$0x98B0] =	vst v0  }
0x97: {  	[tilespmem:$0x9840] =	vst v1  }
0x98: {  	[tilespmem:$0x98C0] =	vst v0  }
0x99: {  	[tilespmem:$0x9850] =	vst v1  }
0x9a: {  	[tilespmem:$0x98D0] =	vst v0  }
0x9b: {  	[tilespmem:$0x9860] =	vst v1  }
0x9c: {  	[tilespmem:$0x98E0] =	vst v0  }
0x9d: {  	[tilespmem:$0x9870] =	vst v1  }
0x9e: {  	[tilespmem:$0x98F0] =	vst v0;
	s18 =	sadd.s32 $0x0, s5  }
0x9f: {  	[spmem:s18] =	stream.linear.scatter [tilespmem:s10], [sflag:$0x2], $0x800, $0x38;
	[tilespmem:$0x1D900] =	vst v63  }
0xa0: {  	s18 =	simm.s32 $0x2000;
	_ =	swait.ge [sflag:s11], $0x800  }
.LBB2_2:
0xa1: {  	s19 =	sshra.s32 s18, $0x2;
	[sflag:s11] =	ssyncset.done $0x0;
	p0 =	sne.s32 s18, $0x4E000  }
.Ltmp0:
0xa2: {  	s19 =	sadd.s32 s19, s5;
	[sflag:s11] =	ssyncadd.s32 $0xFFFFF800;
	(pc) =	sbr.rel @p0 .LBB2_2-.Ltmp0, $3  }
0xa3: {  	[spmem:s19] =	stream.linear.scatter [tilespmem:s10], [sflag:$0x2], $0x800, $0x38;
	[tilespmem:$0x1D900] =	vst v63  }
0xa4: {  	s18 =	sadd.s32 $0x2000, s18;
	_ =	sdelay $0x1  }
0xa5: {  	_ =	swait.ge [sflag:s11], $0x800  }
0xa6: {  	[sflag:s11] =	ssyncset.done $0x0  }
0xa7: {  	[sflag:s11] =	ssyncadd.s32 $0xFFFFF800  }
0xa8: {  	s18 =	simm.s32 $0x0;
	[bflag:$0x0] =	sbarrier.arrive $0xFFFF  }
0xa9: {  	[tilespmem:s18], [sflag:$0x2] =	stream.linear.gather [hbm4b:s6+s18], $0x2780, $0x38;
	[tilespmem:$0x1D900] =	vst v63  }
0xaa: {  	_ =	swait.ge [sflag:s11], $0x2780  }
0xab: {  	[sflag:s11] =	ssyncset.done $0x0  }
0xac: {  	[sflag:s11] =	ssyncadd.s32 $0xFFFFD880  }
0xad: {  	[tilespmem:s12], [sflag:$0x2] =	stream.linear.gather [hbm4b:s7+s18], $0x2780, $0x38;
	[tilespmem:$0x1D900] =	vst v63  }
0xae: {  	_ =	swait.ge [sflag:s11], $0x2780  }
0xaf: {  	[sflag:s11] =	ssyncset.done $0x0  }
0xb0: {  	s30 =	simm.s32 $0x0;
	[sflag:s11] =	ssyncadd.s32 $0xFFFFD880  }
0xb1: {  	[tilespmem:s14], [sflag:$0x1] =	stream.indirect.gather [hbm4b:s4+s13], $0x80, s30, s13, $0xb8;
	[tilespmem:$0x1D900] =	vst v63  }
0xb2: {  	_ =	swait.ge [sflag:s15], $0x4000  }
0xb3: {  	[sflag:s15] =	ssyncset.done $0x0  }
0xb4: {  	s31 =	simm.s32 $0x2800;
	[sflag:s15] =	ssyncadd.s32 $0xFFFFC000  }
0xb5: {  	[spmem:s1] =	stream.indirect.scatter.add.f32 [tilespmem:s14], [sflag:$0x2], $0x80, s31, s13, $0xb8;
	[tilespmem:$0x1D900] =	vst v63  }
0xb6: {  	_ =	swait.ge [sflag:s11], $0x4000  }
0xb7: {  	s19 =	simm.s32 $0x400;
	s18 =	simm.s32 $0x200;
	[sflag:s11] =	ssyncset.done $0x0  }
.LBB2_4:
0xb8: {  	s20 =	sshra.s32 s18, $0x2  }
0xb9: {  	[sflag:s11] =	ssyncadd.s32 $0xFFFFC000;
	s18 =	smov.u32 s19;
	s21 =	sadd.s32 $0x200, s19  }
0xba: {  	[tilespmem:s14], [sflag:$0x1] =	stream.indirect.gather [hbm4b:s4+s13], $0x80, s20, s13, $0xb8;
	[tilespmem:$0x1D900] =	vst v63  }
0xbb: {  	p0 =	sne.s32 s19, $0x9C00;
	_ =	swait.ge [sflag:s15], $0x4000  }
.Ltmp1:
0xbc: {  	[sflag:s15] =	ssyncset.done $0x0;
	(pc) =	sbr.rel @p0 .LBB2_4-.Ltmp1, $4  }
0xbd: {  	s19 =	sadd.s32 $0x2800, s20;
	[sflag:s15] =	ssyncadd.s32 $0xFFFFC000  }
0xbe: {  	[spmem:s1] =	stream.indirect.scatter.add.f32 [tilespmem:s14], [sflag:$0x2], $0x80, s19, s13, $0xb8;
	[tilespmem:$0x1D900] =	vst v63  }
0xbf: {  	_ =	swait.ge [sflag:s11], $0x4000  }
0xc0: {  	s19 =	smov.u32 s21;
	[sflag:s11] =	ssyncset.done $0x0  }
0xc1: {  	s18 =	sshra.s32 s18, $0x2;
	[sflag:s11] =	ssyncadd.s32 $0xFFFFC000  }
0xc2: {  	[tilespmem:s14], [sflag:$0x1] =	stream.indirect.gather [hbm4b:s4+s13], $0x80, s18, s13, $0xb8;
	[tilespmem:$0x1D900] =	vst v63  }
0xc3: {  	_ =	swait.ge [sflag:s15], $0x4000  }
0xc4: {  	[sflag:s15] =	ssyncset.done $0x0  }
0xc5: {  	s18 =	sadd.s32 $0x2800, s18;
	[sflag:s15] =	ssyncadd.s32 $0xFFFFC000  }
0xc6: {  	[spmem:s1] =	stream.indirect.scatter.add.f32 [tilespmem:s14], [sflag:$0x2], $0x80, s18, s13, $0xb8;
	[tilespmem:$0x1D900] =	vst v63  }
0xc7: {  	_ =	swait.ge [sflag:s11], $0x4000  }
0xc8: {  	s3 =	sadd.s32 $0x1, s3;
	[sflag:s11] =	ssyncset.done $0x0  }
0xc9: {  	p0 =	sne.s32 s3, s9;
	[sflag:s11] =	ssyncadd.s32 $0xFFFFC000  }
.Ltmp2:
0xca: {  	[bflag:$0x0] =	sbarrier.arrive $0xFFFF;
	(pc) =	sbr.rel @p0 .LBB2_1-.Ltmp2, $4  }
0xcb: {  	[hbm:s8], [sflag:s16] =	dma.local [spmem:s17], $0x2800  }
0xcc: {  	_ =	swait.ge [sflag:s11], $0x2800  }
0xcd: {  	[sflag:s11] =	ssyncset.done $0x0  }
0xce: {  	[sflag:s11] =	ssyncadd.s32 $0xFFFFD800  }
0xcf: {  	_ =	sfence.sel $0x180000  }
0xd0: {  	[bflag:$0x0] =	sbarrier.arrive $0xFFFF  }
0xd1: {  	p0 =	sne.s32 s2, $0x0;
	_ =	strace $0x9000004A  }
0xd2: {  	s0 =	sadd.s32 @!p0 $0x100000, s0;
	[bflag:$0x2] =	sbarrier.arrive $0xFFFF  }
0xd3: {  	[sflag:s0] =	ssyncadd.tile.s32 @!p0 $0x1;
	_ =	shalt  }
.Lfunc_end2:
_tile_overlayer_lowered:
.L_overlay_start_2:
0xd4: {  	(tag) =	ssettag $0x2  }
0xd5: {  	s0 =	rddreg [dreg:$0x0];
	s2 =	stileid.u32  }
0xd6: {  	s1 =	rddreg [dreg:$0x1];
	p0 =	sne.s32 s2, $0x0  }
0xd7: {  	s3 =	rddreg [dreg:$0x2];
	[bflag:$0x3] =	sbarrier.arrive $0xFFFF;
	s2 =	simm.s32 @!p0 $0x1C02  }
0xd8: {  	[timem:s3], [sflag:s2] =	dma.local @!p0 [hbm:s0], s1  }
0xd9: {  	s0 =	simm.s32 @!p0 $0x2  }
0xda: {  	_ =	swait.ge @!p0 [sflag:s0], s1  }
0xdb: {  	s1 =	ssub.s32 @!p0 $0x0, s1;
	[sflag:s0] =	ssyncset.done @!p0 $0x0  }
0xdc: {  	[sflag:s0] =	ssyncadd.s32 @!p0 s1  }
0xdd: {  	[bflag:$0x3] =	sbarrier.arrive $0xFFFF  }
0xde: {  	_ =	shalt  }

// kernel: sc_conv_1.3.cloned.1.call-start
scs
__scs_entry_jumppad:
0x0: {  	(pc) =	sbr.rel $0x88, $3  }
0x1: {  	(tag) =	ssettag $0x0;
	lr =	simm.s32 $0x1  }
0x2: {  	[smem:$0x3F8D] =	sst lr;
	_ =	strace $0xD0000000  }
0x3: {  	_ = 	snop  }
0x4: {  	_ = 	snop  }
0x5: {  	_ = 	snop  }
0x6: {  	_ = 	snop  }
0x7: {  	_ = 	snop  }
__scs_overlays_trampoline_lowered:
0x8: {  	[smem:$0x3F9C] =	sst s0  }
0x9: {  	[smem:$0x3F9D] =	sst s1  }
0xa: {  	[smem:$0x3F9E] =	sst s2  }
0xb: {  	[smem:$0x3F9F] =	sst s3  }
0xc: {  	[smem:$0x3FA0] =	sst s4  }
0xd: {  	[smem:$0x3FA1] =	sst s5  }
0xe: {  	[smem:$0x3FA2] =	sst s6  }
0xf: {  	[smem:$0x3FA3] =	sst s7  }
0x10: {  	[smem:$0x3FA4] =	sst s8  }
0x11: {  	[smem:$0x3FA5] =	sst s9;
	s0 =	simm.s32 @!p0 $0x0  }
0x12: {  	s1 =	sld [smem:$0x3F8B];
	s0 =	simm.s32 @p0 $0x1  }
0x13: {  	[smem:$0x3FA6] =	sst s0;
	s0 =	simm.s32 @!p1 $0x0  }
0x14: {  	s2 =	sld [smem:$0x3F8A];
	s0 =	simm.s32 @p1 $0x1  }
0x15: {  	[smem:$0x3FA7] =	sst s0;
	s0 =	simm.s32 @!p2 $0x0  }
0x16: {  	s3 =	sld [smem:$0x3FDB];
	s0 =	simm.s32 @p2 $0x1  }
0x17: {  	s4 =	simm.s32 $0x1BF5;
	[smem:$0x3FA9] =	sst s0  }
0x18: {  	s0 =	sld [smem:$0x3F8C];
	_ =	swait.ge [sflag:s4], $0x0  }
0x19: {  	s7 =	sld [smem:$0x3F8D]  }
0x1a: {  	s8 =	sadd.s32 $0xFFFFE003, lr  }
0x1b: {  	s9 =	sadd.s32 $0xFFFFFEF7, lr;
	s5 =	simm.s32 $0xFFFFFFFF;
	p2 =	slt.u32 s8, $0xFFFFF086  }
0x1c: {  	p1 =	slt.u32 s9, $0xF7A;
	s5 =	simm.s32 @!p2 $0x0  }
0x1d: {  	s5 =	simm.s32 @p1 $0x1;
	p0 =	seq.s32 s7, s2  }
0x1e: {  	s7 =	smul.u32 @!p0 $0xF7A, s2;
	p2 =	seq.s32 @!p0 s5, $0x0  }
0x1f: {  	s9 =	smul.u32 $0xF7A, s1;
	s8 =	simm.s32 @!p0 $0x1BF5;
	p2 =	por !p2, p0  }
0x20: {  	[sflag:s8] =	ssyncset.s32 @!p0 $0xFFFFF086;
	s6 =	sadd.s32 @!p0 s3, s7;
	s7 =	simm.s32 @!p0 $0x108  }
0x21: {  	s3 =	sadd.s32 s3, s9;
	s6 =	sadd.s32 @!p0 $0x88, s6;
	s7 =	simm.s32 @p2 $0x1082  }
0x22: {  	[simem:s7], [sflag:s8] =	dma.local @!p0 [hbm:s6], $0xF7A  }
0x23: {  	s9 =	sor.u32 $0xD0000000, s2;
	s6 =	simm.s32 $0x108;
	_ =	swait.ge @!p0 [sflag:s8], $0x0  }
0x24: {  	s3 =	sadd.s32 $0x88, s3;
	s6 =	simm.s32 @!p1 $0x1082;
	[sflag:s4] =	ssyncset.s32 $0xFFFFF086  }
0x25: {  	[simem:s6], [sflag:s4] =	dma.local [hbm:s3], $0xF7A  }
0x26: {  	[smem:$0x3F8D] =	sst s1;
	(tag) =	ssettag s2;
	_ =	strace s9  }
0x27: {  	s1 =	sld [smem:$0x3F9D]  }
0x28: {  	s2 =	sld [smem:$0x3F9E]  }
0x29: {  	s4 =	sld [smem:$0x3FA0]  }
0x2a: {  	p0 =	seq.s32 s5, $0x0;
	s5 =	sld [smem:$0x3FA1]  }
0x2b: {  	s6 =	sld [smem:$0x3FA2]  }
0x2c: {  	s7 =	sld [smem:$0x3FA3]  }
0x2d: {  	s3 =	simm.s32 $0x108;
	s8 =	sld [smem:$0x3FA4]  }
0x2e: {  	s3 =	simm.s32 @!p0 $0x1082;
	s9 =	sld [smem:$0x3FA5]  }
0x2f: {  	lr =	sadd.s32 s0, s3;
	s0 =	sld [smem:$0x3F9C]  }
0x30: {  	s3 =	sld [smem:$0x3F9F]  }
0x31: {  	[smem:$0x3FA8] =	sst s10  }
0x32: {  	s10 =	sld [smem:$0x3FA6];
	_ =	sdelay $0x3  }
0x33: {  	p0 =	seq.s32 s10, $0x1;
	s10 =	sld [smem:$0x3FA8];
	_ =	sdelay $0x3  }
0x34: {  	[smem:$0x3FA8] =	sst s10  }
0x35: {  	s10 =	sld [smem:$0x3FA7];
	_ =	sdelay $0x3  }
0x36: {  	p1 =	seq.s32 s10, $0x1;
	s10 =	sld [smem:$0x3FA8];
	_ =	sdelay $0x3  }
0x37: {  	[smem:$0x3FA8] =	sst s10  }
0x38: {  	s10 =	sld [smem:$0x3FA9]  }
0x39: {  	_ = 	snop;
	(pc) =	sbr.ind lr, $3  }
0x3a: {  	_ = 	snop  }
0x3b: {  	_ = 	snop  }
0x3c: {  	p2 =	seq.s32 s10, $0x1;
	s10 =	sld [smem:$0x3FA8]  }
0x3d: {  	_ =	shalt  }
0x3e: {  	_ =	shalt  }
0x3f: {  	_ =	shalt  }
0x40: {  	_ =	shalt  }
0x41: {  	_ =	shalt  }
0x42: {  	_ =	shalt  }
0x43: {  	_ =	shalt  }
0x44: {  	_ =	shalt  }
0x45: {  	_ =	shalt  }
0x46: {  	_ =	shalt  }
0x47: {  	_ =	shalt  }
0x48: {  	_ =	shalt  }
0x49: {  	_ =	shalt  }
0x4a: {  	_ =	shalt  }
0x4b: {  	_ =	shalt  }
0x4c: {  	_ =	shalt  }
0x4d: {  	_ =	shalt  }
0x4e: {  	_ =	shalt  }
0x4f: {  	_ =	shalt  }
0x50: {  	_ =	shalt  }
0x51: {  	_ =	shalt  }
0x52: {  	_ =	shalt  }
0x53: {  	_ =	shalt  }
0x54: {  	_ =	shalt  }
0x55: {  	_ =	shalt  }
0x56: {  	_ =	shalt  }
0x57: {  	_ =	shalt  }
0x58: {  	_ =	shalt  }
0x59: {  	_ =	shalt  }
0x5a: {  	_ =	shalt  }
0x5b: {  	_ =	shalt  }
0x5c: {  	_ =	shalt  }
0x5d: {  	_ =	shalt  }
0x5e: {  	_ =	shalt  }
0x5f: {  	_ =	shalt  }
0x60: {  	_ =	shalt  }
0x61: {  	_ =	shalt  }
0x62: {  	_ =	shalt  }
0x63: {  	_ =	shalt  }
0x64: {  	_ =	shalt  }
0x65: {  	_ =	shalt  }
0x66: {  	_ =	shalt  }
0x67: {  	_ =	shalt  }
0x68: {  	_ =	shalt  }
0x69: {  	_ =	shalt  }
0x6a: {  	_ =	shalt  }
0x6b: {  	_ =	shalt  }
0x6c: {  	_ =	shalt  }
0x6d: {  	_ =	shalt  }
0x6e: {  	_ =	shalt  }
0x6f: {  	_ =	shalt  }
0x70: {  	_ =	shalt  }
0x71: {  	_ =	shalt  }
0x72: {  	_ =	shalt  }
0x73: {  	_ =	shalt  }
0x74: {  	_ =	shalt  }
0x75: {  	_ =	shalt  }
0x76: {  	_ =	shalt  }
0x77: {  	_ =	shalt  }
0x78: {  	_ =	shalt  }
0x79: {  	_ =	shalt  }
0x7a: {  	_ =	shalt  }
0x7b: {  	_ =	shalt  }
0x7c: {  	_ =	shalt  }
0x7d: {  	_ =	shalt  }
0x7e: {  	_ =	shalt  }
0x7f: {  	_ =	shalt  }
0x80: {  	_ =	shalt  }
0x81: {  	_ =	shalt  }
0x82: {  	_ =	shalt  }
0x83: {  	_ =	shalt  }
0x84: {  	_ =	shalt  }
0x85: {  	_ =	shalt  }
0x86: {  	_ =	shalt  }
0x87: {  	_ =	shalt  }
.Lfunc_end0:
.L_simem_size_0:
called_computation_lowered:
.L_overlay_start_0:
0x88: {  	s2 =	sld [smem:$0x3FD9]  }
0x89: {  	s3 =	sld [smem:$0x3FFE];
	_ =	sdelay $0x1  }
0x8a: {  	s1 =	srdreg.scid  }
0x8b: {  	s0 =	sand.u32 $0x1, s1  }
0x8c: {  	s17 =	sshll.u32 s0, $0xA;
	s2 =	sadd.s32 s3, s2  }
0x8d: {  	s2 =	sadd.s32 s2, s17  }
0x8e: {  	[smem:$0x3FB4] =	sst s2  }
0x8f: {  	_ = 	snop  }
0x90: {  	s2 =	sld [smem:$0x3FD0];
	(tm) =	ssettm $0x1  }
0x91: {  	s18 =	sld [smem:$0x3FFB];
	_ =	sdelay $0x3  }
0x92: {  	_ =	strace s18  }
0x93: {  	s3 =	sld [smem:$0x3FFC];
	_ =	sdelay $0x3  }
0x94: {  	_ =	strace s3  }
0x95: {  	s3 =	sld [smem:$0x3FFD];
	_ =	sdelay $0x3  }
0x96: {  	_ =	strace s3  }
0x97: {  	_ =	strace $0x8FFFFFFF  }
0x98: {  	s19 =	sld [smem:$0x3FDB];
	_ =	sdelay $0x1  }
0x99: {  	s4 =	simm.s32 $_scs_section_size  }
0x9a: {  	s5 =	simm.s32 $_size__tile_overlayer_lowered;
	s6 =	simm.s32 $_tile_overlayer_lowered  }
0x9b: {  	s22 =	simm.s32 $0x1BFF;
	s21 =	sshll.u32 s6, $0x1;
	s3 =	sadd.s32 s4, s19  }
0x9c: {  	s7 =	simm.s32 $0x0;
	s20 =	sshll.u32 s5, $0x1;
	s5 =	sadd.s32 s21, s3  }
0x9d: {  	[timem:s7], [sflag:s22] =	dma.local [hbm:s5], s20  }
0x9e: {  	_ =	swait.ge [sflag:s22], s20  }
0x9f: {  	s4 =	ssub.s32 $0x0, s20;
	[sflag:s22] =	ssyncset.done $0x0  }
0xa0: {  	[sflag:s22] =	ssyncadd.s32 s4;
	_ =	sdelay $0x1  }
0xa1: {  	s23 =	simm.s32 $0x1B8B  }
0xa2: {  	_ =	swait.ge [sflag:s23], $0x1  }
0xa3: {  	[sflag:s23] =	ssyncset.done $0x0  }
0xa4: {  	s25 =	simm.s32 $0x1B8E;
	s24 =	sld [smem:$0x3FFE];
	[sflag:s23] =	ssyncadd.s32 $0xFFFFFFFF  }
0xa5: {  	s26 =	simm.s32 $execute0_lowered;
	[smem:$0x3FD2] =	sst s25  }
0xa6: {  	s5 =	sshll.u32 s26, $0x1;
	_ =	strace $0x80000046;
	[dreg:$0x1] =	wrdreg $0xFFFFFFFF  }
0xa7: {  	s28 =	simm.s32 $_size_execute0_lowered;
	s3 =	sadd.s32 s3, s5;
	[dreg:$0x0] =	wrdreg $0x0  }
0xa8: {  	s5 =	sshll.u32 s28, $0x1;
	[dreg:$0x2] =	wrdreg s3  }
0xa9: {  	[dreg:$0x3] =	wrdreg s5  }
0xaa: {  	[dreg:$0x4] =	wrdreg $0xC0  }
0xab: {  	_ =	task [dreg:s7], $0x5FFFF  }
0xac: {  	[dreg:$0x1] =	wrdreg $0xFFFFFFFF  }
0xad: {  	[dreg:$0x0] =	wrdreg $0x60  }
0xae: {  	[dreg:$0x2] =	wrdreg s24  }
0xaf: {  	[dreg:$0x3] =	wrdreg s2  }
0xb0: {  	[dreg:$0x4] =	wrdreg $0x99000  }
0xb1: {  	[dreg:$0x5] =	wrdreg $0x1D9000  }
0xb2: {  	[dreg:$0x6] =	wrdreg $0x9  }
0xb3: {  	_ =	task.clear_ibuf [dreg:s7], $0x7FFFF;
	_ =	strace $0x90000046  }
0xb4: {  	s29 =	simm.s32 $0x9;
	_ =	strace $0x80000048  }
0xb5: {  	_ =	swait.ge [sflag:s29], $0x1  }
0xb6: {  	[sflag:s29] =	ssyncadd.s32 $0xFFFFFFFF  }
0xb7: {  	_ =	strace $0x90000048  }
0xb8: {  	_ =	sfence  }
0xb9: {  	s30 =	sld [smem:$0x0];
	_ =	sdelay $0x2  }
0xba: {  	s31 =	sshll.u32 s1, $0xD;
	s1 =	sshrl.u32 s1, $0x2  }
0xbb: {  	s3 =	sand.u32 $0x4000, s31;
	s1 =	sadd.s32 s1, s30  }
0xbc: {  	s0 =	sor.u32 s3, s0;
	s1 =	sshll.u32 s1, $0x11  }
0xbd: {  	s0 =	sor.u32 s1, s0  }
0xbe: {  	s0 =	sadd.s32 $0x8F2B, s0  }
0xbf: {  	[sflag:s0] =	ssyncadd.remote.s32 $0x1  }
0xc0: {  	_ =	sfence.sel $0xFFFF  }
0xc1: {  	[dreg:$0x0] =	wrdreg $0xFFFFFFFF;
	(pc) =	sbr.abs _section_cstart, $3  }
0xc2: {  	[dreg:$0x1] =	wrdreg $0xFFFFFFFF  }
0xc3: {  	_ =	task.clear_ibuf [dreg:s7], $0x2FFFF;
	_ =	strace $0x9FFFFFFF  }
0xc4: {  	(tm) =	ssettm $0x7FFFFFFF  }
0xc5: {  	_ =	shalt  }
tec
execute0_lowered:
.L_overlay_start_1:
0x0: {  	(tag) =	ssettag $0x1  }
0x1: {  	s6 =	rddreg [dreg:$0x0]  }
0x2: {  	s11 =	rddreg [dreg:$0x1]  }
0x3: {  	s1 =	rddreg [dreg:$0x2]  }
0x4: {  	s2 =	rddreg [dreg:$0x3]  }
0x5: {  	s4 =	srdreg.scid;
	s0 =	rddreg [dreg:$0x4];
	s3 =	simm.s32 $0x0  }
0x6: {  	s17 =	simm.s32 $0x9000;
	s18 =	simm.s32 $0x2;
	s19 =	simm.s32 $0x9880  }
0x7: {  	s20 =	simm.s32 $0x2800;
	s21 =	simm.s32 $0x80;
	s8 =	sand.u32 $0x1, s4  }
0x8: {  	s22 =	simm.s32 $0x5000;
	s4 =	stileid.u32;
	s7 =	smul.u32 $0x140000, s8  }
0x9: {  	s23 =	simm.s32 $0x1;
	s24 =	simm.s32 $0x9800;
	s9 =	smul.u32 $0x14000, s4  }
0xa: {  	[smem:$0x7FF] =	sst s3;
	s5 =	sshll.u32 s8, $0x4;
	s30 =	smul.u32 $0x50000, s4  }
0xb: {  	_ =	strace $0x80000047;
	s12 =	ssub.s32 $0x2, s8;
	s14 =	smul.u32 $0xA00, s4  }
0xc: {  	s31 =	smul.u32 $0x500, s8;
	p0 =	sne.s32 s4, $0x0;
	s5 =	sor.u32 s4, s5  }
0xd: {  	s13 =	sshrl.u32 s12, $0x1;
	s10 =	smul.u32 $0x500, s5;
	s5 =	sadd.s32 $0x16E00, s6  }
0xe: {  	s7 =	sadd.s32 s9, s7;
	s9 =	sshrl.u32 s30, $0x2;
	s12 =	ssub.s32 s12, s13  }
0xf: {  	s14 =	sshrl.u32 s14, $0x2;
	s11 =	sadd.s32 s11, s31;
	s7 =	sshrl.u32 s7, $0x3  }
0x10: {  	s12 =	smax.u32 s12, $0x1;
	s10 =	sadd.s32 s10, s6;
	s15 =	sadd.s32 s7, s6  }
0x11: {  	s7 =	sadd.s32 $0x2E00, s10;
	s8 =	sadd.s32 $0xCE00, s10;
	s10 =	sadd.s32 s14, s2  }
0x12: {  	s6 =	sadd.s32 s9, s1;
	s9 =	sadd.s32 $0x3E000, s15;
	s13 =	sadd.s32 $0x80, s10  }
0x13: {  	v0 =	vimm.f32 $0.0e+00;
	v1 =	vimm.f32 $1.000000000e+00;
	s14 =	sadd.s32 $0x100, s10;
	s15 =	sadd.s32 $0x180, s10;
	s16 =	sadd.s32 $0x200, s10  }
.LBB2_1:
0x14: {  	[tilespmem:$0x9000] =	vst v0  }
0x15: {  	[tilespmem:$0x9010] =	vst v0  }
0x16: {  	[tilespmem:$0x9020] =	vst v0  }
0x17: {  	[tilespmem:$0x9030] =	vst v0  }
0x18: {  	[tilespmem:$0x9040] =	vst v0  }
0x19: {  	[tilespmem:$0x9050] =	vst v0  }
0x1a: {  	[tilespmem:$0x9060] =	vst v0  }
0x1b: {  	[tilespmem:$0x9070] =	vst v0  }
0x1c: {  	[tilespmem:$0x9080] =	vst v0  }
0x1d: {  	[tilespmem:$0x9090] =	vst v0  }
0x1e: {  	[tilespmem:$0x90A0] =	vst v0  }
0x1f: {  	[tilespmem:$0x90B0] =	vst v0  }
0x20: {  	[tilespmem:$0x90C0] =	vst v0  }
0x21: {  	[tilespmem:$0x90D0] =	vst v0  }
0x22: {  	[tilespmem:$0x90E0] =	vst v0  }
0x23: {  	[tilespmem:$0x90F0] =	vst v0  }
0x24: {  	[tilespmem:$0x9100] =	vst v0  }
0x25: {  	[tilespmem:$0x9110] =	vst v0  }
0x26: {  	[tilespmem:$0x9120] =	vst v0  }
0x27: {  	[tilespmem:$0x9130] =	vst v0  }
0x28: {  	[tilespmem:$0x9140] =	vst v0  }
0x29: {  	[tilespmem:$0x9150] =	vst v0  }
0x2a: {  	[tilespmem:$0x9160] =	vst v0  }
0x2b: {  	[tilespmem:$0x9170] =	vst v0  }
0x2c: {  	[tilespmem:$0x9180] =	vst v0  }
0x2d: {  	[tilespmem:$0x9190] =	vst v0  }
0x2e: {  	[tilespmem:$0x91A0] =	vst v0  }
0x2f: {  	[tilespmem:$0x91B0] =	vst v0  }
0x30: {  	[tilespmem:$0x91C0] =	vst v0  }
0x31: {  	[tilespmem:$0x91D0] =	vst v0  }
0x32: {  	[tilespmem:$0x91E0] =	vst v0  }
0x33: {  	[tilespmem:$0x91F0] =	vst v0  }
0x34: {  	[tilespmem:$0x9200] =	vst v0  }
0x35: {  	[tilespmem:$0x9210] =	vst v0  }
0x36: {  	[tilespmem:$0x9220] =	vst v0  }
0x37: {  	[tilespmem:$0x9230] =	vst v0  }
0x38: {  	[tilespmem:$0x9240] =	vst v0  }
0x39: {  	[tilespmem:$0x9250] =	vst v0  }
0x3a: {  	[tilespmem:$0x9260] =	vst v0  }
0x3b: {  	[tilespmem:$0x9270] =	vst v0  }
0x3c: {  	[tilespmem:$0x9280] =	vst v0  }
0x3d: {  	[tilespmem:$0x9290] =	vst v0  }
0x3e: {  	[tilespmem:$0x92A0] =	vst v0  }
0x3f: {  	[tilespmem:$0x92B0] =	vst v0  }
0x40: {  	[tilespmem:$0x92C0] =	vst v0  }
0x41: {  	[tilespmem:$0x92D0] =	vst v0  }
0x42: {  	[tilespmem:$0x92E0] =	vst v0  }
0x43: {  	[tilespmem:$0x92F0] =	vst v0  }
0x44: {  	[tilespmem:$0x9300] =	vst v0  }
0x45: {  	[tilespmem:$0x9310] =	vst v0  }
0x46: {  	[tilespmem:$0x9320] =	vst v0  }
0x47: {  	[tilespmem:$0x9330] =	vst v0  }
0x48: {  	[tilespmem:$0x9340] =	vst v0  }
0x49: {  	[tilespmem:$0x9350] =	vst v0  }
0x4a: {  	[tilespmem:$0x9360] =	vst v0  }
0x4b: {  	[tilespmem:$0x9370] =	vst v0  }
0x4c: {  	[tilespmem:$0x9380] =	vst v0  }
0x4d: {  	[tilespmem:$0x9390] =	vst v0  }
0x4e: {  	[tilespmem:$0x93A0] =	vst v0  }
0x4f: {  	[tilespmem:$0x93B0] =	vst v0  }
0x50: {  	[tilespmem:$0x93C0] =	vst v0  }
0x51: {  	[tilespmem:$0x93D0] =	vst v0  }
0x52: {  	[tilespmem:$0x93E0] =	vst v0  }
0x53: {  	[tilespmem:$0x93F0] =	vst v0  }
0x54: {  	[tilespmem:$0x9400] =	vst v0  }
0x55: {  	[tilespmem:$0x9410] =	vst v0  }
0x56: {  	[tilespmem:$0x9420] =	vst v0  }
0x57: {  	[tilespmem:$0x9430] =	vst v0  }
0x58: {  	[tilespmem:$0x9440] =	vst v0  }
0x59: {  	[tilespmem:$0x9450] =	vst v0  }
0x5a: {  	[tilespmem:$0x9460] =	vst v0  }
0x5b: {  	[tilespmem:$0x9470] =	vst v0  }
0x5c: {  	[tilespmem:$0x9480] =	vst v0  }
0x5d: {  	[tilespmem:$0x9490] =	vst v0  }
0x5e: {  	[tilespmem:$0x94A0] =	vst v0  }
0x5f: {  	[tilespmem:$0x94B0] =	vst v0  }
0x60: {  	[tilespmem:$0x94C0] =	vst v0  }
0x61: {  	[tilespmem:$0x94D0] =	vst v0  }
0x62: {  	[tilespmem:$0x94E0] =	vst v0  }
0x63: {  	[tilespmem:$0x94F0] =	vst v0  }
0x64: {  	[tilespmem:$0x9500] =	vst v0  }
0x65: {  	[tilespmem:$0x9510] =	vst v0  }
0x66: {  	[tilespmem:$0x9520] =	vst v0  }
0x67: {  	[tilespmem:$0x9530] =	vst v0  }
0x68: {  	[tilespmem:$0x9540] =	vst v0  }
0x69: {  	[tilespmem:$0x9550] =	vst v0  }
0x6a: {  	[tilespmem:$0x9560] =	vst v0  }
0x6b: {  	[tilespmem:$0x9570] =	vst v0  }
0x6c: {  	[tilespmem:$0x9580] =	vst v0  }
0x6d: {  	[tilespmem:$0x9590] =	vst v0  }
0x6e: {  	[tilespmem:$0x95A0] =	vst v0  }
0x6f: {  	[tilespmem:$0x95B0] =	vst v0  }
0x70: {  	[tilespmem:$0x95C0] =	vst v0  }
0x71: {  	[tilespmem:$0x95D0] =	vst v0  }
0x72: {  	[tilespmem:$0x95E0] =	vst v0  }
0x73: {  	[tilespmem:$0x95F0] =	vst v0  }
0x74: {  	[tilespmem:$0x9600] =	vst v0  }
0x75: {  	[tilespmem:$0x9610] =	vst v0  }
0x76: {  	[tilespmem:$0x9620] =	vst v0  }
0x77: {  	[tilespmem:$0x9630] =	vst v0  }
0x78: {  	[tilespmem:$0x9640] =	vst v0  }
0x79: {  	[tilespmem:$0x9650] =	vst v0  }
0x7a: {  	[tilespmem:$0x9660] =	vst v0  }
0x7b: {  	[tilespmem:$0x9670] =	vst v0  }
0x7c: {  	[tilespmem:$0x9680] =	vst v0  }
0x7d: {  	[tilespmem:$0x9690] =	vst v0  }
0x7e: {  	[tilespmem:$0x96A0] =	vst v0  }
0x7f: {  	[tilespmem:$0x96B0] =	vst v0  }
0x80: {  	[tilespmem:$0x96C0] =	vst v0  }
0x81: {  	[tilespmem:$0x96D0] =	vst v0  }
0x82: {  	[tilespmem:$0x96E0] =	vst v0  }
0x83: {  	[tilespmem:$0x96F0] =	vst v0  }
0x84: {  	[tilespmem:$0x9700] =	vst v0  }
0x85: {  	[tilespmem:$0x9710] =	vst v0  }
0x86: {  	[tilespmem:$0x9720] =	vst v0  }
0x87: {  	[tilespmem:$0x9730] =	vst v0  }
0x88: {  	[tilespmem:$0x9740] =	vst v0  }
0x89: {  	[tilespmem:$0x9750] =	vst v0  }
0x8a: {  	[tilespmem:$0x9760] =	vst v0  }
0x8b: {  	[tilespmem:$0x9770] =	vst v0  }
0x8c: {  	[tilespmem:$0x9780] =	vst v0  }
0x8d: {  	[tilespmem:$0x9790] =	vst v0  }
0x8e: {  	[tilespmem:$0x97A0] =	vst v0  }
0x8f: {  	[tilespmem:$0x97B0] =	vst v0  }
0x90: {  	[tilespmem:$0x97C0] =	vst v0  }
0x91: {  	[tilespmem:$0x97D0] =	vst v0  }
0x92: {  	[tilespmem:$0x97E0] =	vst v0  }
0x93: {  	[tilespmem:$0x97F0] =	vst v0  }
0x94: {  	[tilespmem:$0x9800] =	vst v1  }
0x95: {  	[tilespmem:$0x9880] =	vst v0  }
0x96: {  	[tilespmem:$0x9810] =	vst v1  }
0x97: {  	[tilespmem:$0x9890] =	vst v0  }
0x98: {  	[tilespmem:$0x9820] =	vst v1  }
0x99: {  	[tilespmem:$0x98A0] =	vst v0  }
0x9a: {  	[tilespmem:$0x9830] =	vst v1  }
0x9b: {  	[tilespmem:$0x98B0] =	vst v0  }
0x9c: {  	[tilespmem:$0x9840] =	vst v1  }
0x9d: {  	[tilespmem:$0x98C0] =	vst v0  }
0x9e: {  	[tilespmem:$0x9850] =	vst v1  }
0x9f: {  	[tilespmem:$0x98D0] =	vst v0  }
0xa0: {  	[tilespmem:$0x9860] =	vst v1  }
0xa1: {  	[tilespmem:$0x98E0] =	vst v0  }
0xa2: {  	[tilespmem:$0x9870] =	vst v1  }
0xa3: {  	[tilespmem:$0x98F0] =	vst v0;
	s25 =	sadd.s32 $0x0, s6  }
0xa4: {  	[spmem:s25] =	stream.linear.scatter [tilespmem:s17], [sflag:$0x2], $0x800, $0x38;
	[tilespmem:$0x1DB80] =	vst v63  }
0xa5: {  	s25 =	simm.s32 $0x2000;
	_ =	swait.ge [sflag:s18], $0x800  }
.LBB2_2:
0xa6: {  	s26 =	sshra.s32 s25, $0x2;
	[sflag:s18] =	ssyncset.done $0x0;
	p1 =	seq.s32 s25, $0x4E000  }
.Ltmp0:
0xa7: {  	s26 =	sadd.s32 s26, s6;
	[sflag:s18] =	ssyncadd.s32 $0xFFFFF800;
	(pc) =	sbr.rel @!p1 .LBB2_2-.Ltmp0, $3  }
0xa8: {  	[spmem:s26] =	stream.linear.scatter [tilespmem:s17], [sflag:$0x2], $0x800, $0x38;
	[tilespmem:$0x1DB80] =	vst v63  }
0xa9: {  	s25 =	sadd.s32 $0x2000, s25;
	_ =	sdelay $0x1  }
0xaa: {  	_ =	swait.ge [sflag:s18], $0x800  }
0xab: {  	[sflag:s18] =	ssyncset.done $0x0  }
0xac: {  	[sflag:s18] =	ssyncadd.s32 $0xFFFFF800  }
0xad: {  	[spmem:s10] =	stream.linear.scatter [tilespmem:s19], [sflag:$0x2], $0x80, $0x38;
	[tilespmem:$0x1DB80] =	vst v63  }
0xae: {  	_ =	swait.ge [sflag:s18], $0x80  }
0xaf: {  	[sflag:s18] =	ssyncset.done $0x0  }
0xb0: {  	[sflag:s18] =	ssyncadd.s32 $0xFFFFFF80  }
0xb1: {  	[spmem:s13] =	stream.linear.scatter [tilespmem:s19], [sflag:$0x2], $0x80, $0x38;
	[tilespmem:$0x1DB80] =	vst v63  }
0xb2: {  	_ =	swait.ge [sflag:s18], $0x80  }
0xb3: {  	[sflag:s18] =	ssyncset.done $0x0  }
0xb4: {  	[sflag:s18] =	ssyncadd.s32 $0xFFFFFF80  }
0xb5: {  	[spmem:s14] =	stream.linear.scatter [tilespmem:s19], [sflag:$0x2], $0x80, $0x38;
	[tilespmem:$0x1DB80] =	vst v63  }
0xb6: {  	_ =	swait.ge [sflag:s18], $0x80  }
0xb7: {  	[sflag:s18] =	ssyncset.done $0x0  }
0xb8: {  	[sflag:s18] =	ssyncadd.s32 $0xFFFFFF80  }
0xb9: {  	[spmem:s15] =	stream.linear.scatter [tilespmem:s19], [sflag:$0x2], $0x80, $0x38;
	[tilespmem:$0x1DB80] =	vst v63  }
0xba: {  	_ =	swait.ge [sflag:s18], $0x80  }
0xbb: {  	[sflag:s18] =	ssyncset.done $0x0  }
0xbc: {  	[sflag:s18] =	ssyncadd.s32 $0xFFFFFF80  }
0xbd: {  	[spmem:s16] =	stream.linear.scatter [tilespmem:s19], [sflag:$0x2], $0x80, $0x38;
	[tilespmem:$0x1DB80] =	vst v63  }
0xbe: {  	_ =	swait.ge [sflag:s18], $0x80  }
0xbf: {  	[sflag:s18] =	ssyncset.done $0x0  }
0xc0: {  	[sflag:s18] =	ssyncadd.s32 $0xFFFFFF80  }
0xc1: {  	s25 =	simm.s32 $0x0;
	[bflag:$0x0] =	sbarrier.arrive $0xFFFF  }
0xc2: {  	[tilespmem:s25], [sflag:$0x2] =	stream.linear.gather [hbm4b:s7+s25], $0x2780, $0x38;
	[tilespmem:$0x1DB80] =	vst v63  }
0xc3: {  	_ =	swait.ge [sflag:s18], $0x2780  }
0xc4: {  	[sflag:s18] =	ssyncset.done $0x0  }
0xc5: {  	[sflag:s18] =	ssyncadd.s32 $0xFFFFD880  }
0xc6: {  	[tilespmem:s20], [sflag:$0x2] =	stream.linear.gather [hbm4b:s8+s25], $0x2780, $0x38;
	[tilespmem:$0x1DB80] =	vst v63  }
0xc7: {  	_ =	swait.ge [sflag:s18], $0x2780  }
0xc8: {  	[sflag:s18] =	ssyncset.done $0x0  }
0xc9: {  	s30 =	simm.s32 $0x0;
	[sflag:s18] =	ssyncadd.s32 $0xFFFFD880  }
0xca: {  	[tilespmem:s22], [sflag:$0x1] =	stream.indirect.gather [hbm4b:s5+s21], $0x80, s30, s21, $0xb8;
	[tilespmem:$0x1DB80] =	vst v63  }
0xcb: {  	_ =	swait.ge [sflag:s23], $0x4000  }
0xcc: {  	[sflag:s23] =	ssyncset.done $0x0  }
0xcd: {  	s31 =	simm.s32 $0x2800;
	[sflag:s23] =	ssyncadd.s32 $0xFFFFC000  }
0xce: {  	[spmem:s1] =	stream.indirect.scatter.add.f32 [tilespmem:s22], [sflag:$0x2], $0x80, s31, s21, $0xb8;
	[tilespmem:$0x1DB80] =	vst v63  }
0xcf: {  	_ =	swait.ge [sflag:s18], $0x4000  }
0xd0: {  	[sflag:s18] =	ssyncset.done $0x0  }
0xd1: {  	[sflag:s18] =	ssyncadd.s32 $0xFFFFC000  }
0xd2: {  	[spmem:s2] =	stream.indirect.scatter.add.f32 [tilespmem:s24], [sflag:$0x2], $0x1, s31, s21, $0xb8;
	[tilespmem:$0x1DB80] =	vst v63  }
0xd3: {  	_ =	swait.ge [sflag:s18], $0x80  }
0xd4: {  	s26 =	simm.s32 $0x400;
	s25 =	simm.s32 $0x200;
	[sflag:s18] =	ssyncset.done $0x0  }
.LBB2_4:
0xd5: {  	s28 =	sshra.s32 s25, $0x2  }
0xd6: {  	[sflag:s18] =	ssyncadd.s32 $0xFFFFFF80;
	s25 =	smov.u32 s26;
	s29 =	sadd.s32 $0x200, s26  }
0xd7: {  	[tilespmem:s22], [sflag:$0x1] =	stream.indirect.gather [hbm4b:s5+s21], $0x80, s28, s21, $0xb8;
	[tilespmem:$0x1DB80] =	vst v63  }
0xd8: {  	p1 =	sne.s32 s26, $0x9C00;
	_ =	swait.ge [sflag:s23], $0x4000  }
0xd9: {  	[sflag:s23] =	ssyncset.done $0x0  }
0xda: {  	s26 =	sadd.s32 $0x2800, s28;
	[sflag:s23] =	ssyncadd.s32 $0xFFFFC000  }
0xdb: {  	[spmem:s1] =	stream.indirect.scatter.add.f32 [tilespmem:s22], [sflag:$0x2], $0x80, s26, s21, $0xb8;
	[tilespmem:$0x1DB80] =	vst v63  }
0xdc: {  	_ =	swait.ge [sflag:s18], $0x4000  }
.Ltmp1:
0xdd: {  	[sflag:s18] =	ssyncset.done $0x0;
	(pc) =	sbr.rel @p1 .LBB2_4-.Ltmp1, $4  }
0xde: {  	[sflag:s18] =	ssyncadd.s32 $0xFFFFC000  }
0xdf: {  	[spmem:s2] =	stream.indirect.scatter.add.f32 [tilespmem:s24], [sflag:$0x2], $0x1, s26, s21, $0xb8;
	[tilespmem:$0x1DB80] =	vst v63  }
0xe0: {  	_ =	swait.ge [sflag:s18], $0x80  }
0xe1: {  	s26 =	smov.u32 s29;
	[sflag:s18] =	ssyncset.done $0x0  }
0xe2: {  	s25 =	sshra.s32 s25, $0x2;
	[sflag:s18] =	ssyncadd.s32 $0xFFFFFF80  }
0xe3: {  	[tilespmem:s22], [sflag:$0x1] =	stream.indirect.gather [hbm4b:s5+s21], $0x80, s25, s21, $0xb8;
	[tilespmem:$0x1DB80] =	vst v63  }
0xe4: {  	_ =	swait.ge [sflag:s23], $0x4000  }
0xe5: {  	[sflag:s23] =	ssyncset.done $0x0  }
0xe6: {  	s25 =	sadd.s32 $0x2800, s25;
	[sflag:s23] =	ssyncadd.s32 $0xFFFFC000  }
0xe7: {  	[spmem:s1] =	stream.indirect.scatter.add.f32 [tilespmem:s22], [sflag:$0x2], $0x80, s25, s21, $0xb8;
	[tilespmem:$0x1DB80] =	vst v63  }
0xe8: {  	_ =	swait.ge [sflag:s18], $0x4000  }
0xe9: {  	[sflag:s18] =	ssyncset.done $0x0  }
0xea: {  	[sflag:s18] =	ssyncadd.s32 $0xFFFFC000  }
0xeb: {  	[spmem:s2] =	stream.indirect.scatter.add.f32 [tilespmem:s24], [sflag:$0x2], $0x1, s25, s21, $0xb8;
	[tilespmem:$0x1DB80] =	vst v63  }
0xec: {  	_ =	swait.ge [sflag:s18], $0x80  }
0xed: {  	[sflag:s18] =	ssyncset.done $0x0  }
0xee: {  	s31 =	sshll.u32 s4, $0x6;
	[sflag:s18] =	ssyncadd.s32 $0xFFFFFF80  }
0xef: {  	s26 =	sshrl.u32 s6, $0x3;
	s25 =	sor.u32 $0x1C02, s31;
	[bflag:$0x0] =	sbarrier.arrive $0xFFFF  }
0xf0: {  	[hbm:s9], [sflag:s25] =	dma.local [spmem:s26], $0x2800  }
0xf1: {  	_ =	swait.ge [sflag:s18], $0x2800  }
0xf2: {  	s3 =	sadd.s32 $0x1, s3;
	[sflag:s18] =	ssyncset.done $0x0  }
0xf3: {  	p1 =	sne.s32 s3, s12;
	s26 =	sshrl.u32 @!p0 s2, $0x3;
	[sflag:s18] =	ssyncadd.s32 $0xFFFFD800  }
0xf4: {  	[hbm:s11], [sflag:s25] =	dma.local @!p0 [spmem:s26], $0x500  }
.Ltmp2:
0xf5: {  	_ = 	snop;
	(pc) =	sbr.rel @p1 .LBB2_1-.Ltmp2, $4  }
0xf6: {  	s25 =	simm.s32 @!p0 $0x2  }
0xf7: {  	_ =	swait.ge @!p0 [sflag:s25], $0x500  }
0xf8: {  	[sflag:s25] =	ssyncset.done @!p0 $0x0  }
0xf9: {  	[sflag:s25] =	ssyncadd.s32 @!p0 $0xFFFFFB00  }
0xfa: {  	_ =	sfence.sel $0x180000  }
0xfb: {  	[bflag:$0x0] =	sbarrier.arrive $0xFFFF  }
0xfc: {  	_ =	strace $0x90000047  }
0xfd: {  	s0 =	sadd.s32 @!p0 $0x100000, s0;
	[bflag:$0x2] =	sbarrier.arrive $0xFFFF  }
0xfe: {  	[sflag:s0] =	ssyncadd.tile.s32 @!p0 $0x1;
	_ =	shalt  }
.Lfunc_end2:
_tile_overlayer_lowered:
.L_overlay_start_2:
0xff: {  	(tag) =	ssettag $0x2  }
0x100: {  	s0 =	rddreg [dreg:$0x0];
	s2 =	stileid.u32  }
0x101: {  	s1 =	rddreg [dreg:$0x1];
	p0 =	sne.s32 s2, $0x0  }
0x102: {  	s3 =	rddreg [dreg:$0x2];
	[bflag:$0x3] =	sbarrier.arrive $0xFFFF;
	s2 =	simm.s32 @!p0 $0x1C02  }
0x103: {  	[timem:s3], [sflag:s2] =	dma.local @!p0 [hbm:s0], s1  }
0x104: {  	s0 =	simm.s32 @!p0 $0x2  }
0x105: {  	_ =	swait.ge @!p0 [sflag:s0], s1  }
0x106: {  	s1 =	ssub.s32 @!p0 $0x0, s1;
	[sflag:s0] =	ssyncset.done @!p0 $0x0  }
0x107: {  	[sflag:s0] =	ssyncadd.s32 @!p0 s1  }
0x108: {  	[bflag:$0x3] =	sbarrier.arrive $0xFFFF  }
0x109: {  	_ =	shalt  }

</sc_bundles>
